<compile_context>
chip_gen: v7x
topology: tpu7x:2x2x1
jax: 0.10.2.dev20260603
libtpu: 0.0.44.dev20260713+nightly
codegen_flags: <defaults>
</compile_context>

<pallas_src>
import functools

import jax
import jax.numpy as jnp
from jax import lax
from jax.experimental import pallas as pl
from jax.experimental.pallas import tpu as pltpu
from jax.experimental.pallas import tpu_sc as plsc

_N = 10000
_E = 320000
_D = 128
_DH = _D // 2

_NC = 2
_NS = 16
_NW = _NC * _NS
_CH = 80

_EPW = _E // _NW
_NCHD = _EPW // _CH

_EPS = _E // _NS
_NCH = _EPS // _CH

_NPS = _N // _NS

_mesh = plsc.VectorSubcoreMesh(core_axis_name="c", subcore_axis_name="s")


@functools.partial(
    pl.kernel,
    out_type=jax.ShapeDtypeStruct((_NC, _NS, _NPS, 16), jnp.float32),
    mesh=_mesh,
    scratch_types=[
        pltpu.VMEM((_NCHD, _CH), jnp.int32),
        pltpu.VMEM((_CH, 16), jnp.float32),
        pltpu.VMEM_SHARED((_N, 16), jnp.float32),
        pltpu.SemaphoreType.DMA,
    ],
    compiler_params=pltpu.CompilerParams(use_tc_tiling_on_sc=False),
)
def _sc_degree(dst_hbm, ones_hbm, zeros_hbm, out_hbm, didx, ones_v, acc, dsem):
    cid = lax.axis_index("c")
    sid = lax.axis_index("s")
    wid = sid * _NC + cid
    pltpu.sync_copy(ones_hbm, ones_v)
    pltpu.sync_copy(dst_hbm.at[wid], didx)
    pltpu.sync_copy(zeros_hbm, acc.at[pl.ds(sid * _NPS, _NPS)])
    plsc.subcore_barrier()

    _W = 16

    def dstart(c):
        pltpu.async_copy(ones_v, acc.at[didx.at[c]], dsem, add=True)

    def dwait(c):
        pltpu.make_async_copy(ones_v, acc.at[didx.at[c]], dsem).wait()

    for c in range(_W):
        dstart(c)

    def body(c, carry):
        dstart(c)
        dwait(c - _W)
        return carry

    lax.fori_loop(_W, _NCHD, body, 0)
    for c in range(_NCHD - _W, _NCHD):
        dwait(c)
    plsc.subcore_barrier()
    pltpu.sync_copy(acc.at[pl.ds(sid * _NPS, _NPS)], out_hbm.at[cid, sid])


@functools.partial(
    pl.kernel,
    out_type=jax.ShapeDtypeStruct((_NC, _NS, _NPS, _DH), jnp.float32),
    mesh=_mesh,
    scratch_types=[
        pltpu.VMEM((_EPS,), jnp.int32),
        pltpu.VMEM((_NCH, _CH), jnp.int32),
        pltpu.VMEM((9, _CH, _DH), jnp.float32),
        pltpu.VMEM_SHARED((_N, _DH), jnp.float32),
        [pltpu.SemaphoreType.DMA] * 9,
        [pltpu.SemaphoreType.DMA] * 9,
    ],
    compiler_params=pltpu.CompilerParams(use_tc_tiling_on_sc=False),
)
def _sc_hop(g2_hbm, src_hbm, dst_hbm, zeros_hbm, out_hbm,
            sidx, didx, rows, acc, gsems, ssems):
    cid = lax.axis_index("c")
    sid = lax.axis_index("s")
    cp_s = pltpu.async_copy(src_hbm.at[pl.ds(sid * _EPS, _EPS)], sidx, gsems[0])
    cp_d = pltpu.async_copy(dst_hbm.at[sid], didx, gsems[1])
    cp_z = pltpu.async_copy(zeros_hbm, acc.at[pl.ds(sid * _NPS, _NPS)], gsems[2])
    cp_s.wait()

    civ = jnp.full((16,), cid, jnp.int32)

    def tbody(i, carry):
        v = sidx[pl.ds(i * 16, 16)]
        sidx[pl.ds(i * 16, 16)] = v + v + civ
        return carry

    lax.fori_loop(0, _EPS // 16, tbody, 0)
    cp_d.wait()
    cp_z.wait()
    plsc.subcore_barrier()

    _R = 9
    _G = 7

    def start_gather(c, b):
        pltpu.async_copy(g2_hbm.at[sidx.at[pl.ds(c * _CH, _CH)]],
                         rows.at[b], gsems[b])

    def wait_gather(c, b):
        pltpu.make_async_copy(g2_hbm.at[sidx.at[pl.ds(c * _CH, _CH)]],
                              rows.at[b], gsems[b]).wait()

    def start_scatter(c, b):
        pltpu.async_copy(rows.at[b], acc.at[didx.at[c]], ssems[b], add=True)

    def wait_scatter(c, b):
        pltpu.make_async_copy(rows.at[b], acc.at[didx.at[c]], ssems[b]).wait()

    for c in range(_G):
        start_gather(c, c % _R)
    for c in range(_G):
        if c >= _R - _G:
            wait_scatter(c - (_R - _G), (c - (_R - _G)) % _R)
        start_gather(c + _G, (c + _G) % _R)
        wait_gather(c, c % _R)
        start_scatter(c, c % _R)

    n_steady = (_NCH - 2 * _G) // _R * _R

    def body(i, carry):
        for j in range(_R):
            c = i * _R + j + _G
            bw = (j + 2 * _G) % _R
            wait_scatter(c - (_R - _G), bw)
            start_gather(c + _G, bw)
            b = (j + _G) % _R
            wait_gather(c, b)
            start_scatter(c, b)
        return carry

    lax.fori_loop(0, n_steady // _R, body, 0)
    for c in range(_G + n_steady, _NCH):
        wait_scatter(c - (_R - _G), (c - (_R - _G)) % _R)
        if c + _G < _NCH:
            start_gather(c + _G, (c + _G) % _R)
        wait_gather(c, c % _R)
        start_scatter(c, c % _R)
    for c in range(_NCH - (_R - _G), _NCH):
        wait_scatter(c, c % _R)
    plsc.subcore_barrier()
    pltpu.sync_copy(acc.at[pl.ds(sid * _NPS, _NPS)], out_hbm.at[cid, sid])


def _tc_prep(degw, feat):
    def body(degw_ref, feat_ref, norm_ref, g0_ref):
        deg = degw_ref[0, :, 0:1] + degw_ref[1, :, 0:1]
        norm = lax.rsqrt(jnp.maximum(deg, 1.0))
        norm_ref[...] = norm
        g0_ref[...] = feat_ref[...] * norm

    return pl.pallas_call(
        body,
        out_shape=(jax.ShapeDtypeStruct((_N, 1), jnp.float32),
                   jax.ShapeDtypeStruct((_N, _D), jnp.float32)),
    )(degw, feat)


def _tc_mid(acc, norm):
    def body(acc_ref, norm_ref, g_ref):
        t = jnp.concatenate([acc_ref[0], acc_ref[1]], axis=1) * norm_ref[...]
        m = jnp.mean(t, axis=0, keepdims=True)
        d = t - m
        var = jnp.sum(d * d, axis=0, keepdims=True) / (_N - 1)
        g_ref[...] = d * lax.rsqrt(var) * norm_ref[...]

    return pl.pallas_call(
        body,
        out_shape=jax.ShapeDtypeStruct((_N, _D), jnp.float32),
    )(acc, norm)


def _tc_final(acc, norm, W, b):
    def body(acc_ref, norm_ref, W_ref, b_ref, out_ref):
        t = jnp.concatenate([acc_ref[0], acc_ref[1]], axis=1) * norm_ref[...]
        m = jnp.mean(t, axis=0, keepdims=True)
        d = t - m
        var = jnp.sum(d * d, axis=0, keepdims=True) / (_N - 1)
        hn = d * lax.rsqrt(var)
        out_ref[...] = (
            jnp.dot(hn, W_ref[...], preferred_element_type=jnp.float32)
            + b_ref[...]
        )

    return pl.pallas_call(
        body,
        out_shape=jax.ShapeDtypeStruct((_N, _D), jnp.float32),
    )(acc, norm, W, b)


def kernel(feat, edge_index, W, b):
    src = edge_index[0]
    dst3d = edge_index[1].reshape(_NW, _NCHD, _CH)
    dsth = edge_index[1].reshape(_NS, _NCH, _CH)
    ones16 = jnp.ones((_CH, 16), jnp.float32)
    zeros16 = jnp.zeros((_NPS, 16), jnp.float32)
    zerosH = jnp.zeros((_NPS, _DH), jnp.float32)

    degw = _sc_degree(dst3d, ones16, zeros16).reshape(_NC, _N, 16)
    norm, g0 = _tc_prep(degw, feat)

    def hop(g):
        acc = _sc_hop(g.reshape(2 * _N, _DH), src, dsth, zerosH)
        return acc.reshape(_NC, _N, _DH)

    g1 = _tc_mid(hop(g0), norm)
    return _tc_final(hop(g1), norm, W, b.reshape(1, _D))

# --- scband reference (transcript-rebuilt; emitter-appended) ---
"""Pipeline reference for scband-sgc-12695923327569 (READ-ONLY COPY).

The authoritative reference and input builder live on the scoring server;
editing this copy changes nothing except your own understanding.
"""

import jax, jax.numpy as jnp
import numpy as np

N = 10000
E = 320000
D_IN = 128
D_OUT = 128
K = 2


def setup_inputs(seed: int = 0) -> dict:
    key = jax.random.key(seed)
    k1, k2, k3, k4 = jax.random.split(key, 4)
    feat = jax.random.normal(k1, (N, D_IN), dtype=jnp.float32)
    edge_index = jax.random.randint(k2, (2, E), 0, N, dtype=jnp.int32)
    W = jax.random.normal(k3, (D_IN, D_OUT), dtype=jnp.float32) * (1.0 / np.sqrt(D_IN))
    b = jnp.zeros((D_OUT,), dtype=jnp.float32)
    return {"feat": feat, "edge_index": edge_index, "W": W, "b": b}


def reference(feat, edge_index, W, b):
    # SGConv with norm='both' (symmetric D^-1/2 A D^-1/2), k=K propagation steps,
    # custom feature normalization ((h - mean) / std) after each hop, then Linear.
    src = edge_index[0]
    dst = edge_index[1]
    deg = jnp.bincount(dst, length=N).astype(jnp.float32)
    deg = jnp.clip(deg, 1.0)
    norm = jnp.power(deg, -0.5)
    h = feat
    for _ in range(K):
        h = h * norm[:, None]
        m = jnp.take(h, src, axis=0)          # gather from source nodes
        h = jax.ops.segment_sum(m, dst, num_segments=N)  # scatter-add to dst nodes
        h = h * norm[:, None]
        # custom norm callable: (h - h.mean(0)) / h.std(0)  (torch std is unbiased)
        h = (h - h.mean(0)) / h.std(0, ddof=1)
    return h @ W + b

if __name__ == "__main__":
    import jax
    _d = setup_inputs()
    print(jax.jit(kernel)(*tuple(_d.values())))

</pallas_src>

<mosaic_0001>
#map = affine_map<(d0, d1) -> (0, 0)>
#map1 = affine_map<(d0, d1) -> (0)>
#map2 = affine_map<(d0, d1) -> (0, 0, 0)>
#map3 = affine_map<(d0, d1) -> (0, 0, 0, 0)>
module attributes {stable_mosaic.version = 14 : i64} {
  func.func @_sc_hop(%arg0: i32, %arg1: i32, %arg2: memref<20000x64xf32, #tpu.memory_space<hbm>>, %arg3: memref<320000xi32, #tpu.memory_space<hbm>>, %arg4: memref<16x250x80xi32, #tpu.memory_space<hbm>>, %arg5: memref<625x64xf32, #tpu.memory_space<hbm>>, %arg6: memref<2x16x625x64xf32, #tpu.memory_space<hbm>>, %arg7: memref<20000xi32, #tpu.memory_space<vmem>>, %arg8: memref<250x80xi32, #tpu.memory_space<vmem>>, %arg9: memref<9x80x64xf32, #tpu.memory_space<vmem>>, %arg10: memref<10000x64xf32, #tpu.memory_space<vmem_shared>>, %arg11: memref<!tpu.dma_semaphore, #tpu.memory_space<semaphore_mem>>, %arg12: memref<!tpu.dma_semaphore, #tpu.memory_space<semaphore_mem>>, %arg13: memref<!tpu.dma_semaphore, #tpu.memory_space<semaphore_mem>>, %arg14: memref<!tpu.dma_semaphore, #tpu.memory_space<semaphore_mem>>, %arg15: memref<!tpu.dma_semaphore, #tpu.memory_space<semaphore_mem>>, %arg16: memref<!tpu.dma_semaphore, #tpu.memory_space<semaphore_mem>>, %arg17: memref<!tpu.dma_semaphore, #tpu.memory_space<semaphore_mem>>, %arg18: memref<!tpu.dma_semaphore, #tpu.memory_space<semaphore_mem>>, %arg19: memref<!tpu.dma_semaphore, #tpu.memory_space<semaphore_mem>>, %arg20: memref<!tpu.dma_semaphore, #tpu.memory_space<semaphore_mem>>, %arg21: memref<!tpu.dma_semaphore, #tpu.memory_space<semaphore_mem>>, %arg22: memref<!tpu.dma_semaphore, #tpu.memory_space<semaphore_mem>>, %arg23: memref<!tpu.dma_semaphore, #tpu.memory_space<semaphore_mem>>, %arg24: memref<!tpu.dma_semaphore, #tpu.memory_space<semaphore_mem>>, %arg25: memref<!tpu.dma_semaphore, #tpu.memory_space<semaphore_mem>>, %arg26: memref<!tpu.dma_semaphore, #tpu.memory_space<semaphore_mem>>, %arg27: memref<!tpu.dma_semaphore, #tpu.memory_space<semaphore_mem>>, %arg28: memref<!tpu.dma_semaphore, #tpu.memory_space<semaphore_mem>>) attributes {dimension_semantics = [#tpu.dimension_semantics<core_parallel>, #tpu.dimension_semantics<subcore_parallel>], iteration_bounds = array<i64: 2, 16>, scalar_prefetch = 0 : i64, scratch_operands = 22 : i64, tpu.core_type = #tpu.core_type<sc_vector_subcore>, window_params = [{transform_indices = #map}, {transform_indices = #map1}, {transform_indices = #map2}, {transform_indices = #map}, {transform_indices = #map3}]} {
    %mul3A = arith.constant 20000 : i32
    %mul3A_0 = arith.muli %arg1, %mul3A : i32
    %dma_start3A = tpu.memref_slice %arg3[%mul3A_0] : memref<320000xi32, #tpu.memory_space<hbm>> -> memref<20000xi32, #tpu.memory_space<hbm>>
    %dma_start3A_1 = tpu.memref_slice %arg3[%mul3A_0] : memref<320000xi32, #tpu.memory_space<hbm>> -> memref<20000xi32, #tpu.memory_space<hbm>>
    tpu.enqueue_dma source(%dma_start3A_1 : memref<20000xi32, #tpu.memory_space<hbm>>) target(%arg7 : memref<20000xi32, #tpu.memory_space<vmem>>) target_semaphore(%arg11 : memref<!tpu.dma_semaphore, #tpu.memory_space<semaphore_mem>>)
    %dma_start3A_2 = arith.constant 0 : i32
    %dma_start3A_3 = arith.constant 0 : i32
    %dma_start3A_4 = tpu.memref_slice %arg4[%arg1, %dma_start3A_2, %dma_start3A_3] : memref<16x250x80xi32, #tpu.memory_space<hbm>> -> memref<1x250x80xi32, #tpu.memory_space<hbm>>
    %dma_start3A_5 = tpu.memref_squeeze %dma_start3A_4 : memref<1x250x80xi32, #tpu.memory_space<hbm>> -> memref<250x80xi32, #tpu.memory_space<hbm>>
    %dma_start3A_6 = arith.constant 0 : i32
    %dma_start3A_7 = arith.constant 0 : i32
    %dma_start3A_8 = tpu.memref_slice %arg4[%arg1, %dma_start3A_6, %dma_start3A_7] : memref<16x250x80xi32, #tpu.memory_space<hbm>> -> memref<1x250x80xi32, #tpu.memory_space<hbm>>
    %dma_start3A_9 = tpu.memref_squeeze %dma_start3A_8 : memref<1x250x80xi32, #tpu.memory_space<hbm>> -> memref<250x80xi32, #tpu.memory_space<hbm>>
    tpu.enqueue_dma source(%dma_start3A_9 : memref<250x80xi32, #tpu.memory_space<hbm>>) target(%arg8 : memref<250x80xi32, #tpu.memory_space<vmem>>) target_semaphore(%arg12 : memref<!tpu.dma_semaphore, #tpu.memory_space<semaphore_mem>>)
    %mul3A_10 = arith.constant 625 : i32
    %mul3A_11 = arith.muli %arg1, %mul3A_10 : i32
    %dma_start3A_12 = arith.constant 0 : i32
    %dma_start3A_13 = tpu.memref_slice %arg10[%mul3A_11, %dma_start3A_12] : memref<10000x64xf32, #tpu.memory_space<vmem_shared>> -> memref<625x64xf32, #tpu.memory_space<vmem_shared>>
    tpu.enqueue_dma source(%arg5 : memref<625x64xf32, #tpu.memory_space<hbm>>) target(%dma_start3A_13 : memref<625x64xf32, #tpu.memory_space<vmem_shared>>) target_semaphore(%arg13 : memref<!tpu.dma_semaphore, #tpu.memory_space<semaphore_mem>>)
    %dma_wait3A = tpu.memref_slice %arg3[%mul3A_0] : memref<320000xi32, #tpu.memory_space<hbm>> -> memref<20000xi32, #tpu.memory_space<hbm>>
    %dma_wait3A_14 = tpu.memref_slice %arg3[%mul3A_0] : memref<320000xi32, #tpu.memory_space<hbm>> -> memref<20000xi32, #tpu.memory_space<hbm>>
    tpu.wait_dma2 semaphore(%arg11 : memref<!tpu.dma_semaphore, #tpu.memory_space<semaphore_mem>>) src(%dma_wait3A_14 : memref<20000xi32, #tpu.memory_space<hbm>>) dst(%arg7 : memref<20000xi32, #tpu.memory_space<vmem>>)
    %broadcast_in_dim3A = vector.broadcast %arg0 : i32 to vector<16xi32>
    %scan3A = arith.constant 0 : i32
    %scan3A_15 = arith.constant 0 : i32
    %scan3A_16 = arith.constant 1250 : i32
    %scan3A_17 = arith.addi %scan3A_15, %scan3A_16 : i32
    %scan3A_18 = arith.constant 1 : i32
    scf.for %scan3A_743 = %scan3A_15 to %scan3A_17 step %scan3A_18  : i32 {
      %mul3A_744 = arith.constant 16 : i32
      %mul3A_745 = arith.muli %scan3A_743, %mul3A_744 : i32
      %get3A = arith.index_cast %mul3A_745 : i32 to index
      %get3A_746 = tpu.vector_load %arg7[%get3A] {strides = array<i32>} : memref<20000xi32, #tpu.memory_space<vmem>>, vector<16xi32>,
      %get3A_747 = vector.shape_cast %get3A_746 : vector<16xi32> to vector<16xi32>
      %add3A = arith.addi %get3A_747, %get3A_747 : vector<16xi32>
      %add3A_748 = arith.addi %add3A, %broadcast_in_dim3A : vector<16xi32>
      %mul3A_749 = arith.constant 16 : i32
      %mul3A_750 = arith.muli %scan3A_743, %mul3A_749 : i32
      %swap3A = arith.index_cast %mul3A_750 : i32 to index
      %swap3A_751 = tpu.vector_load %arg7[%swap3A] {strides = array<i32>} : memref<20000xi32, #tpu.memory_space<vmem>>, vector<16xi32>,
      %swap3A_752 = vector.shape_cast %swap3A_751 : vector<16xi32> to vector<16xi32>
      %swap3A_753 = vector.shape_cast %add3A_748 : vector<16xi32> to vector<16xi32>
      tpu.vector_store %arg7[%swap3A], %swap3A_753 {strides = array<i32>} : memref<20000xi32, #tpu.memory_space<vmem>>, vector<16xi32>,
    }
    %scan3A_19 = arith.constant 1250 : i32
    %dma_wait3A_20 = arith.constant 0 : i32
    %dma_wait3A_21 = arith.constant 0 : i32
    %dma_wait3A_22 = tpu.memref_slice %arg4[%arg1, %dma_wait3A_20, %dma_wait3A_21] : memref<16x250x80xi32, #tpu.memory_space<hbm>> -> memref<1x250x80xi32, #tpu.memory_space<hbm>>
    %dma_wait3A_23 = tpu.memref_squeeze %dma_wait3A_22 : memref<1x250x80xi32, #tpu.memory_space<hbm>> -> memref<250x80xi32, #tpu.memory_space<hbm>>
    %dma_wait3A_24 = arith.constant 0 : i32
    %dma_wait3A_25 = arith.constant 0 : i32
    %dma_wait3A_26 = tpu.memref_slice %arg4[%arg1, %dma_wait3A_24, %dma_wait3A_25] : memref<16x250x80xi32, #tpu.memory_space<hbm>> -> memref<1x250x80xi32, #tpu.memory_space<hbm>>
    %dma_wait3A_27 = tpu.memref_squeeze %dma_wait3A_26 : memref<1x250x80xi32, #tpu.memory_space<hbm>> -> memref<250x80xi32, #tpu.memory_space<hbm>>
    tpu.wait_dma2 semaphore(%arg12 : memref<!tpu.dma_semaphore, #tpu.memory_space<semaphore_mem>>) src(%dma_wait3A_27 : memref<250x80xi32, #tpu.memory_space<hbm>>) dst(%arg8 : memref<250x80xi32, #tpu.memory_space<vmem>>)
    %dma_wait3A_28 = arith.constant 0 : i32
    %dma_wait3A_29 = tpu.memref_slice %arg10[%mul3A_11, %dma_wait3A_28] : memref<10000x64xf32, #tpu.memory_space<vmem_shared>> -> memref<625x64xf32, #tpu.memory_space<vmem_shared>>
    tpu.wait_dma2 semaphore(%arg13 : memref<!tpu.dma_semaphore, #tpu.memory_space<semaphore_mem>>) src(%arg5 : memref<625x64xf32, #tpu.memory_space<hbm>>) dst(%dma_wait3A_29 : memref<625x64xf32, #tpu.memory_space<vmem_shared>>)
    %barrier3A = arith.constant 0 : index
    tpu.barrier barrier_id(%barrier3A)
    %dma_start3A_30 = arith.constant 0 : i32
    %dma_start3A_31 = arith.constant 0 : i32
    %dma_start3A_32 = arith.constant 0 : i32
    %dma_start3A_33 = tpu.memref_slice %arg9[%dma_start3A_30, %dma_start3A_31, %dma_start3A_32] : memref<9x80x64xf32, #tpu.memory_space<vmem>> -> memref<1x80x64xf32, #tpu.memory_space<vmem>>
    %dma_start3A_34 = tpu.memref_squeeze %dma_start3A_33 : memref<1x80x64xf32, #tpu.memory_space<vmem>> -> memref<80x64xf32, #tpu.memory_space<vmem>>
    %dma_start3A_35 = arith.constant 0 : i32
    %dma_start3A_36 = tpu.memref_slice %arg7[%dma_start3A_35] : memref<20000xi32, #tpu.memory_space<vmem>> -> memref<80xi32, #tpu.memory_space<vmem>>
    %dma_start3A_37 = arith.constant 0 : i32
    %dma_start3A_38 = arith.constant 0 : i32
    %dma_start3A_39 = tpu.memref_slice %arg2[%dma_start3A_37, %dma_start3A_38] : memref<20000x64xf32, #tpu.memory_space<hbm>> -> memref<20000x64xf32, #tpu.memory_space<hbm>>
    tpu.enqueue_indirect_dma source(%dma_start3A_39 : memref<20000x64xf32, #tpu.memory_space<hbm>>) target(%dma_start3A_34 : memref<80x64xf32, #tpu.memory_space<vmem>>) offsets(%dma_start3A_36 : memref<80xi32, #tpu.memory_space<vmem>>) semaphore(%arg11 : memref<!tpu.dma_semaphore, #tpu.memory_space<semaphore_mem>>)
    %dma_start3A_40 = arith.constant 1 : i32
    %dma_start3A_41 = arith.constant 0 : i32
    %dma_start3A_42 = arith.constant 0 : i32
    %dma_start3A_43 = tpu.memref_slice %arg9[%dma_start3A_40, %dma_start3A_41, %dma_start3A_42] : memref<9x80x64xf32, #tpu.memory_space<vmem>> -> memref<1x80x64xf32, #tpu.memory_space<vmem>>
    %dma_start3A_44 = tpu.memref_squeeze %dma_start3A_43 : memref<1x80x64xf32, #tpu.memory_space<vmem>> -> memref<80x64xf32, #tpu.memory_space<vmem>>
    %dma_start3A_45 = arith.constant 80 : i32
    %dma_start3A_46 = tpu.memref_slice %arg7[%dma_start3A_45] : memref<20000xi32, #tpu.memory_space<vmem>> -> memref<80xi32, #tpu.memory_space<vmem>>
    %dma_start3A_47 = arith.constant 0 : i32
    %dma_start3A_48 = arith.constant 0 : i32
    %dma_start3A_49 = tpu.memref_slice %arg2[%dma_start3A_47, %dma_start3A_48] : memref<20000x64xf32, #tpu.memory_space<hbm>> -> memref<20000x64xf32, #tpu.memory_space<hbm>>
    tpu.enqueue_indirect_dma source(%dma_start3A_49 : memref<20000x64xf32, #tpu.memory_space<hbm>>) target(%dma_start3A_44 : memref<80x64xf32, #tpu.memory_space<vmem>>) offsets(%dma_start3A_46 : memref<80xi32, #tpu.memory_space<vmem>>) semaphore(%arg12 : memref<!tpu.dma_semaphore, #tpu.memory_space<semaphore_mem>>)
    %dma_start3A_50 = arith.constant 2 : i32
    %dma_start3A_51 = arith.constant 0 : i32
    %dma_start3A_52 = arith.constant 0 : i32
    %dma_start3A_53 = tpu.memref_slice %arg9[%dma_start3A_50, %dma_start3A_51, %dma_start3A_52] : memref<9x80x64xf32, #tpu.memory_space<vmem>> -> memref<1x80x64xf32, #tpu.memory_space<vmem>>
    %dma_start3A_54 = tpu.memref_squeeze %dma_start3A_53 : memref<1x80x64xf32, #tpu.memory_space<vmem>> -> memref<80x64xf32, #tpu.memory_space<vmem>>
    %dma_start3A_55 = arith.constant 160 : i32
    %dma_start3A_56 = tpu.memref_slice %arg7[%dma_start3A_55] : memref<20000xi32, #tpu.memory_space<vmem>> -> memref<80xi32, #tpu.memory_space<vmem>>
    %dma_start3A_57 = arith.constant 0 : i32
    %dma_start3A_58 = arith.constant 0 : i32
    %dma_start3A_59 = tpu.memref_slice %arg2[%dma_start3A_57, %dma_start3A_58] : memref<20000x64xf32, #tpu.memory_space<hbm>> -> memref<20000x64xf32, #tpu.memory_space<hbm>>
    tpu.enqueue_indirect_dma source(%dma_start3A_59 : memref<20000x64xf32, #tpu.memory_space<hbm>>) target(%dma_start3A_54 : memref<80x64xf32, #tpu.memory_space<vmem>>) offsets(%dma_start3A_56 : memref<80xi32, #tpu.memory_space<vmem>>) semaphore(%arg13 : memref<!tpu.dma_semaphore, #tpu.memory_space<semaphore_mem>>)
    %dma_start3A_60 = arith.constant 3 : i32
    %dma_start3A_61 = arith.constant 0 : i32
    %dma_start3A_62 = arith.constant 0 : i32
    %dma_start3A_63 = tpu.memref_slice %arg9[%dma_start3A_60, %dma_start3A_61, %dma_start3A_62] : memref<9x80x64xf32, #tpu.memory_space<vmem>> -> memref<1x80x64xf32, #tpu.memory_space<vmem>>
    %dma_start3A_64 = tpu.memref_squeeze %dma_start3A_63 : memref<1x80x64xf32, #tpu.memory_space<vmem>> -> memref<80x64xf32, #tpu.memory_space<vmem>>
    %dma_start3A_65 = arith.constant 240 : i32
    %dma_start3A_66 = tpu.memref_slice %arg7[%dma_start3A_65] : memref<20000xi32, #tpu.memory_space<vmem>> -> memref<80xi32, #tpu.memory_space<vmem>>
    %dma_start3A_67 = arith.constant 0 : i32
    %dma_start3A_68 = arith.constant 0 : i32
    %dma_start3A_69 = tpu.memref_slice %arg2[%dma_start3A_67, %dma_start3A_68] : memref<20000x64xf32, #tpu.memory_space<hbm>> -> memref<20000x64xf32, #tpu.memory_space<hbm>>
    tpu.enqueue_indirect_dma source(%dma_start3A_69 : memref<20000x64xf32, #tpu.memory_space<hbm>>) target(%dma_start3A_64 : memref<80x64xf32, #tpu.memory_space<vmem>>) offsets(%dma_start3A_66 : memref<80xi32, #tpu.memory_space<vmem>>) semaphore(%arg14 : memref<!tpu.dma_semaphore, #tpu.memory_space<semaphore_mem>>)
    %dma_start3A_70 = arith.constant 4 : i32
    %dma_start3A_71 = arith.constant 0 : i32
    %dma_start3A_72 = arith.constant 0 : i32
    %dma_start3A_73 = tpu.memref_slice %arg9[%dma_start3A_70, %dma_start3A_71, %dma_start3A_72] : memref<9x80x64xf32, #tpu.memory_space<vmem>> -> memref<1x80x64xf32, #tpu.memory_space<vmem>>
    %dma_start3A_74 = tpu.memref_squeeze %dma_start3A_73 : memref<1x80x64xf32, #tpu.memory_space<vmem>> -> memref<80x64xf32, #tpu.memory_space<vmem>>
    %dma_start3A_75 = arith.constant 320 : i32
    %dma_start3A_76 = tpu.memref_slice %arg7[%dma_start3A_75] : memref<20000xi32, #tpu.memory_space<vmem>> -> memref<80xi32, #tpu.memory_space<vmem>>
    %dma_start3A_77 = arith.constant 0 : i32
    %dma_start3A_78 = arith.constant 0 : i32
    %dma_start3A_79 = tpu.memref_slice %arg2[%dma_start3A_77, %dma_start3A_78] : memref<20000x64xf32, #tpu.memory_space<hbm>> -> memref<20000x64xf32, #tpu.memory_space<hbm>>
    tpu.enqueue_indirect_dma source(%dma_start3A_79 : memref<20000x64xf32, #tpu.memory_space<hbm>>) target(%dma_start3A_74 : memref<80x64xf32, #tpu.memory_space<vmem>>) offsets(%dma_start3A_76 : memref<80xi32, #tpu.memory_space<vmem>>) semaphore(%arg15 : memref<!tpu.dma_semaphore, #tpu.memory_space<semaphore_mem>>)
    %dma_start3A_80 = arith.constant 5 : i32
    %dma_start3A_81 = arith.constant 0 : i32
    %dma_start3A_82 = arith.constant 0 : i32
    %dma_start3A_83 = tpu.memref_slice %arg9[%dma_start3A_80, %dma_start3A_81, %dma_start3A_82] : memref<9x80x64xf32, #tpu.memory_space<vmem>> -> memref<1x80x64xf32, #tpu.memory_space<vmem>>
    %dma_start3A_84 = tpu.memref_squeeze %dma_start3A_83 : memref<1x80x64xf32, #tpu.memory_space<vmem>> -> memref<80x64xf32, #tpu.memory_space<vmem>>
    %dma_start3A_85 = arith.constant 400 : i32
    %dma_start3A_86 = tpu.memref_slice %arg7[%dma_start3A_85] : memref<20000xi32, #tpu.memory_space<vmem>> -> memref<80xi32, #tpu.memory_space<vmem>>
    %dma_start3A_87 = arith.constant 0 : i32
    %dma_start3A_88 = arith.constant 0 : i32
    %dma_start3A_89 = tpu.memref_slice %arg2[%dma_start3A_87, %dma_start3A_88] : memref<20000x64xf32, #tpu.memory_space<hbm>> -> memref<20000x64xf32, #tpu.memory_space<hbm>>
    tpu.enqueue_indirect_dma source(%dma_start3A_89 : memref<20000x64xf32, #tpu.memory_space<hbm>>) target(%dma_start3A_84 : memref<80x64xf32, #tpu.memory_space<vmem>>) offsets(%dma_start3A_86 : memref<80xi32, #tpu.memory_space<vmem>>) semaphore(%arg16 : memref<!tpu.dma_semaphore, #tpu.memory_space<semaphore_mem>>)
    %dma_start3A_90 = arith.constant 6 : i32
    %dma_start3A_91 = arith.constant 0 : i32
    %dma_start3A_92 = arith.constant 0 : i32
    %dma_start3A_93 = tpu.memref_slice %arg9[%dma_start3A_90, %dma_start3A_91, %dma_start3A_92] : memref<9x80x64xf32, #tpu.memory_space<vmem>> -> memref<1x80x64xf32, #tpu.memory_space<vmem>>
    %dma_start3A_94 = tpu.memref_squeeze %dma_start3A_93 : memref<1x80x64xf32, #tpu.memory_space<vmem>> -> memref<80x64xf32, #tpu.memory_space<vmem>>
    %dma_start3A_95 = arith.constant 480 : i32
    %dma_start3A_96 = tpu.memref_slice %arg7[%dma_start3A_95] : memref<20000xi32, #tpu.memory_space<vmem>> -> memref<80xi32, #tpu.memory_space<vmem>>
    %dma_start3A_97 = arith.constant 0 : i32
    %dma_start3A_98 = arith.constant 0 : i32
    %dma_start3A_99 = tpu.memref_slice %arg2[%dma_start3A_97, %dma_start3A_98] : memref<20000x64xf32, #tpu.memory_space<hbm>> -> memref<20000x64xf32, #tpu.memory_space<hbm>>
    tpu.enqueue_indirect_dma source(%dma_start3A_99 : memref<20000x64xf32, #tpu.memory_space<hbm>>) target(%dma_start3A_94 : memref<80x64xf32, #tpu.memory_space<vmem>>) offsets(%dma_start3A_96 : memref<80xi32, #tpu.memory_space<vmem>>) semaphore(%arg17 : memref<!tpu.dma_semaphore, #tpu.memory_space<semaphore_mem>>)
    %dma_start3A_100 = arith.constant 7 : i32
    %dma_start3A_101 = arith.constant 0 : i32
    %dma_start3A_102 = arith.constant 0 : i32
    %dma_start3A_103 = tpu.memref_slice %arg9[%dma_start3A_100, %dma_start3A_101, %dma_start3A_102] : memref<9x80x64xf32, #tpu.memory_space<vmem>> -> memref<1x80x64xf32, #tpu.memory_space<vmem>>
    %dma_start3A_104 = tpu.memref_squeeze %dma_start3A_103 : memref<1x80x64xf32, #tpu.memory_space<vmem>> -> memref<80x64xf32, #tpu.memory_space<vmem>>
    %dma_start3A_105 = arith.constant 560 : i32
    %dma_start3A_106 = tpu.memref_slice %arg7[%dma_start3A_105] : memref<20000xi32, #tpu.memory_space<vmem>> -> memref<80xi32, #tpu.memory_space<vmem>>
    %dma_start3A_107 = arith.constant 0 : i32
    %dma_start3A_108 = arith.constant 0 : i32
    %dma_start3A_109 = tpu.memref_slice %arg2[%dma_start3A_107, %dma_start3A_108] : memref<20000x64xf32, #tpu.memory_space<hbm>> -> memref<20000x64xf32, #tpu.memory_space<hbm>>
    tpu.enqueue_indirect_dma source(%dma_start3A_109 : memref<20000x64xf32, #tpu.memory_space<hbm>>) target(%dma_start3A_104 : memref<80x64xf32, #tpu.memory_space<vmem>>) offsets(%dma_start3A_106 : memref<80xi32, #tpu.memory_space<vmem>>) semaphore(%arg18 : memref<!tpu.dma_semaphore, #tpu.memory_space<semaphore_mem>>)
    %dma_wait3A_110 = arith.constant 0 : i32
    %dma_wait3A_111 = arith.constant 0 : i32
    %dma_wait3A_112 = arith.constant 0 : i32
    %dma_wait3A_113 = tpu.memref_slice %arg9[%dma_wait3A_110, %dma_wait3A_111, %dma_wait3A_112] : memref<9x80x64xf32, #tpu.memory_space<vmem>> -> memref<1x80x64xf32, #tpu.memory_space<vmem>>
    %dma_wait3A_114 = tpu.memref_squeeze %dma_wait3A_113 : memref<1x80x64xf32, #tpu.memory_space<vmem>> -> memref<80x64xf32, #tpu.memory_space<vmem>>
    %dma_wait3A_115 = arith.constant 0 : i32
    %dma_wait3A_116 = tpu.memref_slice %arg7[%dma_wait3A_115] : memref<20000xi32, #tpu.memory_space<vmem>> -> memref<80xi32, #tpu.memory_space<vmem>>
    %dma_wait3A_117 = arith.constant 0 : i32
    %dma_wait3A_118 = arith.constant 0 : i32
    %dma_wait3A_119 = tpu.memref_slice %arg2[%dma_wait3A_117, %dma_wait3A_118] : memref<20000x64xf32, #tpu.memory_space<hbm>> -> memref<20000x64xf32, #tpu.memory_space<hbm>>
    tpu.wait_indirect_dma semaphore(%arg11 : memref<!tpu.dma_semaphore, #tpu.memory_space<semaphore_mem>>) src(%dma_wait3A_119 : memref<20000x64xf32, #tpu.memory_space<hbm>>) dst(%dma_wait3A_114 : memref<80x64xf32, #tpu.memory_space<vmem>>)
    %dma_start3A_120 = arith.constant 0 : i32
    %dma_start3A_121 = arith.constant 0 : i32
    %dma_start3A_122 = arith.constant 0 : i32
    %dma_start3A_123 = arith.constant 0 : i32
    %dma_start3A_124 = tpu.memref_slice %arg9[%dma_start3A_120, %dma_start3A_122, %dma_start3A_123] : memref<9x80x64xf32, #tpu.memory_space<vmem>> -> memref<1x80x64xf32, #tpu.memory_space<vmem>>
    %dma_start3A_125 = tpu.memref_squeeze %dma_start3A_124 : memref<1x80x64xf32, #tpu.memory_space<vmem>> -> memref<80x64xf32, #tpu.memory_space<vmem>>
    %dma_start3A_126 = arith.constant 0 : i32
    %dma_start3A_127 = tpu.memref_slice %arg8[%dma_start3A_121, %dma_start3A_126] : memref<250x80xi32, #tpu.memory_space<vmem>> -> memref<1x80xi32, #tpu.memory_space<vmem>>
    %dma_start3A_128 = tpu.memref_squeeze %dma_start3A_127 : memref<1x80xi32, #tpu.memory_space<vmem>> -> memref<80xi32, #tpu.memory_space<vmem>>
    %dma_start3A_129 = arith.constant 0 : i32
    %dma_start3A_130 = arith.constant 0 : i32
    %dma_start3A_131 = tpu.memref_slice %arg10[%dma_start3A_129, %dma_start3A_130] : memref<10000x64xf32, #tpu.memory_space<vmem_shared>> -> memref<10000x64xf32, #tpu.memory_space<vmem_shared>>
    tpu.enqueue_indirect_dma source(%dma_start3A_125 : memref<80x64xf32, #tpu.memory_space<vmem>>) target(%dma_start3A_131 : memref<10000x64xf32, #tpu.memory_space<vmem_shared>>) offsets(%dma_start3A_128 : memref<80xi32, #tpu.memory_space<vmem>>) semaphore(%arg20 : memref<!tpu.dma_semaphore, #tpu.memory_space<semaphore_mem>>) {add = true}
    %dma_start3A_132 = arith.constant 8 : i32
    %dma_start3A_133 = arith.constant 0 : i32
    %dma_start3A_134 = arith.constant 0 : i32
    %dma_start3A_135 = tpu.memref_slice %arg9[%dma_start3A_132, %dma_start3A_133, %dma_start3A_134] : memref<9x80x64xf32, #tpu.memory_space<vmem>> -> memref<1x80x64xf32, #tpu.memory_space<vmem>>
    %dma_start3A_136 = tpu.memref_squeeze %dma_start3A_135 : memref<1x80x64xf32, #tpu.memory_space<vmem>> -> memref<80x64xf32, #tpu.memory_space<vmem>>
    %dma_start3A_137 = arith.constant 640 : i32
    %dma_start3A_138 = tpu.memref_slice %arg7[%dma_start3A_137] : memref<20000xi32, #tpu.memory_space<vmem>> -> memref<80xi32, #tpu.memory_space<vmem>>
    %dma_start3A_139 = arith.constant 0 : i32
    %dma_start3A_140 = arith.constant 0 : i32
    %dma_start3A_141 = tpu.memref_slice %arg2[%dma_start3A_139, %dma_start3A_140] : memref<20000x64xf32, #tpu.memory_space<hbm>> -> memref<20000x64xf32, #tpu.memory_space<hbm>>
    tpu.enqueue_indirect_dma source(%dma_start3A_141 : memref<20000x64xf32, #tpu.memory_space<hbm>>) target(%dma_start3A_136 : memref<80x64xf32, #tpu.memory_space<vmem>>) offsets(%dma_start3A_138 : memref<80xi32, #tpu.memory_space<vmem>>) semaphore(%arg19 : memref<!tpu.dma_semaphore, #tpu.memory_space<semaphore_mem>>)
    %dma_wait3A_142 = arith.constant 1 : i32
    %dma_wait3A_143 = arith.constant 0 : i32
    %dma_wait3A_144 = arith.constant 0 : i32
    %dma_wait3A_145 = tpu.memref_slice %arg9[%dma_wait3A_142, %dma_wait3A_143, %dma_wait3A_144] : memref<9x80x64xf32, #tpu.memory_space<vmem>> -> memref<1x80x64xf32, #tpu.memory_space<vmem>>
    %dma_wait3A_146 = tpu.memref_squeeze %dma_wait3A_145 : memref<1x80x64xf32, #tpu.memory_space<vmem>> -> memref<80x64xf32, #tpu.memory_space<vmem>>
    %dma_wait3A_147 = arith.constant 80 : i32
    %dma_wait3A_148 = tpu.memref_slice %arg7[%dma_wait3A_147] : memref<20000xi32, #tpu.memory_space<vmem>> -> memref<80xi32, #tpu.memory_space<vmem>>
    %dma_wait3A_149 = arith.constant 0 : i32
    %dma_wait3A_150 = arith.constant 0 : i32
    %dma_wait3A_151 = tpu.memref_slice %arg2[%dma_wait3A_149, %dma_wait3A_150] : memref<20000x64xf32, #tpu.memory_space<hbm>> -> memref<20000x64xf32, #tpu.memory_space<hbm>>
    tpu.wait_indirect_dma semaphore(%arg12 : memref<!tpu.dma_semaphore, #tpu.memory_space<semaphore_mem>>) src(%dma_wait3A_151 : memref<20000x64xf32, #tpu.memory_space<hbm>>) dst(%dma_wait3A_146 : memref<80x64xf32, #tpu.memory_space<vmem>>)
    %dma_start3A_152 = arith.constant 1 : i32
    %dma_start3A_153 = arith.constant 1 : i32
    %dma_start3A_154 = arith.constant 0 : i32
    %dma_start3A_155 = arith.constant 0 : i32
    %dma_start3A_156 = tpu.memref_slice %arg9[%dma_start3A_152, %dma_start3A_154, %dma_start3A_155] : memref<9x80x64xf32, #tpu.memory_space<vmem>> -> memref<1x80x64xf32, #tpu.memory_space<vmem>>
    %dma_start3A_157 = tpu.memref_squeeze %dma_start3A_156 : memref<1x80x64xf32, #tpu.memory_space<vmem>> -> memref<80x64xf32, #tpu.memory_space<vmem>>
    %dma_start3A_158 = arith.constant 0 : i32
    %dma_start3A_159 = tpu.memref_slice %arg8[%dma_start3A_153, %dma_start3A_158] : memref<250x80xi32, #tpu.memory_space<vmem>> -> memref<1x80xi32, #tpu.memory_space<vmem>>
    %dma_start3A_160 = tpu.memref_squeeze %dma_start3A_159 : memref<1x80xi32, #tpu.memory_space<vmem>> -> memref<80xi32, #tpu.memory_space<vmem>>
    %dma_start3A_161 = arith.constant 0 : i32
    %dma_start3A_162 = arith.constant 0 : i32
    %dma_start3A_163 = tpu.memref_slice %arg10[%dma_start3A_161, %dma_start3A_162] : memref<10000x64xf32, #tpu.memory_space<vmem_shared>> -> memref<10000x64xf32, #tpu.memory_space<vmem_shared>>
    tpu.enqueue_indirect_dma source(%dma_start3A_157 : memref<80x64xf32, #tpu.memory_space<vmem>>) target(%dma_start3A_163 : memref<10000x64xf32, #tpu.memory_space<vmem_shared>>) offsets(%dma_start3A_160 : memref<80xi32, #tpu.memory_space<vmem>>) semaphore(%arg21 : memref<!tpu.dma_semaphore, #tpu.memory_space<semaphore_mem>>) {add = true}
    %dma_wait3A_164 = arith.constant 0 : i32
    %dma_wait3A_165 = arith.constant 0 : i32
    %dma_wait3A_166 = arith.constant 0 : i32
    %dma_wait3A_167 = arith.constant 0 : i32
    %dma_wait3A_168 = tpu.memref_slice %arg9[%dma_wait3A_164, %dma_wait3A_166, %dma_wait3A_167] : memref<9x80x64xf32, #tpu.memory_space<vmem>> -> memref<1x80x64xf32, #tpu.memory_space<vmem>>
    %dma_wait3A_169 = tpu.memref_squeeze %dma_wait3A_168 : memref<1x80x64xf32, #tpu.memory_space<vmem>> -> memref<80x64xf32, #tpu.memory_space<vmem>>
    %dma_wait3A_170 = arith.constant 0 : i32
    %dma_wait3A_171 = tpu.memref_slice %arg8[%dma_wait3A_165, %dma_wait3A_170] : memref<250x80xi32, #tpu.memory_space<vmem>> -> memref<1x80xi32, #tpu.memory_space<vmem>>
    %dma_wait3A_172 = tpu.memref_squeeze %dma_wait3A_171 : memref<1x80xi32, #tpu.memory_space<vmem>> -> memref<80xi32, #tpu.memory_space<vmem>>
    %dma_wait3A_173 = arith.constant 0 : i32
    %dma_wait3A_174 = arith.constant 0 : i32
    %dma_wait3A_175 = tpu.memref_slice %arg10[%dma_wait3A_173, %dma_wait3A_174] : memref<10000x64xf32, #tpu.memory_space<vmem_shared>> -> memref<10000x64xf32, #tpu.memory_space<vmem_shared>>
    tpu.wait_indirect_dma semaphore(%arg20 : memref<!tpu.dma_semaphore, #tpu.memory_space<semaphore_mem>>) src(%dma_wait3A_169 : memref<80x64xf32, #tpu.memory_space<vmem>>) dst(%dma_wait3A_175 : memref<10000x64xf32, #tpu.memory_space<vmem_shared>>)
    %dma_start3A_176 = arith.constant 0 : i32
    %dma_start3A_177 = arith.constant 0 : i32
    %dma_start3A_178 = arith.constant 0 : i32
    %dma_start3A_179 = tpu.memref_slice %arg9[%dma_start3A_176, %dma_start3A_177, %dma_start3A_178] : memref<9x80x64xf32, #tpu.memory_space<vmem>> -> memref<1x80x64xf32, #tpu.memory_space<vmem>>
    %dma_start3A_180 = tpu.memref_squeeze %dma_start3A_179 : memref<1x80x64xf32, #tpu.memory_space<vmem>> -> memref<80x64xf32, #tpu.memory_space<vmem>>
    %dma_start3A_181 = arith.constant 720 : i32
    %dma_start3A_182 = tpu.memref_slice %arg7[%dma_start3A_181] : memref<20000xi32, #tpu.memory_space<vmem>> -> memref<80xi32, #tpu.memory_space<vmem>>
    %dma_start3A_183 = arith.constant 0 : i32
    %dma_start3A_184 = arith.constant 0 : i32
    %dma_start3A_185 = tpu.memref_slice %arg2[%dma_start3A_183, %dma_start3A_184] : memref<20000x64xf32, #tpu.memory_space<hbm>> -> memref<20000x64xf32, #tpu.memory_space<hbm>>
    tpu.enqueue_indirect_dma source(%dma_start3A_185 : memref<20000x64xf32, #tpu.memory_space<hbm>>) target(%dma_start3A_180 : memref<80x64xf32, #tpu.memory_space<vmem>>) offsets(%dma_start3A_182 : memref<80xi32, #tpu.memory_space<vmem>>) semaphore(%arg11 : memref<!tpu.dma_semaphore, #tpu.memory_space<semaphore_mem>>)
    %dma_wait3A_186 = arith.constant 2 : i32
    %dma_wait3A_187 = arith.constant 0 : i32
    %dma_wait3A_188 = arith.constant 0 : i32
    %dma_wait3A_189 = tpu.memref_slice %arg9[%dma_wait3A_186, %dma_wait3A_187, %dma_wait3A_188] : memref<9x80x64xf32, #tpu.memory_space<vmem>> -> memref<1x80x64xf32, #tpu.memory_space<vmem>>
    %dma_wait3A_190 = tpu.memref_squeeze %dma_wait3A_189 : memref<1x80x64xf32, #tpu.memory_space<vmem>> -> memref<80x64xf32, #tpu.memory_space<vmem>>
    %dma_wait3A_191 = arith.constant 160 : i32
    %dma_wait3A_192 = tpu.memref_slice %arg7[%dma_wait3A_191] : memref<20000xi32, #tpu.memory_space<vmem>> -> memref<80xi32, #tpu.memory_space<vmem>>
    %dma_wait3A_193 = arith.constant 0 : i32
    %dma_wait3A_194 = arith.constant 0 : i32
    %dma_wait3A_195 = tpu.memref_slice %arg2[%dma_wait3A_193, %dma_wait3A_194] : memref<20000x64xf32, #tpu.memory_space<hbm>> -> memref<20000x64xf32, #tpu.memory_space<hbm>>
    tpu.wait_indirect_dma semaphore(%arg13 : memref<!tpu.dma_semaphore, #tpu.memory_space<semaphore_mem>>) src(%dma_wait3A_195 : memref<20000x64xf32, #tpu.memory_space<hbm>>) dst(%dma_wait3A_190 : memref<80x64xf32, #tpu.memory_space<vmem>>)
    %dma_start3A_196 = arith.constant 2 : i32
    %dma_start3A_197 = arith.constant 2 : i32
    %dma_start3A_198 = arith.constant 0 : i32
    %dma_start3A_199 = arith.constant 0 : i32
    %dma_start3A_200 = tpu.memref_slice %arg9[%dma_start3A_196, %dma_start3A_198, %dma_start3A_199] : memref<9x80x64xf32, #tpu.memory_space<vmem>> -> memref<1x80x64xf32, #tpu.memory_space<vmem>>
    %dma_start3A_201 = tpu.memref_squeeze %dma_start3A_200 : memref<1x80x64xf32, #tpu.memory_space<vmem>> -> memref<80x64xf32, #tpu.memory_space<vmem>>
    %dma_start3A_202 = arith.constant 0 : i32
    %dma_start3A_203 = tpu.memref_slice %arg8[%dma_start3A_197, %dma_start3A_202] : memref<250x80xi32, #tpu.memory_space<vmem>> -> memref<1x80xi32, #tpu.memory_space<vmem>>
    %dma_start3A_204 = tpu.memref_squeeze %dma_start3A_203 : memref<1x80xi32, #tpu.memory_space<vmem>> -> memref<80xi32, #tpu.memory_space<vmem>>
    %dma_start3A_205 = arith.constant 0 : i32
    %dma_start3A_206 = arith.constant 0 : i32
    %dma_start3A_207 = tpu.memref_slice %arg10[%dma_start3A_205, %dma_start3A_206] : memref<10000x64xf32, #tpu.memory_space<vmem_shared>> -> memref<10000x64xf32, #tpu.memory_space<vmem_shared>>
    tpu.enqueue_indirect_dma source(%dma_start3A_201 : memref<80x64xf32, #tpu.memory_space<vmem>>) target(%dma_start3A_207 : memref<10000x64xf32, #tpu.memory_space<vmem_shared>>) offsets(%dma_start3A_204 : memref<80xi32, #tpu.memory_space<vmem>>) semaphore(%arg22 : memref<!tpu.dma_semaphore, #tpu.memory_space<semaphore_mem>>) {add = true}
    %dma_wait3A_208 = arith.constant 1 : i32
    %dma_wait3A_209 = arith.constant 1 : i32
    %dma_wait3A_210 = arith.constant 0 : i32
    %dma_wait3A_211 = arith.constant 0 : i32
    %dma_wait3A_212 = tpu.memref_slice %arg9[%dma_wait3A_208, %dma_wait3A_210, %dma_wait3A_211] : memref<9x80x64xf32, #tpu.memory_space<vmem>> -> memref<1x80x64xf32, #tpu.memory_space<vmem>>
    %dma_wait3A_213 = tpu.memref_squeeze %dma_wait3A_212 : memref<1x80x64xf32, #tpu.memory_space<vmem>> -> memref<80x64xf32, #tpu.memory_space<vmem>>
    %dma_wait3A_214 = arith.constant 0 : i32
    %dma_wait3A_215 = tpu.memref_slice %arg8[%dma_wait3A_209, %dma_wait3A_214] : memref<250x80xi32, #tpu.memory_space<vmem>> -> memref<1x80xi32, #tpu.memory_space<vmem>>
    %dma_wait3A_216 = tpu.memref_squeeze %dma_wait3A_215 : memref<1x80xi32, #tpu.memory_space<vmem>> -> memref<80xi32, #tpu.memory_space<vmem>>
    %dma_wait3A_217 = arith.constant 0 : i32
    %dma_wait3A_218 = arith.constant 0 : i32
    %dma_wait3A_219 = tpu.memref_slice %arg10[%dma_wait3A_217, %dma_wait3A_218] : memref<10000x64xf32, #tpu.memory_space<vmem_shared>> -> memref<10000x64xf32, #tpu.memory_space<vmem_shared>>
    tpu.wait_indirect_dma semaphore(%arg21 : memref<!tpu.dma_semaphore, #tpu.memory_space<semaphore_mem>>) src(%dma_wait3A_213 : memref<80x64xf32, #tpu.memory_space<vmem>>) dst(%dma_wait3A_219 : memref<10000x64xf32, #tpu.memory_space<vmem_shared>>)
    %dma_start3A_220 = arith.constant 1 : i32
    %dma_start3A_221 = arith.constant 0 : i32
    %dma_start3A_222 = arith.constant 0 : i32
    %dma_start3A_223 = tpu.memref_slice %arg9[%dma_start3A_220, %dma_start3A_221, %dma_start3A_222] : memref<9x80x64xf32, #tpu.memory_space<vmem>> -> memref<1x80x64xf32, #tpu.memory_space<vmem>>
    %dma_start3A_224 = tpu.memref_squeeze %dma_start3A_223 : memref<1x80x64xf32, #tpu.memory_space<vmem>> -> memref<80x64xf32, #tpu.memory_space<vmem>>
    %dma_start3A_225 = arith.constant 800 : i32
    %dma_start3A_226 = tpu.memref_slice %arg7[%dma_start3A_225] : memref<20000xi32, #tpu.memory_space<vmem>> -> memref<80xi32, #tpu.memory_space<vmem>>
    %dma_start3A_227 = arith.constant 0 : i32
    %dma_start3A_228 = arith.constant 0 : i32
    %dma_start3A_229 = tpu.memref_slice %arg2[%dma_start3A_227, %dma_start3A_228] : memref<20000x64xf32, #tpu.memory_space<hbm>> -> memref<20000x64xf32, #tpu.memory_space<hbm>>
    tpu.enqueue_indirect_dma source(%dma_start3A_229 : memref<20000x64xf32, #tpu.memory_space<hbm>>) target(%dma_start3A_224 : memref<80x64xf32, #tpu.memory_space<vmem>>) offsets(%dma_start3A_226 : memref<80xi32, #tpu.memory_space<vmem>>) semaphore(%arg12 : memref<!tpu.dma_semaphore, #tpu.memory_space<semaphore_mem>>)
    %dma_wait3A_230 = arith.constant 3 : i32
    %dma_wait3A_231 = arith.constant 0 : i32
    %dma_wait3A_232 = arith.constant 0 : i32
    %dma_wait3A_233 = tpu.memref_slice %arg9[%dma_wait3A_230, %dma_wait3A_231, %dma_wait3A_232] : memref<9x80x64xf32, #tpu.memory_space<vmem>> -> memref<1x80x64xf32, #tpu.memory_space<vmem>>
    %dma_wait3A_234 = tpu.memref_squeeze %dma_wait3A_233 : memref<1x80x64xf32, #tpu.memory_space<vmem>> -> memref<80x64xf32, #tpu.memory_space<vmem>>
    %dma_wait3A_235 = arith.constant 240 : i32
    %dma_wait3A_236 = tpu.memref_slice %arg7[%dma_wait3A_235] : memref<20000xi32, #tpu.memory_space<vmem>> -> memref<80xi32, #tpu.memory_space<vmem>>
    %dma_wait3A_237 = arith.constant 0 : i32
    %dma_wait3A_238 = arith.constant 0 : i32
    %dma_wait3A_239 = tpu.memref_slice %arg2[%dma_wait3A_237, %dma_wait3A_238] : memref<20000x64xf32, #tpu.memory_space<hbm>> -> memref<20000x64xf32, #tpu.memory_space<hbm>>
    tpu.wait_indirect_dma semaphore(%arg14 : memref<!tpu.dma_semaphore, #tpu.memory_space<semaphore_mem>>) src(%dma_wait3A_239 : memref<20000x64xf32, #tpu.memory_space<hbm>>) dst(%dma_wait3A_234 : memref<80x64xf32, #tpu.memory_space<vmem>>)
    %dma_start3A_240 = arith.constant 3 : i32
    %dma_start3A_241 = arith.constant 3 : i32
    %dma_start3A_242 = arith.constant 0 : i32
    %dma_start3A_243 = arith.constant 0 : i32
    %dma_start3A_244 = tpu.memref_slice %arg9[%dma_start3A_240, %dma_start3A_242, %dma_start3A_243] : memref<9x80x64xf32, #tpu.memory_space<vmem>> -> memref<1x80x64xf32, #tpu.memory_space<vmem>>
    %dma_start3A_245 = tpu.memref_squeeze %dma_start3A_244 : memref<1x80x64xf32, #tpu.memory_space<vmem>> -> memref<80x64xf32, #tpu.memory_space<vmem>>
    %dma_start3A_246 = arith.constant 0 : i32
    %dma_start3A_247 = tpu.memref_slice %arg8[%dma_start3A_241, %dma_start3A_246] : memref<250x80xi32, #tpu.memory_space<vmem>> -> memref<1x80xi32, #tpu.memory_space<vmem>>
    %dma_start3A_248 = tpu.memref_squeeze %dma_start3A_247 : memref<1x80xi32, #tpu.memory_space<vmem>> -> memref<80xi32, #tpu.memory_space<vmem>>
    %dma_start3A_249 = arith.constant 0 : i32
    %dma_start3A_250 = arith.constant 0 : i32
    %dma_start3A_251 = tpu.memref_slice %arg10[%dma_start3A_249, %dma_start3A_250] : memref<10000x64xf32, #tpu.memory_space<vmem_shared>> -> memref<10000x64xf32, #tpu.memory_space<vmem_shared>>
    tpu.enqueue_indirect_dma source(%dma_start3A_245 : memref<80x64xf32, #tpu.memory_space<vmem>>) target(%dma_start3A_251 : memref<10000x64xf32, #tpu.memory_space<vmem_shared>>) offsets(%dma_start3A_248 : memref<80xi32, #tpu.memory_space<vmem>>) semaphore(%arg23 : memref<!tpu.dma_semaphore, #tpu.memory_space<semaphore_mem>>) {add = true}
    %dma_wait3A_252 = arith.constant 2 : i32
    %dma_wait3A_253 = arith.constant 2 : i32
    %dma_wait3A_254 = arith.constant 0 : i32
    %dma_wait3A_255 = arith.constant 0 : i32
    %dma_wait3A_256 = tpu.memref_slice %arg9[%dma_wait3A_252, %dma_wait3A_254, %dma_wait3A_255] : memref<9x80x64xf32, #tpu.memory_space<vmem>> -> memref<1x80x64xf32, #tpu.memory_space<vmem>>
    %dma_wait3A_257 = tpu.memref_squeeze %dma_wait3A_256 : memref<1x80x64xf32, #tpu.memory_space<vmem>> -> memref<80x64xf32, #tpu.memory_space<vmem>>
    %dma_wait3A_258 = arith.constant 0 : i32
    %dma_wait3A_259 = tpu.memref_slice %arg8[%dma_wait3A_253, %dma_wait3A_258] : memref<250x80xi32, #tpu.memory_space<vmem>> -> memref<1x80xi32, #tpu.memory_space<vmem>>
    %dma_wait3A_260 = tpu.memref_squeeze %dma_wait3A_259 : memref<1x80xi32, #tpu.memory_space<vmem>> -> memref<80xi32, #tpu.memory_space<vmem>>
    %dma_wait3A_261 = arith.constant 0 : i32
    %dma_wait3A_262 = arith.constant 0 : i32
    %dma_wait3A_263 = tpu.memref_slice %arg10[%dma_wait3A_261, %dma_wait3A_262] : memref<10000x64xf32, #tpu.memory_space<vmem_shared>> -> memref<10000x64xf32, #tpu.memory_space<vmem_shared>>
    tpu.wait_indirect_dma semaphore(%arg22 : memref<!tpu.dma_semaphore, #tpu.memory_space<semaphore_mem>>) src(%dma_wait3A_257 : memref<80x64xf32, #tpu.memory_space<vmem>>) dst(%dma_wait3A_263 : memref<10000x64xf32, #tpu.memory_space<vmem_shared>>)
    %dma_start3A_264 = arith.constant 2 : i32
    %dma_start3A_265 = arith.constant 0 : i32
    %dma_start3A_266 = arith.constant 0 : i32
    %dma_start3A_267 = tpu.memref_slice %arg9[%dma_start3A_264, %dma_start3A_265, %dma_start3A_266] : memref<9x80x64xf32, #tpu.memory_space<vmem>> -> memref<1x80x64xf32, #tpu.memory_space<vmem>>
    %dma_start3A_268 = tpu.memref_squeeze %dma_start3A_267 : memref<1x80x64xf32, #tpu.memory_space<vmem>> -> memref<80x64xf32, #tpu.memory_space<vmem>>
    %dma_start3A_269 = arith.constant 880 : i32
    %dma_start3A_270 = tpu.memref_slice %arg7[%dma_start3A_269] : memref<20000xi32, #tpu.memory_space<vmem>> -> memref<80xi32, #tpu.memory_space<vmem>>
    %dma_start3A_271 = arith.constant 0 : i32
    %dma_start3A_272 = arith.constant 0 : i32
    %dma_start3A_273 = tpu.memref_slice %arg2[%dma_start3A_271, %dma_start3A_272] : memref<20000x64xf32, #tpu.memory_space<hbm>> -> memref<20000x64xf32, #tpu.memory_space<hbm>>
    tpu.enqueue_indirect_dma source(%dma_start3A_273 : memref<20000x64xf32, #tpu.memory_space<hbm>>) target(%dma_start3A_268 : memref<80x64xf32, #tpu.memory_space<vmem>>) offsets(%dma_start3A_270 : memref<80xi32, #tpu.memory_space<vmem>>) semaphore(%arg13 : memref<!tpu.dma_semaphore, #tpu.memory_space<semaphore_mem>>)
    %dma_wait3A_274 = arith.constant 4 : i32
    %dma_wait3A_275 = arith.constant 0 : i32
    %dma_wait3A_276 = arith.constant 0 : i32
    %dma_wait3A_277 = tpu.memref_slice %arg9[%dma_wait3A_274, %dma_wait3A_275, %dma_wait3A_276] : memref<9x80x64xf32, #tpu.memory_space<vmem>> -> memref<1x80x64xf32, #tpu.memory_space<vmem>>
    %dma_wait3A_278 = tpu.memref_squeeze %dma_wait3A_277 : memref<1x80x64xf32, #tpu.memory_space<vmem>> -> memref<80x64xf32, #tpu.memory_space<vmem>>
    %dma_wait3A_279 = arith.constant 320 : i32
    %dma_wait3A_280 = tpu.memref_slice %arg7[%dma_wait3A_279] : memref<20000xi32, #tpu.memory_space<vmem>> -> memref<80xi32, #tpu.memory_space<vmem>>
    %dma_wait3A_281 = arith.constant 0 : i32
    %dma_wait3A_282 = arith.constant 0 : i32
    %dma_wait3A_283 = tpu.memref_slice %arg2[%dma_wait3A_281, %dma_wait3A_282] : memref<20000x64xf32, #tpu.memory_space<hbm>> -> memref<20000x64xf32, #tpu.memory_space<hbm>>
    tpu.wait_indirect_dma semaphore(%arg15 : memref<!tpu.dma_semaphore, #tpu.memory_space<semaphore_mem>>) src(%dma_wait3A_283 : memref<20000x64xf32, #tpu.memory_space<hbm>>) dst(%dma_wait3A_278 : memref<80x64xf32, #tpu.memory_space<vmem>>)
    %dma_start3A_284 = arith.constant 4 : i32
    %dma_start3A_285 = arith.constant 4 : i32
    %dma_start3A_286 = arith.constant 0 : i32
    %dma_start3A_287 = arith.constant 0 : i32
    %dma_start3A_288 = tpu.memref_slice %arg9[%dma_start3A_284, %dma_start3A_286, %dma_start3A_287] : memref<9x80x64xf32, #tpu.memory_space<vmem>> -> memref<1x80x64xf32, #tpu.memory_space<vmem>>
    %dma_start3A_289 = tpu.memref_squeeze %dma_start3A_288 : memref<1x80x64xf32, #tpu.memory_space<vmem>> -> memref<80x64xf32, #tpu.memory_space<vmem>>
    %dma_start3A_290 = arith.constant 0 : i32
    %dma_start3A_291 = tpu.memref_slice %arg8[%dma_start3A_285, %dma_start3A_290] : memref<250x80xi32, #tpu.memory_space<vmem>> -> memref<1x80xi32, #tpu.memory_space<vmem>>
    %dma_start3A_292 = tpu.memref_squeeze %dma_start3A_291 : memref<1x80xi32, #tpu.memory_space<vmem>> -> memref<80xi32, #tpu.memory_space<vmem>>
    %dma_start3A_293 = arith.constant 0 : i32
    %dma_start3A_294 = arith.constant 0 : i32
    %dma_start3A_295 = tpu.memref_slice %arg10[%dma_start3A_293, %dma_start3A_294] : memref<10000x64xf32, #tpu.memory_space<vmem_shared>> -> memref<10000x64xf32, #tpu.memory_space<vmem_shared>>
    tpu.enqueue_indirect_dma source(%dma_start3A_289 : memref<80x64xf32, #tpu.memory_space<vmem>>) target(%dma_start3A_295 : memref<10000x64xf32, #tpu.memory_space<vmem_shared>>) offsets(%dma_start3A_292 : memref<80xi32, #tpu.memory_space<vmem>>) semaphore(%arg24 : memref<!tpu.dma_semaphore, #tpu.memory_space<semaphore_mem>>) {add = true}
    %dma_wait3A_296 = arith.constant 3 : i32
    %dma_wait3A_297 = arith.constant 3 : i32
    %dma_wait3A_298 = arith.constant 0 : i32
    %dma_wait3A_299 = arith.constant 0 : i32
    %dma_wait3A_300 = tpu.memref_slice %arg9[%dma_wait3A_296, %dma_wait3A_298, %dma_wait3A_299] : memref<9x80x64xf32, #tpu.memory_space<vmem>> -> memref<1x80x64xf32, #tpu.memory_space<vmem>>
    %dma_wait3A_301 = tpu.memref_squeeze %dma_wait3A_300 : memref<1x80x64xf32, #tpu.memory_space<vmem>> -> memref<80x64xf32, #tpu.memory_space<vmem>>
    %dma_wait3A_302 = arith.constant 0 : i32
    %dma_wait3A_303 = tpu.memref_slice %arg8[%dma_wait3A_297, %dma_wait3A_302] : memref<250x80xi32, #tpu.memory_space<vmem>> -> memref<1x80xi32, #tpu.memory_space<vmem>>
    %dma_wait3A_304 = tpu.memref_squeeze %dma_wait3A_303 : memref<1x80xi32, #tpu.memory_space<vmem>> -> memref<80xi32, #tpu.memory_space<vmem>>
    %dma_wait3A_305 = arith.constant 0 : i32
    %dma_wait3A_306 = arith.constant 0 : i32
    %dma_wait3A_307 = tpu.memref_slice %arg10[%dma_wait3A_305, %dma_wait3A_306] : memref<10000x64xf32, #tpu.memory_space<vmem_shared>> -> memref<10000x64xf32, #tpu.memory_space<vmem_shared>>
    tpu.wait_indirect_dma semaphore(%arg23 : memref<!tpu.dma_semaphore, #tpu.memory_space<semaphore_mem>>) src(%dma_wait3A_301 : memref<80x64xf32, #tpu.memory_space<vmem>>) dst(%dma_wait3A_307 : memref<10000x64xf32, #tpu.memory_space<vmem_shared>>)
    %dma_start3A_308 = arith.constant 3 : i32
    %dma_start3A_309 = arith.constant 0 : i32
    %dma_start3A_310 = arith.constant 0 : i32
    %dma_start3A_311 = tpu.memref_slice %arg9[%dma_start3A_308, %dma_start3A_309, %dma_start3A_310] : memref<9x80x64xf32, #tpu.memory_space<vmem>> -> memref<1x80x64xf32, #tpu.memory_space<vmem>>
    %dma_start3A_312 = tpu.memref_squeeze %dma_start3A_311 : memref<1x80x64xf32, #tpu.memory_space<vmem>> -> memref<80x64xf32, #tpu.memory_space<vmem>>
    %dma_start3A_313 = arith.constant 960 : i32
    %dma_start3A_314 = tpu.memref_slice %arg7[%dma_start3A_313] : memref<20000xi32, #tpu.memory_space<vmem>> -> memref<80xi32, #tpu.memory_space<vmem>>
    %dma_start3A_315 = arith.constant 0 : i32
    %dma_start3A_316 = arith.constant 0 : i32
    %dma_start3A_317 = tpu.memref_slice %arg2[%dma_start3A_315, %dma_start3A_316] : memref<20000x64xf32, #tpu.memory_space<hbm>> -> memref<20000x64xf32, #tpu.memory_space<hbm>>
    tpu.enqueue_indirect_dma source(%dma_start3A_317 : memref<20000x64xf32, #tpu.memory_space<hbm>>) target(%dma_start3A_312 : memref<80x64xf32, #tpu.memory_space<vmem>>) offsets(%dma_start3A_314 : memref<80xi32, #tpu.memory_space<vmem>>) semaphore(%arg14 : memref<!tpu.dma_semaphore, #tpu.memory_space<semaphore_mem>>)
    %dma_wait3A_318 = arith.constant 5 : i32
    %dma_wait3A_319 = arith.constant 0 : i32
    %dma_wait3A_320 = arith.constant 0 : i32
    %dma_wait3A_321 = tpu.memref_slice %arg9[%dma_wait3A_318, %dma_wait3A_319, %dma_wait3A_320] : memref<9x80x64xf32, #tpu.memory_space<vmem>> -> memref<1x80x64xf32, #tpu.memory_space<vmem>>
    %dma_wait3A_322 = tpu.memref_squeeze %dma_wait3A_321 : memref<1x80x64xf32, #tpu.memory_space<vmem>> -> memref<80x64xf32, #tpu.memory_space<vmem>>
    %dma_wait3A_323 = arith.constant 400 : i32
    %dma_wait3A_324 = tpu.memref_slice %arg7[%dma_wait3A_323] : memref<20000xi32, #tpu.memory_space<vmem>> -> memref<80xi32, #tpu.memory_space<vmem>>
    %dma_wait3A_325 = arith.constant 0 : i32
    %dma_wait3A_326 = arith.constant 0 : i32
    %dma_wait3A_327 = tpu.memref_slice %arg2[%dma_wait3A_325, %dma_wait3A_326] : memref<20000x64xf32, #tpu.memory_space<hbm>> -> memref<20000x64xf32, #tpu.memory_space<hbm>>
    tpu.wait_indirect_dma semaphore(%arg16 : memref<!tpu.dma_semaphore, #tpu.memory_space<semaphore_mem>>) src(%dma_wait3A_327 : memref<20000x64xf32, #tpu.memory_space<hbm>>) dst(%dma_wait3A_322 : memref<80x64xf32, #tpu.memory_space<vmem>>)
    %dma_start3A_328 = arith.constant 5 : i32
    %dma_start3A_329 = arith.constant 5 : i32
    %dma_start3A_330 = arith.constant 0 : i32
    %dma_start3A_331 = arith.constant 0 : i32
    %dma_start3A_332 = tpu.memref_slice %arg9[%dma_start3A_328, %dma_start3A_330, %dma_start3A_331] : memref<9x80x64xf32, #tpu.memory_space<vmem>> -> memref<1x80x64xf32, #tpu.memory_space<vmem>>
    %dma_start3A_333 = tpu.memref_squeeze %dma_start3A_332 : memref<1x80x64xf32, #tpu.memory_space<vmem>> -> memref<80x64xf32, #tpu.memory_space<vmem>>
    %dma_start3A_334 = arith.constant 0 : i32
    %dma_start3A_335 = tpu.memref_slice %arg8[%dma_start3A_329, %dma_start3A_334] : memref<250x80xi32, #tpu.memory_space<vmem>> -> memref<1x80xi32, #tpu.memory_space<vmem>>
    %dma_start3A_336 = tpu.memref_squeeze %dma_start3A_335 : memref<1x80xi32, #tpu.memory_space<vmem>> -> memref<80xi32, #tpu.memory_space<vmem>>
    %dma_start3A_337 = arith.constant 0 : i32
    %dma_start3A_338 = arith.constant 0 : i32
    %dma_start3A_339 = tpu.memref_slice %arg10[%dma_start3A_337, %dma_start3A_338] : memref<10000x64xf32, #tpu.memory_space<vmem_shared>> -> memref<10000x64xf32, #tpu.memory_space<vmem_shared>>
    tpu.enqueue_indirect_dma source(%dma_start3A_333 : memref<80x64xf32, #tpu.memory_space<vmem>>) target(%dma_start3A_339 : memref<10000x64xf32, #tpu.memory_space<vmem_shared>>) offsets(%dma_start3A_336 : memref<80xi32, #tpu.memory_space<vmem>>) semaphore(%arg25 : memref<!tpu.dma_semaphore, #tpu.memory_space<semaphore_mem>>) {add = true}
    %dma_wait3A_340 = arith.constant 4 : i32
    %dma_wait3A_341 = arith.constant 4 : i32
    %dma_wait3A_342 = arith.constant 0 : i32
    %dma_wait3A_343 = arith.constant 0 : i32
    %dma_wait3A_344 = tpu.memref_slice %arg9[%dma_wait3A_340, %dma_wait3A_342, %dma_wait3A_343] : memref<9x80x64xf32, #tpu.memory_space<vmem>> -> memref<1x80x64xf32, #tpu.memory_space<vmem>>
    %dma_wait3A_345 = tpu.memref_squeeze %dma_wait3A_344 : memref<1x80x64xf32, #tpu.memory_space<vmem>> -> memref<80x64xf32, #tpu.memory_space<vmem>>
    %dma_wait3A_346 = arith.constant 0 : i32
    %dma_wait3A_347 = tpu.memref_slice %arg8[%dma_wait3A_341, %dma_wait3A_346] : memref<250x80xi32, #tpu.memory_space<vmem>> -> memref<1x80xi32, #tpu.memory_space<vmem>>
    %dma_wait3A_348 = tpu.memref_squeeze %dma_wait3A_347 : memref<1x80xi32, #tpu.memory_space<vmem>> -> memref<80xi32, #tpu.memory_space<vmem>>
    %dma_wait3A_349 = arith.constant 0 : i32
    %dma_wait3A_350 = arith.constant 0 : i32
    %dma_wait3A_351 = tpu.memref_slice %arg10[%dma_wait3A_349, %dma_wait3A_350] : memref<10000x64xf32, #tpu.memory_space<vmem_shared>> -> memref<10000x64xf32, #tpu.memory_space<vmem_shared>>
    tpu.wait_indirect_dma semaphore(%arg24 : memref<!tpu.dma_semaphore, #tpu.memory_space<semaphore_mem>>) src(%dma_wait3A_345 : memref<80x64xf32, #tpu.memory_space<vmem>>) dst(%dma_wait3A_351 : memref<10000x64xf32, #tpu.memory_space<vmem_shared>>)
    %dma_start3A_352 = arith.constant 4 : i32
    %dma_start3A_353 = arith.constant 0 : i32
    %dma_start3A_354 = arith.constant 0 : i32
    %dma_start3A_355 = tpu.memref_slice %arg9[%dma_start3A_352, %dma_start3A_353, %dma_start3A_354] : memref<9x80x64xf32, #tpu.memory_space<vmem>> -> memref<1x80x64xf32, #tpu.memory_space<vmem>>
    %dma_start3A_356 = tpu.memref_squeeze %dma_start3A_355 : memref<1x80x64xf32, #tpu.memory_space<vmem>> -> memref<80x64xf32, #tpu.memory_space<vmem>>
    %dma_start3A_357 = arith.constant 1040 : i32
    %dma_start3A_358 = tpu.memref_slice %arg7[%dma_start3A_357] : memref<20000xi32, #tpu.memory_space<vmem>> -> memref<80xi32, #tpu.memory_space<vmem>>
    %dma_start3A_359 = arith.constant 0 : i32
    %dma_start3A_360 = arith.constant 0 : i32
    %dma_start3A_361 = tpu.memref_slice %arg2[%dma_start3A_359, %dma_start3A_360] : memref<20000x64xf32, #tpu.memory_space<hbm>> -> memref<20000x64xf32, #tpu.memory_space<hbm>>
    tpu.enqueue_indirect_dma source(%dma_start3A_361 : memref<20000x64xf32, #tpu.memory_space<hbm>>) target(%dma_start3A_356 : memref<80x64xf32, #tpu.memory_space<vmem>>) offsets(%dma_start3A_358 : memref<80xi32, #tpu.memory_space<vmem>>) semaphore(%arg15 : memref<!tpu.dma_semaphore, #tpu.memory_space<semaphore_mem>>)
    %dma_wait3A_362 = arith.constant 6 : i32
    %dma_wait3A_363 = arith.constant 0 : i32
    %dma_wait3A_364 = arith.constant 0 : i32
    %dma_wait3A_365 = tpu.memref_slice %arg9[%dma_wait3A_362, %dma_wait3A_363, %dma_wait3A_364] : memref<9x80x64xf32, #tpu.memory_space<vmem>> -> memref<1x80x64xf32, #tpu.memory_space<vmem>>
    %dma_wait3A_366 = tpu.memref_squeeze %dma_wait3A_365 : memref<1x80x64xf32, #tpu.memory_space<vmem>> -> memref<80x64xf32, #tpu.memory_space<vmem>>
    %dma_wait3A_367 = arith.constant 480 : i32
    %dma_wait3A_368 = tpu.memref_slice %arg7[%dma_wait3A_367] : memref<20000xi32, #tpu.memory_space<vmem>> -> memref<80xi32, #tpu.memory_space<vmem>>
    %dma_wait3A_369 = arith.constant 0 : i32
    %dma_wait3A_370 = arith.constant 0 : i32
    %dma_wait3A_371 = tpu.memref_slice %arg2[%dma_wait3A_369, %dma_wait3A_370] : memref<20000x64xf32, #tpu.memory_space<hbm>> -> memref<20000x64xf32, #tpu.memory_space<hbm>>
    tpu.wait_indirect_dma semaphore(%arg17 : memref<!tpu.dma_semaphore, #tpu.memory_space<semaphore_mem>>) src(%dma_wait3A_371 : memref<20000x64xf32, #tpu.memory_space<hbm>>) dst(%dma_wait3A_366 : memref<80x64xf32, #tpu.memory_space<vmem>>)
    %dma_start3A_372 = arith.constant 6 : i32
    %dma_start3A_373 = arith.constant 6 : i32
    %dma_start3A_374 = arith.constant 0 : i32
    %dma_start3A_375 = arith.constant 0 : i32
    %dma_start3A_376 = tpu.memref_slice %arg9[%dma_start3A_372, %dma_start3A_374, %dma_start3A_375] : memref<9x80x64xf32, #tpu.memory_space<vmem>> -> memref<1x80x64xf32, #tpu.memory_space<vmem>>
    %dma_start3A_377 = tpu.memref_squeeze %dma_start3A_376 : memref<1x80x64xf32, #tpu.memory_space<vmem>> -> memref<80x64xf32, #tpu.memory_space<vmem>>
    %dma_start3A_378 = arith.constant 0 : i32
    %dma_start3A_379 = tpu.memref_slice %arg8[%dma_start3A_373, %dma_start3A_378] : memref<250x80xi32, #tpu.memory_space<vmem>> -> memref<1x80xi32, #tpu.memory_space<vmem>>
    %dma_start3A_380 = tpu.memref_squeeze %dma_start3A_379 : memref<1x80xi32, #tpu.memory_space<vmem>> -> memref<80xi32, #tpu.memory_space<vmem>>
    %dma_start3A_381 = arith.constant 0 : i32
    %dma_start3A_382 = arith.constant 0 : i32
    %dma_start3A_383 = tpu.memref_slice %arg10[%dma_start3A_381, %dma_start3A_382] : memref<10000x64xf32, #tpu.memory_space<vmem_shared>> -> memref<10000x64xf32, #tpu.memory_space<vmem_shared>>
    tpu.enqueue_indirect_dma source(%dma_start3A_377 : memref<80x64xf32, #tpu.memory_space<vmem>>) target(%dma_start3A_383 : memref<10000x64xf32, #tpu.memory_space<vmem_shared>>) offsets(%dma_start3A_380 : memref<80xi32, #tpu.memory_space<vmem>>) semaphore(%arg26 : memref<!tpu.dma_semaphore, #tpu.memory_space<semaphore_mem>>) {add = true}
    %scan3A_384 = arith.constant 0 : i32
    %scan3A_385 = arith.constant 0 : i32
    %scan3A_386 = arith.constant 26 : i32
    %scan3A_387 = arith.addi %scan3A_385, %scan3A_386 : i32
    %scan3A_388 = arith.constant 1 : i32
    scf.for %scan3A_743 = %scan3A_385 to %scan3A_387 step %scan3A_388  : i32 {
      %mul3A_744 = arith.constant 9 : i32
      %mul3A_745 = arith.muli %scan3A_743, %mul3A_744 : i32
      %add3A = arith.constant 0 : i32
      %add3A_746 = arith.addi %mul3A_745, %add3A : i32
      %add3A_747 = arith.constant 7 : i32
      %add3A_748 = arith.addi %add3A_746, %add3A_747 : i32
      %sub3A = arith.constant 2 : i32
      %sub3A_749 = arith.subi %add3A_748, %sub3A : i32
      %dma_wait3A_750 = arith.constant 5 : i32
      %dma_wait3A_751 = arith.constant 0 : i32
      %dma_wait3A_752 = arith.constant 0 : i32
      %dma_wait3A_753 = tpu.memref_slice %arg9[%dma_wait3A_750, %dma_wait3A_751, %dma_wait3A_752] : memref<9x80x64xf32, #tpu.memory_space<vmem>> -> memref<1x80x64xf32, #tpu.memory_space<vmem>>
      %dma_wait3A_754 = tpu.memref_squeeze %dma_wait3A_753 : memref<1x80x64xf32, #tpu.memory_space<vmem>> -> memref<80x64xf32, #tpu.memory_space<vmem>>
      %dma_wait3A_755 = arith.constant 0 : i32
      %dma_wait3A_756 = tpu.memref_slice %arg8[%sub3A_749, %dma_wait3A_755] : memref<250x80xi32, #tpu.memory_space<vmem>> -> memref<1x80xi32, #tpu.memory_space<vmem>>
      %dma_wait3A_757 = tpu.memref_squeeze %dma_wait3A_756 : memref<1x80xi32, #tpu.memory_space<vmem>> -> memref<80xi32, #tpu.memory_space<vmem>>
      %dma_wait3A_758 = arith.constant 0 : i32
      %dma_wait3A_759 = arith.constant 0 : i32
      %dma_wait3A_760 = tpu.memref_slice %arg10[%dma_wait3A_758, %dma_wait3A_759] : memref<10000x64xf32, #tpu.memory_space<vmem_shared>> -> memref<10000x64xf32, #tpu.memory_space<vmem_shared>>
      tpu.wait_indirect_dma semaphore(%arg25 : memref<!tpu.dma_semaphore, #tpu.memory_space<semaphore_mem>>) src(%dma_wait3A_754 : memref<80x64xf32, #tpu.memory_space<vmem>>) dst(%dma_wait3A_760 : memref<10000x64xf32, #tpu.memory_space<vmem_shared>>)
      %add3A_761 = arith.constant 7 : i32
      %add3A_762 = arith.addi %add3A_748, %add3A_761 : i32
      %mul3A_763 = arith.constant 80 : i32
      %mul3A_764 = arith.muli %add3A_762, %mul3A_763 : i32
      %dma_start3A_765 = arith.constant 5 : i32
      %dma_start3A_766 = arith.constant 0 : i32
      %dma_start3A_767 = arith.constant 0 : i32
      %dma_start3A_768 = tpu.memref_slice %arg9[%dma_start3A_765, %dma_start3A_766, %dma_start3A_767] : memref<9x80x64xf32, #tpu.memory_space<vmem>> -> memref<1x80x64xf32, #tpu.memory_space<vmem>>
      %dma_start3A_769 = tpu.memref_squeeze %dma_start3A_768 : memref<1x80x64xf32, #tpu.memory_space<vmem>> -> memref<80x64xf32, #tpu.memory_space<vmem>>
      %dma_start3A_770 = tpu.memref_slice %arg7[%mul3A_764] : memref<20000xi32, #tpu.memory_space<vmem>> -> memref<80xi32, #tpu.memory_space<vmem>>
      %dma_start3A_771 = arith.constant 0 : i32
      %dma_start3A_772 = arith.constant 0 : i32
      %dma_start3A_773 = tpu.memref_slice %arg2[%dma_start3A_771, %dma_start3A_772] : memref<20000x64xf32, #tpu.memory_space<hbm>> -> memref<20000x64xf32, #tpu.memory_space<hbm>>
      tpu.enqueue_indirect_dma source(%dma_start3A_773 : memref<20000x64xf32, #tpu.memory_space<hbm>>) target(%dma_start3A_769 : memref<80x64xf32, #tpu.memory_space<vmem>>) offsets(%dma_start3A_770 : memref<80xi32, #tpu.memory_space<vmem>>) semaphore(%arg16 : memref<!tpu.dma_semaphore, #tpu.memory_space<semaphore_mem>>)
      %mul3A_774 = arith.constant 80 : i32
      %mul3A_775 = arith.muli %add3A_748, %mul3A_774 : i32
      %dma_wait3A_776 = arith.constant 7 : i32
      %dma_wait3A_777 = arith.constant 0 : i32
      %dma_wait3A_778 = arith.constant 0 : i32
      %dma_wait3A_779 = tpu.memref_slice %arg9[%dma_wait3A_776, %dma_wait3A_777, %dma_wait3A_778] : memref<9x80x64xf32, #tpu.memory_space<vmem>> -> memref<1x80x64xf32, #tpu.memory_space<vmem>>
      %dma_wait3A_780 = tpu.memref_squeeze %dma_wait3A_779 : memref<1x80x64xf32, #tpu.memory_space<vmem>> -> memref<80x64xf32, #tpu.memory_space<vmem>>
      %dma_wait3A_781 = tpu.memref_slice %arg7[%mul3A_775] : memref<20000xi32, #tpu.memory_space<vmem>> -> memref<80xi32, #tpu.memory_space<vmem>>
      %dma_wait3A_782 = arith.constant 0 : i32
      %dma_wait3A_783 = arith.constant 0 : i32
      %dma_wait3A_784 = tpu.memref_slice %arg2[%dma_wait3A_782, %dma_wait3A_783] : memref<20000x64xf32, #tpu.memory_space<hbm>> -> memref<20000x64xf32, #tpu.memory_space<hbm>>
      tpu.wait_indirect_dma semaphore(%arg18 : memref<!tpu.dma_semaphore, #tpu.memory_space<semaphore_mem>>) src(%dma_wait3A_784 : memref<20000x64xf32, #tpu.memory_space<hbm>>) dst(%dma_wait3A_780 : memref<80x64xf32, #tpu.memory_space<vmem>>)
      %dma_start3A_785 = arith.constant 7 : i32
      %dma_start3A_786 = arith.constant 0 : i32
      %dma_start3A_787 = arith.constant 0 : i32
      %dma_start3A_788 = tpu.memref_slice %arg9[%dma_start3A_785, %dma_start3A_786, %dma_start3A_787] : memref<9x80x64xf32, #tpu.memory_space<vmem>> -> memref<1x80x64xf32, #tpu.memory_space<vmem>>
      %dma_start3A_789 = tpu.memref_squeeze %dma_start3A_788 : memref<1x80x64xf32, #tpu.memory_space<vmem>> -> memref<80x64xf32, #tpu.memory_space<vmem>>
      %dma_start3A_790 = arith.constant 0 : i32
      %dma_start3A_791 = tpu.memref_slice %arg8[%add3A_748, %dma_start3A_790] : memref<250x80xi32, #tpu.memory_space<vmem>> -> memref<1x80xi32, #tpu.memory_space<vmem>>
      %dma_start3A_792 = tpu.memref_squeeze %dma_start3A_791 : memref<1x80xi32, #tpu.memory_space<vmem>> -> memref<80xi32, #tpu.memory_space<vmem>>
      %dma_start3A_793 = arith.constant 0 : i32
      %dma_start3A_794 = arith.constant 0 : i32
      %dma_start3A_795 = tpu.memref_slice %arg10[%dma_start3A_793, %dma_start3A_794] : memref<10000x64xf32, #tpu.memory_space<vmem_shared>> -> memref<10000x64xf32, #tpu.memory_space<vmem_shared>>
      tpu.enqueue_indirect_dma source(%dma_start3A_789 : memref<80x64xf32, #tpu.memory_space<vmem>>) target(%dma_start3A_795 : memref<10000x64xf32, #tpu.memory_space<vmem_shared>>) offsets(%dma_start3A_792 : memref<80xi32, #tpu.memory_space<vmem>>) semaphore(%arg27 : memref<!tpu.dma_semaphore, #tpu.memory_space<semaphore_mem>>) {add = true}
      %mul3A_796 = arith.constant 9 : i32
      %mul3A_797 = arith.muli %scan3A_743, %mul3A_796 : i32
      %add3A_798 = arith.constant 1 : i32
      %add3A_799 = arith.addi %mul3A_797, %add3A_798 : i32
      %add3A_800 = arith.constant 7 : i32
      %add3A_801 = arith.addi %add3A_799, %add3A_800 : i32
      %sub3A_802 = arith.constant 2 : i32
      %sub3A_803 = arith.subi %add3A_801, %sub3A_802 : i32
      %dma_wait3A_804 = arith.constant 6 : i32
      %dma_wait3A_805 = arith.constant 0 : i32
      %dma_wait3A_806 = arith.constant 0 : i32
      %dma_wait3A_807 = tpu.memref_slice %arg9[%dma_wait3A_804, %dma_wait3A_805, %dma_wait3A_806] : memref<9x80x64xf32, #tpu.memory_space<vmem>> -> memref<1x80x64xf32, #tpu.memory_space<vmem>>
      %dma_wait3A_808 = tpu.memref_squeeze %dma_wait3A_807 : memref<1x80x64xf32, #tpu.memory_space<vmem>> -> memref<80x64xf32, #tpu.memory_space<vmem>>
      %dma_wait3A_809 = arith.constant 0 : i32
      %dma_wait3A_810 = tpu.memref_slice %arg8[%sub3A_803, %dma_wait3A_809] : memref<250x80xi32, #tpu.memory_space<vmem>> -> memref<1x80xi32, #tpu.memory_space<vmem>>
      %dma_wait3A_811 = tpu.memref_squeeze %dma_wait3A_810 : memref<1x80xi32, #tpu.memory_space<vmem>> -> memref<80xi32, #tpu.memory_space<vmem>>
      %dma_wait3A_812 = arith.constant 0 : i32
      %dma_wait3A_813 = arith.constant 0 : i32
      %dma_wait3A_814 = tpu.memref_slice %arg10[%dma_wait3A_812, %dma_wait3A_813] : memref<10000x64xf32, #tpu.memory_space<vmem_shared>> -> memref<10000x64xf32, #tpu.memory_space<vmem_shared>>
      tpu.wait_indirect_dma semaphore(%arg26 : memref<!tpu.dma_semaphore, #tpu.memory_space<semaphore_mem>>) src(%dma_wait3A_808 : memref<80x64xf32, #tpu.memory_space<vmem>>) dst(%dma_wait3A_814 : memref<10000x64xf32, #tpu.memory_space<vmem_shared>>)
      %add3A_815 = arith.constant 7 : i32
      %add3A_816 = arith.addi %add3A_801, %add3A_815 : i32
      %mul3A_817 = arith.constant 80 : i32
      %mul3A_818 = arith.muli %add3A_816, %mul3A_817 : i32
      %dma_start3A_819 = arith.constant 6 : i32
      %dma_start3A_820 = arith.constant 0 : i32
      %dma_start3A_821 = arith.constant 0 : i32
      %dma_start3A_822 = tpu.memref_slice %arg9[%dma_start3A_819, %dma_start3A_820, %dma_start3A_821] : memref<9x80x64xf32, #tpu.memory_space<vmem>> -> memref<1x80x64xf32, #tpu.memory_space<vmem>>
      %dma_start3A_823 = tpu.memref_squeeze %dma_start3A_822 : memref<1x80x64xf32, #tpu.memory_space<vmem>> -> memref<80x64xf32, #tpu.memory_space<vmem>>
      %dma_start3A_824 = tpu.memref_slice %arg7[%mul3A_818] : memref<20000xi32, #tpu.memory_space<vmem>> -> memref<80xi32, #tpu.memory_space<vmem>>
      %dma_start3A_825 = arith.constant 0 : i32
      %dma_start3A_826 = arith.constant 0 : i32
      %dma_start3A_827 = tpu.memref_slice %arg2[%dma_start3A_825, %dma_start3A_826] : memref<20000x64xf32, #tpu.memory_space<hbm>> -> memref<20000x64xf32, #tpu.memory_space<hbm>>
      tpu.enqueue_indirect_dma source(%dma_start3A_827 : memref<20000x64xf32, #tpu.memory_space<hbm>>) target(%dma_start3A_823 : memref<80x64xf32, #tpu.memory_space<vmem>>) offsets(%dma_start3A_824 : memref<80xi32, #tpu.memory_space<vmem>>) semaphore(%arg17 : memref<!tpu.dma_semaphore, #tpu.memory_space<semaphore_mem>>)
      %mul3A_828 = arith.constant 80 : i32
      %mul3A_829 = arith.muli %add3A_801, %mul3A_828 : i32
      %dma_wait3A_830 = arith.constant 8 : i32
      %dma_wait3A_831 = arith.constant 0 : i32
      %dma_wait3A_832 = arith.constant 0 : i32
      %dma_wait3A_833 = tpu.memref_slice %arg9[%dma_wait3A_830, %dma_wait3A_831, %dma_wait3A_832] : memref<9x80x64xf32, #tpu.memory_space<vmem>> -> memref<1x80x64xf32, #tpu.memory_space<vmem>>
      %dma_wait3A_834 = tpu.memref_squeeze %dma_wait3A_833 : memref<1x80x64xf32, #tpu.memory_space<vmem>> -> memref<80x64xf32, #tpu.memory_space<vmem>>
      %dma_wait3A_835 = tpu.memref_slice %arg7[%mul3A_829] : memref<20000xi32, #tpu.memory_space<vmem>> -> memref<80xi32, #tpu.memory_space<vmem>>
      %dma_wait3A_836 = arith.constant 0 : i32
      %dma_wait3A_837 = arith.constant 0 : i32
      %dma_wait3A_838 = tpu.memref_slice %arg2[%dma_wait3A_836, %dma_wait3A_837] : memref<20000x64xf32, #tpu.memory_space<hbm>> -> memref<20000x64xf32, #tpu.memory_space<hbm>>
      tpu.wait_indirect_dma semaphore(%arg19 : memref<!tpu.dma_semaphore, #tpu.memory_space<semaphore_mem>>) src(%dma_wait3A_838 : memref<20000x64xf32, #tpu.memory_space<hbm>>) dst(%dma_wait3A_834 : memref<80x64xf32, #tpu.memory_space<vmem>>)
      %dma_start3A_839 = arith.constant 8 : i32
      %dma_start3A_840 = arith.constant 0 : i32
      %dma_start3A_841 = arith.constant 0 : i32
      %dma_start3A_842 = tpu.memref_slice %arg9[%dma_start3A_839, %dma_start3A_840, %dma_start3A_841] : memref<9x80x64xf32, #tpu.memory_space<vmem>> -> memref<1x80x64xf32, #tpu.memory_space<vmem>>
      %dma_start3A_843 = tpu.memref_squeeze %dma_start3A_842 : memref<1x80x64xf32, #tpu.memory_space<vmem>> -> memref<80x64xf32, #tpu.memory_space<vmem>>
      %dma_start3A_844 = arith.constant 0 : i32
      %dma_start3A_845 = tpu.memref_slice %arg8[%add3A_801, %dma_start3A_844] : memref<250x80xi32, #tpu.memory_space<vmem>> -> memref<1x80xi32, #tpu.memory_space<vmem>>
      %dma_start3A_846 = tpu.memref_squeeze %dma_start3A_845 : memref<1x80xi32, #tpu.memory_space<vmem>> -> memref<80xi32, #tpu.memory_space<vmem>>
      %dma_start3A_847 = arith.constant 0 : i32
      %dma_start3A_848 = arith.constant 0 : i32
      %dma_start3A_849 = tpu.memref_slice %arg10[%dma_start3A_847, %dma_start3A_848] : memref<10000x64xf32, #tpu.memory_space<vmem_shared>> -> memref<10000x64xf32, #tpu.memory_space<vmem_shared>>
      tpu.enqueue_indirect_dma source(%dma_start3A_843 : memref<80x64xf32, #tpu.memory_space<vmem>>) target(%dma_start3A_849 : memref<10000x64xf32, #tpu.memory_space<vmem_shared>>) offsets(%dma_start3A_846 : memref<80xi32, #tpu.memory_space<vmem>>) semaphore(%arg28 : memref<!tpu.dma_semaphore, #tpu.memory_space<semaphore_mem>>) {add = true}
      %mul3A_850 = arith.constant 9 : i32
      %mul3A_851 = arith.muli %scan3A_743, %mul3A_850 : i32
      %add3A_852 = arith.constant 2 : i32
      %add3A_853 = arith.addi %mul3A_851, %add3A_852 : i32
      %add3A_854 = arith.constant 7 : i32
      %add3A_855 = arith.addi %add3A_853, %add3A_854 : i32
      %sub3A_856 = arith.constant 2 : i32
      %sub3A_857 = arith.subi %add3A_855, %sub3A_856 : i32
      %dma_wait3A_858 = arith.constant 7 : i32
      %dma_wait3A_859 = arith.constant 0 : i32
      %dma_wait3A_860 = arith.constant 0 : i32
      %dma_wait3A_861 = tpu.memref_slice %arg9[%dma_wait3A_858, %dma_wait3A_859, %dma_wait3A_860] : memref<9x80x64xf32, #tpu.memory_space<vmem>> -> memref<1x80x64xf32, #tpu.memory_space<vmem>>
      %dma_wait3A_862 = tpu.memref_squeeze %dma_wait3A_861 : memref<1x80x64xf32, #tpu.memory_space<vmem>> -> memref<80x64xf32, #tpu.memory_space<vmem>>
      %dma_wait3A_863 = arith.constant 0 : i32
      %dma_wait3A_864 = tpu.memref_slice %arg8[%sub3A_857, %dma_wait3A_863] : memref<250x80xi32, #tpu.memory_space<vmem>> -> memref<1x80xi32, #tpu.memory_space<vmem>>
      %dma_wait3A_865 = tpu.memref_squeeze %dma_wait3A_864 : memref<1x80xi32, #tpu.memory_space<vmem>> -> memref<80xi32, #tpu.memory_space<vmem>>
      %dma_wait3A_866 = arith.constant 0 : i32
      %dma_wait3A_867 = arith.constant 0 : i32
      %dma_wait3A_868 = tpu.memref_slice %arg10[%dma_wait3A_866, %dma_wait3A_867] : memref<10000x64xf32, #tpu.memory_space<vmem_shared>> -> memref<10000x64xf32, #tpu.memory_space<vmem_shared>>
      tpu.wait_indirect_dma semaphore(%arg27 : memref<!tpu.dma_semaphore, #tpu.memory_space<semaphore_mem>>) src(%dma_wait3A_862 : memref<80x64xf32, #tpu.memory_space<vmem>>) dst(%dma_wait3A_868 : memref<10000x64xf32, #tpu.memory_space<vmem_shared>>)
      %add3A_869 = arith.constant 7 : i32
      %add3A_870 = arith.addi %add3A_855, %add3A_869 : i32
      %mul3A_871 = arith.constant 80 : i32
      %mul3A_872 = arith.muli %add3A_870, %mul3A_871 : i32
      %dma_start3A_873 = arith.constant 7 : i32
      %dma_start3A_874 = arith.constant 0 : i32
      %dma_start3A_875 = arith.constant 0 : i32
      %dma_start3A_876 = tpu.memref_slice %arg9[%dma_start3A_873, %dma_start3A_874, %dma_start3A_875] : memref<9x80x64xf32, #tpu.memory_space<vmem>> -> memref<1x80x64xf32, #tpu.memory_space<vmem>>
      %dma_start3A_877 = tpu.memref_squeeze %dma_start3A_876 : memref<1x80x64xf32, #tpu.memory_space<vmem>> -> memref<80x64xf32, #tpu.memory_space<vmem>>
      %dma_start3A_878 = tpu.memref_slice %arg7[%mul3A_872] : memref<20000xi32, #tpu.memory_space<vmem>> -> memref<80xi32, #tpu.memory_space<vmem>>
      %dma_start3A_879 = arith.constant 0 : i32
      %dma_start3A_880 = arith.constant 0 : i32
      %dma_start3A_881 = tpu.memref_slice %arg2[%dma_start3A_879, %dma_start3A_880] : memref<20000x64xf32, #tpu.memory_space<hbm>> -> memref<20000x64xf32, #tpu.memory_space<hbm>>
      tpu.enqueue_indirect_dma source(%dma_start3A_881 : memref<20000x64xf32, #tpu.memory_space<hbm>>) target(%dma_start3A_877 : memref<80x64xf32, #tpu.memory_space<vmem>>) offsets(%dma_start3A_878 : memref<80xi32, #tpu.memory_space<vmem>>) semaphore(%arg18 : memref<!tpu.dma_semaphore, #tpu.memory_space<semaphore_mem>>)
      %mul3A_882 = arith.constant 80 : i32
      %mul3A_883 = arith.muli %add3A_855, %mul3A_882 : i32
      %dma_wait3A_884 = arith.constant 0 : i32
      %dma_wait3A_885 = arith.constant 0 : i32
      %dma_wait3A_886 = arith.constant 0 : i32
      %dma_wait3A_887 = tpu.memref_slice %arg9[%dma_wait3A_884, %dma_wait3A_885, %dma_wait3A_886] : memref<9x80x64xf32, #tpu.memory_space<vmem>> -> memref<1x80x64xf32, #tpu.memory_space<vmem>>
      %dma_wait3A_888 = tpu.memref_squeeze %dma_wait3A_887 : memref<1x80x64xf32, #tpu.memory_space<vmem>> -> memref<80x64xf32, #tpu.memory_space<vmem>>
      %dma_wait3A_889 = tpu.memref_slice %arg7[%mul3A_883] : memref<20000xi32, #tpu.memory_space<vmem>> -> memref<80xi32, #tpu.memory_space<vmem>>
      %dma_wait3A_890 = arith.constant 0 : i32
      %dma_wait3A_891 = arith.constant 0 : i32
      %dma_wait3A_892 = tpu.memref_slice %arg2[%dma_wait3A_890, %dma_wait3A_891] : memref<20000x64xf32, #tpu.memory_space<hbm>> -> memref<20000x64xf32, #tpu.memory_space<hbm>>
      tpu.wait_indirect_dma semaphore(%arg11 : memref<!tpu.dma_semaphore, #tpu.memory_space<semaphore_mem>>) src(%dma_wait3A_892 : memref<20000x64xf32, #tpu.memory_space<hbm>>) dst(%dma_wait3A_888 : memref<80x64xf32, #tpu.memory_space<vmem>>)
      %dma_start3A_893 = arith.constant 0 : i32
      %dma_start3A_894 = arith.constant 0 : i32
      %dma_start3A_895 = arith.constant 0 : i32
      %dma_start3A_896 = tpu.memref_slice %arg9[%dma_start3A_893, %dma_start3A_894, %dma_start3A_895] : memref<9x80x64xf32, #tpu.memory_space<vmem>> -> memref<1x80x64xf32, #tpu.memory_space<vmem>>
      %dma_start3A_897 = tpu.memref_squeeze %dma_start3A_896 : memref<1x80x64xf32, #tpu.memory_space<vmem>> -> memref<80x64xf32, #tpu.memory_space<vmem>>
      %dma_start3A_898 = arith.constant 0 : i32
      %dma_start3A_899 = tpu.memref_slice %arg8[%add3A_855, %dma_start3A_898] : memref<250x80xi32, #tpu.memory_space<vmem>> -> memref<1x80xi32, #tpu.memory_space<vmem>>
      %dma_start3A_900 = tpu.memref_squeeze %dma_start3A_899 : memref<1x80xi32, #tpu.memory_space<vmem>> -> memref<80xi32, #tpu.memory_space<vmem>>
      %dma_start3A_901 = arith.constant 0 : i32
      %dma_start3A_902 = arith.constant 0 : i32
      %dma_start3A_903 = tpu.memref_slice %arg10[%dma_start3A_901, %dma_start3A_902] : memref<10000x64xf32, #tpu.memory_space<vmem_shared>> -> memref<10000x64xf32, #tpu.memory_space<vmem_shared>>
      tpu.enqueue_indirect_dma source(%dma_start3A_897 : memref<80x64xf32, #tpu.memory_space<vmem>>) target(%dma_start3A_903 : memref<10000x64xf32, #tpu.memory_space<vmem_shared>>) offsets(%dma_start3A_900 : memref<80xi32, #tpu.memory_space<vmem>>) semaphore(%arg20 : memref<!tpu.dma_semaphore, #tpu.memory_space<semaphore_mem>>) {add = true}
      %mul3A_904 = arith.constant 9 : i32
      %mul3A_905 = arith.muli %scan3A_743, %mul3A_904 : i32
      %add3A_906 = arith.constant 3 : i32
      %add3A_907 = arith.addi %mul3A_905, %add3A_906 : i32
      %add3A_908 = arith.constant 7 : i32
      %add3A_909 = arith.addi %add3A_907, %add3A_908 : i32
      %sub3A_910 = arith.constant 2 : i32
      %sub3A_911 = arith.subi %add3A_909, %sub3A_910 : i32
      %dma_wait3A_912 = arith.constant 8 : i32
      %dma_wait3A_913 = arith.constant 0 : i32
      %dma_wait3A_914 = arith.constant 0 : i32
      %dma_wait3A_915 = tpu.memref_slice %arg9[%dma_wait3A_912, %dma_wait3A_913, %dma_wait3A_914] : memref<9x80x64xf32, #tpu.memory_space<vmem>> -> memref<1x80x64xf32, #tpu.memory_space<vmem>>
      %dma_wait3A_916 = tpu.memref_squeeze %dma_wait3A_915 : memref<1x80x64xf32, #tpu.memory_space<vmem>> -> memref<80x64xf32, #tpu.memory_space<vmem>>
      %dma_wait3A_917 = arith.constant 0 : i32
      %dma_wait3A_918 = tpu.memref_slice %arg8[%sub3A_911, %dma_wait3A_917] : memref<250x80xi32, #tpu.memory_space<vmem>> -> memref<1x80xi32, #tpu.memory_space<vmem>>
      %dma_wait3A_919 = tpu.memref_squeeze %dma_wait3A_918 : memref<1x80xi32, #tpu.memory_space<vmem>> -> memref<80xi32, #tpu.memory_space<vmem>>
      %dma_wait3A_920 = arith.constant 0 : i32
      %dma_wait3A_921 = arith.constant 0 : i32
      %dma_wait3A_922 = tpu.memref_slice %arg10[%dma_wait3A_920, %dma_wait3A_921] : memref<10000x64xf32, #tpu.memory_space<vmem_shared>> -> memref<10000x64xf32, #tpu.memory_space<vmem_shared>>
      tpu.wait_indirect_dma semaphore(%arg28 : memref<!tpu.dma_semaphore, #tpu.memory_space<semaphore_mem>>) src(%dma_wait3A_916 : memref<80x64xf32, #tpu.memory_space<vmem>>) dst(%dma_wait3A_922 : memref<10000x64xf32, #tpu.memory_space<vmem_shared>>)
      %add3A_923 = arith.constant 7 : i32
      %add3A_924 = arith.addi %add3A_909, %add3A_923 : i32
      %mul3A_925 = arith.constant 80 : i32
      %mul3A_926 = arith.muli %add3A_924, %mul3A_925 : i32
      %dma_start3A_927 = arith.constant 8 : i32
      %dma_start3A_928 = arith.constant 0 : i32
      %dma_start3A_929 = arith.constant 0 : i32
      %dma_start3A_930 = tpu.memref_slice %arg9[%dma_start3A_927, %dma_start3A_928, %dma_start3A_929] : memref<9x80x64xf32, #tpu.memory_space<vmem>> -> memref<1x80x64xf32, #tpu.memory_space<vmem>>
      %dma_start3A_931 = tpu.memref_squeeze %dma_start3A_930 : memref<1x80x64xf32, #tpu.memory_space<vmem>> -> memref<80x64xf32, #tpu.memory_space<vmem>>
      %dma_start3A_932 = tpu.memref_slice %arg7[%mul3A_926] : memref<20000xi32, #tpu.memory_space<vmem>> -> memref<80xi32, #tpu.memory_space<vmem>>
      %dma_start3A_933 = arith.constant 0 : i32
      %dma_start3A_934 = arith.constant 0 : i32
      %dma_start3A_935 = tpu.memref_slice %arg2[%dma_start3A_933, %dma_start3A_934] : memref<20000x64xf32, #tpu.memory_space<hbm>> -> memref<20000x64xf32, #tpu.memory_space<hbm>>
      tpu.enqueue_indirect_dma source(%dma_start3A_935 : memref<20000x64xf32, #tpu.memory_space<hbm>>) target(%dma_start3A_931 : memref<80x64xf32, #tpu.memory_space<vmem>>) offsets(%dma_start3A_932 : memref<80xi32, #tpu.memory_space<vmem>>) semaphore(%arg19 : memref<!tpu.dma_semaphore, #tpu.memory_space<semaphore_mem>>)
      %mul3A_936 = arith.constant 80 : i32
      %mul3A_937 = arith.muli %add3A_909, %mul3A_936 : i32
      %dma_wait3A_938 = arith.constant 1 : i32
      %dma_wait3A_939 = arith.constant 0 : i32
      %dma_wait3A_940 = arith.constant 0 : i32
      %dma_wait3A_941 = tpu.memref_slice %arg9[%dma_wait3A_938, %dma_wait3A_939, %dma_wait3A_940] : memref<9x80x64xf32, #tpu.memory_space<vmem>> -> memref<1x80x64xf32, #tpu.memory_space<vmem>>
      %dma_wait3A_942 = tpu.memref_squeeze %dma_wait3A_941 : memref<1x80x64xf32, #tpu.memory_space<vmem>> -> memref<80x64xf32, #tpu.memory_space<vmem>>
      %dma_wait3A_943 = tpu.memref_slice %arg7[%mul3A_937] : memref<20000xi32, #tpu.memory_space<vmem>> -> memref<80xi32, #tpu.memory_space<vmem>>
      %dma_wait3A_944 = arith.constant 0 : i32
      %dma_wait3A_945 = arith.constant 0 : i32
      %dma_wait3A_946 = tpu.memref_slice %arg2[%dma_wait3A_944, %dma_wait3A_945] : memref<20000x64xf32, #tpu.memory_space<hbm>> -> memref<20000x64xf32, #tpu.memory_space<hbm>>
      tpu.wait_indirect_dma semaphore(%arg12 : memref<!tpu.dma_semaphore, #tpu.memory_space<semaphore_mem>>) src(%dma_wait3A_946 : memref<20000x64xf32, #tpu.memory_space<hbm>>) dst(%dma_wait3A_942 : memref<80x64xf32, #tpu.memory_space<vmem>>)
      %dma_start3A_947 = arith.constant 1 : i32
      %dma_start3A_948 = arith.constant 0 : i32
      %dma_start3A_949 = arith.constant 0 : i32
      %dma_start3A_950 = tpu.memref_slice %arg9[%dma_start3A_947, %dma_start3A_948, %dma_start3A_949] : memref<9x80x64xf32, #tpu.memory_space<vmem>> -> memref<1x80x64xf32, #tpu.memory_space<vmem>>
      %dma_start3A_951 = tpu.memref_squeeze %dma_start3A_950 : memref<1x80x64xf32, #tpu.memory_space<vmem>> -> memref<80x64xf32, #tpu.memory_space<vmem>>
      %dma_start3A_952 = arith.constant 0 : i32
      %dma_start3A_953 = tpu.memref_slice %arg8[%add3A_909, %dma_start3A_952] : memref<250x80xi32, #tpu.memory_space<vmem>> -> memref<1x80xi32, #tpu.memory_space<vmem>>
      %dma_start3A_954 = tpu.memref_squeeze %dma_start3A_953 : memref<1x80xi32, #tpu.memory_space<vmem>> -> memref<80xi32, #tpu.memory_space<vmem>>
      %dma_start3A_955 = arith.constant 0 : i32
      %dma_start3A_956 = arith.constant 0 : i32
      %dma_start3A_957 = tpu.memref_slice %arg10[%dma_start3A_955, %dma_start3A_956] : memref<10000x64xf32, #tpu.memory_space<vmem_shared>> -> memref<10000x64xf32, #tpu.memory_space<vmem_shared>>
      tpu.enqueue_indirect_dma source(%dma_start3A_951 : memref<80x64xf32, #tpu.memory_space<vmem>>) target(%dma_start3A_957 : memref<10000x64xf32, #tpu.memory_space<vmem_shared>>) offsets(%dma_start3A_954 : memref<80xi32, #tpu.memory_space<vmem>>) semaphore(%arg21 : memref<!tpu.dma_semaphore, #tpu.memory_space<semaphore_mem>>) {add = true}
      %mul3A_958 = arith.constant 9 : i32
      %mul3A_959 = arith.muli %scan3A_743, %mul3A_958 : i32
      %add3A_960 = arith.constant 4 : i32
      %add3A_961 = arith.addi %mul3A_959, %add3A_960 : i32
      %add3A_962 = arith.constant 7 : i32
      %add3A_963 = arith.addi %add3A_961, %add3A_962 : i32
      %sub3A_964 = arith.constant 2 : i32
      %sub3A_965 = arith.subi %add3A_963, %sub3A_964 : i32
      %dma_wait3A_966 = arith.constant 0 : i32
      %dma_wait3A_967 = arith.constant 0 : i32
      %dma_wait3A_968 = arith.constant 0 : i32
      %dma_wait3A_969 = tpu.memref_slice %arg9[%dma_wait3A_966, %dma_wait3A_967, %dma_wait3A_968] : memref<9x80x64xf32, #tpu.memory_space<vmem>> -> memref<1x80x64xf32, #tpu.memory_space<vmem>>
      %dma_wait3A_970 = tpu.memref_squeeze %dma_wait3A_969 : memref<1x80x64xf32, #tpu.memory_space<vmem>> -> memref<80x64xf32, #tpu.memory_space<vmem>>
      %dma_wait3A_971 = arith.constant 0 : i32
      %dma_wait3A_972 = tpu.memref_slice %arg8[%sub3A_965, %dma_wait3A_971] : memref<250x80xi32, #tpu.memory_space<vmem>> -> memref<1x80xi32, #tpu.memory_space<vmem>>
      %dma_wait3A_973 = tpu.memref_squeeze %dma_wait3A_972 : memref<1x80xi32, #tpu.memory_space<vmem>> -> memref<80xi32, #tpu.memory_space<vmem>>
      %dma_wait3A_974 = arith.constant 0 : i32
      %dma_wait3A_975 = arith.constant 0 : i32
      %dma_wait3A_976 = tpu.memref_slice %arg10[%dma_wait3A_974, %dma_wait3A_975] : memref<10000x64xf32, #tpu.memory_space<vmem_shared>> -> memref<10000x64xf32, #tpu.memory_space<vmem_shared>>
      tpu.wait_indirect_dma semaphore(%arg20 : memref<!tpu.dma_semaphore, #tpu.memory_space<semaphore_mem>>) src(%dma_wait3A_970 : memref<80x64xf32, #tpu.memory_space<vmem>>) dst(%dma_wait3A_976 : memref<10000x64xf32, #tpu.memory_space<vmem_shared>>)
      %add3A_977 = arith.constant 7 : i32
      %add3A_978 = arith.addi %add3A_963, %add3A_977 : i32
      %mul3A_979 = arith.constant 80 : i32
      %mul3A_980 = arith.muli %add3A_978, %mul3A_979 : i32
      %dma_start3A_981 = arith.constant 0 : i32
      %dma_start3A_982 = arith.constant 0 : i32
      %dma_start3A_983 = arith.constant 0 : i32
      %dma_start3A_984 = tpu.memref_slice %arg9[%dma_start3A_981, %dma_start3A_982, %dma_start3A_983] : memref<9x80x64xf32, #tpu.memory_space<vmem>> -> memref<1x80x64xf32, #tpu.memory_space<vmem>>
      %dma_start3A_985 = tpu.memref_squeeze %dma_start3A_984 : memref<1x80x64xf32, #tpu.memory_space<vmem>> -> memref<80x64xf32, #tpu.memory_space<vmem>>
      %dma_start3A_986 = tpu.memref_slice %arg7[%mul3A_980] : memref<20000xi32, #tpu.memory_space<vmem>> -> memref<80xi32, #tpu.memory_space<vmem>>
      %dma_start3A_987 = arith.constant 0 : i32
      %dma_start3A_988 = arith.constant 0 : i32
      %dma_start3A_989 = tpu.memref_slice %arg2[%dma_start3A_987, %dma_start3A_988] : memref<20000x64xf32, #tpu.memory_space<hbm>> -> memref<20000x64xf32, #tpu.memory_space<hbm>>
      tpu.enqueue_indirect_dma source(%dma_start3A_989 : memref<20000x64xf32, #tpu.memory_space<hbm>>) target(%dma_start3A_985 : memref<80x64xf32, #tpu.memory_space<vmem>>) offsets(%dma_start3A_986 : memref<80xi32, #tpu.memory_space<vmem>>) semaphore(%arg11 : memref<!tpu.dma_semaphore, #tpu.memory_space<semaphore_mem>>)
      %mul3A_990 = arith.constant 80 : i32
      %mul3A_991 = arith.muli %add3A_963, %mul3A_990 : i32
      %dma_wait3A_992 = arith.constant 2 : i32
      %dma_wait3A_993 = arith.constant 0 : i32
      %dma_wait3A_994 = arith.constant 0 : i32
      %dma_wait3A_995 = tpu.memref_slice %arg9[%dma_wait3A_992, %dma_wait3A_993, %dma_wait3A_994] : memref<9x80x64xf32, #tpu.memory_space<vmem>> -> memref<1x80x64xf32, #tpu.memory_space<vmem>>
      %dma_wait3A_996 = tpu.memref_squeeze %dma_wait3A_995 : memref<1x80x64xf32, #tpu.memory_space<vmem>> -> memref<80x64xf32, #tpu.memory_space<vmem>>
      %dma_wait3A_997 = tpu.memref_slice %arg7[%mul3A_991] : memref<20000xi32, #tpu.memory_space<vmem>> -> memref<80xi32, #tpu.memory_space<vmem>>
      %dma_wait3A_998 = arith.constant 0 : i32
      %dma_wait3A_999 = arith.constant 0 : i32
      %dma_wait3A_1000 = tpu.memref_slice %arg2[%dma_wait3A_998, %dma_wait3A_999] : memref<20000x64xf32, #tpu.memory_space<hbm>> -> memref<20000x64xf32, #tpu.memory_space<hbm>>
      tpu.wait_indirect_dma semaphore(%arg13 : memref<!tpu.dma_semaphore, #tpu.memory_space<semaphore_mem>>) src(%dma_wait3A_1000 : memref<20000x64xf32, #tpu.memory_space<hbm>>) dst(%dma_wait3A_996 : memref<80x64xf32, #tpu.memory_space<vmem>>)
      %dma_start3A_1001 = arith.constant 2 : i32
      %dma_start3A_1002 = arith.constant 0 : i32
      %dma_start3A_1003 = arith.constant 0 : i32
      %dma_start3A_1004 = tpu.memref_slice %arg9[%dma_start3A_1001, %dma_start3A_1002, %dma_start3A_1003] : memref<9x80x64xf32, #tpu.memory_space<vmem>> -> memref<1x80x64xf32, #tpu.memory_space<vmem>>
      %dma_start3A_1005 = tpu.memref_squeeze %dma_start3A_1004 : memref<1x80x64xf32, #tpu.memory_space<vmem>> -> memref<80x64xf32, #tpu.memory_space<vmem>>
      %dma_start3A_1006 = arith.constant 0 : i32
      %dma_start3A_1007 = tpu.memref_slice %arg8[%add3A_963, %dma_start3A_1006] : memref<250x80xi32, #tpu.memory_space<vmem>> -> memref<1x80xi32, #tpu.memory_space<vmem>>
      %dma_start3A_1008 = tpu.memref_squeeze %dma_start3A_1007 : memref<1x80xi32, #tpu.memory_space<vmem>> -> memref<80xi32, #tpu.memory_space<vmem>>
      %dma_start3A_1009 = arith.constant 0 : i32
      %dma_start3A_1010 = arith.constant 0 : i32
      %dma_start3A_1011 = tpu.memref_slice %arg10[%dma_start3A_1009, %dma_start3A_1010] : memref<10000x64xf32, #tpu.memory_space<vmem_shared>> -> memref<10000x64xf32, #tpu.memory_space<vmem_shared>>
      tpu.enqueue_indirect_dma source(%dma_start3A_1005 : memref<80x64xf32, #tpu.memory_space<vmem>>) target(%dma_start3A_1011 : memref<10000x64xf32, #tpu.memory_space<vmem_shared>>) offsets(%dma_start3A_1008 : memref<80xi32, #tpu.memory_space<vmem>>) semaphore(%arg22 : memref<!tpu.dma_semaphore, #tpu.memory_space<semaphore_mem>>) {add = true}
      %mul3A_1012 = arith.constant 9 : i32
      %mul3A_1013 = arith.muli %scan3A_743, %mul3A_1012 : i32
      %add3A_1014 = arith.constant 5 : i32
      %add3A_1015 = arith.addi %mul3A_1013, %add3A_1014 : i32
      %add3A_1016 = arith.constant 7 : i32
      %add3A_1017 = arith.addi %add3A_1015, %add3A_1016 : i32
      %sub3A_1018 = arith.constant 2 : i32
      %sub3A_1019 = arith.subi %add3A_1017, %sub3A_1018 : i32
      %dma_wait3A_1020 = arith.constant 1 : i32
      %dma_wait3A_1021 = arith.constant 0 : i32
      %dma_wait3A_1022 = arith.constant 0 : i32
      %dma_wait3A_1023 = tpu.memref_slice %arg9[%dma_wait3A_1020, %dma_wait3A_1021, %dma_wait3A_1022] : memref<9x80x64xf32, #tpu.memory_space<vmem>> -> memref<1x80x64xf32, #tpu.memory_space<vmem>>
      %dma_wait3A_1024 = tpu.memref_squeeze %dma_wait3A_1023 : memref<1x80x64xf32, #tpu.memory_space<vmem>> -> memref<80x64xf32, #tpu.memory_space<vmem>>
      %dma_wait3A_1025 = arith.constant 0 : i32
      %dma_wait3A_1026 = tpu.memref_slice %arg8[%sub3A_1019, %dma_wait3A_1025] : memref<250x80xi32, #tpu.memory_space<vmem>> -> memref<1x80xi32, #tpu.memory_space<vmem>>
      %dma_wait3A_1027 = tpu.memref_squeeze %dma_wait3A_1026 : memref<1x80xi32, #tpu.memory_space<vmem>> -> memref<80xi32, #tpu.memory_space<vmem>>
      %dma_wait3A_1028 = arith.constant 0 : i32
      %dma_wait3A_1029 = arith.constant 0 : i32
      %dma_wait3A_1030 = tpu.memref_slice %arg10[%dma_wait3A_1028, %dma_wait3A_1029] : memref<10000x64xf32, #tpu.memory_space<vmem_shared>> -> memref<10000x64xf32, #tpu.memory_space<vmem_shared>>
      tpu.wait_indirect_dma semaphore(%arg21 : memref<!tpu.dma_semaphore, #tpu.memory_space<semaphore_mem>>) src(%dma_wait3A_1024 : memref<80x64xf32, #tpu.memory_space<vmem>>) dst(%dma_wait3A_1030 : memref<10000x64xf32, #tpu.memory_space<vmem_shared>>)
      %add3A_1031 = arith.constant 7 : i32
      %add3A_1032 = arith.addi %add3A_1017, %add3A_1031 : i32
      %mul3A_1033 = arith.constant 80 : i32
      %mul3A_1034 = arith.muli %add3A_1032, %mul3A_1033 : i32
      %dma_start3A_1035 = arith.constant 1 : i32
      %dma_start3A_1036 = arith.constant 0 : i32
      %dma_start3A_1037 = arith.constant 0 : i32
      %dma_start3A_1038 = tpu.memref_slice %arg9[%dma_start3A_1035, %dma_start3A_1036, %dma_start3A_1037] : memref<9x80x64xf32, #tpu.memory_space<vmem>> -> memref<1x80x64xf32, #tpu.memory_space<vmem>>
      %dma_start3A_1039 = tpu.memref_squeeze %dma_start3A_1038 : memref<1x80x64xf32, #tpu.memory_space<vmem>> -> memref<80x64xf32, #tpu.memory_space<vmem>>
      %dma_start3A_1040 = tpu.memref_slice %arg7[%mul3A_1034] : memref<20000xi32, #tpu.memory_space<vmem>> -> memref<80xi32, #tpu.memory_space<vmem>>
      %dma_start3A_1041 = arith.constant 0 : i32
      %dma_start3A_1042 = arith.constant 0 : i32
      %dma_start3A_1043 = tpu.memref_slice %arg2[%dma_start3A_1041, %dma_start3A_1042] : memref<20000x64xf32, #tpu.memory_space<hbm>> -> memref<20000x64xf32, #tpu.memory_space<hbm>>
      tpu.enqueue_indirect_dma source(%dma_start3A_1043 : memref<20000x64xf32, #tpu.memory_space<hbm>>) target(%dma_start3A_1039 : memref<80x64xf32, #tpu.memory_space<vmem>>) offsets(%dma_start3A_1040 : memref<80xi32, #tpu.memory_space<vmem>>) semaphore(%arg12 : memref<!tpu.dma_semaphore, #tpu.memory_space<semaphore_mem>>)
      %mul3A_1044 = arith.constant 80 : i32
      %mul3A_1045 = arith.muli %add3A_1017, %mul3A_1044 : i32
      %dma_wait3A_1046 = arith.constant 3 : i32
      %dma_wait3A_1047 = arith.constant 0 : i32
      %dma_wait3A_1048 = arith.constant 0 : i32
      %dma_wait3A_1049 = tpu.memref_slice %arg9[%dma_wait3A_1046, %dma_wait3A_1047, %dma_wait3A_1048] : memref<9x80x64xf32, #tpu.memory_space<vmem>> -> memref<1x80x64xf32, #tpu.memory_space<vmem>>
      %dma_wait3A_1050 = tpu.memref_squeeze %dma_wait3A_1049 : memref<1x80x64xf32, #tpu.memory_space<vmem>> -> memref<80x64xf32, #tpu.memory_space<vmem>>
      %dma_wait3A_1051 = tpu.memref_slice %arg7[%mul3A_1045] : memref<20000xi32, #tpu.memory_space<vmem>> -> memref<80xi32, #tpu.memory_space<vmem>>
      %dma_wait3A_1052 = arith.constant 0 : i32
      %dma_wait3A_1053 = arith.constant 0 : i32
      %dma_wait3A_1054 = tpu.memref_slice %arg2[%dma_wait3A_1052, %dma_wait3A_1053] : memref<20000x64xf32, #tpu.memory_space<hbm>> -> memref<20000x64xf32, #tpu.memory_space<hbm>>
      tpu.wait_indirect_dma semaphore(%arg14 : memref<!tpu.dma_semaphore, #tpu.memory_space<semaphore_mem>>) src(%dma_wait3A_1054 : memref<20000x64xf32, #tpu.memory_space<hbm>>) dst(%dma_wait3A_1050 : memref<80x64xf32, #tpu.memory_space<vmem>>)
      %dma_start3A_1055 = arith.constant 3 : i32
      %dma_start3A_1056 = arith.constant 0 : i32
      %dma_start3A_1057 = arith.constant 0 : i32
      %dma_start3A_1058 = tpu.memref_slice %arg9[%dma_start3A_1055, %dma_start3A_1056, %dma_start3A_1057] : memref<9x80x64xf32, #tpu.memory_space<vmem>> -> memref<1x80x64xf32, #tpu.memory_space<vmem>>
      %dma_start3A_1059 = tpu.memref_squeeze %dma_start3A_1058 : memref<1x80x64xf32, #tpu.memory_space<vmem>> -> memref<80x64xf32, #tpu.memory_space<vmem>>
      %dma_start3A_1060 = arith.constant 0 : i32
      %dma_start3A_1061 = tpu.memref_slice %arg8[%add3A_1017, %dma_start3A_1060] : memref<250x80xi32, #tpu.memory_space<vmem>> -> memref<1x80xi32, #tpu.memory_space<vmem>>
      %dma_start3A_1062 = tpu.memref_squeeze %dma_start3A_1061 : memref<1x80xi32, #tpu.memory_space<vmem>> -> memref<80xi32, #tpu.memory_space<vmem>>
      %dma_start3A_1063 = arith.constant 0 : i32
      %dma_start3A_1064 = arith.constant 0 : i32
      %dma_start3A_1065 = tpu.memref_slice %arg10[%dma_start3A_1063, %dma_start3A_1064] : memref<10000x64xf32, #tpu.memory_space<vmem_shared>> -> memref<10000x64xf32, #tpu.memory_space<vmem_shared>>
      tpu.enqueue_indirect_dma source(%dma_start3A_1059 : memref<80x64xf32, #tpu.memory_space<vmem>>) target(%dma_start3A_1065 : memref<10000x64xf32, #tpu.memory_space<vmem_shared>>) offsets(%dma_start3A_1062 : memref<80xi32, #tpu.memory_space<vmem>>) semaphore(%arg23 : memref<!tpu.dma_semaphore, #tpu.memory_space<semaphore_mem>>) {add = true}
      %mul3A_1066 = arith.constant 9 : i32
      %mul3A_1067 = arith.muli %scan3A_743, %mul3A_1066 : i32
      %add3A_1068 = arith.constant 6 : i32
      %add3A_1069 = arith.addi %mul3A_1067, %add3A_1068 : i32
      %add3A_1070 = arith.constant 7 : i32
      %add3A_1071 = arith.addi %add3A_1069, %add3A_1070 : i32
      %sub3A_1072 = arith.constant 2 : i32
      %sub3A_1073 = arith.subi %add3A_1071, %sub3A_1072 : i32
      %dma_wait3A_1074 = arith.constant 2 : i32
      %dma_wait3A_1075 = arith.constant 0 : i32
      %dma_wait3A_1076 = arith.constant 0 : i32
      %dma_wait3A_1077 = tpu.memref_slice %arg9[%dma_wait3A_1074, %dma_wait3A_1075, %dma_wait3A_1076] : memref<9x80x64xf32, #tpu.memory_space<vmem>> -> memref<1x80x64xf32, #tpu.memory_space<vmem>>
      %dma_wait3A_1078 = tpu.memref_squeeze %dma_wait3A_1077 : memref<1x80x64xf32, #tpu.memory_space<vmem>> -> memref<80x64xf32, #tpu.memory_space<vmem>>
      %dma_wait3A_1079 = arith.constant 0 : i32
      %dma_wait3A_1080 = tpu.memref_slice %arg8[%sub3A_1073, %dma_wait3A_1079] : memref<250x80xi32, #tpu.memory_space<vmem>> -> memref<1x80xi32, #tpu.memory_space<vmem>>
      %dma_wait3A_1081 = tpu.memref_squeeze %dma_wait3A_1080 : memref<1x80xi32, #tpu.memory_space<vmem>> -> memref<80xi32, #tpu.memory_space<vmem>>
      %dma_wait3A_1082 = arith.constant 0 : i32
      %dma_wait3A_1083 = arith.constant 0 : i32
      %dma_wait3A_1084 = tpu.memref_slice %arg10[%dma_wait3A_1082, %dma_wait3A_1083] : memref<10000x64xf32, #tpu.memory_space<vmem_shared>> -> memref<10000x64xf32, #tpu.memory_space<vmem_shared>>
      tpu.wait_indirect_dma semaphore(%arg22 : memref<!tpu.dma_semaphore, #tpu.memory_space<semaphore_mem>>) src(%dma_wait3A_1078 : memref<80x64xf32, #tpu.memory_space<vmem>>) dst(%dma_wait3A_1084 : memref<10000x64xf32, #tpu.memory_space<vmem_shared>>)
      %add3A_1085 = arith.constant 7 : i32
      %add3A_1086 = arith.addi %add3A_1071, %add3A_1085 : i32
      %mul3A_1087 = arith.constant 80 : i32
      %mul3A_1088 = arith.muli %add3A_1086, %mul3A_1087 : i32
      %dma_start3A_1089 = arith.constant 2 : i32
      %dma_start3A_1090 = arith.constant 0 : i32
      %dma_start3A_1091 = arith.constant 0 : i32
      %dma_start3A_1092 = tpu.memref_slice %arg9[%dma_start3A_1089, %dma_start3A_1090, %dma_start3A_1091] : memref<9x80x64xf32, #tpu.memory_space<vmem>> -> memref<1x80x64xf32, #tpu.memory_space<vmem>>
      %dma_start3A_1093 = tpu.memref_squeeze %dma_start3A_1092 : memref<1x80x64xf32, #tpu.memory_space<vmem>> -> memref<80x64xf32, #tpu.memory_space<vmem>>
      %dma_start3A_1094 = tpu.memref_slice %arg7[%mul3A_1088] : memref<20000xi32, #tpu.memory_space<vmem>> -> memref<80xi32, #tpu.memory_space<vmem>>
      %dma_start3A_1095 = arith.constant 0 : i32
      %dma_start3A_1096 = arith.constant 0 : i32
      %dma_start3A_1097 = tpu.memref_slice %arg2[%dma_start3A_1095, %dma_start3A_1096] : memref<20000x64xf32, #tpu.memory_space<hbm>> -> memref<20000x64xf32, #tpu.memory_space<hbm>>
      tpu.enqueue_indirect_dma source(%dma_start3A_1097 : memref<20000x64xf32, #tpu.memory_space<hbm>>) target(%dma_start3A_1093 : memref<80x64xf32, #tpu.memory_space<vmem>>) offsets(%dma_start3A_1094 : memref<80xi32, #tpu.memory_space<vmem>>) semaphore(%arg13 : memref<!tpu.dma_semaphore, #tpu.memory_space<semaphore_mem>>)
      %mul3A_1098 = arith.constant 80 : i32
      %mul3A_1099 = arith.muli %add3A_1071, %mul3A_1098 : i32
      %dma_wait3A_1100 = arith.constant 4 : i32
      %dma_wait3A_1101 = arith.constant 0 : i32
      %dma_wait3A_1102 = arith.constant 0 : i32
      %dma_wait3A_1103 = tpu.memref_slice %arg9[%dma_wait3A_1100, %dma_wait3A_1101, %dma_wait3A_1102] : memref<9x80x64xf32, #tpu.memory_space<vmem>> -> memref<1x80x64xf32, #tpu.memory_space<vmem>>
      %dma_wait3A_1104 = tpu.memref_squeeze %dma_wait3A_1103 : memref<1x80x64xf32, #tpu.memory_space<vmem>> -> memref<80x64xf32, #tpu.memory_space<vmem>>
      %dma_wait3A_1105 = tpu.memref_slice %arg7[%mul3A_1099] : memref<20000xi32, #tpu.memory_space<vmem>> -> memref<80xi32, #tpu.memory_space<vmem>>
      %dma_wait3A_1106 = arith.constant 0 : i32
      %dma_wait3A_1107 = arith.constant 0 : i32
      %dma_wait3A_1108 = tpu.memref_slice %arg2[%dma_wait3A_1106, %dma_wait3A_1107] : memref<20000x64xf32, #tpu.memory_space<hbm>> -> memref<20000x64xf32, #tpu.memory_space<hbm>>
      tpu.wait_indirect_dma semaphore(%arg15 : memref<!tpu.dma_semaphore, #tpu.memory_space<semaphore_mem>>) src(%dma_wait3A_1108 : memref<20000x64xf32, #tpu.memory_space<hbm>>) dst(%dma_wait3A_1104 : memref<80x64xf32, #tpu.memory_space<vmem>>)
      %dma_start3A_1109 = arith.constant 4 : i32
      %dma_start3A_1110 = arith.constant 0 : i32
      %dma_start3A_1111 = arith.constant 0 : i32
      %dma_start3A_1112 = tpu.memref_slice %arg9[%dma_start3A_1109, %dma_start3A_1110, %dma_start3A_1111] : memref<9x80x64xf32, #tpu.memory_space<vmem>> -> memref<1x80x64xf32, #tpu.memory_space<vmem>>
      %dma_start3A_1113 = tpu.memref_squeeze %dma_start3A_1112 : memref<1x80x64xf32, #tpu.memory_space<vmem>> -> memref<80x64xf32, #tpu.memory_space<vmem>>
      %dma_start3A_1114 = arith.constant 0 : i32
      %dma_start3A_1115 = tpu.memref_slice %arg8[%add3A_1071, %dma_start3A_1114] : memref<250x80xi32, #tpu.memory_space<vmem>> -> memref<1x80xi32, #tpu.memory_space<vmem>>
      %dma_start3A_1116 = tpu.memref_squeeze %dma_start3A_1115 : memref<1x80xi32, #tpu.memory_space<vmem>> -> memref<80xi32, #tpu.memory_space<vmem>>
      %dma_start3A_1117 = arith.constant 0 : i32
      %dma_start3A_1118 = arith.constant 0 : i32
      %dma_start3A_1119 = tpu.memref_slice %arg10[%dma_start3A_1117, %dma_start3A_1118] : memref<10000x64xf32, #tpu.memory_space<vmem_shared>> -> memref<10000x64xf32, #tpu.memory_space<vmem_shared>>
      tpu.enqueue_indirect_dma source(%dma_start3A_1113 : memref<80x64xf32, #tpu.memory_space<vmem>>) target(%dma_start3A_1119 : memref<10000x64xf32, #tpu.memory_space<vmem_shared>>) offsets(%dma_start3A_1116 : memref<80xi32, #tpu.memory_space<vmem>>) semaphore(%arg24 : memref<!tpu.dma_semaphore, #tpu.memory_space<semaphore_mem>>) {add = true}
      %mul3A_1120 = arith.constant 9 : i32
      %mul3A_1121 = arith.muli %scan3A_743, %mul3A_1120 : i32
      %add3A_1122 = arith.constant 7 : i32
      %add3A_1123 = arith.addi %mul3A_1121, %add3A_1122 : i32
      %add3A_1124 = arith.constant 7 : i32
      %add3A_1125 = arith.addi %add3A_1123, %add3A_1124 : i32
      %sub3A_1126 = arith.constant 2 : i32
      %sub3A_1127 = arith.subi %add3A_1125, %sub3A_1126 : i32
      %dma_wait3A_1128 = arith.constant 3 : i32
      %dma_wait3A_1129 = arith.constant 0 : i32
      %dma_wait3A_1130 = arith.constant 0 : i32
      %dma_wait3A_1131 = tpu.memref_slice %arg9[%dma_wait3A_1128, %dma_wait3A_1129, %dma_wait3A_1130] : memref<9x80x64xf32, #tpu.memory_space<vmem>> -> memref<1x80x64xf32, #tpu.memory_space<vmem>>
      %dma_wait3A_1132 = tpu.memref_squeeze %dma_wait3A_1131 : memref<1x80x64xf32, #tpu.memory_space<vmem>> -> memref<80x64xf32, #tpu.memory_space<vmem>>
      %dma_wait3A_1133 = arith.constant 0 : i32
      %dma_wait3A_1134 = tpu.memref_slice %arg8[%sub3A_1127, %dma_wait3A_1133] : memref<250x80xi32, #tpu.memory_space<vmem>> -> memref<1x80xi32, #tpu.memory_space<vmem>>
      %dma_wait3A_1135 = tpu.memref_squeeze %dma_wait3A_1134 : memref<1x80xi32, #tpu.memory_space<vmem>> -> memref<80xi32, #tpu.memory_space<vmem>>
      %dma_wait3A_1136 = arith.constant 0 : i32
      %dma_wait3A_1137 = arith.constant 0 : i32
      %dma_wait3A_1138 = tpu.memref_slice %arg10[%dma_wait3A_1136, %dma_wait3A_1137] : memref<10000x64xf32, #tpu.memory_space<vmem_shared>> -> memref<10000x64xf32, #tpu.memory_space<vmem_shared>>
      tpu.wait_indirect_dma semaphore(%arg23 : memref<!tpu.dma_semaphore, #tpu.memory_space<semaphore_mem>>) src(%dma_wait3A_1132 : memref<80x64xf32, #tpu.memory_space<vmem>>) dst(%dma_wait3A_1138 : memref<10000x64xf32, #tpu.memory_space<vmem_shared>>)
      %add3A_1139 = arith.constant 7 : i32
      %add3A_1140 = arith.addi %add3A_1125, %add3A_1139 : i32
      %mul3A_1141 = arith.constant 80 : i32
      %mul3A_1142 = arith.muli %add3A_1140, %mul3A_1141 : i32
      %dma_start3A_1143 = arith.constant 3 : i32
      %dma_start3A_1144 = arith.constant 0 : i32
      %dma_start3A_1145 = arith.constant 0 : i32
      %dma_start3A_1146 = tpu.memref_slice %arg9[%dma_start3A_1143, %dma_start3A_1144, %dma_start3A_1145] : memref<9x80x64xf32, #tpu.memory_space<vmem>> -> memref<1x80x64xf32, #tpu.memory_space<vmem>>
      %dma_start3A_1147 = tpu.memref_squeeze %dma_start3A_1146 : memref<1x80x64xf32, #tpu.memory_space<vmem>> -> memref<80x64xf32, #tpu.memory_space<vmem>>
      %dma_start3A_1148 = tpu.memref_slice %arg7[%mul3A_1142] : memref<20000xi32, #tpu.memory_space<vmem>> -> memref<80xi32, #tpu.memory_space<vmem>>
      %dma_start3A_1149 = arith.constant 0 : i32
      %dma_start3A_1150 = arith.constant 0 : i32
      %dma_start3A_1151 = tpu.memref_slice %arg2[%dma_start3A_1149, %dma_start3A_1150] : memref<20000x64xf32, #tpu.memory_space<hbm>> -> memref<20000x64xf32, #tpu.memory_space<hbm>>
      tpu.enqueue_indirect_dma source(%dma_start3A_1151 : memref<20000x64xf32, #tpu.memory_space<hbm>>) target(%dma_start3A_1147 : memref<80x64xf32, #tpu.memory_space<vmem>>) offsets(%dma_start3A_1148 : memref<80xi32, #tpu.memory_space<vmem>>) semaphore(%arg14 : memref<!tpu.dma_semaphore, #tpu.memory_space<semaphore_mem>>)
      %mul3A_1152 = arith.constant 80 : i32
      %mul3A_1153 = arith.muli %add3A_1125, %mul3A_1152 : i32
      %dma_wait3A_1154 = arith.constant 5 : i32
      %dma_wait3A_1155 = arith.constant 0 : i32
      %dma_wait3A_1156 = arith.constant 0 : i32
      %dma_wait3A_1157 = tpu.memref_slice %arg9[%dma_wait3A_1154, %dma_wait3A_1155, %dma_wait3A_1156] : memref<9x80x64xf32, #tpu.memory_space<vmem>> -> memref<1x80x64xf32, #tpu.memory_space<vmem>>
      %dma_wait3A_1158 = tpu.memref_squeeze %dma_wait3A_1157 : memref<1x80x64xf32, #tpu.memory_space<vmem>> -> memref<80x64xf32, #tpu.memory_space<vmem>>
      %dma_wait3A_1159 = tpu.memref_slice %arg7[%mul3A_1153] : memref<20000xi32, #tpu.memory_space<vmem>> -> memref<80xi32, #tpu.memory_space<vmem>>
      %dma_wait3A_1160 = arith.constant 0 : i32
      %dma_wait3A_1161 = arith.constant 0 : i32
      %dma_wait3A_1162 = tpu.memref_slice %arg2[%dma_wait3A_1160, %dma_wait3A_1161] : memref<20000x64xf32, #tpu.memory_space<hbm>> -> memref<20000x64xf32, #tpu.memory_space<hbm>>
      tpu.wait_indirect_dma semaphore(%arg16 : memref<!tpu.dma_semaphore, #tpu.memory_space<semaphore_mem>>) src(%dma_wait3A_1162 : memref<20000x64xf32, #tpu.memory_space<hbm>>) dst(%dma_wait3A_1158 : memref<80x64xf32, #tpu.memory_space<vmem>>)
      %dma_start3A_1163 = arith.constant 5 : i32
      %dma_start3A_1164 = arith.constant 0 : i32
      %dma_start3A_1165 = arith.constant 0 : i32
      %dma_start3A_1166 = tpu.memref_slice %arg9[%dma_start3A_1163, %dma_start3A_1164, %dma_start3A_1165] : memref<9x80x64xf32, #tpu.memory_space<vmem>> -> memref<1x80x64xf32, #tpu.memory_space<vmem>>
      %dma_start3A_1167 = tpu.memref_squeeze %dma_start3A_1166 : memref<1x80x64xf32, #tpu.memory_space<vmem>> -> memref<80x64xf32, #tpu.memory_space<vmem>>
      %dma_start3A_1168 = arith.constant 0 : i32
      %dma_start3A_1169 = tpu.memref_slice %arg8[%add3A_1125, %dma_start3A_1168] : memref<250x80xi32, #tpu.memory_space<vmem>> -> memref<1x80xi32, #tpu.memory_space<vmem>>
      %dma_start3A_1170 = tpu.memref_squeeze %dma_start3A_1169 : memref<1x80xi32, #tpu.memory_space<vmem>> -> memref<80xi32, #tpu.memory_space<vmem>>
      %dma_start3A_1171 = arith.constant 0 : i32
      %dma_start3A_1172 = arith.constant 0 : i32
      %dma_start3A_1173 = tpu.memref_slice %arg10[%dma_start3A_1171, %dma_start3A_1172] : memref<10000x64xf32, #tpu.memory_space<vmem_shared>> -> memref<10000x64xf32, #tpu.memory_space<vmem_shared>>
      tpu.enqueue_indirect_dma source(%dma_start3A_1167 : memref<80x64xf32, #tpu.memory_space<vmem>>) target(%dma_start3A_1173 : memref<10000x64xf32, #tpu.memory_space<vmem_shared>>) offsets(%dma_start3A_1170 : memref<80xi32, #tpu.memory_space<vmem>>) semaphore(%arg25 : memref<!tpu.dma_semaphore, #tpu.memory_space<semaphore_mem>>) {add = true}
      %mul3A_1174 = arith.constant 9 : i32
      %mul3A_1175 = arith.muli %scan3A_743, %mul3A_1174 : i32
      %add3A_1176 = arith.constant 8 : i32
      %add3A_1177 = arith.addi %mul3A_1175, %add3A_1176 : i32
      %add3A_1178 = arith.constant 7 : i32
      %add3A_1179 = arith.addi %add3A_1177, %add3A_1178 : i32
      %sub3A_1180 = arith.constant 2 : i32
      %sub3A_1181 = arith.subi %add3A_1179, %sub3A_1180 : i32
      %dma_wait3A_1182 = arith.constant 4 : i32
      %dma_wait3A_1183 = arith.constant 0 : i32
      %dma_wait3A_1184 = arith.constant 0 : i32
      %dma_wait3A_1185 = tpu.memref_slice %arg9[%dma_wait3A_1182, %dma_wait3A_1183, %dma_wait3A_1184] : memref<9x80x64xf32, #tpu.memory_space<vmem>> -> memref<1x80x64xf32, #tpu.memory_space<vmem>>
      %dma_wait3A_1186 = tpu.memref_squeeze %dma_wait3A_1185 : memref<1x80x64xf32, #tpu.memory_space<vmem>> -> memref<80x64xf32, #tpu.memory_space<vmem>>
      %dma_wait3A_1187 = arith.constant 0 : i32
      %dma_wait3A_1188 = tpu.memref_slice %arg8[%sub3A_1181, %dma_wait3A_1187] : memref<250x80xi32, #tpu.memory_space<vmem>> -> memref<1x80xi32, #tpu.memory_space<vmem>>
      %dma_wait3A_1189 = tpu.memref_squeeze %dma_wait3A_1188 : memref<1x80xi32, #tpu.memory_space<vmem>> -> memref<80xi32, #tpu.memory_space<vmem>>
      %dma_wait3A_1190 = arith.constant 0 : i32
      %dma_wait3A_1191 = arith.constant 0 : i32
      %dma_wait3A_1192 = tpu.memref_slice %arg10[%dma_wait3A_1190, %dma_wait3A_1191] : memref<10000x64xf32, #tpu.memory_space<vmem_shared>> -> memref<10000x64xf32, #tpu.memory_space<vmem_shared>>
      tpu.wait_indirect_dma semaphore(%arg24 : memref<!tpu.dma_semaphore, #tpu.memory_space<semaphore_mem>>) src(%dma_wait3A_1186 : memref<80x64xf32, #tpu.memory_space<vmem>>) dst(%dma_wait3A_1192 : memref<10000x64xf32, #tpu.memory_space<vmem_shared>>)
      %add3A_1193 = arith.constant 7 : i32
      %add3A_1194 = arith.addi %add3A_1179, %add3A_1193 : i32
      %mul3A_1195 = arith.constant 80 : i32
      %mul3A_1196 = arith.muli %add3A_1194, %mul3A_1195 : i32
      %dma_start3A_1197 = arith.constant 4 : i32
      %dma_start3A_1198 = arith.constant 0 : i32
      %dma_start3A_1199 = arith.constant 0 : i32
      %dma_start3A_1200 = tpu.memref_slice %arg9[%dma_start3A_1197, %dma_start3A_1198, %dma_start3A_1199] : memref<9x80x64xf32, #tpu.memory_space<vmem>> -> memref<1x80x64xf32, #tpu.memory_space<vmem>>
      %dma_start3A_1201 = tpu.memref_squeeze %dma_start3A_1200 : memref<1x80x64xf32, #tpu.memory_space<vmem>> -> memref<80x64xf32, #tpu.memory_space<vmem>>
      %dma_start3A_1202 = tpu.memref_slice %arg7[%mul3A_1196] : memref<20000xi32, #tpu.memory_space<vmem>> -> memref<80xi32, #tpu.memory_space<vmem>>
      %dma_start3A_1203 = arith.constant 0 : i32
      %dma_start3A_1204 = arith.constant 0 : i32
      %dma_start3A_1205 = tpu.memref_slice %arg2[%dma_start3A_1203, %dma_start3A_1204] : memref<20000x64xf32, #tpu.memory_space<hbm>> -> memref<20000x64xf32, #tpu.memory_space<hbm>>
      tpu.enqueue_indirect_dma source(%dma_start3A_1205 : memref<20000x64xf32, #tpu.memory_space<hbm>>) target(%dma_start3A_1201 : memref<80x64xf32, #tpu.memory_space<vmem>>) offsets(%dma_start3A_1202 : memref<80xi32, #tpu.memory_space<vmem>>) semaphore(%arg15 : memref<!tpu.dma_semaphore, #tpu.memory_space<semaphore_mem>>)
      %mul3A_1206 = arith.constant 80 : i32
      %mul3A_1207 = arith.muli %add3A_1179, %mul3A_1206 : i32
      %dma_wait3A_1208 = arith.constant 6 : i32
      %dma_wait3A_1209 = arith.constant 0 : i32
      %dma_wait3A_1210 = arith.constant 0 : i32
      %dma_wait3A_1211 = tpu.memref_slice %arg9[%dma_wait3A_1208, %dma_wait3A_1209, %dma_wait3A_1210] : memref<9x80x64xf32, #tpu.memory_space<vmem>> -> memref<1x80x64xf32, #tpu.memory_space<vmem>>
      %dma_wait3A_1212 = tpu.memref_squeeze %dma_wait3A_1211 : memref<1x80x64xf32, #tpu.memory_space<vmem>> -> memref<80x64xf32, #tpu.memory_space<vmem>>
      %dma_wait3A_1213 = tpu.memref_slice %arg7[%mul3A_1207] : memref<20000xi32, #tpu.memory_space<vmem>> -> memref<80xi32, #tpu.memory_space<vmem>>
      %dma_wait3A_1214 = arith.constant 0 : i32
      %dma_wait3A_1215 = arith.constant 0 : i32
      %dma_wait3A_1216 = tpu.memref_slice %arg2[%dma_wait3A_1214, %dma_wait3A_1215] : memref<20000x64xf32, #tpu.memory_space<hbm>> -> memref<20000x64xf32, #tpu.memory_space<hbm>>
      tpu.wait_indirect_dma semaphore(%arg17 : memref<!tpu.dma_semaphore, #tpu.memory_space<semaphore_mem>>) src(%dma_wait3A_1216 : memref<20000x64xf32, #tpu.memory_space<hbm>>) dst(%dma_wait3A_1212 : memref<80x64xf32, #tpu.memory_space<vmem>>)
      %dma_start3A_1217 = arith.constant 6 : i32
      %dma_start3A_1218 = arith.constant 0 : i32
      %dma_start3A_1219 = arith.constant 0 : i32
      %dma_start3A_1220 = tpu.memref_slice %arg9[%dma_start3A_1217, %dma_start3A_1218, %dma_start3A_1219] : memref<9x80x64xf32, #tpu.memory_space<vmem>> -> memref<1x80x64xf32, #tpu.memory_space<vmem>>
      %dma_start3A_1221 = tpu.memref_squeeze %dma_start3A_1220 : memref<1x80x64xf32, #tpu.memory_space<vmem>> -> memref<80x64xf32, #tpu.memory_space<vmem>>
      %dma_start3A_1222 = arith.constant 0 : i32
      %dma_start3A_1223 = tpu.memref_slice %arg8[%add3A_1179, %dma_start3A_1222] : memref<250x80xi32, #tpu.memory_space<vmem>> -> memref<1x80xi32, #tpu.memory_space<vmem>>
      %dma_start3A_1224 = tpu.memref_squeeze %dma_start3A_1223 : memref<1x80xi32, #tpu.memory_space<vmem>> -> memref<80xi32, #tpu.memory_space<vmem>>
      %dma_start3A_1225 = arith.constant 0 : i32
      %dma_start3A_1226 = arith.constant 0 : i32
      %dma_start3A_1227 = tpu.memref_slice %arg10[%dma_start3A_1225, %dma_start3A_1226] : memref<10000x64xf32, #tpu.memory_space<vmem_shared>> -> memref<10000x64xf32, #tpu.memory_space<vmem_shared>>
      tpu.enqueue_indirect_dma source(%dma_start3A_1221 : memref<80x64xf32, #tpu.memory_space<vmem>>) target(%dma_start3A_1227 : memref<10000x64xf32, #tpu.memory_space<vmem_shared>>) offsets(%dma_start3A_1224 : memref<80xi32, #tpu.memory_space<vmem>>) semaphore(%arg26 : memref<!tpu.dma_semaphore, #tpu.memory_space<semaphore_mem>>) {add = true}
    }
    %scan3A_389 = arith.constant 26 : i32
    %dma_wait3A_390 = arith.constant 5 : i32
    %dma_wait3A_391 = arith.constant 239 : i32
    %dma_wait3A_392 = arith.constant 0 : i32
    %dma_wait3A_393 = arith.constant 0 : i32
    %dma_wait3A_394 = tpu.memref_slice %arg9[%dma_wait3A_390, %dma_wait3A_392, %dma_wait3A_393] : memref<9x80x64xf32, #tpu.memory_space<vmem>> -> memref<1x80x64xf32, #tpu.memory_space<vmem>>
    %dma_wait3A_395 = tpu.memref_squeeze %dma_wait3A_394 : memref<1x80x64xf32, #tpu.memory_space<vmem>> -> memref<80x64xf32, #tpu.memory_space<vmem>>
    %dma_wait3A_396 = arith.constant 0 : i32
    %dma_wait3A_397 = tpu.memref_slice %arg8[%dma_wait3A_391, %dma_wait3A_396] : memref<250x80xi32, #tpu.memory_space<vmem>> -> memref<1x80xi32, #tpu.memory_space<vmem>>
    %dma_wait3A_398 = tpu.memref_squeeze %dma_wait3A_397 : memref<1x80xi32, #tpu.memory_space<vmem>> -> memref<80xi32, #tpu.memory_space<vmem>>
    %dma_wait3A_399 = arith.constant 0 : i32
    %dma_wait3A_400 = arith.constant 0 : i32
    %dma_wait3A_401 = tpu.memref_slice %arg10[%dma_wait3A_399, %dma_wait3A_400] : memref<10000x64xf32, #tpu.memory_space<vmem_shared>> -> memref<10000x64xf32, #tpu.memory_space<vmem_shared>>
    tpu.wait_indirect_dma semaphore(%arg25 : memref<!tpu.dma_semaphore, #tpu.memory_space<semaphore_mem>>) src(%dma_wait3A_395 : memref<80x64xf32, #tpu.memory_space<vmem>>) dst(%dma_wait3A_401 : memref<10000x64xf32, #tpu.memory_space<vmem_shared>>)
    %dma_start3A_402 = arith.constant 5 : i32
    %dma_start3A_403 = arith.constant 0 : i32
    %dma_start3A_404 = arith.constant 0 : i32
    %dma_start3A_405 = tpu.memref_slice %arg9[%dma_start3A_402, %dma_start3A_403, %dma_start3A_404] : memref<9x80x64xf32, #tpu.memory_space<vmem>> -> memref<1x80x64xf32, #tpu.memory_space<vmem>>
    %dma_start3A_406 = tpu.memref_squeeze %dma_start3A_405 : memref<1x80x64xf32, #tpu.memory_space<vmem>> -> memref<80x64xf32, #tpu.memory_space<vmem>>
    %dma_start3A_407 = arith.constant 19840 : i32
    %dma_start3A_408 = tpu.memref_slice %arg7[%dma_start3A_407] : memref<20000xi32, #tpu.memory_space<vmem>> -> memref<80xi32, #tpu.memory_space<vmem>>
    %dma_start3A_409 = arith.constant 0 : i32
    %dma_start3A_410 = arith.constant 0 : i32
    %dma_start3A_411 = tpu.memref_slice %arg2[%dma_start3A_409, %dma_start3A_410] : memref<20000x64xf32, #tpu.memory_space<hbm>> -> memref<20000x64xf32, #tpu.memory_space<hbm>>
    tpu.enqueue_indirect_dma source(%dma_start3A_411 : memref<20000x64xf32, #tpu.memory_space<hbm>>) target(%dma_start3A_406 : memref<80x64xf32, #tpu.memory_space<vmem>>) offsets(%dma_start3A_408 : memref<80xi32, #tpu.memory_space<vmem>>) semaphore(%arg16 : memref<!tpu.dma_semaphore, #tpu.memory_space<semaphore_mem>>)
    %dma_wait3A_412 = arith.constant 7 : i32
    %dma_wait3A_413 = arith.constant 0 : i32
    %dma_wait3A_414 = arith.constant 0 : i32
    %dma_wait3A_415 = tpu.memref_slice %arg9[%dma_wait3A_412, %dma_wait3A_413, %dma_wait3A_414] : memref<9x80x64xf32, #tpu.memory_space<vmem>> -> memref<1x80x64xf32, #tpu.memory_space<vmem>>
    %dma_wait3A_416 = tpu.memref_squeeze %dma_wait3A_415 : memref<1x80x64xf32, #tpu.memory_space<vmem>> -> memref<80x64xf32, #tpu.memory_space<vmem>>
    %dma_wait3A_417 = arith.constant 19280 : i32
    %dma_wait3A_418 = tpu.memref_slice %arg7[%dma_wait3A_417] : memref<20000xi32, #tpu.memory_space<vmem>> -> memref<80xi32, #tpu.memory_space<vmem>>
    %dma_wait3A_419 = arith.constant 0 : i32
    %dma_wait3A_420 = arith.constant 0 : i32
    %dma_wait3A_421 = tpu.memref_slice %arg2[%dma_wait3A_419, %dma_wait3A_420] : memref<20000x64xf32, #tpu.memory_space<hbm>> -> memref<20000x64xf32, #tpu.memory_space<hbm>>
    tpu.wait_indirect_dma semaphore(%arg18 : memref<!tpu.dma_semaphore, #tpu.memory_space<semaphore_mem>>) src(%dma_wait3A_421 : memref<20000x64xf32, #tpu.memory_space<hbm>>) dst(%dma_wait3A_416 : memref<80x64xf32, #tpu.memory_space<vmem>>)
    %dma_start3A_422 = arith.constant 7 : i32
    %dma_start3A_423 = arith.constant 241 : i32
    %dma_start3A_424 = arith.constant 0 : i32
    %dma_start3A_425 = arith.constant 0 : i32
    %dma_start3A_426 = tpu.memref_slice %arg9[%dma_start3A_422, %dma_start3A_424, %dma_start3A_425] : memref<9x80x64xf32, #tpu.memory_space<vmem>> -> memref<1x80x64xf32, #tpu.memory_space<vmem>>
    %dma_start3A_427 = tpu.memref_squeeze %dma_start3A_426 : memref<1x80x64xf32, #tpu.memory_space<vmem>> -> memref<80x64xf32, #tpu.memory_space<vmem>>
    %dma_start3A_428 = arith.constant 0 : i32
    %dma_start3A_429 = tpu.memref_slice %arg8[%dma_start3A_423, %dma_start3A_428] : memref<250x80xi32, #tpu.memory_space<vmem>> -> memref<1x80xi32, #tpu.memory_space<vmem>>
    %dma_start3A_430 = tpu.memref_squeeze %dma_start3A_429 : memref<1x80xi32, #tpu.memory_space<vmem>> -> memref<80xi32, #tpu.memory_space<vmem>>
    %dma_start3A_431 = arith.constant 0 : i32
    %dma_start3A_432 = arith.constant 0 : i32
    %dma_start3A_433 = tpu.memref_slice %arg10[%dma_start3A_431, %dma_start3A_432] : memref<10000x64xf32, #tpu.memory_space<vmem_shared>> -> memref<10000x64xf32, #tpu.memory_space<vmem_shared>>
    tpu.enqueue_indirect_dma source(%dma_start3A_427 : memref<80x64xf32, #tpu.memory_space<vmem>>) target(%dma_start3A_433 : memref<10000x64xf32, #tpu.memory_space<vmem_shared>>) offsets(%dma_start3A_430 : memref<80xi32, #tpu.memory_space<vmem>>) semaphore(%arg27 : memref<!tpu.dma_semaphore, #tpu.memory_space<semaphore_mem>>) {add = true}
    %dma_wait3A_434 = arith.constant 6 : i32
    %dma_wait3A_435 = arith.constant 240 : i32
    %dma_wait3A_436 = arith.constant 0 : i32
    %dma_wait3A_437 = arith.constant 0 : i32
    %dma_wait3A_438 = tpu.memref_slice %arg9[%dma_wait3A_434, %dma_wait3A_436, %dma_wait3A_437] : memref<9x80x64xf32, #tpu.memory_space<vmem>> -> memref<1x80x64xf32, #tpu.memory_space<vmem>>
    %dma_wait3A_439 = tpu.memref_squeeze %dma_wait3A_438 : memref<1x80x64xf32, #tpu.memory_space<vmem>> -> memref<80x64xf32, #tpu.memory_space<vmem>>
    %dma_wait3A_440 = arith.constant 0 : i32
    %dma_wait3A_441 = tpu.memref_slice %arg8[%dma_wait3A_435, %dma_wait3A_440] : memref<250x80xi32, #tpu.memory_space<vmem>> -> memref<1x80xi32, #tpu.memory_space<vmem>>
    %dma_wait3A_442 = tpu.memref_squeeze %dma_wait3A_441 : memref<1x80xi32, #tpu.memory_space<vmem>> -> memref<80xi32, #tpu.memory_space<vmem>>
    %dma_wait3A_443 = arith.constant 0 : i32
    %dma_wait3A_444 = arith.constant 0 : i32
    %dma_wait3A_445 = tpu.memref_slice %arg10[%dma_wait3A_443, %dma_wait3A_444] : memref<10000x64xf32, #tpu.memory_space<vmem_shared>> -> memref<10000x64xf32, #tpu.memory_space<vmem_shared>>
    tpu.wait_indirect_dma semaphore(%arg26 : memref<!tpu.dma_semaphore, #tpu.memory_space<semaphore_mem>>) src(%dma_wait3A_439 : memref<80x64xf32, #tpu.memory_space<vmem>>) dst(%dma_wait3A_445 : memref<10000x64xf32, #tpu.memory_space<vmem_shared>>)
    %dma_start3A_446 = arith.constant 6 : i32
    %dma_start3A_447 = arith.constant 0 : i32
    %dma_start3A_448 = arith.constant 0 : i32
    %dma_start3A_449 = tpu.memref_slice %arg9[%dma_start3A_446, %dma_start3A_447, %dma_start3A_448] : memref<9x80x64xf32, #tpu.memory_space<vmem>> -> memref<1x80x64xf32, #tpu.memory_space<vmem>>
    %dma_start3A_450 = tpu.memref_squeeze %dma_start3A_449 : memref<1x80x64xf32, #tpu.memory_space<vmem>> -> memref<80x64xf32, #tpu.memory_space<vmem>>
    %dma_start3A_451 = arith.constant 19920 : i32
    %dma_start3A_452 = tpu.memref_slice %arg7[%dma_start3A_451] : memref<20000xi32, #tpu.memory_space<vmem>> -> memref<80xi32, #tpu.memory_space<vmem>>
    %dma_start3A_453 = arith.constant 0 : i32
    %dma_start3A_454 = arith.constant 0 : i32
    %dma_start3A_455 = tpu.memref_slice %arg2[%dma_start3A_453, %dma_start3A_454] : memref<20000x64xf32, #tpu.memory_space<hbm>> -> memref<20000x64xf32, #tpu.memory_space<hbm>>
    tpu.enqueue_indirect_dma source(%dma_start3A_455 : memref<20000x64xf32, #tpu.memory_space<hbm>>) target(%dma_start3A_450 : memref<80x64xf32, #tpu.memory_space<vmem>>) offsets(%dma_start3A_452 : memref<80xi32, #tpu.memory_space<vmem>>) semaphore(%arg17 : memref<!tpu.dma_semaphore, #tpu.memory_space<semaphore_mem>>)
    %dma_wait3A_456 = arith.constant 8 : i32
    %dma_wait3A_457 = arith.constant 0 : i32
    %dma_wait3A_458 = arith.constant 0 : i32
    %dma_wait3A_459 = tpu.memref_slice %arg9[%dma_wait3A_456, %dma_wait3A_457, %dma_wait3A_458] : memref<9x80x64xf32, #tpu.memory_space<vmem>> -> memref<1x80x64xf32, #tpu.memory_space<vmem>>
    %dma_wait3A_460 = tpu.memref_squeeze %dma_wait3A_459 : memref<1x80x64xf32, #tpu.memory_space<vmem>> -> memref<80x64xf32, #tpu.memory_space<vmem>>
    %dma_wait3A_461 = arith.constant 19360 : i32
    %dma_wait3A_462 = tpu.memref_slice %arg7[%dma_wait3A_461] : memref<20000xi32, #tpu.memory_space<vmem>> -> memref<80xi32, #tpu.memory_space<vmem>>
    %dma_wait3A_463 = arith.constant 0 : i32
    %dma_wait3A_464 = arith.constant 0 : i32
    %dma_wait3A_465 = tpu.memref_slice %arg2[%dma_wait3A_463, %dma_wait3A_464] : memref<20000x64xf32, #tpu.memory_space<hbm>> -> memref<20000x64xf32, #tpu.memory_space<hbm>>
    tpu.wait_indirect_dma semaphore(%arg19 : memref<!tpu.dma_semaphore, #tpu.memory_space<semaphore_mem>>) src(%dma_wait3A_465 : memref<20000x64xf32, #tpu.memory_space<hbm>>) dst(%dma_wait3A_460 : memref<80x64xf32, #tpu.memory_space<vmem>>)
    %dma_start3A_466 = arith.constant 8 : i32
    %dma_start3A_467 = arith.constant 242 : i32
    %dma_start3A_468 = arith.constant 0 : i32
    %dma_start3A_469 = arith.constant 0 : i32
    %dma_start3A_470 = tpu.memref_slice %arg9[%dma_start3A_466, %dma_start3A_468, %dma_start3A_469] : memref<9x80x64xf32, #tpu.memory_space<vmem>> -> memref<1x80x64xf32, #tpu.memory_space<vmem>>
    %dma_start3A_471 = tpu.memref_squeeze %dma_start3A_470 : memref<1x80x64xf32, #tpu.memory_space<vmem>> -> memref<80x64xf32, #tpu.memory_space<vmem>>
    %dma_start3A_472 = arith.constant 0 : i32
    %dma_start3A_473 = tpu.memref_slice %arg8[%dma_start3A_467, %dma_start3A_472] : memref<250x80xi32, #tpu.memory_space<vmem>> -> memref<1x80xi32, #tpu.memory_space<vmem>>
    %dma_start3A_474 = tpu.memref_squeeze %dma_start3A_473 : memref<1x80xi32, #tpu.memory_space<vmem>> -> memref<80xi32, #tpu.memory_space<vmem>>
    %dma_start3A_475 = arith.constant 0 : i32
    %dma_start3A_476 = arith.constant 0 : i32
    %dma_start3A_477 = tpu.memref_slice %arg10[%dma_start3A_475, %dma_start3A_476] : memref<10000x64xf32, #tpu.memory_space<vmem_shared>> -> memref<10000x64xf32, #tpu.memory_space<vmem_shared>>
    tpu.enqueue_indirect_dma source(%dma_start3A_471 : memref<80x64xf32, #tpu.memory_space<vmem>>) target(%dma_start3A_477 : memref<10000x64xf32, #tpu.memory_space<vmem_shared>>) offsets(%dma_start3A_474 : memref<80xi32, #tpu.memory_space<vmem>>) semaphore(%arg28 : memref<!tpu.dma_semaphore, #tpu.memory_space<semaphore_mem>>) {add = true}
    %dma_wait3A_478 = arith.constant 7 : i32
    %dma_wait3A_479 = arith.constant 241 : i32
    %dma_wait3A_480 = arith.constant 0 : i32
    %dma_wait3A_481 = arith.constant 0 : i32
    %dma_wait3A_482 = tpu.memref_slice %arg9[%dma_wait3A_478, %dma_wait3A_480, %dma_wait3A_481] : memref<9x80x64xf32, #tpu.memory_space<vmem>> -> memref<1x80x64xf32, #tpu.memory_space<vmem>>
    %dma_wait3A_483 = tpu.memref_squeeze %dma_wait3A_482 : memref<1x80x64xf32, #tpu.memory_space<vmem>> -> memref<80x64xf32, #tpu.memory_space<vmem>>
    %dma_wait3A_484 = arith.constant 0 : i32
    %dma_wait3A_485 = tpu.memref_slice %arg8[%dma_wait3A_479, %dma_wait3A_484] : memref<250x80xi32, #tpu.memory_space<vmem>> -> memref<1x80xi32, #tpu.memory_space<vmem>>
    %dma_wait3A_486 = tpu.memref_squeeze %dma_wait3A_485 : memref<1x80xi32, #tpu.memory_space<vmem>> -> memref<80xi32, #tpu.memory_space<vmem>>
    %dma_wait3A_487 = arith.constant 0 : i32
    %dma_wait3A_488 = arith.constant 0 : i32
    %dma_wait3A_489 = tpu.memref_slice %arg10[%dma_wait3A_487, %dma_wait3A_488] : memref<10000x64xf32, #tpu.memory_space<vmem_shared>> -> memref<10000x64xf32, #tpu.memory_space<vmem_shared>>
    tpu.wait_indirect_dma semaphore(%arg27 : memref<!tpu.dma_semaphore, #tpu.memory_space<semaphore_mem>>) src(%dma_wait3A_483 : memref<80x64xf32, #tpu.memory_space<vmem>>) dst(%dma_wait3A_489 : memref<10000x64xf32, #tpu.memory_space<vmem_shared>>)
    %dma_wait3A_490 = arith.constant 0 : i32
    %dma_wait3A_491 = arith.constant 0 : i32
    %dma_wait3A_492 = arith.constant 0 : i32
    %dma_wait3A_493 = tpu.memref_slice %arg9[%dma_wait3A_490, %dma_wait3A_491, %dma_wait3A_492] : memref<9x80x64xf32, #tpu.memory_space<vmem>> -> memref<1x80x64xf32, #tpu.memory_space<vmem>>
    %dma_wait3A_494 = tpu.memref_squeeze %dma_wait3A_493 : memref<1x80x64xf32, #tpu.memory_space<vmem>> -> memref<80x64xf32, #tpu.memory_space<vmem>>
    %dma_wait3A_495 = arith.constant 19440 : i32
    %dma_wait3A_496 = tpu.memref_slice %arg7[%dma_wait3A_495] : memref<20000xi32, #tpu.memory_space<vmem>> -> memref<80xi32, #tpu.memory_space<vmem>>
    %dma_wait3A_497 = arith.constant 0 : i32
    %dma_wait3A_498 = arith.constant 0 : i32
    %dma_wait3A_499 = tpu.memref_slice %arg2[%dma_wait3A_497, %dma_wait3A_498] : memref<20000x64xf32, #tpu.memory_space<hbm>> -> memref<20000x64xf32, #tpu.memory_space<hbm>>
    tpu.wait_indirect_dma semaphore(%arg11 : memref<!tpu.dma_semaphore, #tpu.memory_space<semaphore_mem>>) src(%dma_wait3A_499 : memref<20000x64xf32, #tpu.memory_space<hbm>>) dst(%dma_wait3A_494 : memref<80x64xf32, #tpu.memory_space<vmem>>)
    %dma_start3A_500 = arith.constant 0 : i32
    %dma_start3A_501 = arith.constant 243 : i32
    %dma_start3A_502 = arith.constant 0 : i32
    %dma_start3A_503 = arith.constant 0 : i32
    %dma_start3A_504 = tpu.memref_slice %arg9[%dma_start3A_500, %dma_start3A_502, %dma_start3A_503] : memref<9x80x64xf32, #tpu.memory_space<vmem>> -> memref<1x80x64xf32, #tpu.memory_space<vmem>>
    %dma_start3A_505 = tpu.memref_squeeze %dma_start3A_504 : memref<1x80x64xf32, #tpu.memory_space<vmem>> -> memref<80x64xf32, #tpu.memory_space<vmem>>
    %dma_start3A_506 = arith.constant 0 : i32
    %dma_start3A_507 = tpu.memref_slice %arg8[%dma_start3A_501, %dma_start3A_506] : memref<250x80xi32, #tpu.memory_space<vmem>> -> memref<1x80xi32, #tpu.memory_space<vmem>>
    %dma_start3A_508 = tpu.memref_squeeze %dma_start3A_507 : memref<1x80xi32, #tpu.memory_space<vmem>> -> memref<80xi32, #tpu.memory_space<vmem>>
    %dma_start3A_509 = arith.constant 0 : i32
    %dma_start3A_510 = arith.constant 0 : i32
    %dma_start3A_511 = tpu.memref_slice %arg10[%dma_start3A_509, %dma_start3A_510] : memref<10000x64xf32, #tpu.memory_space<vmem_shared>> -> memref<10000x64xf32, #tpu.memory_space<vmem_shared>>
    tpu.enqueue_indirect_dma source(%dma_start3A_505 : memref<80x64xf32, #tpu.memory_space<vmem>>) target(%dma_start3A_511 : memref<10000x64xf32, #tpu.memory_space<vmem_shared>>) offsets(%dma_start3A_508 : memref<80xi32, #tpu.memory_space<vmem>>) semaphore(%arg20 : memref<!tpu.dma_semaphore, #tpu.memory_space<semaphore_mem>>) {add = true}
    %dma_wait3A_512 = arith.constant 8 : i32
    %dma_wait3A_513 = arith.constant 242 : i32
    %dma_wait3A_514 = arith.constant 0 : i32
    %dma_wait3A_515 = arith.constant 0 : i32
    %dma_wait3A_516 = tpu.memref_slice %arg9[%dma_wait3A_512, %dma_wait3A_514, %dma_wait3A_515] : memref<9x80x64xf32, #tpu.memory_space<vmem>> -> memref<1x80x64xf32, #tpu.memory_space<vmem>>
    %dma_wait3A_517 = tpu.memref_squeeze %dma_wait3A_516 : memref<1x80x64xf32, #tpu.memory_space<vmem>> -> memref<80x64xf32, #tpu.memory_space<vmem>>
    %dma_wait3A_518 = arith.constant 0 : i32
    %dma_wait3A_519 = tpu.memref_slice %arg8[%dma_wait3A_513, %dma_wait3A_518] : memref<250x80xi32, #tpu.memory_space<vmem>> -> memref<1x80xi32, #tpu.memory_space<vmem>>
    %dma_wait3A_520 = tpu.memref_squeeze %dma_wait3A_519 : memref<1x80xi32, #tpu.memory_space<vmem>> -> memref<80xi32, #tpu.memory_space<vmem>>
    %dma_wait3A_521 = arith.constant 0 : i32
    %dma_wait3A_522 = arith.constant 0 : i32
    %dma_wait3A_523 = tpu.memref_slice %arg10[%dma_wait3A_521, %dma_wait3A_522] : memref<10000x64xf32, #tpu.memory_space<vmem_shared>> -> memref<10000x64xf32, #tpu.memory_space<vmem_shared>>
    tpu.wait_indirect_dma semaphore(%arg28 : memref<!tpu.dma_semaphore, #tpu.memory_space<semaphore_mem>>) src(%dma_wait3A_517 : memref<80x64xf32, #tpu.memory_space<vmem>>) dst(%dma_wait3A_523 : memref<10000x64xf32, #tpu.memory_space<vmem_shared>>)
    %dma_wait3A_524 = arith.constant 1 : i32
    %dma_wait3A_525 = arith.constant 0 : i32
    %dma_wait3A_526 = arith.constant 0 : i32
    %dma_wait3A_527 = tpu.memref_slice %arg9[%dma_wait3A_524, %dma_wait3A_525, %dma_wait3A_526] : memref<9x80x64xf32, #tpu.memory_space<vmem>> -> memref<1x80x64xf32, #tpu.memory_space<vmem>>
    %dma_wait3A_528 = tpu.memref_squeeze %dma_wait3A_527 : memref<1x80x64xf32, #tpu.memory_space<vmem>> -> memref<80x64xf32, #tpu.memory_space<vmem>>
    %dma_wait3A_529 = arith.constant 19520 : i32
    %dma_wait3A_530 = tpu.memref_slice %arg7[%dma_wait3A_529] : memref<20000xi32, #tpu.memory_space<vmem>> -> memref<80xi32, #tpu.memory_space<vmem>>
    %dma_wait3A_531 = arith.constant 0 : i32
    %dma_wait3A_532 = arith.constant 0 : i32
    %dma_wait3A_533 = tpu.memref_slice %arg2[%dma_wait3A_531, %dma_wait3A_532] : memref<20000x64xf32, #tpu.memory_space<hbm>> -> memref<20000x64xf32, #tpu.memory_space<hbm>>
    tpu.wait_indirect_dma semaphore(%arg12 : memref<!tpu.dma_semaphore, #tpu.memory_space<semaphore_mem>>) src(%dma_wait3A_533 : memref<20000x64xf32, #tpu.memory_space<hbm>>) dst(%dma_wait3A_528 : memref<80x64xf32, #tpu.memory_space<vmem>>)
    %dma_start3A_534 = arith.constant 1 : i32
    %dma_start3A_535 = arith.constant 244 : i32
    %dma_start3A_536 = arith.constant 0 : i32
    %dma_start3A_537 = arith.constant 0 : i32
    %dma_start3A_538 = tpu.memref_slice %arg9[%dma_start3A_534, %dma_start3A_536, %dma_start3A_537] : memref<9x80x64xf32, #tpu.memory_space<vmem>> -> memref<1x80x64xf32, #tpu.memory_space<vmem>>
    %dma_start3A_539 = tpu.memref_squeeze %dma_start3A_538 : memref<1x80x64xf32, #tpu.memory_space<vmem>> -> memref<80x64xf32, #tpu.memory_space<vmem>>
    %dma_start3A_540 = arith.constant 0 : i32
    %dma_start3A_541 = tpu.memref_slice %arg8[%dma_start3A_535, %dma_start3A_540] : memref<250x80xi32, #tpu.memory_space<vmem>> -> memref<1x80xi32, #tpu.memory_space<vmem>>
    %dma_start3A_542 = tpu.memref_squeeze %dma_start3A_541 : memref<1x80xi32, #tpu.memory_space<vmem>> -> memref<80xi32, #tpu.memory_space<vmem>>
    %dma_start3A_543 = arith.constant 0 : i32
    %dma_start3A_544 = arith.constant 0 : i32
    %dma_start3A_545 = tpu.memref_slice %arg10[%dma_start3A_543, %dma_start3A_544] : memref<10000x64xf32, #tpu.memory_space<vmem_shared>> -> memref<10000x64xf32, #tpu.memory_space<vmem_shared>>
    tpu.enqueue_indirect_dma source(%dma_start3A_539 : memref<80x64xf32, #tpu.memory_space<vmem>>) target(%dma_start3A_545 : memref<10000x64xf32, #tpu.memory_space<vmem_shared>>) offsets(%dma_start3A_542 : memref<80xi32, #tpu.memory_space<vmem>>) semaphore(%arg21 : memref<!tpu.dma_semaphore, #tpu.memory_space<semaphore_mem>>) {add = true}
    %dma_wait3A_546 = arith.constant 0 : i32
    %dma_wait3A_547 = arith.constant 243 : i32
    %dma_wait3A_548 = arith.constant 0 : i32
    %dma_wait3A_549 = arith.constant 0 : i32
    %dma_wait3A_550 = tpu.memref_slice %arg9[%dma_wait3A_546, %dma_wait3A_548, %dma_wait3A_549] : memref<9x80x64xf32, #tpu.memory_space<vmem>> -> memref<1x80x64xf32, #tpu.memory_space<vmem>>
    %dma_wait3A_551 = tpu.memref_squeeze %dma_wait3A_550 : memref<1x80x64xf32, #tpu.memory_space<vmem>> -> memref<80x64xf32, #tpu.memory_space<vmem>>
    %dma_wait3A_552 = arith.constant 0 : i32
    %dma_wait3A_553 = tpu.memref_slice %arg8[%dma_wait3A_547, %dma_wait3A_552] : memref<250x80xi32, #tpu.memory_space<vmem>> -> memref<1x80xi32, #tpu.memory_space<vmem>>
    %dma_wait3A_554 = tpu.memref_squeeze %dma_wait3A_553 : memref<1x80xi32, #tpu.memory_space<vmem>> -> memref<80xi32, #tpu.memory_space<vmem>>
    %dma_wait3A_555 = arith.constant 0 : i32
    %dma_wait3A_556 = arith.constant 0 : i32
    %dma_wait3A_557 = tpu.memref_slice %arg10[%dma_wait3A_555, %dma_wait3A_556] : memref<10000x64xf32, #tpu.memory_space<vmem_shared>> -> memref<10000x64xf32, #tpu.memory_space<vmem_shared>>
    tpu.wait_indirect_dma semaphore(%arg20 : memref<!tpu.dma_semaphore, #tpu.memory_space<semaphore_mem>>) src(%dma_wait3A_551 : memref<80x64xf32, #tpu.memory_space<vmem>>) dst(%dma_wait3A_557 : memref<10000x64xf32, #tpu.memory_space<vmem_shared>>)
    %dma_wait3A_558 = arith.constant 2 : i32
    %dma_wait3A_559 = arith.constant 0 : i32
    %dma_wait3A_560 = arith.constant 0 : i32
    %dma_wait3A_561 = tpu.memref_slice %arg9[%dma_wait3A_558, %dma_wait3A_559, %dma_wait3A_560] : memref<9x80x64xf32, #tpu.memory_space<vmem>> -> memref<1x80x64xf32, #tpu.memory_space<vmem>>
    %dma_wait3A_562 = tpu.memref_squeeze %dma_wait3A_561 : memref<1x80x64xf32, #tpu.memory_space<vmem>> -> memref<80x64xf32, #tpu.memory_space<vmem>>
    %dma_wait3A_563 = arith.constant 19600 : i32
    %dma_wait3A_564 = tpu.memref_slice %arg7[%dma_wait3A_563] : memref<20000xi32, #tpu.memory_space<vmem>> -> memref<80xi32, #tpu.memory_space<vmem>>
    %dma_wait3A_565 = arith.constant 0 : i32
    %dma_wait3A_566 = arith.constant 0 : i32
    %dma_wait3A_567 = tpu.memref_slice %arg2[%dma_wait3A_565, %dma_wait3A_566] : memref<20000x64xf32, #tpu.memory_space<hbm>> -> memref<20000x64xf32, #tpu.memory_space<hbm>>
    tpu.wait_indirect_dma semaphore(%arg13 : memref<!tpu.dma_semaphore, #tpu.memory_space<semaphore_mem>>) src(%dma_wait3A_567 : memref<20000x64xf32, #tpu.memory_space<hbm>>) dst(%dma_wait3A_562 : memref<80x64xf32, #tpu.memory_space<vmem>>)
    %dma_start3A_568 = arith.constant 2 : i32
    %dma_start3A_569 = arith.constant 245 : i32
    %dma_start3A_570 = arith.constant 0 : i32
    %dma_start3A_571 = arith.constant 0 : i32
    %dma_start3A_572 = tpu.memref_slice %arg9[%dma_start3A_568, %dma_start3A_570, %dma_start3A_571] : memref<9x80x64xf32, #tpu.memory_space<vmem>> -> memref<1x80x64xf32, #tpu.memory_space<vmem>>
    %dma_start3A_573 = tpu.memref_squeeze %dma_start3A_572 : memref<1x80x64xf32, #tpu.memory_space<vmem>> -> memref<80x64xf32, #tpu.memory_space<vmem>>
    %dma_start3A_574 = arith.constant 0 : i32
    %dma_start3A_575 = tpu.memref_slice %arg8[%dma_start3A_569, %dma_start3A_574] : memref<250x80xi32, #tpu.memory_space<vmem>> -> memref<1x80xi32, #tpu.memory_space<vmem>>
    %dma_start3A_576 = tpu.memref_squeeze %dma_start3A_575 : memref<1x80xi32, #tpu.memory_space<vmem>> -> memref<80xi32, #tpu.memory_space<vmem>>
    %dma_start3A_577 = arith.constant 0 : i32
    %dma_start3A_578 = arith.constant 0 : i32
    %dma_start3A_579 = tpu.memref_slice %arg10[%dma_start3A_577, %dma_start3A_578] : memref<10000x64xf32, #tpu.memory_space<vmem_shared>> -> memref<10000x64xf32, #tpu.memory_space<vmem_shared>>
    tpu.enqueue_indirect_dma source(%dma_start3A_573 : memref<80x64xf32, #tpu.memory_space<vmem>>) target(%dma_start3A_579 : memref<10000x64xf32, #tpu.memory_space<vmem_shared>>) offsets(%dma_start3A_576 : memref<80xi32, #tpu.memory_space<vmem>>) semaphore(%arg22 : memref<!tpu.dma_semaphore, #tpu.memory_space<semaphore_mem>>) {add = true}
    %dma_wait3A_580 = arith.constant 1 : i32
    %dma_wait3A_581 = arith.constant 244 : i32
    %dma_wait3A_582 = arith.constant 0 : i32
    %dma_wait3A_583 = arith.constant 0 : i32
    %dma_wait3A_584 = tpu.memref_slice %arg9[%dma_wait3A_580, %dma_wait3A_582, %dma_wait3A_583] : memref<9x80x64xf32, #tpu.memory_space<vmem>> -> memref<1x80x64xf32, #tpu.memory_space<vmem>>
    %dma_wait3A_585 = tpu.memref_squeeze %dma_wait3A_584 : memref<1x80x64xf32, #tpu.memory_space<vmem>> -> memref<80x64xf32, #tpu.memory_space<vmem>>
    %dma_wait3A_586 = arith.constant 0 : i32
    %dma_wait3A_587 = tpu.memref_slice %arg8[%dma_wait3A_581, %dma_wait3A_586] : memref<250x80xi32, #tpu.memory_space<vmem>> -> memref<1x80xi32, #tpu.memory_space<vmem>>
    %dma_wait3A_588 = tpu.memref_squeeze %dma_wait3A_587 : memref<1x80xi32, #tpu.memory_space<vmem>> -> memref<80xi32, #tpu.memory_space<vmem>>
    %dma_wait3A_589 = arith.constant 0 : i32
    %dma_wait3A_590 = arith.constant 0 : i32
    %dma_wait3A_591 = tpu.memref_slice %arg10[%dma_wait3A_589, %dma_wait3A_590] : memref<10000x64xf32, #tpu.memory_space<vmem_shared>> -> memref<10000x64xf32, #tpu.memory_space<vmem_shared>>
    tpu.wait_indirect_dma semaphore(%arg21 : memref<!tpu.dma_semaphore, #tpu.memory_space<semaphore_mem>>) src(%dma_wait3A_585 : memref<80x64xf32, #tpu.memory_space<vmem>>) dst(%dma_wait3A_591 : memref<10000x64xf32, #tpu.memory_space<vmem_shared>>)
    %dma_wait3A_592 = arith.constant 3 : i32
    %dma_wait3A_593 = arith.constant 0 : i32
    %dma_wait3A_594 = arith.constant 0 : i32
    %dma_wait3A_595 = tpu.memref_slice %arg9[%dma_wait3A_592, %dma_wait3A_593, %dma_wait3A_594] : memref<9x80x64xf32, #tpu.memory_space<vmem>> -> memref<1x80x64xf32, #tpu.memory_space<vmem>>
    %dma_wait3A_596 = tpu.memref_squeeze %dma_wait3A_595 : memref<1x80x64xf32, #tpu.memory_space<vmem>> -> memref<80x64xf32, #tpu.memory_space<vmem>>
    %dma_wait3A_597 = arith.constant 19680 : i32
    %dma_wait3A_598 = tpu.memref_slice %arg7[%dma_wait3A_597] : memref<20000xi32, #tpu.memory_space<vmem>> -> memref<80xi32, #tpu.memory_space<vmem>>
    %dma_wait3A_599 = arith.constant 0 : i32
    %dma_wait3A_600 = arith.constant 0 : i32
    %dma_wait3A_601 = tpu.memref_slice %arg2[%dma_wait3A_599, %dma_wait3A_600] : memref<20000x64xf32, #tpu.memory_space<hbm>> -> memref<20000x64xf32, #tpu.memory_space<hbm>>
    tpu.wait_indirect_dma semaphore(%arg14 : memref<!tpu.dma_semaphore, #tpu.memory_space<semaphore_mem>>) src(%dma_wait3A_601 : memref<20000x64xf32, #tpu.memory_space<hbm>>) dst(%dma_wait3A_596 : memref<80x64xf32, #tpu.memory_space<vmem>>)
    %dma_start3A_602 = arith.constant 3 : i32
    %dma_start3A_603 = arith.constant 246 : i32
    %dma_start3A_604 = arith.constant 0 : i32
    %dma_start3A_605 = arith.constant 0 : i32
    %dma_start3A_606 = tpu.memref_slice %arg9[%dma_start3A_602, %dma_start3A_604, %dma_start3A_605] : memref<9x80x64xf32, #tpu.memory_space<vmem>> -> memref<1x80x64xf32, #tpu.memory_space<vmem>>
    %dma_start3A_607 = tpu.memref_squeeze %dma_start3A_606 : memref<1x80x64xf32, #tpu.memory_space<vmem>> -> memref<80x64xf32, #tpu.memory_space<vmem>>
    %dma_start3A_608 = arith.constant 0 : i32
    %dma_start3A_609 = tpu.memref_slice %arg8[%dma_start3A_603, %dma_start3A_608] : memref<250x80xi32, #tpu.memory_space<vmem>> -> memref<1x80xi32, #tpu.memory_space<vmem>>
    %dma_start3A_610 = tpu.memref_squeeze %dma_start3A_609 : memref<1x80xi32, #tpu.memory_space<vmem>> -> memref<80xi32, #tpu.memory_space<vmem>>
    %dma_start3A_611 = arith.constant 0 : i32
    %dma_start3A_612 = arith.constant 0 : i32
    %dma_start3A_613 = tpu.memref_slice %arg10[%dma_start3A_611, %dma_start3A_612] : memref<10000x64xf32, #tpu.memory_space<vmem_shared>> -> memref<10000x64xf32, #tpu.memory_space<vmem_shared>>
    tpu.enqueue_indirect_dma source(%dma_start3A_607 : memref<80x64xf32, #tpu.memory_space<vmem>>) target(%dma_start3A_613 : memref<10000x64xf32, #tpu.memory_space<vmem_shared>>) offsets(%dma_start3A_610 : memref<80xi32, #tpu.memory_space<vmem>>) semaphore(%arg23 : memref<!tpu.dma_semaphore, #tpu.memory_space<semaphore_mem>>) {add = true}
    %dma_wait3A_614 = arith.constant 2 : i32
    %dma_wait3A_615 = arith.constant 245 : i32
    %dma_wait3A_616 = arith.constant 0 : i32
    %dma_wait3A_617 = arith.constant 0 : i32
    %dma_wait3A_618 = tpu.memref_slice %arg9[%dma_wait3A_614, %dma_wait3A_616, %dma_wait3A_617] : memref<9x80x64xf32, #tpu.memory_space<vmem>> -> memref<1x80x64xf32, #tpu.memory_space<vmem>>
    %dma_wait3A_619 = tpu.memref_squeeze %dma_wait3A_618 : memref<1x80x64xf32, #tpu.memory_space<vmem>> -> memref<80x64xf32, #tpu.memory_space<vmem>>
    %dma_wait3A_620 = arith.constant 0 : i32
    %dma_wait3A_621 = tpu.memref_slice %arg8[%dma_wait3A_615, %dma_wait3A_620] : memref<250x80xi32, #tpu.memory_space<vmem>> -> memref<1x80xi32, #tpu.memory_space<vmem>>
    %dma_wait3A_622 = tpu.memref_squeeze %dma_wait3A_621 : memref<1x80xi32, #tpu.memory_space<vmem>> -> memref<80xi32, #tpu.memory_space<vmem>>
    %dma_wait3A_623 = arith.constant 0 : i32
    %dma_wait3A_624 = arith.constant 0 : i32
    %dma_wait3A_625 = tpu.memref_slice %arg10[%dma_wait3A_623, %dma_wait3A_624] : memref<10000x64xf32, #tpu.memory_space<vmem_shared>> -> memref<10000x64xf32, #tpu.memory_space<vmem_shared>>
    tpu.wait_indirect_dma semaphore(%arg22 : memref<!tpu.dma_semaphore, #tpu.memory_space<semaphore_mem>>) src(%dma_wait3A_619 : memref<80x64xf32, #tpu.memory_space<vmem>>) dst(%dma_wait3A_625 : memref<10000x64xf32, #tpu.memory_space<vmem_shared>>)
    %dma_wait3A_626 = arith.constant 4 : i32
    %dma_wait3A_627 = arith.constant 0 : i32
    %dma_wait3A_628 = arith.constant 0 : i32
    %dma_wait3A_629 = tpu.memref_slice %arg9[%dma_wait3A_626, %dma_wait3A_627, %dma_wait3A_628] : memref<9x80x64xf32, #tpu.memory_space<vmem>> -> memref<1x80x64xf32, #tpu.memory_space<vmem>>
    %dma_wait3A_630 = tpu.memref_squeeze %dma_wait3A_629 : memref<1x80x64xf32, #tpu.memory_space<vmem>> -> memref<80x64xf32, #tpu.memory_space<vmem>>
    %dma_wait3A_631 = arith.constant 19760 : i32
    %dma_wait3A_632 = tpu.memref_slice %arg7[%dma_wait3A_631] : memref<20000xi32, #tpu.memory_space<vmem>> -> memref<80xi32, #tpu.memory_space<vmem>>
    %dma_wait3A_633 = arith.constant 0 : i32
    %dma_wait3A_634 = arith.constant 0 : i32
    %dma_wait3A_635 = tpu.memref_slice %arg2[%dma_wait3A_633, %dma_wait3A_634] : memref<20000x64xf32, #tpu.memory_space<hbm>> -> memref<20000x64xf32, #tpu.memory_space<hbm>>
    tpu.wait_indirect_dma semaphore(%arg15 : memref<!tpu.dma_semaphore, #tpu.memory_space<semaphore_mem>>) src(%dma_wait3A_635 : memref<20000x64xf32, #tpu.memory_space<hbm>>) dst(%dma_wait3A_630 : memref<80x64xf32, #tpu.memory_space<vmem>>)
    %dma_start3A_636 = arith.constant 4 : i32
    %dma_start3A_637 = arith.constant 247 : i32
    %dma_start3A_638 = arith.constant 0 : i32
    %dma_start3A_639 = arith.constant 0 : i32
    %dma_start3A_640 = tpu.memref_slice %arg9[%dma_start3A_636, %dma_start3A_638, %dma_start3A_639] : memref<9x80x64xf32, #tpu.memory_space<vmem>> -> memref<1x80x64xf32, #tpu.memory_space<vmem>>
    %dma_start3A_641 = tpu.memref_squeeze %dma_start3A_640 : memref<1x80x64xf32, #tpu.memory_space<vmem>> -> memref<80x64xf32, #tpu.memory_space<vmem>>
    %dma_start3A_642 = arith.constant 0 : i32
    %dma_start3A_643 = tpu.memref_slice %arg8[%dma_start3A_637, %dma_start3A_642] : memref<250x80xi32, #tpu.memory_space<vmem>> -> memref<1x80xi32, #tpu.memory_space<vmem>>
    %dma_start3A_644 = tpu.memref_squeeze %dma_start3A_643 : memref<1x80xi32, #tpu.memory_space<vmem>> -> memref<80xi32, #tpu.memory_space<vmem>>
    %dma_start3A_645 = arith.constant 0 : i32
    %dma_start3A_646 = arith.constant 0 : i32
    %dma_start3A_647 = tpu.memref_slice %arg10[%dma_start3A_645, %dma_start3A_646] : memref<10000x64xf32, #tpu.memory_space<vmem_shared>> -> memref<10000x64xf32, #tpu.memory_space<vmem_shared>>
    tpu.enqueue_indirect_dma source(%dma_start3A_641 : memref<80x64xf32, #tpu.memory_space<vmem>>) target(%dma_start3A_647 : memref<10000x64xf32, #tpu.memory_space<vmem_shared>>) offsets(%dma_start3A_644 : memref<80xi32, #tpu.memory_space<vmem>>) semaphore(%arg24 : memref<!tpu.dma_semaphore, #tpu.memory_space<semaphore_mem>>) {add = true}
    %dma_wait3A_648 = arith.constant 3 : i32
    %dma_wait3A_649 = arith.constant 246 : i32
    %dma_wait3A_650 = arith.constant 0 : i32
    %dma_wait3A_651 = arith.constant 0 : i32
    %dma_wait3A_652 = tpu.memref_slice %arg9[%dma_wait3A_648, %dma_wait3A_650, %dma_wait3A_651] : memref<9x80x64xf32, #tpu.memory_space<vmem>> -> memref<1x80x64xf32, #tpu.memory_space<vmem>>
    %dma_wait3A_653 = tpu.memref_squeeze %dma_wait3A_652 : memref<1x80x64xf32, #tpu.memory_space<vmem>> -> memref<80x64xf32, #tpu.memory_space<vmem>>
    %dma_wait3A_654 = arith.constant 0 : i32
    %dma_wait3A_655 = tpu.memref_slice %arg8[%dma_wait3A_649, %dma_wait3A_654] : memref<250x80xi32, #tpu.memory_space<vmem>> -> memref<1x80xi32, #tpu.memory_space<vmem>>
    %dma_wait3A_656 = tpu.memref_squeeze %dma_wait3A_655 : memref<1x80xi32, #tpu.memory_space<vmem>> -> memref<80xi32, #tpu.memory_space<vmem>>
    %dma_wait3A_657 = arith.constant 0 : i32
    %dma_wait3A_658 = arith.constant 0 : i32
    %dma_wait3A_659 = tpu.memref_slice %arg10[%dma_wait3A_657, %dma_wait3A_658] : memref<10000x64xf32, #tpu.memory_space<vmem_shared>> -> memref<10000x64xf32, #tpu.memory_space<vmem_shared>>
    tpu.wait_indirect_dma semaphore(%arg23 : memref<!tpu.dma_semaphore, #tpu.memory_space<semaphore_mem>>) src(%dma_wait3A_653 : memref<80x64xf32, #tpu.memory_space<vmem>>) dst(%dma_wait3A_659 : memref<10000x64xf32, #tpu.memory_space<vmem_shared>>)
    %dma_wait3A_660 = arith.constant 5 : i32
    %dma_wait3A_661 = arith.constant 0 : i32
    %dma_wait3A_662 = arith.constant 0 : i32
    %dma_wait3A_663 = tpu.memref_slice %arg9[%dma_wait3A_660, %dma_wait3A_661, %dma_wait3A_662] : memref<9x80x64xf32, #tpu.memory_space<vmem>> -> memref<1x80x64xf32, #tpu.memory_space<vmem>>
    %dma_wait3A_664 = tpu.memref_squeeze %dma_wait3A_663 : memref<1x80x64xf32, #tpu.memory_space<vmem>> -> memref<80x64xf32, #tpu.memory_space<vmem>>
    %dma_wait3A_665 = arith.constant 19840 : i32
    %dma_wait3A_666 = tpu.memref_slice %arg7[%dma_wait3A_665] : memref<20000xi32, #tpu.memory_space<vmem>> -> memref<80xi32, #tpu.memory_space<vmem>>
    %dma_wait3A_667 = arith.constant 0 : i32
    %dma_wait3A_668 = arith.constant 0 : i32
    %dma_wait3A_669 = tpu.memref_slice %arg2[%dma_wait3A_667, %dma_wait3A_668] : memref<20000x64xf32, #tpu.memory_space<hbm>> -> memref<20000x64xf32, #tpu.memory_space<hbm>>
    tpu.wait_indirect_dma semaphore(%arg16 : memref<!tpu.dma_semaphore, #tpu.memory_space<semaphore_mem>>) src(%dma_wait3A_669 : memref<20000x64xf32, #tpu.memory_space<hbm>>) dst(%dma_wait3A_664 : memref<80x64xf32, #tpu.memory_space<vmem>>)
    %dma_start3A_670 = arith.constant 5 : i32
    %dma_start3A_671 = arith.constant 248 : i32
    %dma_start3A_672 = arith.constant 0 : i32
    %dma_start3A_673 = arith.constant 0 : i32
    %dma_start3A_674 = tpu.memref_slice %arg9[%dma_start3A_670, %dma_start3A_672, %dma_start3A_673] : memref<9x80x64xf32, #tpu.memory_space<vmem>> -> memref<1x80x64xf32, #tpu.memory_space<vmem>>
    %dma_start3A_675 = tpu.memref_squeeze %dma_start3A_674 : memref<1x80x64xf32, #tpu.memory_space<vmem>> -> memref<80x64xf32, #tpu.memory_space<vmem>>
    %dma_start3A_676 = arith.constant 0 : i32
    %dma_start3A_677 = tpu.memref_slice %arg8[%dma_start3A_671, %dma_start3A_676] : memref<250x80xi32, #tpu.memory_space<vmem>> -> memref<1x80xi32, #tpu.memory_space<vmem>>
    %dma_start3A_678 = tpu.memref_squeeze %dma_start3A_677 : memref<1x80xi32, #tpu.memory_space<vmem>> -> memref<80xi32, #tpu.memory_space<vmem>>
    %dma_start3A_679 = arith.constant 0 : i32
    %dma_start3A_680 = arith.constant 0 : i32
    %dma_start3A_681 = tpu.memref_slice %arg10[%dma_start3A_679, %dma_start3A_680] : memref<10000x64xf32, #tpu.memory_space<vmem_shared>> -> memref<10000x64xf32, #tpu.memory_space<vmem_shared>>
    tpu.enqueue_indirect_dma source(%dma_start3A_675 : memref<80x64xf32, #tpu.memory_space<vmem>>) target(%dma_start3A_681 : memref<10000x64xf32, #tpu.memory_space<vmem_shared>>) offsets(%dma_start3A_678 : memref<80xi32, #tpu.memory_space<vmem>>) semaphore(%arg25 : memref<!tpu.dma_semaphore, #tpu.memory_space<semaphore_mem>>) {add = true}
    %dma_wait3A_682 = arith.constant 4 : i32
    %dma_wait3A_683 = arith.constant 247 : i32
    %dma_wait3A_684 = arith.constant 0 : i32
    %dma_wait3A_685 = arith.constant 0 : i32
    %dma_wait3A_686 = tpu.memref_slice %arg9[%dma_wait3A_682, %dma_wait3A_684, %dma_wait3A_685] : memref<9x80x64xf32, #tpu.memory_space<vmem>> -> memref<1x80x64xf32, #tpu.memory_space<vmem>>
    %dma_wait3A_687 = tpu.memref_squeeze %dma_wait3A_686 : memref<1x80x64xf32, #tpu.memory_space<vmem>> -> memref<80x64xf32, #tpu.memory_space<vmem>>
    %dma_wait3A_688 = arith.constant 0 : i32
    %dma_wait3A_689 = tpu.memref_slice %arg8[%dma_wait3A_683, %dma_wait3A_688] : memref<250x80xi32, #tpu.memory_space<vmem>> -> memref<1x80xi32, #tpu.memory_space<vmem>>
    %dma_wait3A_690 = tpu.memref_squeeze %dma_wait3A_689 : memref<1x80xi32, #tpu.memory_space<vmem>> -> memref<80xi32, #tpu.memory_space<vmem>>
    %dma_wait3A_691 = arith.constant 0 : i32
    %dma_wait3A_692 = arith.constant 0 : i32
    %dma_wait3A_693 = tpu.memref_slice %arg10[%dma_wait3A_691, %dma_wait3A_692] : memref<10000x64xf32, #tpu.memory_space<vmem_shared>> -> memref<10000x64xf32, #tpu.memory_space<vmem_shared>>
    tpu.wait_indirect_dma semaphore(%arg24 : memref<!tpu.dma_semaphore, #tpu.memory_space<semaphore_mem>>) src(%dma_wait3A_687 : memref<80x64xf32, #tpu.memory_space<vmem>>) dst(%dma_wait3A_693 : memref<10000x64xf32, #tpu.memory_space<vmem_shared>>)
    %dma_wait3A_694 = arith.constant 6 : i32
    %dma_wait3A_695 = arith.constant 0 : i32
    %dma_wait3A_696 = arith.constant 0 : i32
    %dma_wait3A_697 = tpu.memref_slice %arg9[%dma_wait3A_694, %dma_wait3A_695, %dma_wait3A_696] : memref<9x80x64xf32, #tpu.memory_space<vmem>> -> memref<1x80x64xf32, #tpu.memory_space<vmem>>
    %dma_wait3A_698 = tpu.memref_squeeze %dma_wait3A_697 : memref<1x80x64xf32, #tpu.memory_space<vmem>> -> memref<80x64xf32, #tpu.memory_space<vmem>>
    %dma_wait3A_699 = arith.constant 19920 : i32
    %dma_wait3A_700 = tpu.memref_slice %arg7[%dma_wait3A_699] : memref<20000xi32, #tpu.memory_space<vmem>> -> memref<80xi32, #tpu.memory_space<vmem>>
    %dma_wait3A_701 = arith.constant 0 : i32
    %dma_wait3A_702 = arith.constant 0 : i32
    %dma_wait3A_703 = tpu.memref_slice %arg2[%dma_wait3A_701, %dma_wait3A_702] : memref<20000x64xf32, #tpu.memory_space<hbm>> -> memref<20000x64xf32, #tpu.memory_space<hbm>>
    tpu.wait_indirect_dma semaphore(%arg17 : memref<!tpu.dma_semaphore, #tpu.memory_space<semaphore_mem>>) src(%dma_wait3A_703 : memref<20000x64xf32, #tpu.memory_space<hbm>>) dst(%dma_wait3A_698 : memref<80x64xf32, #tpu.memory_space<vmem>>)
    %dma_start3A_704 = arith.constant 6 : i32
    %dma_start3A_705 = arith.constant 249 : i32
    %dma_start3A_706 = arith.constant 0 : i32
    %dma_start3A_707 = arith.constant 0 : i32
    %dma_start3A_708 = tpu.memref_slice %arg9[%dma_start3A_704, %dma_start3A_706, %dma_start3A_707] : memref<9x80x64xf32, #tpu.memory_space<vmem>> -> memref<1x80x64xf32, #tpu.memory_space<vmem>>
    %dma_start3A_709 = tpu.memref_squeeze %dma_start3A_708 : memref<1x80x64xf32, #tpu.memory_space<vmem>> -> memref<80x64xf32, #tpu.memory_space<vmem>>
    %dma_start3A_710 = arith.constant 0 : i32
    %dma_start3A_711 = tpu.memref_slice %arg8[%dma_start3A_705, %dma_start3A_710] : memref<250x80xi32, #tpu.memory_space<vmem>> -> memref<1x80xi32, #tpu.memory_space<vmem>>
    %dma_start3A_712 = tpu.memref_squeeze %dma_start3A_711 : memref<1x80xi32, #tpu.memory_space<vmem>> -> memref<80xi32, #tpu.memory_space<vmem>>
    %dma_start3A_713 = arith.constant 0 : i32
    %dma_start3A_714 = arith.constant 0 : i32
    %dma_start3A_715 = tpu.memref_slice %arg10[%dma_start3A_713, %dma_start3A_714] : memref<10000x64xf32, #tpu.memory_space<vmem_shared>> -> memref<10000x64xf32, #tpu.memory_space<vmem_shared>>
    tpu.enqueue_indirect_dma source(%dma_start3A_709 : memref<80x64xf32, #tpu.memory_space<vmem>>) target(%dma_start3A_715 : memref<10000x64xf32, #tpu.memory_space<vmem_shared>>) offsets(%dma_start3A_712 : memref<80xi32, #tpu.memory_space<vmem>>) semaphore(%arg26 : memref<!tpu.dma_semaphore, #tpu.memory_space<semaphore_mem>>) {add = true}
    %dma_wait3A_716 = arith.constant 5 : i32
    %dma_wait3A_717 = arith.constant 248 : i32
    %dma_wait3A_718 = arith.constant 0 : i32
    %dma_wait3A_719 = arith.constant 0 : i32
    %dma_wait3A_720 = tpu.memref_slice %arg9[%dma_wait3A_716, %dma_wait3A_718, %dma_wait3A_719] : memref<9x80x64xf32, #tpu.memory_space<vmem>> -> memref<1x80x64xf32, #tpu.memory_space<vmem>>
    %dma_wait3A_721 = tpu.memref_squeeze %dma_wait3A_720 : memref<1x80x64xf32, #tpu.memory_space<vmem>> -> memref<80x64xf32, #tpu.memory_space<vmem>>
    %dma_wait3A_722 = arith.constant 0 : i32
    %dma_wait3A_723 = tpu.memref_slice %arg8[%dma_wait3A_717, %dma_wait3A_722] : memref<250x80xi32, #tpu.memory_space<vmem>> -> memref<1x80xi32, #tpu.memory_space<vmem>>
    %dma_wait3A_724 = tpu.memref_squeeze %dma_wait3A_723 : memref<1x80xi32, #tpu.memory_space<vmem>> -> memref<80xi32, #tpu.memory_space<vmem>>
    %dma_wait3A_725 = arith.constant 0 : i32
    %dma_wait3A_726 = arith.constant 0 : i32
    %dma_wait3A_727 = tpu.memref_slice %arg10[%dma_wait3A_725, %dma_wait3A_726] : memref<10000x64xf32, #tpu.memory_space<vmem_shared>> -> memref<10000x64xf32, #tpu.memory_space<vmem_shared>>
    tpu.wait_indirect_dma semaphore(%arg25 : memref<!tpu.dma_semaphore, #tpu.memory_space<semaphore_mem>>) src(%dma_wait3A_721 : memref<80x64xf32, #tpu.memory_space<vmem>>) dst(%dma_wait3A_727 : memref<10000x64xf32, #tpu.memory_space<vmem_shared>>)
    %dma_wait3A_728 = arith.constant 6 : i32
    %dma_wait3A_729 = arith.constant 249 : i32
    %dma_wait3A_730 = arith.constant 0 : i32
    %dma_wait3A_731 = arith.constant 0 : i32
    %dma_wait3A_732 = tpu.memref_slice %arg9[%dma_wait3A_728, %dma_wait3A_730, %dma_wait3A_731] : memref<9x80x64xf32, #tpu.memory_space<vmem>> -> memref<1x80x64xf32, #tpu.memory_space<vmem>>
    %dma_wait3A_733 = tpu.memref_squeeze %dma_wait3A_732 : memref<1x80x64xf32, #tpu.memory_space<vmem>> -> memref<80x64xf32, #tpu.memory_space<vmem>>
    %dma_wait3A_734 = arith.constant 0 : i32
    %dma_wait3A_735 = tpu.memref_slice %arg8[%dma_wait3A_729, %dma_wait3A_734] : memref<250x80xi32, #tpu.memory_space<vmem>> -> memref<1x80xi32, #tpu.memory_space<vmem>>
    %dma_wait3A_736 = tpu.memref_squeeze %dma_wait3A_735 : memref<1x80xi32, #tpu.memory_space<vmem>> -> memref<80xi32, #tpu.memory_space<vmem>>
    %dma_wait3A_737 = arith.constant 0 : i32
    %dma_wait3A_738 = arith.constant 0 : i32
    %dma_wait3A_739 = tpu.memref_slice %arg10[%dma_wait3A_737, %dma_wait3A_738] : memref<10000x64xf32, #tpu.memory_space<vmem_shared>> -> memref<10000x64xf32, #tpu.memory_space<vmem_shared>>
    tpu.wait_indirect_dma semaphore(%arg26 : memref<!tpu.dma_semaphore, #tpu.memory_space<semaphore_mem>>) src(%dma_wait3A_733 : memref<80x64xf32, #tpu.memory_space<vmem>>) dst(%dma_wait3A_739 : memref<10000x64xf32, #tpu.memory_space<vmem_shared>>)
    %barrier3A_740 = arith.constant 0 : index
    tpu.barrier barrier_id(%barrier3A_740)
    %mul3A_741 = arith.constant 625 : i32
    %mul3A_742 = arith.muli %arg1, %mul3A_741 : i32
    "tpu.region"() ({
      %run_scoped3A = tpu.sem_alloc : memref<!tpu.dma_semaphore, #tpu.memory_space<semaphore_mem>>
      %dma_start3A_743 = arith.constant 0 : i32
      %dma_start3A_744 = arith.constant 0 : i32
      %dma_start3A_745 = tpu.memref_slice %arg6[%arg0, %arg1, %dma_start3A_743, %dma_start3A_744] : memref<2x16x625x64xf32, #tpu.memory_space<hbm>> -> memref<1x1x625x64xf32, #tpu.memory_space<hbm>>
      %dma_start3A_746 = tpu.memref_squeeze %dma_start3A_745 : memref<1x1x625x64xf32, #tpu.memory_space<hbm>> -> memref<625x64xf32, #tpu.memory_space<hbm>>
      %dma_start3A_747 = arith.constant 0 : i32
      %dma_start3A_748 = tpu.memref_slice %arg10[%mul3A_742, %dma_start3A_747] : memref<10000x64xf32, #tpu.memory_space<vmem_shared>> -> memref<625x64xf32, #tpu.memory_space<vmem_shared>>
      tpu.enqueue_dma source(%dma_start3A_748 : memref<625x64xf32, #tpu.memory_space<vmem_shared>>) target(%dma_start3A_746 : memref<625x64xf32, #tpu.memory_space<hbm>>) target_semaphore(%run_scoped3A : memref<!tpu.dma_semaphore, #tpu.memory_space<semaphore_mem>>)
      %dma_wait3A_749 = arith.constant 0 : i32
      %dma_wait3A_750 = arith.constant 0 : i32
      %dma_wait3A_751 = tpu.memref_slice %arg6[%arg0, %arg1, %dma_wait3A_749, %dma_wait3A_750] : memref<2x16x625x64xf32, #tpu.memory_space<hbm>> -> memref<1x1x625x64xf32, #tpu.memory_space<hbm>>
      %dma_wait3A_752 = tpu.memref_squeeze %dma_wait3A_751 : memref<1x1x625x64xf32, #tpu.memory_space<hbm>> -> memref<625x64xf32, #tpu.memory_space<hbm>>
      %dma_wait3A_753 = arith.constant 0 : i32
      %dma_wait3A_754 = tpu.memref_slice %arg10[%mul3A_742, %dma_wait3A_753] : memref<10000x64xf32, #tpu.memory_space<vmem_shared>> -> memref<625x64xf32, #tpu.memory_space<vmem_shared>>
      tpu.wait_dma2 semaphore(%run_scoped3A : memref<!tpu.dma_semaphore, #tpu.memory_space<semaphore_mem>>) src(%dma_wait3A_754 : memref<625x64xf32, #tpu.memory_space<vmem_shared>>) dst(%dma_wait3A_752 : memref<625x64xf32, #tpu.memory_space<hbm>>)
      tpu.yield
    }) : () -> ()
    return
  }
}

#map = affine_map<(d0, d1) -> (0, 0, 0)>
#map1 = affine_map<(d0, d1) -> (0, 0)>
#map2 = affine_map<(d0, d1) -> (0, 0, 0, 0)>
module attributes {stable_mosaic.version = 14 : i64} {
  func.func @_sc_degree(%arg0: i32, %arg1: i32, %arg2: memref<32x125x80xi32, #tpu.memory_space<hbm>>, %arg3: memref<80x16xf32, #tpu.memory_space<hbm>>, %arg4: memref<625x16xf32, #tpu.memory_space<hbm>>, %arg5: memref<2x16x625x16xf32, #tpu.memory_space<hbm>>, %arg6: memref<125x80xi32, #tpu.memory_space<vmem>>, %arg7: memref<80x16xf32, #tpu.memory_space<vmem>>, %arg8: memref<10000x16xf32, #tpu.memory_space<vmem_shared>>, %arg9: memref<!tpu.dma_semaphore, #tpu.memory_space<semaphore_mem>>) attributes {dimension_semantics = [#tpu.dimension_semantics<core_parallel>, #tpu.dimension_semantics<subcore_parallel>], iteration_bounds = array<i64: 2, 16>, scalar_prefetch = 0 : i64, scratch_operands = 4 : i64, tpu.core_type = #tpu.core_type<sc_vector_subcore>, window_params = [{transform_indices = #map}, {transform_indices = #map1}, {transform_indices = #map1}, {transform_indices = #map2}]} {
    %mul3A = arith.constant 2 : i32
    %mul3A_0 = arith.muli %arg1, %mul3A : i32
    %add3A = arith.addi %mul3A_0, %arg0 : i32
    "tpu.region"() ({
      %run_scoped3A = tpu.sem_alloc : memref<!tpu.dma_semaphore, #tpu.memory_space<semaphore_mem>>
      tpu.enqueue_dma source(%arg3 : memref<80x16xf32, #tpu.memory_space<hbm>>) target(%arg7 : memref<80x16xf32, #tpu.memory_space<vmem>>) target_semaphore(%run_scoped3A : memref<!tpu.dma_semaphore, #tpu.memory_space<semaphore_mem>>)
      tpu.wait_dma2 semaphore(%run_scoped3A : memref<!tpu.dma_semaphore, #tpu.memory_space<semaphore_mem>>) src(%arg3 : memref<80x16xf32, #tpu.memory_space<hbm>>) dst(%arg7 : memref<80x16xf32, #tpu.memory_space<vmem>>)
      tpu.yield
    }) : () -> ()
    "tpu.region"() ({
      %run_scoped3A = tpu.sem_alloc : memref<!tpu.dma_semaphore, #tpu.memory_space<semaphore_mem>>
      %dma_start3A_233 = arith.constant 0 : i32
      %dma_start3A_234 = arith.constant 0 : i32
      %dma_start3A_235 = tpu.memref_slice %arg2[%add3A, %dma_start3A_233, %dma_start3A_234] : memref<32x125x80xi32, #tpu.memory_space<hbm>> -> memref<1x125x80xi32, #tpu.memory_space<hbm>>
      %dma_start3A_236 = tpu.memref_squeeze %dma_start3A_235 : memref<1x125x80xi32, #tpu.memory_space<hbm>> -> memref<125x80xi32, #tpu.memory_space<hbm>>
      %dma_start3A_237 = arith.constant 0 : i32
      %dma_start3A_238 = arith.constant 0 : i32
      %dma_start3A_239 = tpu.memref_slice %arg2[%add3A, %dma_start3A_237, %dma_start3A_238] : memref<32x125x80xi32, #tpu.memory_space<hbm>> -> memref<1x125x80xi32, #tpu.memory_space<hbm>>
      %dma_start3A_240 = tpu.memref_squeeze %dma_start3A_239 : memref<1x125x80xi32, #tpu.memory_space<hbm>> -> memref<125x80xi32, #tpu.memory_space<hbm>>
      tpu.enqueue_dma source(%dma_start3A_240 : memref<125x80xi32, #tpu.memory_space<hbm>>) target(%arg6 : memref<125x80xi32, #tpu.memory_space<vmem>>) target_semaphore(%run_scoped3A : memref<!tpu.dma_semaphore, #tpu.memory_space<semaphore_mem>>)
      %dma_wait3A_241 = arith.constant 0 : i32
      %dma_wait3A_242 = arith.constant 0 : i32
      %dma_wait3A_243 = tpu.memref_slice %arg2[%add3A, %dma_wait3A_241, %dma_wait3A_242] : memref<32x125x80xi32, #tpu.memory_space<hbm>> -> memref<1x125x80xi32, #tpu.memory_space<hbm>>
      %dma_wait3A_244 = tpu.memref_squeeze %dma_wait3A_243 : memref<1x125x80xi32, #tpu.memory_space<hbm>> -> memref<125x80xi32, #tpu.memory_space<hbm>>
      %dma_wait3A_245 = arith.constant 0 : i32
      %dma_wait3A_246 = arith.constant 0 : i32
      %dma_wait3A_247 = tpu.memref_slice %arg2[%add3A, %dma_wait3A_245, %dma_wait3A_246] : memref<32x125x80xi32, #tpu.memory_space<hbm>> -> memref<1x125x80xi32, #tpu.memory_space<hbm>>
      %dma_wait3A_248 = tpu.memref_squeeze %dma_wait3A_247 : memref<1x125x80xi32, #tpu.memory_space<hbm>> -> memref<125x80xi32, #tpu.memory_space<hbm>>
      tpu.wait_dma2 semaphore(%run_scoped3A : memref<!tpu.dma_semaphore, #tpu.memory_space<semaphore_mem>>) src(%dma_wait3A_248 : memref<125x80xi32, #tpu.memory_space<hbm>>) dst(%arg6 : memref<125x80xi32, #tpu.memory_space<vmem>>)
      tpu.yield
    }) : () -> ()
    %mul3A_1 = arith.constant 625 : i32
    %mul3A_2 = arith.muli %arg1, %mul3A_1 : i32
    "tpu.region"() ({
      %run_scoped3A = tpu.sem_alloc : memref<!tpu.dma_semaphore, #tpu.memory_space<semaphore_mem>>
      %dma_start3A_233 = arith.constant 0 : i32
      %dma_start3A_234 = tpu.memref_slice %arg8[%mul3A_2, %dma_start3A_233] : memref<10000x16xf32, #tpu.memory_space<vmem_shared>> -> memref<625x16xf32, #tpu.memory_space<vmem_shared>>
      tpu.enqueue_dma source(%arg4 : memref<625x16xf32, #tpu.memory_space<hbm>>) target(%dma_start3A_234 : memref<625x16xf32, #tpu.memory_space<vmem_shared>>) target_semaphore(%run_scoped3A : memref<!tpu.dma_semaphore, #tpu.memory_space<semaphore_mem>>)
      %dma_wait3A_235 = arith.constant 0 : i32
      %dma_wait3A_236 = tpu.memref_slice %arg8[%mul3A_2, %dma_wait3A_235] : memref<10000x16xf32, #tpu.memory_space<vmem_shared>> -> memref<625x16xf32, #tpu.memory_space<vmem_shared>>
      tpu.wait_dma2 semaphore(%run_scoped3A : memref<!tpu.dma_semaphore, #tpu.memory_space<semaphore_mem>>) src(%arg4 : memref<625x16xf32, #tpu.memory_space<hbm>>) dst(%dma_wait3A_236 : memref<625x16xf32, #tpu.memory_space<vmem_shared>>)
      tpu.yield
    }) : () -> ()
    %barrier3A = arith.constant 0 : index
    tpu.barrier barrier_id(%barrier3A)
    %dma_start3A = arith.constant 0 : i32
    %dma_start3A_3 = arith.constant 0 : i32
    %dma_start3A_4 = tpu.memref_slice %arg6[%dma_start3A, %dma_start3A_3] : memref<125x80xi32, #tpu.memory_space<vmem>> -> memref<1x80xi32, #tpu.memory_space<vmem>>
    %dma_start3A_5 = tpu.memref_squeeze %dma_start3A_4 : memref<1x80xi32, #tpu.memory_space<vmem>> -> memref<80xi32, #tpu.memory_space<vmem>>
    %dma_start3A_6 = arith.constant 0 : i32
    %dma_start3A_7 = arith.constant 0 : i32
    %dma_start3A_8 = tpu.memref_slice %arg8[%dma_start3A_6, %dma_start3A_7] : memref<10000x16xf32, #tpu.memory_space<vmem_shared>> -> memref<10000x16xf32, #tpu.memory_space<vmem_shared>>
    tpu.enqueue_indirect_dma source(%arg7 : memref<80x16xf32, #tpu.memory_space<vmem>>) target(%dma_start3A_8 : memref<10000x16xf32, #tpu.memory_space<vmem_shared>>) offsets(%dma_start3A_5 : memref<80xi32, #tpu.memory_space<vmem>>) semaphore(%arg9 : memref<!tpu.dma_semaphore, #tpu.memory_space<semaphore_mem>>) {add = true}
    %dma_start3A_9 = arith.constant 1 : i32
    %dma_start3A_10 = arith.constant 0 : i32
    %dma_start3A_11 = tpu.memref_slice %arg6[%dma_start3A_9, %dma_start3A_10] : memref<125x80xi32, #tpu.memory_space<vmem>> -> memref<1x80xi32, #tpu.memory_space<vmem>>
    %dma_start3A_12 = tpu.memref_squeeze %dma_start3A_11 : memref<1x80xi32, #tpu.memory_space<vmem>> -> memref<80xi32, #tpu.memory_space<vmem>>
    %dma_start3A_13 = arith.constant 0 : i32
    %dma_start3A_14 = arith.constant 0 : i32
    %dma_start3A_15 = tpu.memref_slice %arg8[%dma_start3A_13, %dma_start3A_14] : memref<10000x16xf32, #tpu.memory_space<vmem_shared>> -> memref<10000x16xf32, #tpu.memory_space<vmem_shared>>
    tpu.enqueue_indirect_dma source(%arg7 : memref<80x16xf32, #tpu.memory_space<vmem>>) target(%dma_start3A_15 : memref<10000x16xf32, #tpu.memory_space<vmem_shared>>) offsets(%dma_start3A_12 : memref<80xi32, #tpu.memory_space<vmem>>) semaphore(%arg9 : memref<!tpu.dma_semaphore, #tpu.memory_space<semaphore_mem>>) {add = true}
    %dma_start3A_16 = arith.constant 2 : i32
    %dma_start3A_17 = arith.constant 0 : i32
    %dma_start3A_18 = tpu.memref_slice %arg6[%dma_start3A_16, %dma_start3A_17] : memref<125x80xi32, #tpu.memory_space<vmem>> -> memref<1x80xi32, #tpu.memory_space<vmem>>
    %dma_start3A_19 = tpu.memref_squeeze %dma_start3A_18 : memref<1x80xi32, #tpu.memory_space<vmem>> -> memref<80xi32, #tpu.memory_space<vmem>>
    %dma_start3A_20 = arith.constant 0 : i32
    %dma_start3A_21 = arith.constant 0 : i32
    %dma_start3A_22 = tpu.memref_slice %arg8[%dma_start3A_20, %dma_start3A_21] : memref<10000x16xf32, #tpu.memory_space<vmem_shared>> -> memref<10000x16xf32, #tpu.memory_space<vmem_shared>>
    tpu.enqueue_indirect_dma source(%arg7 : memref<80x16xf32, #tpu.memory_space<vmem>>) target(%dma_start3A_22 : memref<10000x16xf32, #tpu.memory_space<vmem_shared>>) offsets(%dma_start3A_19 : memref<80xi32, #tpu.memory_space<vmem>>) semaphore(%arg9 : memref<!tpu.dma_semaphore, #tpu.memory_space<semaphore_mem>>) {add = true}
    %dma_start3A_23 = arith.constant 3 : i32
    %dma_start3A_24 = arith.constant 0 : i32
    %dma_start3A_25 = tpu.memref_slice %arg6[%dma_start3A_23, %dma_start3A_24] : memref<125x80xi32, #tpu.memory_space<vmem>> -> memref<1x80xi32, #tpu.memory_space<vmem>>
    %dma_start3A_26 = tpu.memref_squeeze %dma_start3A_25 : memref<1x80xi32, #tpu.memory_space<vmem>> -> memref<80xi32, #tpu.memory_space<vmem>>
    %dma_start3A_27 = arith.constant 0 : i32
    %dma_start3A_28 = arith.constant 0 : i32
    %dma_start3A_29 = tpu.memref_slice %arg8[%dma_start3A_27, %dma_start3A_28] : memref<10000x16xf32, #tpu.memory_space<vmem_shared>> -> memref<10000x16xf32, #tpu.memory_space<vmem_shared>>
    tpu.enqueue_indirect_dma source(%arg7 : memref<80x16xf32, #tpu.memory_space<vmem>>) target(%dma_start3A_29 : memref<10000x16xf32, #tpu.memory_space<vmem_shared>>) offsets(%dma_start3A_26 : memref<80xi32, #tpu.memory_space<vmem>>) semaphore(%arg9 : memref<!tpu.dma_semaphore, #tpu.memory_space<semaphore_mem>>) {add = true}
    %dma_start3A_30 = arith.constant 4 : i32
    %dma_start3A_31 = arith.constant 0 : i32
    %dma_start3A_32 = tpu.memref_slice %arg6[%dma_start3A_30, %dma_start3A_31] : memref<125x80xi32, #tpu.memory_space<vmem>> -> memref<1x80xi32, #tpu.memory_space<vmem>>
    %dma_start3A_33 = tpu.memref_squeeze %dma_start3A_32 : memref<1x80xi32, #tpu.memory_space<vmem>> -> memref<80xi32, #tpu.memory_space<vmem>>
    %dma_start3A_34 = arith.constant 0 : i32
    %dma_start3A_35 = arith.constant 0 : i32
    %dma_start3A_36 = tpu.memref_slice %arg8[%dma_start3A_34, %dma_start3A_35] : memref<10000x16xf32, #tpu.memory_space<vmem_shared>> -> memref<10000x16xf32, #tpu.memory_space<vmem_shared>>
    tpu.enqueue_indirect_dma source(%arg7 : memref<80x16xf32, #tpu.memory_space<vmem>>) target(%dma_start3A_36 : memref<10000x16xf32, #tpu.memory_space<vmem_shared>>) offsets(%dma_start3A_33 : memref<80xi32, #tpu.memory_space<vmem>>) semaphore(%arg9 : memref<!tpu.dma_semaphore, #tpu.memory_space<semaphore_mem>>) {add = true}
    %dma_start3A_37 = arith.constant 5 : i32
    %dma_start3A_38 = arith.constant 0 : i32
    %dma_start3A_39 = tpu.memref_slice %arg6[%dma_start3A_37, %dma_start3A_38] : memref<125x80xi32, #tpu.memory_space<vmem>> -> memref<1x80xi32, #tpu.memory_space<vmem>>
    %dma_start3A_40 = tpu.memref_squeeze %dma_start3A_39 : memref<1x80xi32, #tpu.memory_space<vmem>> -> memref<80xi32, #tpu.memory_space<vmem>>
    %dma_start3A_41 = arith.constant 0 : i32
    %dma_start3A_42 = arith.constant 0 : i32
    %dma_start3A_43 = tpu.memref_slice %arg8[%dma_start3A_41, %dma_start3A_42] : memref<10000x16xf32, #tpu.memory_space<vmem_shared>> -> memref<10000x16xf32, #tpu.memory_space<vmem_shared>>
    tpu.enqueue_indirect_dma source(%arg7 : memref<80x16xf32, #tpu.memory_space<vmem>>) target(%dma_start3A_43 : memref<10000x16xf32, #tpu.memory_space<vmem_shared>>) offsets(%dma_start3A_40 : memref<80xi32, #tpu.memory_space<vmem>>) semaphore(%arg9 : memref<!tpu.dma_semaphore, #tpu.memory_space<semaphore_mem>>) {add = true}
    %dma_start3A_44 = arith.constant 6 : i32
    %dma_start3A_45 = arith.constant 0 : i32
    %dma_start3A_46 = tpu.memref_slice %arg6[%dma_start3A_44, %dma_start3A_45] : memref<125x80xi32, #tpu.memory_space<vmem>> -> memref<1x80xi32, #tpu.memory_space<vmem>>
    %dma_start3A_47 = tpu.memref_squeeze %dma_start3A_46 : memref<1x80xi32, #tpu.memory_space<vmem>> -> memref<80xi32, #tpu.memory_space<vmem>>
    %dma_start3A_48 = arith.constant 0 : i32
    %dma_start3A_49 = arith.constant 0 : i32
    %dma_start3A_50 = tpu.memref_slice %arg8[%dma_start3A_48, %dma_start3A_49] : memref<10000x16xf32, #tpu.memory_space<vmem_shared>> -> memref<10000x16xf32, #tpu.memory_space<vmem_shared>>
    tpu.enqueue_indirect_dma source(%arg7 : memref<80x16xf32, #tpu.memory_space<vmem>>) target(%dma_start3A_50 : memref<10000x16xf32, #tpu.memory_space<vmem_shared>>) offsets(%dma_start3A_47 : memref<80xi32, #tpu.memory_space<vmem>>) semaphore(%arg9 : memref<!tpu.dma_semaphore, #tpu.memory_space<semaphore_mem>>) {add = true}
    %dma_start3A_51 = arith.constant 7 : i32
    %dma_start3A_52 = arith.constant 0 : i32
    %dma_start3A_53 = tpu.memref_slice %arg6[%dma_start3A_51, %dma_start3A_52] : memref<125x80xi32, #tpu.memory_space<vmem>> -> memref<1x80xi32, #tpu.memory_space<vmem>>
    %dma_start3A_54 = tpu.memref_squeeze %dma_start3A_53 : memref<1x80xi32, #tpu.memory_space<vmem>> -> memref<80xi32, #tpu.memory_space<vmem>>
    %dma_start3A_55 = arith.constant 0 : i32
    %dma_start3A_56 = arith.constant 0 : i32
    %dma_start3A_57 = tpu.memref_slice %arg8[%dma_start3A_55, %dma_start3A_56] : memref<10000x16xf32, #tpu.memory_space<vmem_shared>> -> memref<10000x16xf32, #tpu.memory_space<vmem_shared>>
    tpu.enqueue_indirect_dma source(%arg7 : memref<80x16xf32, #tpu.memory_space<vmem>>) target(%dma_start3A_57 : memref<10000x16xf32, #tpu.memory_space<vmem_shared>>) offsets(%dma_start3A_54 : memref<80xi32, #tpu.memory_space<vmem>>) semaphore(%arg9 : memref<!tpu.dma_semaphore, #tpu.memory_space<semaphore_mem>>) {add = true}
    %dma_start3A_58 = arith.constant 8 : i32
    %dma_start3A_59 = arith.constant 0 : i32
    %dma_start3A_60 = tpu.memref_slice %arg6[%dma_start3A_58, %dma_start3A_59] : memref<125x80xi32, #tpu.memory_space<vmem>> -> memref<1x80xi32, #tpu.memory_space<vmem>>
    %dma_start3A_61 = tpu.memref_squeeze %dma_start3A_60 : memref<1x80xi32, #tpu.memory_space<vmem>> -> memref<80xi32, #tpu.memory_space<vmem>>
    %dma_start3A_62 = arith.constant 0 : i32
    %dma_start3A_63 = arith.constant 0 : i32
    %dma_start3A_64 = tpu.memref_slice %arg8[%dma_start3A_62, %dma_start3A_63] : memref<10000x16xf32, #tpu.memory_space<vmem_shared>> -> memref<10000x16xf32, #tpu.memory_space<vmem_shared>>
    tpu.enqueue_indirect_dma source(%arg7 : memref<80x16xf32, #tpu.memory_space<vmem>>) target(%dma_start3A_64 : memref<10000x16xf32, #tpu.memory_space<vmem_shared>>) offsets(%dma_start3A_61 : memref<80xi32, #tpu.memory_space<vmem>>) semaphore(%arg9 : memref<!tpu.dma_semaphore, #tpu.memory_space<semaphore_mem>>) {add = true}
    %dma_start3A_65 = arith.constant 9 : i32
    %dma_start3A_66 = arith.constant 0 : i32
    %dma_start3A_67 = tpu.memref_slice %arg6[%dma_start3A_65, %dma_start3A_66] : memref<125x80xi32, #tpu.memory_space<vmem>> -> memref<1x80xi32, #tpu.memory_space<vmem>>
    %dma_start3A_68 = tpu.memref_squeeze %dma_start3A_67 : memref<1x80xi32, #tpu.memory_space<vmem>> -> memref<80xi32, #tpu.memory_space<vmem>>
    %dma_start3A_69 = arith.constant 0 : i32
    %dma_start3A_70 = arith.constant 0 : i32
    %dma_start3A_71 = tpu.memref_slice %arg8[%dma_start3A_69, %dma_start3A_70] : memref<10000x16xf32, #tpu.memory_space<vmem_shared>> -> memref<10000x16xf32, #tpu.memory_space<vmem_shared>>
    tpu.enqueue_indirect_dma source(%arg7 : memref<80x16xf32, #tpu.memory_space<vmem>>) target(%dma_start3A_71 : memref<10000x16xf32, #tpu.memory_space<vmem_shared>>) offsets(%dma_start3A_68 : memref<80xi32, #tpu.memory_space<vmem>>) semaphore(%arg9 : memref<!tpu.dma_semaphore, #tpu.memory_space<semaphore_mem>>) {add = true}
    %dma_start3A_72 = arith.constant 10 : i32
    %dma_start3A_73 = arith.constant 0 : i32
    %dma_start3A_74 = tpu.memref_slice %arg6[%dma_start3A_72, %dma_start3A_73] : memref<125x80xi32, #tpu.memory_space<vmem>> -> memref<1x80xi32, #tpu.memory_space<vmem>>
    %dma_start3A_75 = tpu.memref_squeeze %dma_start3A_74 : memref<1x80xi32, #tpu.memory_space<vmem>> -> memref<80xi32, #tpu.memory_space<vmem>>
    %dma_start3A_76 = arith.constant 0 : i32
    %dma_start3A_77 = arith.constant 0 : i32
    %dma_start3A_78 = tpu.memref_slice %arg8[%dma_start3A_76, %dma_start3A_77] : memref<10000x16xf32, #tpu.memory_space<vmem_shared>> -> memref<10000x16xf32, #tpu.memory_space<vmem_shared>>
    tpu.enqueue_indirect_dma source(%arg7 : memref<80x16xf32, #tpu.memory_space<vmem>>) target(%dma_start3A_78 : memref<10000x16xf32, #tpu.memory_space<vmem_shared>>) offsets(%dma_start3A_75 : memref<80xi32, #tpu.memory_space<vmem>>) semaphore(%arg9 : memref<!tpu.dma_semaphore, #tpu.memory_space<semaphore_mem>>) {add = true}
    %dma_start3A_79 = arith.constant 11 : i32
    %dma_start3A_80 = arith.constant 0 : i32
    %dma_start3A_81 = tpu.memref_slice %arg6[%dma_start3A_79, %dma_start3A_80] : memref<125x80xi32, #tpu.memory_space<vmem>> -> memref<1x80xi32, #tpu.memory_space<vmem>>
    %dma_start3A_82 = tpu.memref_squeeze %dma_start3A_81 : memref<1x80xi32, #tpu.memory_space<vmem>> -> memref<80xi32, #tpu.memory_space<vmem>>
    %dma_start3A_83 = arith.constant 0 : i32
    %dma_start3A_84 = arith.constant 0 : i32
    %dma_start3A_85 = tpu.memref_slice %arg8[%dma_start3A_83, %dma_start3A_84] : memref<10000x16xf32, #tpu.memory_space<vmem_shared>> -> memref<10000x16xf32, #tpu.memory_space<vmem_shared>>
    tpu.enqueue_indirect_dma source(%arg7 : memref<80x16xf32, #tpu.memory_space<vmem>>) target(%dma_start3A_85 : memref<10000x16xf32, #tpu.memory_space<vmem_shared>>) offsets(%dma_start3A_82 : memref<80xi32, #tpu.memory_space<vmem>>) semaphore(%arg9 : memref<!tpu.dma_semaphore, #tpu.memory_space<semaphore_mem>>) {add = true}
    %dma_start3A_86 = arith.constant 12 : i32
    %dma_start3A_87 = arith.constant 0 : i32
    %dma_start3A_88 = tpu.memref_slice %arg6[%dma_start3A_86, %dma_start3A_87] : memref<125x80xi32, #tpu.memory_space<vmem>> -> memref<1x80xi32, #tpu.memory_space<vmem>>
    %dma_start3A_89 = tpu.memref_squeeze %dma_start3A_88 : memref<1x80xi32, #tpu.memory_space<vmem>> -> memref<80xi32, #tpu.memory_space<vmem>>
    %dma_start3A_90 = arith.constant 0 : i32
    %dma_start3A_91 = arith.constant 0 : i32
    %dma_start3A_92 = tpu.memref_slice %arg8[%dma_start3A_90, %dma_start3A_91] : memref<10000x16xf32, #tpu.memory_space<vmem_shared>> -> memref<10000x16xf32, #tpu.memory_space<vmem_shared>>
    tpu.enqueue_indirect_dma source(%arg7 : memref<80x16xf32, #tpu.memory_space<vmem>>) target(%dma_start3A_92 : memref<10000x16xf32, #tpu.memory_space<vmem_shared>>) offsets(%dma_start3A_89 : memref<80xi32, #tpu.memory_space<vmem>>) semaphore(%arg9 : memref<!tpu.dma_semaphore, #tpu.memory_space<semaphore_mem>>) {add = true}
    %dma_start3A_93 = arith.constant 13 : i32
    %dma_start3A_94 = arith.constant 0 : i32
    %dma_start3A_95 = tpu.memref_slice %arg6[%dma_start3A_93, %dma_start3A_94] : memref<125x80xi32, #tpu.memory_space<vmem>> -> memref<1x80xi32, #tpu.memory_space<vmem>>
    %dma_start3A_96 = tpu.memref_squeeze %dma_start3A_95 : memref<1x80xi32, #tpu.memory_space<vmem>> -> memref<80xi32, #tpu.memory_space<vmem>>
    %dma_start3A_97 = arith.constant 0 : i32
    %dma_start3A_98 = arith.constant 0 : i32
    %dma_start3A_99 = tpu.memref_slice %arg8[%dma_start3A_97, %dma_start3A_98] : memref<10000x16xf32, #tpu.memory_space<vmem_shared>> -> memref<10000x16xf32, #tpu.memory_space<vmem_shared>>
    tpu.enqueue_indirect_dma source(%arg7 : memref<80x16xf32, #tpu.memory_space<vmem>>) target(%dma_start3A_99 : memref<10000x16xf32, #tpu.memory_space<vmem_shared>>) offsets(%dma_start3A_96 : memref<80xi32, #tpu.memory_space<vmem>>) semaphore(%arg9 : memref<!tpu.dma_semaphore, #tpu.memory_space<semaphore_mem>>) {add = true}
    %dma_start3A_100 = arith.constant 14 : i32
    %dma_start3A_101 = arith.constant 0 : i32
    %dma_start3A_102 = tpu.memref_slice %arg6[%dma_start3A_100, %dma_start3A_101] : memref<125x80xi32, #tpu.memory_space<vmem>> -> memref<1x80xi32, #tpu.memory_space<vmem>>
    %dma_start3A_103 = tpu.memref_squeeze %dma_start3A_102 : memref<1x80xi32, #tpu.memory_space<vmem>> -> memref<80xi32, #tpu.memory_space<vmem>>
    %dma_start3A_104 = arith.constant 0 : i32
    %dma_start3A_105 = arith.constant 0 : i32
    %dma_start3A_106 = tpu.memref_slice %arg8[%dma_start3A_104, %dma_start3A_105] : memref<10000x16xf32, #tpu.memory_space<vmem_shared>> -> memref<10000x16xf32, #tpu.memory_space<vmem_shared>>
    tpu.enqueue_indirect_dma source(%arg7 : memref<80x16xf32, #tpu.memory_space<vmem>>) target(%dma_start3A_106 : memref<10000x16xf32, #tpu.memory_space<vmem_shared>>) offsets(%dma_start3A_103 : memref<80xi32, #tpu.memory_space<vmem>>) semaphore(%arg9 : memref<!tpu.dma_semaphore, #tpu.memory_space<semaphore_mem>>) {add = true}
    %dma_start3A_107 = arith.constant 15 : i32
    %dma_start3A_108 = arith.constant 0 : i32
    %dma_start3A_109 = tpu.memref_slice %arg6[%dma_start3A_107, %dma_start3A_108] : memref<125x80xi32, #tpu.memory_space<vmem>> -> memref<1x80xi32, #tpu.memory_space<vmem>>
    %dma_start3A_110 = tpu.memref_squeeze %dma_start3A_109 : memref<1x80xi32, #tpu.memory_space<vmem>> -> memref<80xi32, #tpu.memory_space<vmem>>
    %dma_start3A_111 = arith.constant 0 : i32
    %dma_start3A_112 = arith.constant 0 : i32
    %dma_start3A_113 = tpu.memref_slice %arg8[%dma_start3A_111, %dma_start3A_112] : memref<10000x16xf32, #tpu.memory_space<vmem_shared>> -> memref<10000x16xf32, #tpu.memory_space<vmem_shared>>
    tpu.enqueue_indirect_dma source(%arg7 : memref<80x16xf32, #tpu.memory_space<vmem>>) target(%dma_start3A_113 : memref<10000x16xf32, #tpu.memory_space<vmem_shared>>) offsets(%dma_start3A_110 : memref<80xi32, #tpu.memory_space<vmem>>) semaphore(%arg9 : memref<!tpu.dma_semaphore, #tpu.memory_space<semaphore_mem>>) {add = true}
    %scan3A = arith.constant 0 : i32
    %scan3A_114 = arith.constant 16 : i32
    %scan3A_115 = arith.constant 109 : i32
    %scan3A_116 = arith.addi %scan3A_114, %scan3A_115 : i32
    %scan3A_117 = arith.constant 1 : i32
    scf.for %scan3A_233 = %scan3A_114 to %scan3A_116 step %scan3A_117  : i32 {
      %dma_start3A_234 = arith.constant 0 : i32
      %dma_start3A_235 = tpu.memref_slice %arg6[%scan3A_233, %dma_start3A_234] : memref<125x80xi32, #tpu.memory_space<vmem>> -> memref<1x80xi32, #tpu.memory_space<vmem>>
      %dma_start3A_236 = tpu.memref_squeeze %dma_start3A_235 : memref<1x80xi32, #tpu.memory_space<vmem>> -> memref<80xi32, #tpu.memory_space<vmem>>
      %dma_start3A_237 = arith.constant 0 : i32
      %dma_start3A_238 = arith.constant 0 : i32
      %dma_start3A_239 = tpu.memref_slice %arg8[%dma_start3A_237, %dma_start3A_238] : memref<10000x16xf32, #tpu.memory_space<vmem_shared>> -> memref<10000x16xf32, #tpu.memory_space<vmem_shared>>
      tpu.enqueue_indirect_dma source(%arg7 : memref<80x16xf32, #tpu.memory_space<vmem>>) target(%dma_start3A_239 : memref<10000x16xf32, #tpu.memory_space<vmem_shared>>) offsets(%dma_start3A_236 : memref<80xi32, #tpu.memory_space<vmem>>) semaphore(%arg9 : memref<!tpu.dma_semaphore, #tpu.memory_space<semaphore_mem>>) {add = true}
      %sub3A = arith.constant 16 : i32
      %sub3A_240 = arith.subi %scan3A_233, %sub3A : i32
      %dma_wait3A_241 = arith.constant 0 : i32
      %dma_wait3A_242 = tpu.memref_slice %arg6[%sub3A_240, %dma_wait3A_241] : memref<125x80xi32, #tpu.memory_space<vmem>> -> memref<1x80xi32, #tpu.memory_space<vmem>>
      %dma_wait3A_243 = tpu.memref_squeeze %dma_wait3A_242 : memref<1x80xi32, #tpu.memory_space<vmem>> -> memref<80xi32, #tpu.memory_space<vmem>>
      %dma_wait3A_244 = arith.constant 0 : i32
      %dma_wait3A_245 = arith.constant 0 : i32
      %dma_wait3A_246 = tpu.memref_slice %arg8[%dma_wait3A_244, %dma_wait3A_245] : memref<10000x16xf32, #tpu.memory_space<vmem_shared>> -> memref<10000x16xf32, #tpu.memory_space<vmem_shared>>
      tpu.wait_indirect_dma semaphore(%arg9 : memref<!tpu.dma_semaphore, #tpu.memory_space<semaphore_mem>>) src(%arg7 : memref<80x16xf32, #tpu.memory_space<vmem>>) dst(%dma_wait3A_246 : memref<10000x16xf32, #tpu.memory_space<vmem_shared>>)
    }
    %scan3A_118 = arith.constant 109 : i32
    %dma_wait3A = arith.constant 109 : i32
    %dma_wait3A_119 = arith.constant 0 : i32
    %dma_wait3A_120 = tpu.memref_slice %arg6[%dma_wait3A, %dma_wait3A_119] : memref<125x80xi32, #tpu.memory_space<vmem>> -> memref<1x80xi32, #tpu.memory_space<vmem>>
    %dma_wait3A_121 = tpu.memref_squeeze %dma_wait3A_120 : memref<1x80xi32, #tpu.memory_space<vmem>> -> memref<80xi32, #tpu.memory_space<vmem>>
    %dma_wait3A_122 = arith.constant 0 : i32
    %dma_wait3A_123 = arith.constant 0 : i32
    %dma_wait3A_124 = tpu.memref_slice %arg8[%dma_wait3A_122, %dma_wait3A_123] : memref<10000x16xf32, #tpu.memory_space<vmem_shared>> -> memref<10000x16xf32, #tpu.memory_space<vmem_shared>>
    tpu.wait_indirect_dma semaphore(%arg9 : memref<!tpu.dma_semaphore, #tpu.memory_space<semaphore_mem>>) src(%arg7 : memref<80x16xf32, #tpu.memory_space<vmem>>) dst(%dma_wait3A_124 : memref<10000x16xf32, #tpu.memory_space<vmem_shared>>)
    %dma_wait3A_125 = arith.constant 110 : i32
    %dma_wait3A_126 = arith.constant 0 : i32
    %dma_wait3A_127 = tpu.memref_slice %arg6[%dma_wait3A_125, %dma_wait3A_126] : memref<125x80xi32, #tpu.memory_space<vmem>> -> memref<1x80xi32, #tpu.memory_space<vmem>>
    %dma_wait3A_128 = tpu.memref_squeeze %dma_wait3A_127 : memref<1x80xi32, #tpu.memory_space<vmem>> -> memref<80xi32, #tpu.memory_space<vmem>>
    %dma_wait3A_129 = arith.constant 0 : i32
    %dma_wait3A_130 = arith.constant 0 : i32
    %dma_wait3A_131 = tpu.memref_slice %arg8[%dma_wait3A_129, %dma_wait3A_130] : memref<10000x16xf32, #tpu.memory_space<vmem_shared>> -> memref<10000x16xf32, #tpu.memory_space<vmem_shared>>
    tpu.wait_indirect_dma semaphore(%arg9 : memref<!tpu.dma_semaphore, #tpu.memory_space<semaphore_mem>>) src(%arg7 : memref<80x16xf32, #tpu.memory_space<vmem>>) dst(%dma_wait3A_131 : memref<10000x16xf32, #tpu.memory_space<vmem_shared>>)
    %dma_wait3A_132 = arith.constant 111 : i32
    %dma_wait3A_133 = arith.constant 0 : i32
    %dma_wait3A_134 = tpu.memref_slice %arg6[%dma_wait3A_132, %dma_wait3A_133] : memref<125x80xi32, #tpu.memory_space<vmem>> -> memref<1x80xi32, #tpu.memory_space<vmem>>
    %dma_wait3A_135 = tpu.memref_squeeze %dma_wait3A_134 : memref<1x80xi32, #tpu.memory_space<vmem>> -> memref<80xi32, #tpu.memory_space<vmem>>
    %dma_wait3A_136 = arith.constant 0 : i32
    %dma_wait3A_137 = arith.constant 0 : i32
    %dma_wait3A_138 = tpu.memref_slice %arg8[%dma_wait3A_136, %dma_wait3A_137] : memref<10000x16xf32, #tpu.memory_space<vmem_shared>> -> memref<10000x16xf32, #tpu.memory_space<vmem_shared>>
    tpu.wait_indirect_dma semaphore(%arg9 : memref<!tpu.dma_semaphore, #tpu.memory_space<semaphore_mem>>) src(%arg7 : memref<80x16xf32, #tpu.memory_space<vmem>>) dst(%dma_wait3A_138 : memref<10000x16xf32, #tpu.memory_space<vmem_shared>>)
    %dma_wait3A_139 = arith.constant 112 : i32
    %dma_wait3A_140 = arith.constant 0 : i32
    %dma_wait3A_141 = tpu.memref_slice %arg6[%dma_wait3A_139, %dma_wait3A_140] : memref<125x80xi32, #tpu.memory_space<vmem>> -> memref<1x80xi32, #tpu.memory_space<vmem>>
    %dma_wait3A_142 = tpu.memref_squeeze %dma_wait3A_141 : memref<1x80xi32, #tpu.memory_space<vmem>> -> memref<80xi32, #tpu.memory_space<vmem>>
    %dma_wait3A_143 = arith.constant 0 : i32
    %dma_wait3A_144 = arith.constant 0 : i32
    %dma_wait3A_145 = tpu.memref_slice %arg8[%dma_wait3A_143, %dma_wait3A_144] : memref<10000x16xf32, #tpu.memory_space<vmem_shared>> -> memref<10000x16xf32, #tpu.memory_space<vmem_shared>>
    tpu.wait_indirect_dma semaphore(%arg9 : memref<!tpu.dma_semaphore, #tpu.memory_space<semaphore_mem>>) src(%arg7 : memref<80x16xf32, #tpu.memory_space<vmem>>) dst(%dma_wait3A_145 : memref<10000x16xf32, #tpu.memory_space<vmem_shared>>)
    %dma_wait3A_146 = arith.constant 113 : i32
    %dma_wait3A_147 = arith.constant 0 : i32
    %dma_wait3A_148 = tpu.memref_slice %arg6[%dma_wait3A_146, %dma_wait3A_147] : memref<125x80xi32, #tpu.memory_space<vmem>> -> memref<1x80xi32, #tpu.memory_space<vmem>>
    %dma_wait3A_149 = tpu.memref_squeeze %dma_wait3A_148 : memref<1x80xi32, #tpu.memory_space<vmem>> -> memref<80xi32, #tpu.memory_space<vmem>>
    %dma_wait3A_150 = arith.constant 0 : i32
    %dma_wait3A_151 = arith.constant 0 : i32
    %dma_wait3A_152 = tpu.memref_slice %arg8[%dma_wait3A_150, %dma_wait3A_151] : memref<10000x16xf32, #tpu.memory_space<vmem_shared>> -> memref<10000x16xf32, #tpu.memory_space<vmem_shared>>
    tpu.wait_indirect_dma semaphore(%arg9 : memref<!tpu.dma_semaphore, #tpu.memory_space<semaphore_mem>>) src(%arg7 : memref<80x16xf32, #tpu.memory_space<vmem>>) dst(%dma_wait3A_152 : memref<10000x16xf32, #tpu.memory_space<vmem_shared>>)
    %dma_wait3A_153 = arith.constant 114 : i32
    %dma_wait3A_154 = arith.constant 0 : i32
    %dma_wait3A_155 = tpu.memref_slice %arg6[%dma_wait3A_153, %dma_wait3A_154] : memref<125x80xi32, #tpu.memory_space<vmem>> -> memref<1x80xi32, #tpu.memory_space<vmem>>
    %dma_wait3A_156 = tpu.memref_squeeze %dma_wait3A_155 : memref<1x80xi32, #tpu.memory_space<vmem>> -> memref<80xi32, #tpu.memory_space<vmem>>
    %dma_wait3A_157 = arith.constant 0 : i32
    %dma_wait3A_158 = arith.constant 0 : i32
    %dma_wait3A_159 = tpu.memref_slice %arg8[%dma_wait3A_157, %dma_wait3A_158] : memref<10000x16xf32, #tpu.memory_space<vmem_shared>> -> memref<10000x16xf32, #tpu.memory_space<vmem_shared>>
    tpu.wait_indirect_dma semaphore(%arg9 : memref<!tpu.dma_semaphore, #tpu.memory_space<semaphore_mem>>) src(%arg7 : memref<80x16xf32, #tpu.memory_space<vmem>>) dst(%dma_wait3A_159 : memref<10000x16xf32, #tpu.memory_space<vmem_shared>>)
    %dma_wait3A_160 = arith.constant 115 : i32
    %dma_wait3A_161 = arith.constant 0 : i32
    %dma_wait3A_162 = tpu.memref_slice %arg6[%dma_wait3A_160, %dma_wait3A_161] : memref<125x80xi32, #tpu.memory_space<vmem>> -> memref<1x80xi32, #tpu.memory_space<vmem>>
    %dma_wait3A_163 = tpu.memref_squeeze %dma_wait3A_162 : memref<1x80xi32, #tpu.memory_space<vmem>> -> memref<80xi32, #tpu.memory_space<vmem>>
    %dma_wait3A_164 = arith.constant 0 : i32
    %dma_wait3A_165 = arith.constant 0 : i32
    %dma_wait3A_166 = tpu.memref_slice %arg8[%dma_wait3A_164, %dma_wait3A_165] : memref<10000x16xf32, #tpu.memory_space<vmem_shared>> -> memref<10000x16xf32, #tpu.memory_space<vmem_shared>>
    tpu.wait_indirect_dma semaphore(%arg9 : memref<!tpu.dma_semaphore, #tpu.memory_space<semaphore_mem>>) src(%arg7 : memref<80x16xf32, #tpu.memory_space<vmem>>) dst(%dma_wait3A_166 : memref<10000x16xf32, #tpu.memory_space<vmem_shared>>)
    %dma_wait3A_167 = arith.constant 116 : i32
    %dma_wait3A_168 = arith.constant 0 : i32
    %dma_wait3A_169 = tpu.memref_slice %arg6[%dma_wait3A_167, %dma_wait3A_168] : memref<125x80xi32, #tpu.memory_space<vmem>> -> memref<1x80xi32, #tpu.memory_space<vmem>>
    %dma_wait3A_170 = tpu.memref_squeeze %dma_wait3A_169 : memref<1x80xi32, #tpu.memory_space<vmem>> -> memref<80xi32, #tpu.memory_space<vmem>>
    %dma_wait3A_171 = arith.constant 0 : i32
    %dma_wait3A_172 = arith.constant 0 : i32
    %dma_wait3A_173 = tpu.memref_slice %arg8[%dma_wait3A_171, %dma_wait3A_172] : memref<10000x16xf32, #tpu.memory_space<vmem_shared>> -> memref<10000x16xf32, #tpu.memory_space<vmem_shared>>
    tpu.wait_indirect_dma semaphore(%arg9 : memref<!tpu.dma_semaphore, #tpu.memory_space<semaphore_mem>>) src(%arg7 : memref<80x16xf32, #tpu.memory_space<vmem>>) dst(%dma_wait3A_173 : memref<10000x16xf32, #tpu.memory_space<vmem_shared>>)
    %dma_wait3A_174 = arith.constant 117 : i32
    %dma_wait3A_175 = arith.constant 0 : i32
    %dma_wait3A_176 = tpu.memref_slice %arg6[%dma_wait3A_174, %dma_wait3A_175] : memref<125x80xi32, #tpu.memory_space<vmem>> -> memref<1x80xi32, #tpu.memory_space<vmem>>
    %dma_wait3A_177 = tpu.memref_squeeze %dma_wait3A_176 : memref<1x80xi32, #tpu.memory_space<vmem>> -> memref<80xi32, #tpu.memory_space<vmem>>
    %dma_wait3A_178 = arith.constant 0 : i32
    %dma_wait3A_179 = arith.constant 0 : i32
    %dma_wait3A_180 = tpu.memref_slice %arg8[%dma_wait3A_178, %dma_wait3A_179] : memref<10000x16xf32, #tpu.memory_space<vmem_shared>> -> memref<10000x16xf32, #tpu.memory_space<vmem_shared>>
    tpu.wait_indirect_dma semaphore(%arg9 : memref<!tpu.dma_semaphore, #tpu.memory_space<semaphore_mem>>) src(%arg7 : memref<80x16xf32, #tpu.memory_space<vmem>>) dst(%dma_wait3A_180 : memref<10000x16xf32, #tpu.memory_space<vmem_shared>>)
    %dma_wait3A_181 = arith.constant 118 : i32
    %dma_wait3A_182 = arith.constant 0 : i32
    %dma_wait3A_183 = tpu.memref_slice %arg6[%dma_wait3A_181, %dma_wait3A_182] : memref<125x80xi32, #tpu.memory_space<vmem>> -> memref<1x80xi32, #tpu.memory_space<vmem>>
    %dma_wait3A_184 = tpu.memref_squeeze %dma_wait3A_183 : memref<1x80xi32, #tpu.memory_space<vmem>> -> memref<80xi32, #tpu.memory_space<vmem>>
    %dma_wait3A_185 = arith.constant 0 : i32
    %dma_wait3A_186 = arith.constant 0 : i32
    %dma_wait3A_187 = tpu.memref_slice %arg8[%dma_wait3A_185, %dma_wait3A_186] : memref<10000x16xf32, #tpu.memory_space<vmem_shared>> -> memref<10000x16xf32, #tpu.memory_space<vmem_shared>>
    tpu.wait_indirect_dma semaphore(%arg9 : memref<!tpu.dma_semaphore, #tpu.memory_space<semaphore_mem>>) src(%arg7 : memref<80x16xf32, #tpu.memory_space<vmem>>) dst(%dma_wait3A_187 : memref<10000x16xf32, #tpu.memory_space<vmem_shared>>)
    %dma_wait3A_188 = arith.constant 119 : i32
    %dma_wait3A_189 = arith.constant 0 : i32
    %dma_wait3A_190 = tpu.memref_slice %arg6[%dma_wait3A_188, %dma_wait3A_189] : memref<125x80xi32, #tpu.memory_space<vmem>> -> memref<1x80xi32, #tpu.memory_space<vmem>>
    %dma_wait3A_191 = tpu.memref_squeeze %dma_wait3A_190 : memref<1x80xi32, #tpu.memory_space<vmem>> -> memref<80xi32, #tpu.memory_space<vmem>>
    %dma_wait3A_192 = arith.constant 0 : i32
    %dma_wait3A_193 = arith.constant 0 : i32
    %dma_wait3A_194 = tpu.memref_slice %arg8[%dma_wait3A_192, %dma_wait3A_193] : memref<10000x16xf32, #tpu.memory_space<vmem_shared>> -> memref<10000x16xf32, #tpu.memory_space<vmem_shared>>
    tpu.wait_indirect_dma semaphore(%arg9 : memref<!tpu.dma_semaphore, #tpu.memory_space<semaphore_mem>>) src(%arg7 : memref<80x16xf32, #tpu.memory_space<vmem>>) dst(%dma_wait3A_194 : memref<10000x16xf32, #tpu.memory_space<vmem_shared>>)
    %dma_wait3A_195 = arith.constant 120 : i32
    %dma_wait3A_196 = arith.constant 0 : i32
    %dma_wait3A_197 = tpu.memref_slice %arg6[%dma_wait3A_195, %dma_wait3A_196] : memref<125x80xi32, #tpu.memory_space<vmem>> -> memref<1x80xi32, #tpu.memory_space<vmem>>
    %dma_wait3A_198 = tpu.memref_squeeze %dma_wait3A_197 : memref<1x80xi32, #tpu.memory_space<vmem>> -> memref<80xi32, #tpu.memory_space<vmem>>
    %dma_wait3A_199 = arith.constant 0 : i32
    %dma_wait3A_200 = arith.constant 0 : i32
    %dma_wait3A_201 = tpu.memref_slice %arg8[%dma_wait3A_199, %dma_wait3A_200] : memref<10000x16xf32, #tpu.memory_space<vmem_shared>> -> memref<10000x16xf32, #tpu.memory_space<vmem_shared>>
    tpu.wait_indirect_dma semaphore(%arg9 : memref<!tpu.dma_semaphore, #tpu.memory_space<semaphore_mem>>) src(%arg7 : memref<80x16xf32, #tpu.memory_space<vmem>>) dst(%dma_wait3A_201 : memref<10000x16xf32, #tpu.memory_space<vmem_shared>>)
    %dma_wait3A_202 = arith.constant 121 : i32
    %dma_wait3A_203 = arith.constant 0 : i32
    %dma_wait3A_204 = tpu.memref_slice %arg6[%dma_wait3A_202, %dma_wait3A_203] : memref<125x80xi32, #tpu.memory_space<vmem>> -> memref<1x80xi32, #tpu.memory_space<vmem>>
    %dma_wait3A_205 = tpu.memref_squeeze %dma_wait3A_204 : memref<1x80xi32, #tpu.memory_space<vmem>> -> memref<80xi32, #tpu.memory_space<vmem>>
    %dma_wait3A_206 = arith.constant 0 : i32
    %dma_wait3A_207 = arith.constant 0 : i32
    %dma_wait3A_208 = tpu.memref_slice %arg8[%dma_wait3A_206, %dma_wait3A_207] : memref<10000x16xf32, #tpu.memory_space<vmem_shared>> -> memref<10000x16xf32, #tpu.memory_space<vmem_shared>>
    tpu.wait_indirect_dma semaphore(%arg9 : memref<!tpu.dma_semaphore, #tpu.memory_space<semaphore_mem>>) src(%arg7 : memref<80x16xf32, #tpu.memory_space<vmem>>) dst(%dma_wait3A_208 : memref<10000x16xf32, #tpu.memory_space<vmem_shared>>)
    %dma_wait3A_209 = arith.constant 122 : i32
    %dma_wait3A_210 = arith.constant 0 : i32
    %dma_wait3A_211 = tpu.memref_slice %arg6[%dma_wait3A_209, %dma_wait3A_210] : memref<125x80xi32, #tpu.memory_space<vmem>> -> memref<1x80xi32, #tpu.memory_space<vmem>>
    %dma_wait3A_212 = tpu.memref_squeeze %dma_wait3A_211 : memref<1x80xi32, #tpu.memory_space<vmem>> -> memref<80xi32, #tpu.memory_space<vmem>>
    %dma_wait3A_213 = arith.constant 0 : i32
    %dma_wait3A_214 = arith.constant 0 : i32
    %dma_wait3A_215 = tpu.memref_slice %arg8[%dma_wait3A_213, %dma_wait3A_214] : memref<10000x16xf32, #tpu.memory_space<vmem_shared>> -> memref<10000x16xf32, #tpu.memory_space<vmem_shared>>
    tpu.wait_indirect_dma semaphore(%arg9 : memref<!tpu.dma_semaphore, #tpu.memory_space<semaphore_mem>>) src(%arg7 : memref<80x16xf32, #tpu.memory_space<vmem>>) dst(%dma_wait3A_215 : memref<10000x16xf32, #tpu.memory_space<vmem_shared>>)
    %dma_wait3A_216 = arith.constant 123 : i32
    %dma_wait3A_217 = arith.constant 0 : i32
    %dma_wait3A_218 = tpu.memref_slice %arg6[%dma_wait3A_216, %dma_wait3A_217] : memref<125x80xi32, #tpu.memory_space<vmem>> -> memref<1x80xi32, #tpu.memory_space<vmem>>
    %dma_wait3A_219 = tpu.memref_squeeze %dma_wait3A_218 : memref<1x80xi32, #tpu.memory_space<vmem>> -> memref<80xi32, #tpu.memory_space<vmem>>
    %dma_wait3A_220 = arith.constant 0 : i32
    %dma_wait3A_221 = arith.constant 0 : i32
    %dma_wait3A_222 = tpu.memref_slice %arg8[%dma_wait3A_220, %dma_wait3A_221] : memref<10000x16xf32, #tpu.memory_space<vmem_shared>> -> memref<10000x16xf32, #tpu.memory_space<vmem_shared>>
    tpu.wait_indirect_dma semaphore(%arg9 : memref<!tpu.dma_semaphore, #tpu.memory_space<semaphore_mem>>) src(%arg7 : memref<80x16xf32, #tpu.memory_space<vmem>>) dst(%dma_wait3A_222 : memref<10000x16xf32, #tpu.memory_space<vmem_shared>>)
    %dma_wait3A_223 = arith.constant 124 : i32
    %dma_wait3A_224 = arith.constant 0 : i32
    %dma_wait3A_225 = tpu.memref_slice %arg6[%dma_wait3A_223, %dma_wait3A_224] : memref<125x80xi32, #tpu.memory_space<vmem>> -> memref<1x80xi32, #tpu.memory_space<vmem>>
    %dma_wait3A_226 = tpu.memref_squeeze %dma_wait3A_225 : memref<1x80xi32, #tpu.memory_space<vmem>> -> memref<80xi32, #tpu.memory_space<vmem>>
    %dma_wait3A_227 = arith.constant 0 : i32
    %dma_wait3A_228 = arith.constant 0 : i32
    %dma_wait3A_229 = tpu.memref_slice %arg8[%dma_wait3A_227, %dma_wait3A_228] : memref<10000x16xf32, #tpu.memory_space<vmem_shared>> -> memref<10000x16xf32, #tpu.memory_space<vmem_shared>>
    tpu.wait_indirect_dma semaphore(%arg9 : memref<!tpu.dma_semaphore, #tpu.memory_space<semaphore_mem>>) src(%arg7 : memref<80x16xf32, #tpu.memory_space<vmem>>) dst(%dma_wait3A_229 : memref<10000x16xf32, #tpu.memory_space<vmem_shared>>)
    %barrier3A_230 = arith.constant 0 : index
    tpu.barrier barrier_id(%barrier3A_230)
    %mul3A_231 = arith.constant 625 : i32
    %mul3A_232 = arith.muli %arg1, %mul3A_231 : i32
    "tpu.region"() ({
      %run_scoped3A = tpu.sem_alloc : memref<!tpu.dma_semaphore, #tpu.memory_space<semaphore_mem>>
      %dma_start3A_233 = arith.constant 0 : i32
      %dma_start3A_234 = arith.constant 0 : i32
      %dma_start3A_235 = tpu.memref_slice %arg5[%arg0, %arg1, %dma_start3A_233, %dma_start3A_234] : memref<2x16x625x16xf32, #tpu.memory_space<hbm>> -> memref<1x1x625x16xf32, #tpu.memory_space<hbm>>
      %dma_start3A_236 = tpu.memref_squeeze %dma_start3A_235 : memref<1x1x625x16xf32, #tpu.memory_space<hbm>> -> memref<625x16xf32, #tpu.memory_space<hbm>>
      %dma_start3A_237 = arith.constant 0 : i32
      %dma_start3A_238 = tpu.memref_slice %arg8[%mul3A_232, %dma_start3A_237] : memref<10000x16xf32, #tpu.memory_space<vmem_shared>> -> memref<625x16xf32, #tpu.memory_space<vmem_shared>>
      tpu.enqueue_dma source(%dma_start3A_238 : memref<625x16xf32, #tpu.memory_space<vmem_shared>>) target(%dma_start3A_236 : memref<625x16xf32, #tpu.memory_space<hbm>>) target_semaphore(%run_scoped3A : memref<!tpu.dma_semaphore, #tpu.memory_space<semaphore_mem>>)
      %dma_wait3A_239 = arith.constant 0 : i32
      %dma_wait3A_240 = arith.constant 0 : i32
      %dma_wait3A_241 = tpu.memref_slice %arg5[%arg0, %arg1, %dma_wait3A_239, %dma_wait3A_240] : memref<2x16x625x16xf32, #tpu.memory_space<hbm>> -> memref<1x1x625x16xf32, #tpu.memory_space<hbm>>
      %dma_wait3A_242 = tpu.memref_squeeze %dma_wait3A_241 : memref<1x1x625x16xf32, #tpu.memory_space<hbm>> -> memref<625x16xf32, #tpu.memory_space<hbm>>
      %dma_wait3A_243 = arith.constant 0 : i32
      %dma_wait3A_244 = tpu.memref_slice %arg8[%mul3A_232, %dma_wait3A_243] : memref<10000x16xf32, #tpu.memory_space<vmem_shared>> -> memref<625x16xf32, #tpu.memory_space<vmem_shared>>
      tpu.wait_dma2 semaphore(%run_scoped3A : memref<!tpu.dma_semaphore, #tpu.memory_space<semaphore_mem>>) src(%dma_wait3A_244 : memref<625x16xf32, #tpu.memory_space<vmem_shared>>) dst(%dma_wait3A_242 : memref<625x16xf32, #tpu.memory_space<hbm>>)
      tpu.yield
    }) : () -> ()
    return
  }
}

#map = affine_map<(d0, d1) -> (0, 0)>
#map1 = affine_map<(d0, d1) -> (0)>
#map2 = affine_map<(d0, d1) -> (0, 0, 0)>
#map3 = affine_map<(d0, d1) -> (0, 0, 0, 0)>
module attributes {stable_mosaic.version = 14 : i64} {
  func.func @_sc_hop(%arg0: i32, %arg1: i32, %arg2: memref<20000x64xf32, #tpu.memory_space<hbm>>, %arg3: memref<320000xi32, #tpu.memory_space<hbm>>, %arg4: memref<16x250x80xi32, #tpu.memory_space<hbm>>, %arg5: memref<625x64xf32, #tpu.memory_space<hbm>>, %arg6: memref<2x16x625x64xf32, #tpu.memory_space<hbm>>, %arg7: memref<20000xi32, #tpu.memory_space<vmem>>, %arg8: memref<250x80xi32, #tpu.memory_space<vmem>>, %arg9: memref<9x80x64xf32, #tpu.memory_space<vmem>>, %arg10: memref<10000x64xf32, #tpu.memory_space<vmem_shared>>, %arg11: memref<!tpu.dma_semaphore, #tpu.memory_space<semaphore_mem>>, %arg12: memref<!tpu.dma_semaphore, #tpu.memory_space<semaphore_mem>>, %arg13: memref<!tpu.dma_semaphore, #tpu.memory_space<semaphore_mem>>, %arg14: memref<!tpu.dma_semaphore, #tpu.memory_space<semaphore_mem>>, %arg15: memref<!tpu.dma_semaphore, #tpu.memory_space<semaphore_mem>>, %arg16: memref<!tpu.dma_semaphore, #tpu.memory_space<semaphore_mem>>, %arg17: memref<!tpu.dma_semaphore, #tpu.memory_space<semaphore_mem>>, %arg18: memref<!tpu.dma_semaphore, #tpu.memory_space<semaphore_mem>>, %arg19: memref<!tpu.dma_semaphore, #tpu.memory_space<semaphore_mem>>, %arg20: memref<!tpu.dma_semaphore, #tpu.memory_space<semaphore_mem>>, %arg21: memref<!tpu.dma_semaphore, #tpu.memory_space<semaphore_mem>>, %arg22: memref<!tpu.dma_semaphore, #tpu.memory_space<semaphore_mem>>, %arg23: memref<!tpu.dma_semaphore, #tpu.memory_space<semaphore_mem>>, %arg24: memref<!tpu.dma_semaphore, #tpu.memory_space<semaphore_mem>>, %arg25: memref<!tpu.dma_semaphore, #tpu.memory_space<semaphore_mem>>, %arg26: memref<!tpu.dma_semaphore, #tpu.memory_space<semaphore_mem>>, %arg27: memref<!tpu.dma_semaphore, #tpu.memory_space<semaphore_mem>>, %arg28: memref<!tpu.dma_semaphore, #tpu.memory_space<semaphore_mem>>) attributes {dimension_semantics = [#tpu.dimension_semantics<core_parallel>, #tpu.dimension_semantics<subcore_parallel>], iteration_bounds = array<i64: 2, 16>, scalar_prefetch = 0 : i64, scratch_operands = 22 : i64, tpu.core_type = #tpu.core_type<sc_vector_subcore>, window_params = [{transform_indices = #map}, {transform_indices = #map1}, {transform_indices = #map2}, {transform_indices = #map}, {transform_indices = #map3}]} {
    %mul3A = arith.constant 20000 : i32
    %mul3A_0 = arith.muli %arg1, %mul3A : i32
    %dma_start3A = tpu.memref_slice %arg3[%mul3A_0] : memref<320000xi32, #tpu.memory_space<hbm>> -> memref<20000xi32, #tpu.memory_space<hbm>>
    %dma_start3A_1 = tpu.memref_slice %arg3[%mul3A_0] : memref<320000xi32, #tpu.memory_space<hbm>> -> memref<20000xi32, #tpu.memory_space<hbm>>
    tpu.enqueue_dma source(%dma_start3A_1 : memref<20000xi32, #tpu.memory_space<hbm>>) target(%arg7 : memref<20000xi32, #tpu.memory_space<vmem>>) target_semaphore(%arg11 : memref<!tpu.dma_semaphore, #tpu.memory_space<semaphore_mem>>)
    %dma_start3A_2 = arith.constant 0 : i32
    %dma_start3A_3 = arith.constant 0 : i32
    %dma_start3A_4 = tpu.memref_slice %arg4[%arg1, %dma_start3A_2, %dma_start3A_3] : memref<16x250x80xi32, #tpu.memory_space<hbm>> -> memref<1x250x80xi32, #tpu.memory_space<hbm>>
    %dma_start3A_5 = tpu.memref_squeeze %dma_start3A_4 : memref<1x250x80xi32, #tpu.memory_space<hbm>> -> memref<250x80xi32, #tpu.memory_space<hbm>>
    %dma_start3A_6 = arith.constant 0 : i32
    %dma_start3A_7 = arith.constant 0 : i32
    %dma_start3A_8 = tpu.memref_slice %arg4[%arg1, %dma_start3A_6, %dma_start3A_7] : memref<16x250x80xi32, #tpu.memory_space<hbm>> -> memref<1x250x80xi32, #tpu.memory_space<hbm>>
    %dma_start3A_9 = tpu.memref_squeeze %dma_start3A_8 : memref<1x250x80xi32, #tpu.memory_space<hbm>> -> memref<250x80xi32, #tpu.memory_space<hbm>>
    tpu.enqueue_dma source(%dma_start3A_9 : memref<250x80xi32, #tpu.memory_space<hbm>>) target(%arg8 : memref<250x80xi32, #tpu.memory_space<vmem>>) target_semaphore(%arg12 : memref<!tpu.dma_semaphore, #tpu.memory_space<semaphore_mem>>)
    %mul3A_10 = arith.constant 625 : i32
    %mul3A_11 = arith.muli %arg1, %mul3A_10 : i32
    %dma_start3A_12 = arith.constant 0 : i32
    %dma_start3A_13 = tpu.memref_slice %arg10[%mul3A_11, %dma_start3A_12] : memref<10000x64xf32, #tpu.memory_space<vmem_shared>> -> memref<625x64xf32, #tpu.memory_space<vmem_shared>>
    tpu.enqueue_dma source(%arg5 : memref<625x64xf32, #tpu.memory_space<hbm>>) target(%dma_start3A_13 : memref<625x64xf32, #tpu.memory_space<vmem_shared>>) target_semaphore(%arg13 : memref<!tpu.dma_semaphore, #tpu.memory_space<semaphore_mem>>)
    %dma_wait3A = tpu.memref_slice %arg3[%mul3A_0] : memref<320000xi32, #tpu.memory_space<hbm>> -> memref<20000xi32, #tpu.memory_space<hbm>>
    %dma_wait3A_14 = tpu.memref_slice %arg3[%mul3A_0] : memref<320000xi32, #tpu.memory_space<hbm>> -> memref<20000xi32, #tpu.memory_space<hbm>>
    tpu.wait_dma2 semaphore(%arg11 : memref<!tpu.dma_semaphore, #tpu.memory_space<semaphore_mem>>) src(%dma_wait3A_14 : memref<20000xi32, #tpu.memory_space<hbm>>) dst(%arg7 : memref<20000xi32, #tpu.memory_space<vmem>>)
    %broadcast_in_dim3A = vector.broadcast %arg0 : i32 to vector<16xi32>
    %scan3A = arith.constant 0 : i32
    %scan3A_15 = arith.constant 0 : i32
    %scan3A_16 = arith.constant 1250 : i32
    %scan3A_17 = arith.addi %scan3A_15, %scan3A_16 : i32
    %scan3A_18 = arith.constant 1 : i32
    scf.for %scan3A_743 = %scan3A_15 to %scan3A_17 step %scan3A_18  : i32 {
      %mul3A_744 = arith.constant 16 : i32
      %mul3A_745 = arith.muli %scan3A_743, %mul3A_744 : i32
      %get3A = arith.index_cast %mul3A_745 : i32 to index
      %get3A_746 = tpu.vector_load %arg7[%get3A] {strides = array<i32>} : memref<20000xi32, #tpu.memory_space<vmem>>, vector<16xi32>,
      %get3A_747 = vector.shape_cast %get3A_746 : vector<16xi32> to vector<16xi32>
      %add3A = arith.addi %get3A_747, %get3A_747 : vector<16xi32>
      %add3A_748 = arith.addi %add3A, %broadcast_in_dim3A : vector<16xi32>
      %mul3A_749 = arith.constant 16 : i32
      %mul3A_750 = arith.muli %scan3A_743, %mul3A_749 : i32
      %swap3A = arith.index_cast %mul3A_750 : i32 to index
      %swap3A_751 = tpu.vector_load %arg7[%swap3A] {strides = array<i32>} : memref<20000xi32, #tpu.memory_space<vmem>>, vector<16xi32>,
      %swap3A_752 = vector.shape_cast %swap3A_751 : vector<16xi32> to vector<16xi32>
      %swap3A_753 = vector.shape_cast %add3A_748 : vector<16xi32> to vector<16xi32>
      tpu.vector_store %arg7[%swap3A], %swap3A_753 {strides = array<i32>} : memref<20000xi32, #tpu.memory_space<vmem>>, vector<16xi32>,
    }
    %scan3A_19 = arith.constant 1250 : i32
    %dma_wait3A_20 = arith.constant 0 : i32
    %dma_wait3A_21 = arith.constant 0 : i32
    %dma_wait3A_22 = tpu.memref_slice %arg4[%arg1, %dma_wait3A_20, %dma_wait3A_21] : memref<16x250x80xi32, #tpu.memory_space<hbm>> -> memref<1x250x80xi32, #tpu.memory_space<hbm>>
    %dma_wait3A_23 = tpu.memref_squeeze %dma_wait3A_22 : memref<1x250x80xi32, #tpu.memory_space<hbm>> -> memref<250x80xi32, #tpu.memory_space<hbm>>
    %dma_wait3A_24 = arith.constant 0 : i32
    %dma_wait3A_25 = arith.constant 0 : i32
    %dma_wait3A_26 = tpu.memref_slice %arg4[%arg1, %dma_wait3A_24, %dma_wait3A_25] : memref<16x250x80xi32, #tpu.memory_space<hbm>> -> memref<1x250x80xi32, #tpu.memory_space<hbm>>
    %dma_wait3A_27 = tpu.memref_squeeze %dma_wait3A_26 : memref<1x250x80xi32, #tpu.memory_space<hbm>> -> memref<250x80xi32, #tpu.memory_space<hbm>>
    tpu.wait_dma2 semaphore(%arg12 : memref<!tpu.dma_semaphore, #tpu.memory_space<semaphore_mem>>) src(%dma_wait3A_27 : memref<250x80xi32, #tpu.memory_space<hbm>>) dst(%arg8 : memref<250x80xi32, #tpu.memory_space<vmem>>)
    %dma_wait3A_28 = arith.constant 0 : i32
    %dma_wait3A_29 = tpu.memref_slice %arg10[%mul3A_11, %dma_wait3A_28] : memref<10000x64xf32, #tpu.memory_space<vmem_shared>> -> memref<625x64xf32, #tpu.memory_space<vmem_shared>>
    tpu.wait_dma2 semaphore(%arg13 : memref<!tpu.dma_semaphore, #tpu.memory_space<semaphore_mem>>) src(%arg5 : memref<625x64xf32, #tpu.memory_space<hbm>>) dst(%dma_wait3A_29 : memref<625x64xf32, #tpu.memory_space<vmem_shared>>)
    %barrier3A = arith.constant 0 : index
    tpu.barrier barrier_id(%barrier3A)
    %dma_start3A_30 = arith.constant 0 : i32
    %dma_start3A_31 = arith.constant 0 : i32
    %dma_start3A_32 = arith.constant 0 : i32
    %dma_start3A_33 = tpu.memref_slice %arg9[%dma_start3A_30, %dma_start3A_31, %dma_start3A_32] : memref<9x80x64xf32, #tpu.memory_space<vmem>> -> memref<1x80x64xf32, #tpu.memory_space<vmem>>
    %dma_start3A_34 = tpu.memref_squeeze %dma_start3A_33 : memref<1x80x64xf32, #tpu.memory_space<vmem>> -> memref<80x64xf32, #tpu.memory_space<vmem>>
    %dma_start3A_35 = arith.constant 0 : i32
    %dma_start3A_36 = tpu.memref_slice %arg7[%dma_start3A_35] : memref<20000xi32, #tpu.memory_space<vmem>> -> memref<80xi32, #tpu.memory_space<vmem>>
    %dma_start3A_37 = arith.constant 0 : i32
    %dma_start3A_38 = arith.constant 0 : i32
    %dma_start3A_39 = tpu.memref_slice %arg2[%dma_start3A_37, %dma_start3A_38] : memref<20000x64xf32, #tpu.memory_space<hbm>> -> memref<20000x64xf32, #tpu.memory_space<hbm>>
    tpu.enqueue_indirect_dma source(%dma_start3A_39 : memref<20000x64xf32, #tpu.memory_space<hbm>>) target(%dma_start3A_34 : memref<80x64xf32, #tpu.memory_space<vmem>>) offsets(%dma_start3A_36 : memref<80xi32, #tpu.memory_space<vmem>>) semaphore(%arg11 : memref<!tpu.dma_semaphore, #tpu.memory_space<semaphore_mem>>)
    %dma_start3A_40 = arith.constant 1 : i32
    %dma_start3A_41 = arith.constant 0 : i32
    %dma_start3A_42 = arith.constant 0 : i32
    %dma_start3A_43 = tpu.memref_slice %arg9[%dma_start3A_40, %dma_start3A_41, %dma_start3A_42] : memref<9x80x64xf32, #tpu.memory_space<vmem>> -> memref<1x80x64xf32, #tpu.memory_space<vmem>>
    %dma_start3A_44 = tpu.memref_squeeze %dma_start3A_43 : memref<1x80x64xf32, #tpu.memory_space<vmem>> -> memref<80x64xf32, #tpu.memory_space<vmem>>
    %dma_start3A_45 = arith.constant 80 : i32
    %dma_start3A_46 = tpu.memref_slice %arg7[%dma_start3A_45] : memref<20000xi32, #tpu.memory_space<vmem>> -> memref<80xi32, #tpu.memory_space<vmem>>
    %dma_start3A_47 = arith.constant 0 : i32
    %dma_start3A_48 = arith.constant 0 : i32
    %dma_start3A_49 = tpu.memref_slice %arg2[%dma_start3A_47, %dma_start3A_48] : memref<20000x64xf32, #tpu.memory_space<hbm>> -> memref<20000x64xf32, #tpu.memory_space<hbm>>
    tpu.enqueue_indirect_dma source(%dma_start3A_49 : memref<20000x64xf32, #tpu.memory_space<hbm>>) target(%dma_start3A_44 : memref<80x64xf32, #tpu.memory_space<vmem>>) offsets(%dma_start3A_46 : memref<80xi32, #tpu.memory_space<vmem>>) semaphore(%arg12 : memref<!tpu.dma_semaphore, #tpu.memory_space<semaphore_mem>>)
    %dma_start3A_50 = arith.constant 2 : i32
    %dma_start3A_51 = arith.constant 0 : i32
    %dma_start3A_52 = arith.constant 0 : i32
    %dma_start3A_53 = tpu.memref_slice %arg9[%dma_start3A_50, %dma_start3A_51, %dma_start3A_52] : memref<9x80x64xf32, #tpu.memory_space<vmem>> -> memref<1x80x64xf32, #tpu.memory_space<vmem>>
    %dma_start3A_54 = tpu.memref_squeeze %dma_start3A_53 : memref<1x80x64xf32, #tpu.memory_space<vmem>> -> memref<80x64xf32, #tpu.memory_space<vmem>>
    %dma_start3A_55 = arith.constant 160 : i32
    %dma_start3A_56 = tpu.memref_slice %arg7[%dma_start3A_55] : memref<20000xi32, #tpu.memory_space<vmem>> -> memref<80xi32, #tpu.memory_space<vmem>>
    %dma_start3A_57 = arith.constant 0 : i32
    %dma_start3A_58 = arith.constant 0 : i32
    %dma_start3A_59 = tpu.memref_slice %arg2[%dma_start3A_57, %dma_start3A_58] : memref<20000x64xf32, #tpu.memory_space<hbm>> -> memref<20000x64xf32, #tpu.memory_space<hbm>>
    tpu.enqueue_indirect_dma source(%dma_start3A_59 : memref<20000x64xf32, #tpu.memory_space<hbm>>) target(%dma_start3A_54 : memref<80x64xf32, #tpu.memory_space<vmem>>) offsets(%dma_start3A_56 : memref<80xi32, #tpu.memory_space<vmem>>) semaphore(%arg13 : memref<!tpu.dma_semaphore, #tpu.memory_space<semaphore_mem>>)
    %dma_start3A_60 = arith.constant 3 : i32
    %dma_start3A_61 = arith.constant 0 : i32
    %dma_start3A_62 = arith.constant 0 : i32
    %dma_start3A_63 = tpu.memref_slice %arg9[%dma_start3A_60, %dma_start3A_61, %dma_start3A_62] : memref<9x80x64xf32, #tpu.memory_space<vmem>> -> memref<1x80x64xf32, #tpu.memory_space<vmem>>
    %dma_start3A_64 = tpu.memref_squeeze %dma_start3A_63 : memref<1x80x64xf32, #tpu.memory_space<vmem>> -> memref<80x64xf32, #tpu.memory_space<vmem>>
    %dma_start3A_65 = arith.constant 240 : i32
    %dma_start3A_66 = tpu.memref_slice %arg7[%dma_start3A_65] : memref<20000xi32, #tpu.memory_space<vmem>> -> memref<80xi32, #tpu.memory_space<vmem>>
    %dma_start3A_67 = arith.constant 0 : i32
    %dma_start3A_68 = arith.constant 0 : i32
    %dma_start3A_69 = tpu.memref_slice %arg2[%dma_start3A_67, %dma_start3A_68] : memref<20000x64xf32, #tpu.memory_space<hbm>> -> memref<20000x64xf32, #tpu.memory_space<hbm>>
    tpu.enqueue_indirect_dma source(%dma_start3A_69 : memref<20000x64xf32, #tpu.memory_space<hbm>>) target(%dma_start3A_64 : memref<80x64xf32, #tpu.memory_space<vmem>>) offsets(%dma_start3A_66 : memref<80xi32, #tpu.memory_space<vmem>>) semaphore(%arg14 : memref<!tpu.dma_semaphore, #tpu.memory_space<semaphore_mem>>)
    %dma_start3A_70 = arith.constant 4 : i32
    %dma_start3A_71 = arith.constant 0 : i32
    %dma_start3A_72 = arith.constant 0 : i32
    %dma_start3A_73 = tpu.memref_slice %arg9[%dma_start3A_70, %dma_start3A_71, %dma_start3A_72] : memref<9x80x64xf32, #tpu.memory_space<vmem>> -> memref<1x80x64xf32, #tpu.memory_space<vmem>>
    %dma_start3A_74 = tpu.memref_squeeze %dma_start3A_73 : memref<1x80x64xf32, #tpu.memory_space<vmem>> -> memref<80x64xf32, #tpu.memory_space<vmem>>
    %dma_start3A_75 = arith.constant 320 : i32
    %dma_start3A_76 = tpu.memref_slice %arg7[%dma_start3A_75] : memref<20000xi32, #tpu.memory_space<vmem>> -> memref<80xi32, #tpu.memory_space<vmem>>
    %dma_start3A_77 = arith.constant 0 : i32
    %dma_start3A_78 = arith.constant 0 : i32
    %dma_start3A_79 = tpu.memref_slice %arg2[%dma_start3A_77, %dma_start3A_78] : memref<20000x64xf32, #tpu.memory_space<hbm>> -> memref<20000x64xf32, #tpu.memory_space<hbm>>
    tpu.enqueue_indirect_dma source(%dma_start3A_79 : memref<20000x64xf32, #tpu.memory_space<hbm>>) target(%dma_start3A_74 : memref<80x64xf32, #tpu.memory_space<vmem>>) offsets(%dma_start3A_76 : memref<80xi32, #tpu.memory_space<vmem>>) semaphore(%arg15 : memref<!tpu.dma_semaphore, #tpu.memory_space<semaphore_mem>>)
    %dma_start3A_80 = arith.constant 5 : i32
    %dma_start3A_81 = arith.constant 0 : i32
    %dma_start3A_82 = arith.constant 0 : i32
    %dma_start3A_83 = tpu.memref_slice %arg9[%dma_start3A_80, %dma_start3A_81, %dma_start3A_82] : memref<9x80x64xf32, #tpu.memory_space<vmem>> -> memref<1x80x64xf32, #tpu.memory_space<vmem>>
    %dma_start3A_84 = tpu.memref_squeeze %dma_start3A_83 : memref<1x80x64xf32, #tpu.memory_space<vmem>> -> memref<80x64xf32, #tpu.memory_space<vmem>>
    %dma_start3A_85 = arith.constant 400 : i32
    %dma_start3A_86 = tpu.memref_slice %arg7[%dma_start3A_85] : memref<20000xi32, #tpu.memory_space<vmem>> -> memref<80xi32, #tpu.memory_space<vmem>>
    %dma_start3A_87 = arith.constant 0 : i32
    %dma_start3A_88 = arith.constant 0 : i32
    %dma_start3A_89 = tpu.memref_slice %arg2[%dma_start3A_87, %dma_start3A_88] : memref<20000x64xf32, #tpu.memory_space<hbm>> -> memref<20000x64xf32, #tpu.memory_space<hbm>>
    tpu.enqueue_indirect_dma source(%dma_start3A_89 : memref<20000x64xf32, #tpu.memory_space<hbm>>) target(%dma_start3A_84 : memref<80x64xf32, #tpu.memory_space<vmem>>) offsets(%dma_start3A_86 : memref<80xi32, #tpu.memory_space<vmem>>) semaphore(%arg16 : memref<!tpu.dma_semaphore, #tpu.memory_space<semaphore_mem>>)
    %dma_start3A_90 = arith.constant 6 : i32
    %dma_start3A_91 = arith.constant 0 : i32
    %dma_start3A_92 = arith.constant 0 : i32
    %dma_start3A_93 = tpu.memref_slice %arg9[%dma_start3A_90, %dma_start3A_91, %dma_start3A_92] : memref<9x80x64xf32, #tpu.memory_space<vmem>> -> memref<1x80x64xf32, #tpu.memory_space<vmem>>
    %dma_start3A_94 = tpu.memref_squeeze %dma_start3A_93 : memref<1x80x64xf32, #tpu.memory_space<vmem>> -> memref<80x64xf32, #tpu.memory_space<vmem>>
    %dma_start3A_95 = arith.constant 480 : i32
    %dma_start3A_96 = tpu.memref_slice %arg7[%dma_start3A_95] : memref<20000xi32, #tpu.memory_space<vmem>> -> memref<80xi32, #tpu.memory_space<vmem>>
    %dma_start3A_97 = arith.constant 0 : i32
    %dma_start3A_98 = arith.constant 0 : i32
    %dma_start3A_99 = tpu.memref_slice %arg2[%dma_start3A_97, %dma_start3A_98] : memref<20000x64xf32, #tpu.memory_space<hbm>> -> memref<20000x64xf32, #tpu.memory_space<hbm>>
    tpu.enqueue_indirect_dma source(%dma_start3A_99 : memref<20000x64xf32, #tpu.memory_space<hbm>>) target(%dma_start3A_94 : memref<80x64xf32, #tpu.memory_space<vmem>>) offsets(%dma_start3A_96 : memref<80xi32, #tpu.memory_space<vmem>>) semaphore(%arg17 : memref<!tpu.dma_semaphore, #tpu.memory_space<semaphore_mem>>)
    %dma_start3A_100 = arith.constant 7 : i32
    %dma_start3A_101 = arith.constant 0 : i32
    %dma_start3A_102 = arith.constant 0 : i32
    %dma_start3A_103 = tpu.memref_slice %arg9[%dma_start3A_100, %dma_start3A_101, %dma_start3A_102] : memref<9x80x64xf32, #tpu.memory_space<vmem>> -> memref<1x80x64xf32, #tpu.memory_space<vmem>>
    %dma_start3A_104 = tpu.memref_squeeze %dma_start3A_103 : memref<1x80x64xf32, #tpu.memory_space<vmem>> -> memref<80x64xf32, #tpu.memory_space<vmem>>
    %dma_start3A_105 = arith.constant 560 : i32
    %dma_start3A_106 = tpu.memref_slice %arg7[%dma_start3A_105] : memref<20000xi32, #tpu.memory_space<vmem>> -> memref<80xi32, #tpu.memory_space<vmem>>
    %dma_start3A_107 = arith.constant 0 : i32
    %dma_start3A_108 = arith.constant 0 : i32
    %dma_start3A_109 = tpu.memref_slice %arg2[%dma_start3A_107, %dma_start3A_108] : memref<20000x64xf32, #tpu.memory_space<hbm>> -> memref<20000x64xf32, #tpu.memory_space<hbm>>
    tpu.enqueue_indirect_dma source(%dma_start3A_109 : memref<20000x64xf32, #tpu.memory_space<hbm>>) target(%dma_start3A_104 : memref<80x64xf32, #tpu.memory_space<vmem>>) offsets(%dma_start3A_106 : memref<80xi32, #tpu.memory_space<vmem>>) semaphore(%arg18 : memref<!tpu.dma_semaphore, #tpu.memory_space<semaphore_mem>>)
    %dma_wait3A_110 = arith.constant 0 : i32
    %dma_wait3A_111 = arith.constant 0 : i32
    %dma_wait3A_112 = arith.constant 0 : i32
    %dma_wait3A_113 = tpu.memref_slice %arg9[%dma_wait3A_110, %dma_wait3A_111, %dma_wait3A_112] : memref<9x80x64xf32, #tpu.memory_space<vmem>> -> memref<1x80x64xf32, #tpu.memory_space<vmem>>
    %dma_wait3A_114 = tpu.memref_squeeze %dma_wait3A_113 : memref<1x80x64xf32, #tpu.memory_space<vmem>> -> memref<80x64xf32, #tpu.memory_space<vmem>>
    %dma_wait3A_115 = arith.constant 0 : i32
    %dma_wait3A_116 = tpu.memref_slice %arg7[%dma_wait3A_115] : memref<20000xi32, #tpu.memory_space<vmem>> -> memref<80xi32, #tpu.memory_space<vmem>>
    %dma_wait3A_117 = arith.constant 0 : i32
    %dma_wait3A_118 = arith.constant 0 : i32
    %dma_wait3A_119 = tpu.memref_slice %arg2[%dma_wait3A_117, %dma_wait3A_118] : memref<20000x64xf32, #tpu.memory_space<hbm>> -> memref<20000x64xf32, #tpu.memory_space<hbm>>
    tpu.wait_indirect_dma semaphore(%arg11 : memref<!tpu.dma_semaphore, #tpu.memory_space<semaphore_mem>>) src(%dma_wait3A_119 : memref<20000x64xf32, #tpu.memory_space<hbm>>) dst(%dma_wait3A_114 : memref<80x64xf32, #tpu.memory_space<vmem>>)
    %dma_start3A_120 = arith.constant 0 : i32
    %dma_start3A_121 = arith.constant 0 : i32
    %dma_start3A_122 = arith.constant 0 : i32
    %dma_start3A_123 = arith.constant 0 : i32
    %dma_start3A_124 = tpu.memref_slice %arg9[%dma_start3A_120, %dma_start3A_122, %dma_start3A_123] : memref<9x80x64xf32, #tpu.memory_space<vmem>> -> memref<1x80x64xf32, #tpu.memory_space<vmem>>
    %dma_start3A_125 = tpu.memref_squeeze %dma_start3A_124 : memref<1x80x64xf32, #tpu.memory_space<vmem>> -> memref<80x64xf32, #tpu.memory_space<vmem>>
    %dma_start3A_126 = arith.constant 0 : i32
    %dma_start3A_127 = tpu.memref_slice %arg8[%dma_start3A_121, %dma_start3A_126] : memref<250x80xi32, #tpu.memory_space<vmem>> -> memref<1x80xi32, #tpu.memory_space<vmem>>
    %dma_start3A_128 = tpu.memref_squeeze %dma_start3A_127 : memref<1x80xi32, #tpu.memory_space<vmem>> -> memref<80xi32, #tpu.memory_space<vmem>>
    %dma_start3A_129 = arith.constant 0 : i32
    %dma_start3A_130 = arith.constant 0 : i32
    %dma_start3A_131 = tpu.memref_slice %arg10[%dma_start3A_129, %dma_start3A_130] : memref<10000x64xf32, #tpu.memory_space<vmem_shared>> -> memref<10000x64xf32, #tpu.memory_space<vmem_shared>>
    tpu.enqueue_indirect_dma source(%dma_start3A_125 : memref<80x64xf32, #tpu.memory_space<vmem>>) target(%dma_start3A_131 : memref<10000x64xf32, #tpu.memory_space<vmem_shared>>) offsets(%dma_start3A_128 : memref<80xi32, #tpu.memory_space<vmem>>) semaphore(%arg20 : memref<!tpu.dma_semaphore, #tpu.memory_space<semaphore_mem>>) {add = true}
    %dma_start3A_132 = arith.constant 8 : i32
    %dma_start3A_133 = arith.constant 0 : i32
    %dma_start3A_134 = arith.constant 0 : i32
    %dma_start3A_135 = tpu.memref_slice %arg9[%dma_start3A_132, %dma_start3A_133, %dma_start3A_134] : memref<9x80x64xf32, #tpu.memory_space<vmem>> -> memref<1x80x64xf32, #tpu.memory_space<vmem>>
    %dma_start3A_136 = tpu.memref_squeeze %dma_start3A_135 : memref<1x80x64xf32, #tpu.memory_space<vmem>> -> memref<80x64xf32, #tpu.memory_space<vmem>>
    %dma_start3A_137 = arith.constant 640 : i32
    %dma_start3A_138 = tpu.memref_slice %arg7[%dma_start3A_137] : memref<20000xi32, #tpu.memory_space<vmem>> -> memref<80xi32, #tpu.memory_space<vmem>>
    %dma_start3A_139 = arith.constant 0 : i32
    %dma_start3A_140 = arith.constant 0 : i32
    %dma_start3A_141 = tpu.memref_slice %arg2[%dma_start3A_139, %dma_start3A_140] : memref<20000x64xf32, #tpu.memory_space<hbm>> -> memref<20000x64xf32, #tpu.memory_space<hbm>>
    tpu.enqueue_indirect_dma source(%dma_start3A_141 : memref<20000x64xf32, #tpu.memory_space<hbm>>) target(%dma_start3A_136 : memref<80x64xf32, #tpu.memory_space<vmem>>) offsets(%dma_start3A_138 : memref<80xi32, #tpu.memory_space<vmem>>) semaphore(%arg19 : memref<!tpu.dma_semaphore, #tpu.memory_space<semaphore_mem>>)
    %dma_wait3A_142 = arith.constant 1 : i32
    %dma_wait3A_143 = arith.constant 0 : i32
    %dma_wait3A_144 = arith.constant 0 : i32
    %dma_wait3A_145 = tpu.memref_slice %arg9[%dma_wait3A_142, %dma_wait3A_143, %dma_wait3A_144] : memref<9x80x64xf32, #tpu.memory_space<vmem>> -> memref<1x80x64xf32, #tpu.memory_space<vmem>>
    %dma_wait3A_146 = tpu.memref_squeeze %dma_wait3A_145 : memref<1x80x64xf32, #tpu.memory_space<vmem>> -> memref<80x64xf32, #tpu.memory_space<vmem>>
    %dma_wait3A_147 = arith.constant 80 : i32
    %dma_wait3A_148 = tpu.memref_slice %arg7[%dma_wait3A_147] : memref<20000xi32, #tpu.memory_space<vmem>> -> memref<80xi32, #tpu.memory_space<vmem>>
    %dma_wait3A_149 = arith.constant 0 : i32
    %dma_wait3A_150 = arith.constant 0 : i32
    %dma_wait3A_151 = tpu.memref_slice %arg2[%dma_wait3A_149, %dma_wait3A_150] : memref<20000x64xf32, #tpu.memory_space<hbm>> -> memref<20000x64xf32, #tpu.memory_space<hbm>>
    tpu.wait_indirect_dma semaphore(%arg12 : memref<!tpu.dma_semaphore, #tpu.memory_space<semaphore_mem>>) src(%dma_wait3A_151 : memref<20000x64xf32, #tpu.memory_space<hbm>>) dst(%dma_wait3A_146 : memref<80x64xf32, #tpu.memory_space<vmem>>)
    %dma_start3A_152 = arith.constant 1 : i32
    %dma_start3A_153 = arith.constant 1 : i32
    %dma_start3A_154 = arith.constant 0 : i32
    %dma_start3A_155 = arith.constant 0 : i32
    %dma_start3A_156 = tpu.memref_slice %arg9[%dma_start3A_152, %dma_start3A_154, %dma_start3A_155] : memref<9x80x64xf32, #tpu.memory_space<vmem>> -> memref<1x80x64xf32, #tpu.memory_space<vmem>>
    %dma_start3A_157 = tpu.memref_squeeze %dma_start3A_156 : memref<1x80x64xf32, #tpu.memory_space<vmem>> -> memref<80x64xf32, #tpu.memory_space<vmem>>
    %dma_start3A_158 = arith.constant 0 : i32
    %dma_start3A_159 = tpu.memref_slice %arg8[%dma_start3A_153, %dma_start3A_158] : memref<250x80xi32, #tpu.memory_space<vmem>> -> memref<1x80xi32, #tpu.memory_space<vmem>>
    %dma_start3A_160 = tpu.memref_squeeze %dma_start3A_159 : memref<1x80xi32, #tpu.memory_space<vmem>> -> memref<80xi32, #tpu.memory_space<vmem>>
    %dma_start3A_161 = arith.constant 0 : i32
    %dma_start3A_162 = arith.constant 0 : i32
    %dma_start3A_163 = tpu.memref_slice %arg10[%dma_start3A_161, %dma_start3A_162] : memref<10000x64xf32, #tpu.memory_space<vmem_shared>> -> memref<10000x64xf32, #tpu.memory_space<vmem_shared>>
    tpu.enqueue_indirect_dma source(%dma_start3A_157 : memref<80x64xf32, #tpu.memory_space<vmem>>) target(%dma_start3A_163 : memref<10000x64xf32, #tpu.memory_space<vmem_shared>>) offsets(%dma_start3A_160 : memref<80xi32, #tpu.memory_space<vmem>>) semaphore(%arg21 : memref<!tpu.dma_semaphore, #tpu.memory_space<semaphore_mem>>) {add = true}
    %dma_wait3A_164 = arith.constant 0 : i32
    %dma_wait3A_165 = arith.constant 0 : i32
    %dma_wait3A_166 = arith.constant 0 : i32
    %dma_wait3A_167 = arith.constant 0 : i32
    %dma_wait3A_168 = tpu.memref_slice %arg9[%dma_wait3A_164, %dma_wait3A_166, %dma_wait3A_167] : memref<9x80x64xf32, #tpu.memory_space<vmem>> -> memref<1x80x64xf32, #tpu.memory_space<vmem>>
    %dma_wait3A_169 = tpu.memref_squeeze %dma_wait3A_168 : memref<1x80x64xf32, #tpu.memory_space<vmem>> -> memref<80x64xf32, #tpu.memory_space<vmem>>
    %dma_wait3A_170 = arith.constant 0 : i32
    %dma_wait3A_171 = tpu.memref_slice %arg8[%dma_wait3A_165, %dma_wait3A_170] : memref<250x80xi32, #tpu.memory_space<vmem>> -> memref<1x80xi32, #tpu.memory_space<vmem>>
    %dma_wait3A_172 = tpu.memref_squeeze %dma_wait3A_171 : memref<1x80xi32, #tpu.memory_space<vmem>> -> memref<80xi32, #tpu.memory_space<vmem>>
    %dma_wait3A_173 = arith.constant 0 : i32
    %dma_wait3A_174 = arith.constant 0 : i32
    %dma_wait3A_175 = tpu.memref_slice %arg10[%dma_wait3A_173, %dma_wait3A_174] : memref<10000x64xf32, #tpu.memory_space<vmem_shared>> -> memref<10000x64xf32, #tpu.memory_space<vmem_shared>>
    tpu.wait_indirect_dma semaphore(%arg20 : memref<!tpu.dma_semaphore, #tpu.memory_space<semaphore_mem>>) src(%dma_wait3A_169 : memref<80x64xf32, #tpu.memory_space<vmem>>) dst(%dma_wait3A_175 : memref<10000x64xf32, #tpu.memory_space<vmem_shared>>)
    %dma_start3A_176 = arith.constant 0 : i32
    %dma_start3A_177 = arith.constant 0 : i32
    %dma_start3A_178 = arith.constant 0 : i32
    %dma_start3A_179 = tpu.memref_slice %arg9[%dma_start3A_176, %dma_start3A_177, %dma_start3A_178] : memref<9x80x64xf32, #tpu.memory_space<vmem>> -> memref<1x80x64xf32, #tpu.memory_space<vmem>>
    %dma_start3A_180 = tpu.memref_squeeze %dma_start3A_179 : memref<1x80x64xf32, #tpu.memory_space<vmem>> -> memref<80x64xf32, #tpu.memory_space<vmem>>
    %dma_start3A_181 = arith.constant 720 : i32
    %dma_start3A_182 = tpu.memref_slice %arg7[%dma_start3A_181] : memref<20000xi32, #tpu.memory_space<vmem>> -> memref<80xi32, #tpu.memory_space<vmem>>
    %dma_start3A_183 = arith.constant 0 : i32
    %dma_start3A_184 = arith.constant 0 : i32
    %dma_start3A_185 = tpu.memref_slice %arg2[%dma_start3A_183, %dma_start3A_184] : memref<20000x64xf32, #tpu.memory_space<hbm>> -> memref<20000x64xf32, #tpu.memory_space<hbm>>
    tpu.enqueue_indirect_dma source(%dma_start3A_185 : memref<20000x64xf32, #tpu.memory_space<hbm>>) target(%dma_start3A_180 : memref<80x64xf32, #tpu.memory_space<vmem>>) offsets(%dma_start3A_182 : memref<80xi32, #tpu.memory_space<vmem>>) semaphore(%arg11 : memref<!tpu.dma_semaphore, #tpu.memory_space<semaphore_mem>>)
    %dma_wait3A_186 = arith.constant 2 : i32
    %dma_wait3A_187 = arith.constant 0 : i32
    %dma_wait3A_188 = arith.constant 0 : i32
    %dma_wait3A_189 = tpu.memref_slice %arg9[%dma_wait3A_186, %dma_wait3A_187, %dma_wait3A_188] : memref<9x80x64xf32, #tpu.memory_space<vmem>> -> memref<1x80x64xf32, #tpu.memory_space<vmem>>
    %dma_wait3A_190 = tpu.memref_squeeze %dma_wait3A_189 : memref<1x80x64xf32, #tpu.memory_space<vmem>> -> memref<80x64xf32, #tpu.memory_space<vmem>>
    %dma_wait3A_191 = arith.constant 160 : i32
    %dma_wait3A_192 = tpu.memref_slice %arg7[%dma_wait3A_191] : memref<20000xi32, #tpu.memory_space<vmem>> -> memref<80xi32, #tpu.memory_space<vmem>>
    %dma_wait3A_193 = arith.constant 0 : i32
    %dma_wait3A_194 = arith.constant 0 : i32
    %dma_wait3A_195 = tpu.memref_slice %arg2[%dma_wait3A_193, %dma_wait3A_194] : memref<20000x64xf32, #tpu.memory_space<hbm>> -> memref<20000x64xf32, #tpu.memory_space<hbm>>
    tpu.wait_indirect_dma semaphore(%arg13 : memref<!tpu.dma_semaphore, #tpu.memory_space<semaphore_mem>>) src(%dma_wait3A_195 : memref<20000x64xf32, #tpu.memory_space<hbm>>) dst(%dma_wait3A_190 : memref<80x64xf32, #tpu.memory_space<vmem>>)
    %dma_start3A_196 = arith.constant 2 : i32
    %dma_start3A_197 = arith.constant 2 : i32
    %dma_start3A_198 = arith.constant 0 : i32
    %dma_start3A_199 = arith.constant 0 : i32
    %dma_start3A_200 = tpu.memref_slice %arg9[%dma_start3A_196, %dma_start3A_198, %dma_start3A_199] : memref<9x80x64xf32, #tpu.memory_space<vmem>> -> memref<1x80x64xf32, #tpu.memory_space<vmem>>
    %dma_start3A_201 = tpu.memref_squeeze %dma_start3A_200 : memref<1x80x64xf32, #tpu.memory_space<vmem>> -> memref<80x64xf32, #tpu.memory_space<vmem>>
    %dma_start3A_202 = arith.constant 0 : i32
    %dma_start3A_203 = tpu.memref_slice %arg8[%dma_start3A_197, %dma_start3A_202] : memref<250x80xi32, #tpu.memory_space<vmem>> -> memref<1x80xi32, #tpu.memory_space<vmem>>
    %dma_start3A_204 = tpu.memref_squeeze %dma_start3A_203 : memref<1x80xi32, #tpu.memory_space<vmem>> -> memref<80xi32, #tpu.memory_space<vmem>>
    %dma_start3A_205 = arith.constant 0 : i32
    %dma_start3A_206 = arith.constant 0 : i32
    %dma_start3A_207 = tpu.memref_slice %arg10[%dma_start3A_205, %dma_start3A_206] : memref<10000x64xf32, #tpu.memory_space<vmem_shared>> -> memref<10000x64xf32, #tpu.memory_space<vmem_shared>>
    tpu.enqueue_indirect_dma source(%dma_start3A_201 : memref<80x64xf32, #tpu.memory_space<vmem>>) target(%dma_start3A_207 : memref<10000x64xf32, #tpu.memory_space<vmem_shared>>) offsets(%dma_start3A_204 : memref<80xi32, #tpu.memory_space<vmem>>) semaphore(%arg22 : memref<!tpu.dma_semaphore, #tpu.memory_space<semaphore_mem>>) {add = true}
    %dma_wait3A_208 = arith.constant 1 : i32
    %dma_wait3A_209 = arith.constant 1 : i32
    %dma_wait3A_210 = arith.constant 0 : i32
    %dma_wait3A_211 = arith.constant 0 : i32
    %dma_wait3A_212 = tpu.memref_slice %arg9[%dma_wait3A_208, %dma_wait3A_210, %dma_wait3A_211] : memref<9x80x64xf32, #tpu.memory_space<vmem>> -> memref<1x80x64xf32, #tpu.memory_space<vmem>>
    %dma_wait3A_213 = tpu.memref_squeeze %dma_wait3A_212 : memref<1x80x64xf32, #tpu.memory_space<vmem>> -> memref<80x64xf32, #tpu.memory_space<vmem>>
    %dma_wait3A_214 = arith.constant 0 : i32
    %dma_wait3A_215 = tpu.memref_slice %arg8[%dma_wait3A_209, %dma_wait3A_214] : memref<250x80xi32, #tpu.memory_space<vmem>> -> memref<1x80xi32, #tpu.memory_space<vmem>>
    %dma_wait3A_216 = tpu.memref_squeeze %dma_wait3A_215 : memref<1x80xi32, #tpu.memory_space<vmem>> -> memref<80xi32, #tpu.memory_space<vmem>>
    %dma_wait3A_217 = arith.constant 0 : i32
    %dma_wait3A_218 = arith.constant 0 : i32
    %dma_wait3A_219 = tpu.memref_slice %arg10[%dma_wait3A_217, %dma_wait3A_218] : memref<10000x64xf32, #tpu.memory_space<vmem_shared>> -> memref<10000x64xf32, #tpu.memory_space<vmem_shared>>
    tpu.wait_indirect_dma semaphore(%arg21 : memref<!tpu.dma_semaphore, #tpu.memory_space<semaphore_mem>>) src(%dma_wait3A_213 : memref<80x64xf32, #tpu.memory_space<vmem>>) dst(%dma_wait3A_219 : memref<10000x64xf32, #tpu.memory_space<vmem_shared>>)
    %dma_start3A_220 = arith.constant 1 : i32
    %dma_start3A_221 = arith.constant 0 : i32
    %dma_start3A_222 = arith.constant 0 : i32
    %dma_start3A_223 = tpu.memref_slice %arg9[%dma_start3A_220, %dma_start3A_221, %dma_start3A_222] : memref<9x80x64xf32, #tpu.memory_space<vmem>> -> memref<1x80x64xf32, #tpu.memory_space<vmem>>
    %dma_start3A_224 = tpu.memref_squeeze %dma_start3A_223 : memref<1x80x64xf32, #tpu.memory_space<vmem>> -> memref<80x64xf32, #tpu.memory_space<vmem>>
    %dma_start3A_225 = arith.constant 800 : i32
    %dma_start3A_226 = tpu.memref_slice %arg7[%dma_start3A_225] : memref<20000xi32, #tpu.memory_space<vmem>> -> memref<80xi32, #tpu.memory_space<vmem>>
    %dma_start3A_227 = arith.constant 0 : i32
    %dma_start3A_228 = arith.constant 0 : i32
    %dma_start3A_229 = tpu.memref_slice %arg2[%dma_start3A_227, %dma_start3A_228] : memref<20000x64xf32, #tpu.memory_space<hbm>> -> memref<20000x64xf32, #tpu.memory_space<hbm>>
    tpu.enqueue_indirect_dma source(%dma_start3A_229 : memref<20000x64xf32, #tpu.memory_space<hbm>>) target(%dma_start3A_224 : memref<80x64xf32, #tpu.memory_space<vmem>>) offsets(%dma_start3A_226 : memref<80xi32, #tpu.memory_space<vmem>>) semaphore(%arg12 : memref<!tpu.dma_semaphore, #tpu.memory_space<semaphore_mem>>)
    %dma_wait3A_230 = arith.constant 3 : i32
    %dma_wait3A_231 = arith.constant 0 : i32
    %dma_wait3A_232 = arith.constant 0 : i32
    %dma_wait3A_233 = tpu.memref_slice %arg9[%dma_wait3A_230, %dma_wait3A_231, %dma_wait3A_232] : memref<9x80x64xf32, #tpu.memory_space<vmem>> -> memref<1x80x64xf32, #tpu.memory_space<vmem>>
    %dma_wait3A_234 = tpu.memref_squeeze %dma_wait3A_233 : memref<1x80x64xf32, #tpu.memory_space<vmem>> -> memref<80x64xf32, #tpu.memory_space<vmem>>
    %dma_wait3A_235 = arith.constant 240 : i32
    %dma_wait3A_236 = tpu.memref_slice %arg7[%dma_wait3A_235] : memref<20000xi32, #tpu.memory_space<vmem>> -> memref<80xi32, #tpu.memory_space<vmem>>
    %dma_wait3A_237 = arith.constant 0 : i32
    %dma_wait3A_238 = arith.constant 0 : i32
    %dma_wait3A_239 = tpu.memref_slice %arg2[%dma_wait3A_237, %dma_wait3A_238] : memref<20000x64xf32, #tpu.memory_space<hbm>> -> memref<20000x64xf32, #tpu.memory_space<hbm>>
    tpu.wait_indirect_dma semaphore(%arg14 : memref<!tpu.dma_semaphore, #tpu.memory_space<semaphore_mem>>) src(%dma_wait3A_239 : memref<20000x64xf32, #tpu.memory_space<hbm>>) dst(%dma_wait3A_234 : memref<80x64xf32, #tpu.memory_space<vmem>>)
    %dma_start3A_240 = arith.constant 3 : i32
    %dma_start3A_241 = arith.constant 3 : i32
    %dma_start3A_242 = arith.constant 0 : i32
    %dma_start3A_243 = arith.constant 0 : i32
    %dma_start3A_244 = tpu.memref_slice %arg9[%dma_start3A_240, %dma_start3A_242, %dma_start3A_243] : memref<9x80x64xf32, #tpu.memory_space<vmem>> -> memref<1x80x64xf32, #tpu.memory_space<vmem>>
    %dma_start3A_245 = tpu.memref_squeeze %dma_start3A_244 : memref<1x80x64xf32, #tpu.memory_space<vmem>> -> memref<80x64xf32, #tpu.memory_space<vmem>>
    %dma_start3A_246 = arith.constant 0 : i32
    %dma_start3A_247 = tpu.memref_slice %arg8[%dma_start3A_241, %dma_start3A_246] : memref<250x80xi32, #tpu.memory_space<vmem>> -> memref<1x80xi32, #tpu.memory_space<vmem>>
    %dma_start3A_248 = tpu.memref_squeeze %dma_start3A_247 : memref<1x80xi32, #tpu.memory_space<vmem>> -> memref<80xi32, #tpu.memory_space<vmem>>
    %dma_start3A_249 = arith.constant 0 : i32
    %dma_start3A_250 = arith.constant 0 : i32
    %dma_start3A_251 = tpu.memref_slice %arg10[%dma_start3A_249, %dma_start3A_250] : memref<10000x64xf32, #tpu.memory_space<vmem_shared>> -> memref<10000x64xf32, #tpu.memory_space<vmem_shared>>
    tpu.enqueue_indirect_dma source(%dma_start3A_245 : memref<80x64xf32, #tpu.memory_space<vmem>>) target(%dma_start3A_251 : memref<10000x64xf32, #tpu.memory_space<vmem_shared>>) offsets(%dma_start3A_248 : memref<80xi32, #tpu.memory_space<vmem>>) semaphore(%arg23 : memref<!tpu.dma_semaphore, #tpu.memory_space<semaphore_mem>>) {add = true}
    %dma_wait3A_252 = arith.constant 2 : i32
    %dma_wait3A_253 = arith.constant 2 : i32
    %dma_wait3A_254 = arith.constant 0 : i32
    %dma_wait3A_255 = arith.constant 0 : i32
    %dma_wait3A_256 = tpu.memref_slice %arg9[%dma_wait3A_252, %dma_wait3A_254, %dma_wait3A_255] : memref<9x80x64xf32, #tpu.memory_space<vmem>> -> memref<1x80x64xf32, #tpu.memory_space<vmem>>
    %dma_wait3A_257 = tpu.memref_squeeze %dma_wait3A_256 : memref<1x80x64xf32, #tpu.memory_space<vmem>> -> memref<80x64xf32, #tpu.memory_space<vmem>>
    %dma_wait3A_258 = arith.constant 0 : i32
    %dma_wait3A_259 = tpu.memref_slice %arg8[%dma_wait3A_253, %dma_wait3A_258] : memref<250x80xi32, #tpu.memory_space<vmem>> -> memref<1x80xi32, #tpu.memory_space<vmem>>
    %dma_wait3A_260 = tpu.memref_squeeze %dma_wait3A_259 : memref<1x80xi32, #tpu.memory_space<vmem>> -> memref<80xi32, #tpu.memory_space<vmem>>
    %dma_wait3A_261 = arith.constant 0 : i32
    %dma_wait3A_262 = arith.constant 0 : i32
    %dma_wait3A_263 = tpu.memref_slice %arg10[%dma_wait3A_261, %dma_wait3A_262] : memref<10000x64xf32, #tpu.memory_space<vmem_shared>> -> memref<10000x64xf32, #tpu.memory_space<vmem_shared>>
    tpu.wait_indirect_dma semaphore(%arg22 : memref<!tpu.dma_semaphore, #tpu.memory_space<semaphore_mem>>) src(%dma_wait3A_257 : memref<80x64xf32, #tpu.memory_space<vmem>>) dst(%dma_wait3A_263 : memref<10000x64xf32, #tpu.memory_space<vmem_shared>>)
    %dma_start3A_264 = arith.constant 2 : i32
    %dma_start3A_265 = arith.constant 0 : i32
    %dma_start3A_266 = arith.constant 0 : i32
    %dma_start3A_267 = tpu.memref_slice %arg9[%dma_start3A_264, %dma_start3A_265, %dma_start3A_266] : memref<9x80x64xf32, #tpu.memory_space<vmem>> -> memref<1x80x64xf32, #tpu.memory_space<vmem>>
    %dma_start3A_268 = tpu.memref_squeeze %dma_start3A_267 : memref<1x80x64xf32, #tpu.memory_space<vmem>> -> memref<80x64xf32, #tpu.memory_space<vmem>>
    %dma_start3A_269 = arith.constant 880 : i32
    %dma_start3A_270 = tpu.memref_slice %arg7[%dma_start3A_269] : memref<20000xi32, #tpu.memory_space<vmem>> -> memref<80xi32, #tpu.memory_space<vmem>>
    %dma_start3A_271 = arith.constant 0 : i32
    %dma_start3A_272 = arith.constant 0 : i32
    %dma_start3A_273 = tpu.memref_slice %arg2[%dma_start3A_271, %dma_start3A_272] : memref<20000x64xf32, #tpu.memory_space<hbm>> -> memref<20000x64xf32, #tpu.memory_space<hbm>>
    tpu.enqueue_indirect_dma source(%dma_start3A_273 : memref<20000x64xf32, #tpu.memory_space<hbm>>) target(%dma_start3A_268 : memref<80x64xf32, #tpu.memory_space<vmem>>) offsets(%dma_start3A_270 : memref<80xi32, #tpu.memory_space<vmem>>) semaphore(%arg13 : memref<!tpu.dma_semaphore, #tpu.memory_space<semaphore_mem>>)
    %dma_wait3A_274 = arith.constant 4 : i32
    %dma_wait3A_275 = arith.constant 0 : i32
    %dma_wait3A_276 = arith.constant 0 : i32
    %dma_wait3A_277 = tpu.memref_slice %arg9[%dma_wait3A_274, %dma_wait3A_275, %dma_wait3A_276] : memref<9x80x64xf32, #tpu.memory_space<vmem>> -> memref<1x80x64xf32, #tpu.memory_space<vmem>>
    %dma_wait3A_278 = tpu.memref_squeeze %dma_wait3A_277 : memref<1x80x64xf32, #tpu.memory_space<vmem>> -> memref<80x64xf32, #tpu.memory_space<vmem>>
    %dma_wait3A_279 = arith.constant 320 : i32
    %dma_wait3A_280 = tpu.memref_slice %arg7[%dma_wait3A_279] : memref<20000xi32, #tpu.memory_space<vmem>> -> memref<80xi32, #tpu.memory_space<vmem>>
    %dma_wait3A_281 = arith.constant 0 : i32
    %dma_wait3A_282 = arith.constant 0 : i32
    %dma_wait3A_283 = tpu.memref_slice %arg2[%dma_wait3A_281, %dma_wait3A_282] : memref<20000x64xf32, #tpu.memory_space<hbm>> -> memref<20000x64xf32, #tpu.memory_space<hbm>>
    tpu.wait_indirect_dma semaphore(%arg15 : memref<!tpu.dma_semaphore, #tpu.memory_space<semaphore_mem>>) src(%dma_wait3A_283 : memref<20000x64xf32, #tpu.memory_space<hbm>>) dst(%dma_wait3A_278 : memref<80x64xf32, #tpu.memory_space<vmem>>)
    %dma_start3A_284 = arith.constant 4 : i32
    %dma_start3A_285 = arith.constant 4 : i32
    %dma_start3A_286 = arith.constant 0 : i32
    %dma_start3A_287 = arith.constant 0 : i32
    %dma_start3A_288 = tpu.memref_slice %arg9[%dma_start3A_284, %dma_start3A_286, %dma_start3A_287] : memref<9x80x64xf32, #tpu.memory_space<vmem>> -> memref<1x80x64xf32, #tpu.memory_space<vmem>>
    %dma_start3A_289 = tpu.memref_squeeze %dma_start3A_288 : memref<1x80x64xf32, #tpu.memory_space<vmem>> -> memref<80x64xf32, #tpu.memory_space<vmem>>
    %dma_start3A_290 = arith.constant 0 : i32
    %dma_start3A_291 = tpu.memref_slice %arg8[%dma_start3A_285, %dma_start3A_290] : memref<250x80xi32, #tpu.memory_space<vmem>> -> memref<1x80xi32, #tpu.memory_space<vmem>>
    %dma_start3A_292 = tpu.memref_squeeze %dma_start3A_291 : memref<1x80xi32, #tpu.memory_space<vmem>> -> memref<80xi32, #tpu.memory_space<vmem>>
    %dma_start3A_293 = arith.constant 0 : i32
    %dma_start3A_294 = arith.constant 0 : i32
    %dma_start3A_295 = tpu.memref_slice %arg10[%dma_start3A_293, %dma_start3A_294] : memref<10000x64xf32, #tpu.memory_space<vmem_shared>> -> memref<10000x64xf32, #tpu.memory_space<vmem_shared>>
    tpu.enqueue_indirect_dma source(%dma_start3A_289 : memref<80x64xf32, #tpu.memory_space<vmem>>) target(%dma_start3A_295 : memref<10000x64xf32, #tpu.memory_space<vmem_shared>>) offsets(%dma_start3A_292 : memref<80xi32, #tpu.memory_space<vmem>>) semaphore(%arg24 : memref<!tpu.dma_semaphore, #tpu.memory_space<semaphore_mem>>) {add = true}
    %dma_wait3A_296 = arith.constant 3 : i32
    %dma_wait3A_297 = arith.constant 3 : i32
    %dma_wait3A_298 = arith.constant 0 : i32
    %dma_wait3A_299 = arith.constant 0 : i32
    %dma_wait3A_300 = tpu.memref_slice %arg9[%dma_wait3A_296, %dma_wait3A_298, %dma_wait3A_299] : memref<9x80x64xf32, #tpu.memory_space<vmem>> -> memref<1x80x64xf32, #tpu.memory_space<vmem>>
    %dma_wait3A_301 = tpu.memref_squeeze %dma_wait3A_300 : memref<1x80x64xf32, #tpu.memory_space<vmem>> -> memref<80x64xf32, #tpu.memory_space<vmem>>
    %dma_wait3A_302 = arith.constant 0 : i32
    %dma_wait3A_303 = tpu.memref_slice %arg8[%dma_wait3A_297, %dma_wait3A_302] : memref<250x80xi32, #tpu.memory_space<vmem>> -> memref<1x80xi32, #tpu.memory_space<vmem>>
    %dma_wait3A_304 = tpu.memref_squeeze %dma_wait3A_303 : memref<1x80xi32, #tpu.memory_space<vmem>> -> memref<80xi32, #tpu.memory_space<vmem>>
    %dma_wait3A_305 = arith.constant 0 : i32
    %dma_wait3A_306 = arith.constant 0 : i32
    %dma_wait3A_307 = tpu.memref_slice %arg10[%dma_wait3A_305, %dma_wait3A_306] : memref<10000x64xf32, #tpu.memory_space<vmem_shared>> -> memref<10000x64xf32, #tpu.memory_space<vmem_shared>>
    tpu.wait_indirect_dma semaphore(%arg23 : memref<!tpu.dma_semaphore, #tpu.memory_space<semaphore_mem>>) src(%dma_wait3A_301 : memref<80x64xf32, #tpu.memory_space<vmem>>) dst(%dma_wait3A_307 : memref<10000x64xf32, #tpu.memory_space<vmem_shared>>)
    %dma_start3A_308 = arith.constant 3 : i32
    %dma_start3A_309 = arith.constant 0 : i32
    %dma_start3A_310 = arith.constant 0 : i32
    %dma_start3A_311 = tpu.memref_slice %arg9[%dma_start3A_308, %dma_start3A_309, %dma_start3A_310] : memref<9x80x64xf32, #tpu.memory_space<vmem>> -> memref<1x80x64xf32, #tpu.memory_space<vmem>>
    %dma_start3A_312 = tpu.memref_squeeze %dma_start3A_311 : memref<1x80x64xf32, #tpu.memory_space<vmem>> -> memref<80x64xf32, #tpu.memory_space<vmem>>
    %dma_start3A_313 = arith.constant 960 : i32
    %dma_start3A_314 = tpu.memref_slice %arg7[%dma_start3A_313] : memref<20000xi32, #tpu.memory_space<vmem>> -> memref<80xi32, #tpu.memory_space<vmem>>
    %dma_start3A_315 = arith.constant 0 : i32
    %dma_start3A_316 = arith.constant 0 : i32
    %dma_start3A_317 = tpu.memref_slice %arg2[%dma_start3A_315, %dma_start3A_316] : memref<20000x64xf32, #tpu.memory_space<hbm>> -> memref<20000x64xf32, #tpu.memory_space<hbm>>
    tpu.enqueue_indirect_dma source(%dma_start3A_317 : memref<20000x64xf32, #tpu.memory_space<hbm>>) target(%dma_start3A_312 : memref<80x64xf32, #tpu.memory_space<vmem>>) offsets(%dma_start3A_314 : memref<80xi32, #tpu.memory_space<vmem>>) semaphore(%arg14 : memref<!tpu.dma_semaphore, #tpu.memory_space<semaphore_mem>>)
    %dma_wait3A_318 = arith.constant 5 : i32
    %dma_wait3A_319 = arith.constant 0 : i32
    %dma_wait3A_320 = arith.constant 0 : i32
    %dma_wait3A_321 = tpu.memref_slice %arg9[%dma_wait3A_318, %dma_wait3A_319, %dma_wait3A_320] : memref<9x80x64xf32, #tpu.memory_space<vmem>> -> memref<1x80x64xf32, #tpu.memory_space<vmem>>
    %dma_wait3A_322 = tpu.memref_squeeze %dma_wait3A_321 : memref<1x80x64xf32, #tpu.memory_space<vmem>> -> memref<80x64xf32, #tpu.memory_space<vmem>>
    %dma_wait3A_323 = arith.constant 400 : i32
    %dma_wait3A_324 = tpu.memref_slice %arg7[%dma_wait3A_323] : memref<20000xi32, #tpu.memory_space<vmem>> -> memref<80xi32, #tpu.memory_space<vmem>>
    %dma_wait3A_325 = arith.constant 0 : i32
    %dma_wait3A_326 = arith.constant 0 : i32
    %dma_wait3A_327 = tpu.memref_slice %arg2[%dma_wait3A_325, %dma_wait3A_326] : memref<20000x64xf32, #tpu.memory_space<hbm>> -> memref<20000x64xf32, #tpu.memory_space<hbm>>
    tpu.wait_indirect_dma semaphore(%arg16 : memref<!tpu.dma_semaphore, #tpu.memory_space<semaphore_mem>>) src(%dma_wait3A_327 : memref<20000x64xf32, #tpu.memory_space<hbm>>) dst(%dma_wait3A_322 : memref<80x64xf32, #tpu.memory_space<vmem>>)
    %dma_start3A_328 = arith.constant 5 : i32
    %dma_start3A_329 = arith.constant 5 : i32
    %dma_start3A_330 = arith.constant 0 : i32
    %dma_start3A_331 = arith.constant 0 : i32
    %dma_start3A_332 = tpu.memref_slice %arg9[%dma_start3A_328, %dma_start3A_330, %dma_start3A_331] : memref<9x80x64xf32, #tpu.memory_space<vmem>> -> memref<1x80x64xf32, #tpu.memory_space<vmem>>
    %dma_start3A_333 = tpu.memref_squeeze %dma_start3A_332 : memref<1x80x64xf32, #tpu.memory_space<vmem>> -> memref<80x64xf32, #tpu.memory_space<vmem>>
    %dma_start3A_334 = arith.constant 0 : i32
    %dma_start3A_335 = tpu.memref_slice %arg8[%dma_start3A_329, %dma_start3A_334] : memref<250x80xi32, #tpu.memory_space<vmem>> -> memref<1x80xi32, #tpu.memory_space<vmem>>
    %dma_start3A_336 = tpu.memref_squeeze %dma_start3A_335 : memref<1x80xi32, #tpu.memory_space<vmem>> -> memref<80xi32, #tpu.memory_space<vmem>>
    %dma_start3A_337 = arith.constant 0 : i32
    %dma_start3A_338 = arith.constant 0 : i32
    %dma_start3A_339 = tpu.memref_slice %arg10[%dma_start3A_337, %dma_start3A_338] : memref<10000x64xf32, #tpu.memory_space<vmem_shared>> -> memref<10000x64xf32, #tpu.memory_space<vmem_shared>>
    tpu.enqueue_indirect_dma source(%dma_start3A_333 : memref<80x64xf32, #tpu.memory_space<vmem>>) target(%dma_start3A_339 : memref<10000x64xf32, #tpu.memory_space<vmem_shared>>) offsets(%dma_start3A_336 : memref<80xi32, #tpu.memory_space<vmem>>) semaphore(%arg25 : memref<!tpu.dma_semaphore, #tpu.memory_space<semaphore_mem>>) {add = true}
    %dma_wait3A_340 = arith.constant 4 : i32
    %dma_wait3A_341 = arith.constant 4 : i32
    %dma_wait3A_342 = arith.constant 0 : i32
    %dma_wait3A_343 = arith.constant 0 : i32
    %dma_wait3A_344 = tpu.memref_slice %arg9[%dma_wait3A_340, %dma_wait3A_342, %dma_wait3A_343] : memref<9x80x64xf32, #tpu.memory_space<vmem>> -> memref<1x80x64xf32, #tpu.memory_space<vmem>>
    %dma_wait3A_345 = tpu.memref_squeeze %dma_wait3A_344 : memref<1x80x64xf32, #tpu.memory_space<vmem>> -> memref<80x64xf32, #tpu.memory_space<vmem>>
    %dma_wait3A_346 = arith.constant 0 : i32
    %dma_wait3A_347 = tpu.memref_slice %arg8[%dma_wait3A_341, %dma_wait3A_346] : memref<250x80xi32, #tpu.memory_space<vmem>> -> memref<1x80xi32, #tpu.memory_space<vmem>>
    %dma_wait3A_348 = tpu.memref_squeeze %dma_wait3A_347 : memref<1x80xi32, #tpu.memory_space<vmem>> -> memref<80xi32, #tpu.memory_space<vmem>>
    %dma_wait3A_349 = arith.constant 0 : i32
    %dma_wait3A_350 = arith.constant 0 : i32
    %dma_wait3A_351 = tpu.memref_slice %arg10[%dma_wait3A_349, %dma_wait3A_350] : memref<10000x64xf32, #tpu.memory_space<vmem_shared>> -> memref<10000x64xf32, #tpu.memory_space<vmem_shared>>
    tpu.wait_indirect_dma semaphore(%arg24 : memref<!tpu.dma_semaphore, #tpu.memory_space<semaphore_mem>>) src(%dma_wait3A_345 : memref<80x64xf32, #tpu.memory_space<vmem>>) dst(%dma_wait3A_351 : memref<10000x64xf32, #tpu.memory_space<vmem_shared>>)
    %dma_start3A_352 = arith.constant 4 : i32
    %dma_start3A_353 = arith.constant 0 : i32
    %dma_start3A_354 = arith.constant 0 : i32
    %dma_start3A_355 = tpu.memref_slice %arg9[%dma_start3A_352, %dma_start3A_353, %dma_start3A_354] : memref<9x80x64xf32, #tpu.memory_space<vmem>> -> memref<1x80x64xf32, #tpu.memory_space<vmem>>
    %dma_start3A_356 = tpu.memref_squeeze %dma_start3A_355 : memref<1x80x64xf32, #tpu.memory_space<vmem>> -> memref<80x64xf32, #tpu.memory_space<vmem>>
    %dma_start3A_357 = arith.constant 1040 : i32
    %dma_start3A_358 = tpu.memref_slice %arg7[%dma_start3A_357] : memref<20000xi32, #tpu.memory_space<vmem>> -> memref<80xi32, #tpu.memory_space<vmem>>
    %dma_start3A_359 = arith.constant 0 : i32
    %dma_start3A_360 = arith.constant 0 : i32
    %dma_start3A_361 = tpu.memref_slice %arg2[%dma_start3A_359, %dma_start3A_360] : memref<20000x64xf32, #tpu.memory_space<hbm>> -> memref<20000x64xf32, #tpu.memory_space<hbm>>
    tpu.enqueue_indirect_dma source(%dma_start3A_361 : memref<20000x64xf32, #tpu.memory_space<hbm>>) target(%dma_start3A_356 : memref<80x64xf32, #tpu.memory_space<vmem>>) offsets(%dma_start3A_358 : memref<80xi32, #tpu.memory_space<vmem>>) semaphore(%arg15 : memref<!tpu.dma_semaphore, #tpu.memory_space<semaphore_mem>>)
    %dma_wait3A_362 = arith.constant 6 : i32
    %dma_wait3A_363 = arith.constant 0 : i32
    %dma_wait3A_364 = arith.constant 0 : i32
    %dma_wait3A_365 = tpu.memref_slice %arg9[%dma_wait3A_362, %dma_wait3A_363, %dma_wait3A_364] : memref<9x80x64xf32, #tpu.memory_space<vmem>> -> memref<1x80x64xf32, #tpu.memory_space<vmem>>
    %dma_wait3A_366 = tpu.memref_squeeze %dma_wait3A_365 : memref<1x80x64xf32, #tpu.memory_space<vmem>> -> memref<80x64xf32, #tpu.memory_space<vmem>>
    %dma_wait3A_367 = arith.constant 480 : i32
    %dma_wait3A_368 = tpu.memref_slice %arg7[%dma_wait3A_367] : memref<20000xi32, #tpu.memory_space<vmem>> -> memref<80xi32, #tpu.memory_space<vmem>>
    %dma_wait3A_369 = arith.constant 0 : i32
    %dma_wait3A_370 = arith.constant 0 : i32
    %dma_wait3A_371 = tpu.memref_slice %arg2[%dma_wait3A_369, %dma_wait3A_370] : memref<20000x64xf32, #tpu.memory_space<hbm>> -> memref<20000x64xf32, #tpu.memory_space<hbm>>
    tpu.wait_indirect_dma semaphore(%arg17 : memref<!tpu.dma_semaphore, #tpu.memory_space<semaphore_mem>>) src(%dma_wait3A_371 : memref<20000x64xf32, #tpu.memory_space<hbm>>) dst(%dma_wait3A_366 : memref<80x64xf32, #tpu.memory_space<vmem>>)
    %dma_start3A_372 = arith.constant 6 : i32
    %dma_start3A_373 = arith.constant 6 : i32
    %dma_start3A_374 = arith.constant 0 : i32
    %dma_start3A_375 = arith.constant 0 : i32
    %dma_start3A_376 = tpu.memref_slice %arg9[%dma_start3A_372, %dma_start3A_374, %dma_start3A_375] : memref<9x80x64xf32, #tpu.memory_space<vmem>> -> memref<1x80x64xf32, #tpu.memory_space<vmem>>
    %dma_start3A_377 = tpu.memref_squeeze %dma_start3A_376 : memref<1x80x64xf32, #tpu.memory_space<vmem>> -> memref<80x64xf32, #tpu.memory_space<vmem>>
    %dma_start3A_378 = arith.constant 0 : i32
    %dma_start3A_379 = tpu.memref_slice %arg8[%dma_start3A_373, %dma_start3A_378] : memref<250x80xi32, #tpu.memory_space<vmem>> -> memref<1x80xi32, #tpu.memory_space<vmem>>
    %dma_start3A_380 = tpu.memref_squeeze %dma_start3A_379 : memref<1x80xi32, #tpu.memory_space<vmem>> -> memref<80xi32, #tpu.memory_space<vmem>>
    %dma_start3A_381 = arith.constant 0 : i32
    %dma_start3A_382 = arith.constant 0 : i32
    %dma_start3A_383 = tpu.memref_slice %arg10[%dma_start3A_381, %dma_start3A_382] : memref<10000x64xf32, #tpu.memory_space<vmem_shared>> -> memref<10000x64xf32, #tpu.memory_space<vmem_shared>>
    tpu.enqueue_indirect_dma source(%dma_start3A_377 : memref<80x64xf32, #tpu.memory_space<vmem>>) target(%dma_start3A_383 : memref<10000x64xf32, #tpu.memory_space<vmem_shared>>) offsets(%dma_start3A_380 : memref<80xi32, #tpu.memory_space<vmem>>) semaphore(%arg26 : memref<!tpu.dma_semaphore, #tpu.memory_space<semaphore_mem>>) {add = true}
    %scan3A_384 = arith.constant 0 : i32
    %scan3A_385 = arith.constant 0 : i32
    %scan3A_386 = arith.constant 26 : i32
    %scan3A_387 = arith.addi %scan3A_385, %scan3A_386 : i32
    %scan3A_388 = arith.constant 1 : i32
    scf.for %scan3A_743 = %scan3A_385 to %scan3A_387 step %scan3A_388  : i32 {
      %mul3A_744 = arith.constant 9 : i32
      %mul3A_745 = arith.muli %scan3A_743, %mul3A_744 : i32
      %add3A = arith.constant 0 : i32
      %add3A_746 = arith.addi %mul3A_745, %add3A : i32
      %add3A_747 = arith.constant 7 : i32
      %add3A_748 = arith.addi %add3A_746, %add3A_747 : i32
      %sub3A = arith.constant 2 : i32
      %sub3A_749 = arith.subi %add3A_748, %sub3A : i32
      %dma_wait3A_750 = arith.constant 5 : i32
      %dma_wait3A_751 = arith.constant 0 : i32
      %dma_wait3A_752 = arith.constant 0 : i32
      %dma_wait3A_753 = tpu.memref_slice %arg9[%dma_wait3A_750, %dma_wait3A_751, %dma_wait3A_752] : memref<9x80x64xf32, #tpu.memory_space<vmem>> -> memref<1x80x64xf32, #tpu.memory_space<vmem>>
      %dma_wait3A_754 = tpu.memref_squeeze %dma_wait3A_753 : memref<1x80x64xf32, #tpu.memory_space<vmem>> -> memref<80x64xf32, #tpu.memory_space<vmem>>
      %dma_wait3A_755 = arith.constant 0 : i32
      %dma_wait3A_756 = tpu.memref_slice %arg8[%sub3A_749, %dma_wait3A_755] : memref<250x80xi32, #tpu.memory_space<vmem>> -> memref<1x80xi32, #tpu.memory_space<vmem>>
      %dma_wait3A_757 = tpu.memref_squeeze %dma_wait3A_756 : memref<1x80xi32, #tpu.memory_space<vmem>> -> memref<80xi32, #tpu.memory_space<vmem>>
      %dma_wait3A_758 = arith.constant 0 : i32
      %dma_wait3A_759 = arith.constant 0 : i32
      %dma_wait3A_760 = tpu.memref_slice %arg10[%dma_wait3A_758, %dma_wait3A_759] : memref<10000x64xf32, #tpu.memory_space<vmem_shared>> -> memref<10000x64xf32, #tpu.memory_space<vmem_shared>>
      tpu.wait_indirect_dma semaphore(%arg25 : memref<!tpu.dma_semaphore, #tpu.memory_space<semaphore_mem>>) src(%dma_wait3A_754 : memref<80x64xf32, #tpu.memory_space<vmem>>) dst(%dma_wait3A_760 : memref<10000x64xf32, #tpu.memory_space<vmem_shared>>)
      %add3A_761 = arith.constant 7 : i32
      %add3A_762 = arith.addi %add3A_748, %add3A_761 : i32
      %mul3A_763 = arith.constant 80 : i32
      %mul3A_764 = arith.muli %add3A_762, %mul3A_763 : i32
      %dma_start3A_765 = arith.constant 5 : i32
      %dma_start3A_766 = arith.constant 0 : i32
      %dma_start3A_767 = arith.constant 0 : i32
      %dma_start3A_768 = tpu.memref_slice %arg9[%dma_start3A_765, %dma_start3A_766, %dma_start3A_767] : memref<9x80x64xf32, #tpu.memory_space<vmem>> -> memref<1x80x64xf32, #tpu.memory_space<vmem>>
      %dma_start3A_769 = tpu.memref_squeeze %dma_start3A_768 : memref<1x80x64xf32, #tpu.memory_space<vmem>> -> memref<80x64xf32, #tpu.memory_space<vmem>>
      %dma_start3A_770 = tpu.memref_slice %arg7[%mul3A_764] : memref<20000xi32, #tpu.memory_space<vmem>> -> memref<80xi32, #tpu.memory_space<vmem>>
      %dma_start3A_771 = arith.constant 0 : i32
      %dma_start3A_772 = arith.constant 0 : i32
      %dma_start3A_773 = tpu.memref_slice %arg2[%dma_start3A_771, %dma_start3A_772] : memref<20000x64xf32, #tpu.memory_space<hbm>> -> memref<20000x64xf32, #tpu.memory_space<hbm>>
      tpu.enqueue_indirect_dma source(%dma_start3A_773 : memref<20000x64xf32, #tpu.memory_space<hbm>>) target(%dma_start3A_769 : memref<80x64xf32, #tpu.memory_space<vmem>>) offsets(%dma_start3A_770 : memref<80xi32, #tpu.memory_space<vmem>>) semaphore(%arg16 : memref<!tpu.dma_semaphore, #tpu.memory_space<semaphore_mem>>)
      %mul3A_774 = arith.constant 80 : i32
      %mul3A_775 = arith.muli %add3A_748, %mul3A_774 : i32
      %dma_wait3A_776 = arith.constant 7 : i32
      %dma_wait3A_777 = arith.constant 0 : i32
      %dma_wait3A_778 = arith.constant 0 : i32
      %dma_wait3A_779 = tpu.memref_slice %arg9[%dma_wait3A_776, %dma_wait3A_777, %dma_wait3A_778] : memref<9x80x64xf32, #tpu.memory_space<vmem>> -> memref<1x80x64xf32, #tpu.memory_space<vmem>>
      %dma_wait3A_780 = tpu.memref_squeeze %dma_wait3A_779 : memref<1x80x64xf32, #tpu.memory_space<vmem>> -> memref<80x64xf32, #tpu.memory_space<vmem>>
      %dma_wait3A_781 = tpu.memref_slice %arg7[%mul3A_775] : memref<20000xi32, #tpu.memory_space<vmem>> -> memref<80xi32, #tpu.memory_space<vmem>>
      %dma_wait3A_782 = arith.constant 0 : i32
      %dma_wait3A_783 = arith.constant 0 : i32
      %dma_wait3A_784 = tpu.memref_slice %arg2[%dma_wait3A_782, %dma_wait3A_783] : memref<20000x64xf32, #tpu.memory_space<hbm>> -> memref<20000x64xf32, #tpu.memory_space<hbm>>
      tpu.wait_indirect_dma semaphore(%arg18 : memref<!tpu.dma_semaphore, #tpu.memory_space<semaphore_mem>>) src(%dma_wait3A_784 : memref<20000x64xf32, #tpu.memory_space<hbm>>) dst(%dma_wait3A_780 : memref<80x64xf32, #tpu.memory_space<vmem>>)
      %dma_start3A_785 = arith.constant 7 : i32
      %dma_start3A_786 = arith.constant 0 : i32
      %dma_start3A_787 = arith.constant 0 : i32
      %dma_start3A_788 = tpu.memref_slice %arg9[%dma_start3A_785, %dma_start3A_786, %dma_start3A_787] : memref<9x80x64xf32, #tpu.memory_space<vmem>> -> memref<1x80x64xf32, #tpu.memory_space<vmem>>
      %dma_start3A_789 = tpu.memref_squeeze %dma_start3A_788 : memref<1x80x64xf32, #tpu.memory_space<vmem>> -> memref<80x64xf32, #tpu.memory_space<vmem>>
      %dma_start3A_790 = arith.constant 0 : i32
      %dma_start3A_791 = tpu.memref_slice %arg8[%add3A_748, %dma_start3A_790] : memref<250x80xi32, #tpu.memory_space<vmem>> -> memref<1x80xi32, #tpu.memory_space<vmem>>
      %dma_start3A_792 = tpu.memref_squeeze %dma_start3A_791 : memref<1x80xi32, #tpu.memory_space<vmem>> -> memref<80xi32, #tpu.memory_space<vmem>>
      %dma_start3A_793 = arith.constant 0 : i32
      %dma_start3A_794 = arith.constant 0 : i32
      %dma_start3A_795 = tpu.memref_slice %arg10[%dma_start3A_793, %dma_start3A_794] : memref<10000x64xf32, #tpu.memory_space<vmem_shared>> -> memref<10000x64xf32, #tpu.memory_space<vmem_shared>>
      tpu.enqueue_indirect_dma source(%dma_start3A_789 : memref<80x64xf32, #tpu.memory_space<vmem>>) target(%dma_start3A_795 : memref<10000x64xf32, #tpu.memory_space<vmem_shared>>) offsets(%dma_start3A_792 : memref<80xi32, #tpu.memory_space<vmem>>) semaphore(%arg27 : memref<!tpu.dma_semaphore, #tpu.memory_space<semaphore_mem>>) {add = true}
      %mul3A_796 = arith.constant 9 : i32
      %mul3A_797 = arith.muli %scan3A_743, %mul3A_796 : i32
      %add3A_798 = arith.constant 1 : i32
      %add3A_799 = arith.addi %mul3A_797, %add3A_798 : i32
      %add3A_800 = arith.constant 7 : i32
      %add3A_801 = arith.addi %add3A_799, %add3A_800 : i32
      %sub3A_802 = arith.constant 2 : i32
      %sub3A_803 = arith.subi %add3A_801, %sub3A_802 : i32
      %dma_wait3A_804 = arith.constant 6 : i32
      %dma_wait3A_805 = arith.constant 0 : i32
      %dma_wait3A_806 = arith.constant 0 : i32
      %dma_wait3A_807 = tpu.memref_slice %arg9[%dma_wait3A_804, %dma_wait3A_805, %dma_wait3A_806] : memref<9x80x64xf32, #tpu.memory_space<vmem>> -> memref<1x80x64xf32, #tpu.memory_space<vmem>>
      %dma_wait3A_808 = tpu.memref_squeeze %dma_wait3A_807 : memref<1x80x64xf32, #tpu.memory_space<vmem>> -> memref<80x64xf32, #tpu.memory_space<vmem>>
      %dma_wait3A_809 = arith.constant 0 : i32
      %dma_wait3A_810 = tpu.memref_slice %arg8[%sub3A_803, %dma_wait3A_809] : memref<250x80xi32, #tpu.memory_space<vmem>> -> memref<1x80xi32, #tpu.memory_space<vmem>>
      %dma_wait3A_811 = tpu.memref_squeeze %dma_wait3A_810 : memref<1x80xi32, #tpu.memory_space<vmem>> -> memref<80xi32, #tpu.memory_space<vmem>>
      %dma_wait3A_812 = arith.constant 0 : i32
      %dma_wait3A_813 = arith.constant 0 : i32
      %dma_wait3A_814 = tpu.memref_slice %arg10[%dma_wait3A_812, %dma_wait3A_813] : memref<10000x64xf32, #tpu.memory_space<vmem_shared>> -> memref<10000x64xf32, #tpu.memory_space<vmem_shared>>
      tpu.wait_indirect_dma semaphore(%arg26 : memref<!tpu.dma_semaphore, #tpu.memory_space<semaphore_mem>>) src(%dma_wait3A_808 : memref<80x64xf32, #tpu.memory_space<vmem>>) dst(%dma_wait3A_814 : memref<10000x64xf32, #tpu.memory_space<vmem_shared>>)
      %add3A_815 = arith.constant 7 : i32
      %add3A_816 = arith.addi %add3A_801, %add3A_815 : i32
      %mul3A_817 = arith.constant 80 : i32
      %mul3A_818 = arith.muli %add3A_816, %mul3A_817 : i32
      %dma_start3A_819 = arith.constant 6 : i32
      %dma_start3A_820 = arith.constant 0 : i32
      %dma_start3A_821 = arith.constant 0 : i32
      %dma_start3A_822 = tpu.memref_slice %arg9[%dma_start3A_819, %dma_start3A_820, %dma_start3A_821] : memref<9x80x64xf32, #tpu.memory_space<vmem>> -> memref<1x80x64xf32, #tpu.memory_space<vmem>>
      %dma_start3A_823 = tpu.memref_squeeze %dma_start3A_822 : memref<1x80x64xf32, #tpu.memory_space<vmem>> -> memref<80x64xf32, #tpu.memory_space<vmem>>
      %dma_start3A_824 = tpu.memref_slice %arg7[%mul3A_818] : memref<20000xi32, #tpu.memory_space<vmem>> -> memref<80xi32, #tpu.memory_space<vmem>>
      %dma_start3A_825 = arith.constant 0 : i32
      %dma_start3A_826 = arith.constant 0 : i32
      %dma_start3A_827 = tpu.memref_slice %arg2[%dma_start3A_825, %dma_start3A_826] : memref<20000x64xf32, #tpu.memory_space<hbm>> -> memref<20000x64xf32, #tpu.memory_space<hbm>>
      tpu.enqueue_indirect_dma source(%dma_start3A_827 : memref<20000x64xf32, #tpu.memory_space<hbm>>) target(%dma_start3A_823 : memref<80x64xf32, #tpu.memory_space<vmem>>) offsets(%dma_start3A_824 : memref<80xi32, #tpu.memory_space<vmem>>) semaphore(%arg17 : memref<!tpu.dma_semaphore, #tpu.memory_space<semaphore_mem>>)
      %mul3A_828 = arith.constant 80 : i32
      %mul3A_829 = arith.muli %add3A_801, %mul3A_828 : i32
      %dma_wait3A_830 = arith.constant 8 : i32
      %dma_wait3A_831 = arith.constant 0 : i32
      %dma_wait3A_832 = arith.constant 0 : i32
      %dma_wait3A_833 = tpu.memref_slice %arg9[%dma_wait3A_830, %dma_wait3A_831, %dma_wait3A_832] : memref<9x80x64xf32, #tpu.memory_space<vmem>> -> memref<1x80x64xf32, #tpu.memory_space<vmem>>
      %dma_wait3A_834 = tpu.memref_squeeze %dma_wait3A_833 : memref<1x80x64xf32, #tpu.memory_space<vmem>> -> memref<80x64xf32, #tpu.memory_space<vmem>>
      %dma_wait3A_835 = tpu.memref_slice %arg7[%mul3A_829] : memref<20000xi32, #tpu.memory_space<vmem>> -> memref<80xi32, #tpu.memory_space<vmem>>
      %dma_wait3A_836 = arith.constant 0 : i32
      %dma_wait3A_837 = arith.constant 0 : i32
      %dma_wait3A_838 = tpu.memref_slice %arg2[%dma_wait3A_836, %dma_wait3A_837] : memref<20000x64xf32, #tpu.memory_space<hbm>> -> memref<20000x64xf32, #tpu.memory_space<hbm>>
      tpu.wait_indirect_dma semaphore(%arg19 : memref<!tpu.dma_semaphore, #tpu.memory_space<semaphore_mem>>) src(%dma_wait3A_838 : memref<20000x64xf32, #tpu.memory_space<hbm>>) dst(%dma_wait3A_834 : memref<80x64xf32, #tpu.memory_space<vmem>>)
      %dma_start3A_839 = arith.constant 8 : i32
      %dma_start3A_840 = arith.constant 0 : i32
      %dma_start3A_841 = arith.constant 0 : i32
      %dma_start3A_842 = tpu.memref_slice %arg9[%dma_start3A_839, %dma_start3A_840, %dma_start3A_841] : memref<9x80x64xf32, #tpu.memory_space<vmem>> -> memref<1x80x64xf32, #tpu.memory_space<vmem>>
      %dma_start3A_843 = tpu.memref_squeeze %dma_start3A_842 : memref<1x80x64xf32, #tpu.memory_space<vmem>> -> memref<80x64xf32, #tpu.memory_space<vmem>>
      %dma_start3A_844 = arith.constant 0 : i32
      %dma_start3A_845 = tpu.memref_slice %arg8[%add3A_801, %dma_start3A_844] : memref<250x80xi32, #tpu.memory_space<vmem>> -> memref<1x80xi32, #tpu.memory_space<vmem>>
      %dma_start3A_846 = tpu.memref_squeeze %dma_start3A_845 : memref<1x80xi32, #tpu.memory_space<vmem>> -> memref<80xi32, #tpu.memory_space<vmem>>
      %dma_start3A_847 = arith.constant 0 : i32
      %dma_start3A_848 = arith.constant 0 : i32
      %dma_start3A_849 = tpu.memref_slice %arg10[%dma_start3A_847, %dma_start3A_848] : memref<10000x64xf32, #tpu.memory_space<vmem_shared>> -> memref<10000x64xf32, #tpu.memory_space<vmem_shared>>
      tpu.enqueue_indirect_dma source(%dma_start3A_843 : memref<80x64xf32, #tpu.memory_space<vmem>>) target(%dma_start3A_849 : memref<10000x64xf32, #tpu.memory_space<vmem_shared>>) offsets(%dma_start3A_846 : memref<80xi32, #tpu.memory_space<vmem>>) semaphore(%arg28 : memref<!tpu.dma_semaphore, #tpu.memory_space<semaphore_mem>>) {add = true}
      %mul3A_850 = arith.constant 9 : i32
      %mul3A_851 = arith.muli %scan3A_743, %mul3A_850 : i32
      %add3A_852 = arith.constant 2 : i32
      %add3A_853 = arith.addi %mul3A_851, %add3A_852 : i32
      %add3A_854 = arith.constant 7 : i32
      %add3A_855 = arith.addi %add3A_853, %add3A_854 : i32
      %sub3A_856 = arith.constant 2 : i32
      %sub3A_857 = arith.subi %add3A_855, %sub3A_856 : i32
      %dma_wait3A_858 = arith.constant 7 : i32
      %dma_wait3A_859 = arith.constant 0 : i32
      %dma_wait3A_860 = arith.constant 0 : i32
      %dma_wait3A_861 = tpu.memref_slice %arg9[%dma_wait3A_858, %dma_wait3A_859, %dma_wait3A_860] : memref<9x80x64xf32, #tpu.memory_space<vmem>> -> memref<1x80x64xf32, #tpu.memory_space<vmem>>
      %dma_wait3A_862 = tpu.memref_squeeze %dma_wait3A_861 : memref<1x80x64xf32, #tpu.memory_space<vmem>> -> memref<80x64xf32, #tpu.memory_space<vmem>>
      %dma_wait3A_863 = arith.constant 0 : i32
      %dma_wait3A_864 = tpu.memref_slice %arg8[%sub3A_857, %dma_wait3A_863] : memref<250x80xi32, #tpu.memory_space<vmem>> -> memref<1x80xi32, #tpu.memory_space<vmem>>
      %dma_wait3A_865 = tpu.memref_squeeze %dma_wait3A_864 : memref<1x80xi32, #tpu.memory_space<vmem>> -> memref<80xi32, #tpu.memory_space<vmem>>
      %dma_wait3A_866 = arith.constant 0 : i32
      %dma_wait3A_867 = arith.constant 0 : i32
      %dma_wait3A_868 = tpu.memref_slice %arg10[%dma_wait3A_866, %dma_wait3A_867] : memref<10000x64xf32, #tpu.memory_space<vmem_shared>> -> memref<10000x64xf32, #tpu.memory_space<vmem_shared>>
      tpu.wait_indirect_dma semaphore(%arg27 : memref<!tpu.dma_semaphore, #tpu.memory_space<semaphore_mem>>) src(%dma_wait3A_862 : memref<80x64xf32, #tpu.memory_space<vmem>>) dst(%dma_wait3A_868 : memref<10000x64xf32, #tpu.memory_space<vmem_shared>>)
      %add3A_869 = arith.constant 7 : i32
      %add3A_870 = arith.addi %add3A_855, %add3A_869 : i32
      %mul3A_871 = arith.constant 80 : i32
      %mul3A_872 = arith.muli %add3A_870, %mul3A_871 : i32
      %dma_start3A_873 = arith.constant 7 : i32
      %dma_start3A_874 = arith.constant 0 : i32
      %dma_start3A_875 = arith.constant 0 : i32
      %dma_start3A_876 = tpu.memref_slice %arg9[%dma_start3A_873, %dma_start3A_874, %dma_start3A_875] : memref<9x80x64xf32, #tpu.memory_space<vmem>> -> memref<1x80x64xf32, #tpu.memory_space<vmem>>
      %dma_start3A_877 = tpu.memref_squeeze %dma_start3A_876 : memref<1x80x64xf32, #tpu.memory_space<vmem>> -> memref<80x64xf32, #tpu.memory_space<vmem>>
      %dma_start3A_878 = tpu.memref_slice %arg7[%mul3A_872] : memref<20000xi32, #tpu.memory_space<vmem>> -> memref<80xi32, #tpu.memory_space<vmem>>
      %dma_start3A_879 = arith.constant 0 : i32
      %dma_start3A_880 = arith.constant 0 : i32
      %dma_start3A_881 = tpu.memref_slice %arg2[%dma_start3A_879, %dma_start3A_880] : memref<20000x64xf32, #tpu.memory_space<hbm>> -> memref<20000x64xf32, #tpu.memory_space<hbm>>
      tpu.enqueue_indirect_dma source(%dma_start3A_881 : memref<20000x64xf32, #tpu.memory_space<hbm>>) target(%dma_start3A_877 : memref<80x64xf32, #tpu.memory_space<vmem>>) offsets(%dma_start3A_878 : memref<80xi32, #tpu.memory_space<vmem>>) semaphore(%arg18 : memref<!tpu.dma_semaphore, #tpu.memory_space<semaphore_mem>>)
      %mul3A_882 = arith.constant 80 : i32
      %mul3A_883 = arith.muli %add3A_855, %mul3A_882 : i32
      %dma_wait3A_884 = arith.constant 0 : i32
      %dma_wait3A_885 = arith.constant 0 : i32
      %dma_wait3A_886 = arith.constant 0 : i32
      %dma_wait3A_887 = tpu.memref_slice %arg9[%dma_wait3A_884, %dma_wait3A_885, %dma_wait3A_886] : memref<9x80x64xf32, #tpu.memory_space<vmem>> -> memref<1x80x64xf32, #tpu.memory_space<vmem>>
      %dma_wait3A_888 = tpu.memref_squeeze %dma_wait3A_887 : memref<1x80x64xf32, #tpu.memory_space<vmem>> -> memref<80x64xf32, #tpu.memory_space<vmem>>
      %dma_wait3A_889 = tpu.memref_slice %arg7[%mul3A_883] : memref<20000xi32, #tpu.memory_space<vmem>> -> memref<80xi32, #tpu.memory_space<vmem>>
      %dma_wait3A_890 = arith.constant 0 : i32
      %dma_wait3A_891 = arith.constant 0 : i32
      %dma_wait3A_892 = tpu.memref_slice %arg2[%dma_wait3A_890, %dma_wait3A_891] : memref<20000x64xf32, #tpu.memory_space<hbm>> -> memref<20000x64xf32, #tpu.memory_space<hbm>>
      tpu.wait_indirect_dma semaphore(%arg11 : memref<!tpu.dma_semaphore, #tpu.memory_space<semaphore_mem>>) src(%dma_wait3A_892 : memref<20000x64xf32, #tpu.memory_space<hbm>>) dst(%dma_wait3A_888 : memref<80x64xf32, #tpu.memory_space<vmem>>)
      %dma_start3A_893 = arith.constant 0 : i32
      %dma_start3A_894 = arith.constant 0 : i32
      %dma_start3A_895 = arith.constant 0 : i32
      %dma_start3A_896 = tpu.memref_slice %arg9[%dma_start3A_893, %dma_start3A_894, %dma_start3A_895] : memref<9x80x64xf32, #tpu.memory_space<vmem>> -> memref<1x80x64xf32, #tpu.memory_space<vmem>>
      %dma_start3A_897 = tpu.memref_squeeze %dma_start3A_896 : memref<1x80x64xf32, #tpu.memory_space<vmem>> -> memref<80x64xf32, #tpu.memory_space<vmem>>
      %dma_start3A_898 = arith.constant 0 : i32
      %dma_start3A_899 = tpu.memref_slice %arg8[%add3A_855, %dma_start3A_898] : memref<250x80xi32, #tpu.memory_space<vmem>> -> memref<1x80xi32, #tpu.memory_space<vmem>>
      %dma_start3A_900 = tpu.memref_squeeze %dma_start3A_899 : memref<1x80xi32, #tpu.memory_space<vmem>> -> memref<80xi32, #tpu.memory_space<vmem>>
      %dma_start3A_901 = arith.constant 0 : i32
      %dma_start3A_902 = arith.constant 0 : i32
      %dma_start3A_903 = tpu.memref_slice %arg10[%dma_start3A_901, %dma_start3A_902] : memref<10000x64xf32, #tpu.memory_space<vmem_shared>> -> memref<10000x64xf32, #tpu.memory_space<vmem_shared>>
      tpu.enqueue_indirect_dma source(%dma_start3A_897 : memref<80x64xf32, #tpu.memory_space<vmem>>) target(%dma_start3A_903 : memref<10000x64xf32, #tpu.memory_space<vmem_shared>>) offsets(%dma_start3A_900 : memref<80xi32, #tpu.memory_space<vmem>>) semaphore(%arg20 : memref<!tpu.dma_semaphore, #tpu.memory_space<semaphore_mem>>) {add = true}
      %mul3A_904 = arith.constant 9 : i32
      %mul3A_905 = arith.muli %scan3A_743, %mul3A_904 : i32
      %add3A_906 = arith.constant 3 : i32
      %add3A_907 = arith.addi %mul3A_905, %add3A_906 : i32
      %add3A_908 = arith.constant 7 : i32
      %add3A_909 = arith.addi %add3A_907, %add3A_908 : i32
      %sub3A_910 = arith.constant 2 : i32
      %sub3A_911 = arith.subi %add3A_909, %sub3A_910 : i32
      %dma_wait3A_912 = arith.constant 8 : i32
      %dma_wait3A_913 = arith.constant 0 : i32
      %dma_wait3A_914 = arith.constant 0 : i32
      %dma_wait3A_915 = tpu.memref_slice %arg9[%dma_wait3A_912, %dma_wait3A_913, %dma_wait3A_914] : memref<9x80x64xf32, #tpu.memory_space<vmem>> -> memref<1x80x64xf32, #tpu.memory_space<vmem>>
      %dma_wait3A_916 = tpu.memref_squeeze %dma_wait3A_915 : memref<1x80x64xf32, #tpu.memory_space<vmem>> -> memref<80x64xf32, #tpu.memory_space<vmem>>
      %dma_wait3A_917 = arith.constant 0 : i32
      %dma_wait3A_918 = tpu.memref_slice %arg8[%sub3A_911, %dma_wait3A_917] : memref<250x80xi32, #tpu.memory_space<vmem>> -> memref<1x80xi32, #tpu.memory_space<vmem>>
      %dma_wait3A_919 = tpu.memref_squeeze %dma_wait3A_918 : memref<1x80xi32, #tpu.memory_space<vmem>> -> memref<80xi32, #tpu.memory_space<vmem>>
      %dma_wait3A_920 = arith.constant 0 : i32
      %dma_wait3A_921 = arith.constant 0 : i32
      %dma_wait3A_922 = tpu.memref_slice %arg10[%dma_wait3A_920, %dma_wait3A_921] : memref<10000x64xf32, #tpu.memory_space<vmem_shared>> -> memref<10000x64xf32, #tpu.memory_space<vmem_shared>>
      tpu.wait_indirect_dma semaphore(%arg28 : memref<!tpu.dma_semaphore, #tpu.memory_space<semaphore_mem>>) src(%dma_wait3A_916 : memref<80x64xf32, #tpu.memory_space<vmem>>) dst(%dma_wait3A_922 : memref<10000x64xf32, #tpu.memory_space<vmem_shared>>)
      %add3A_923 = arith.constant 7 : i32
      %add3A_924 = arith.addi %add3A_909, %add3A_923 : i32
      %mul3A_925 = arith.constant 80 : i32
      %mul3A_926 = arith.muli %add3A_924, %mul3A_925 : i32
      %dma_start3A_927 = arith.constant 8 : i32
      %dma_start3A_928 = arith.constant 0 : i32
      %dma_start3A_929 = arith.constant 0 : i32
      %dma_start3A_930 = tpu.memref_slice %arg9[%dma_start3A_927, %dma_start3A_928, %dma_start3A_929] : memref<9x80x64xf32, #tpu.memory_space<vmem>> -> memref<1x80x64xf32, #tpu.memory_space<vmem>>
      %dma_start3A_931 = tpu.memref_squeeze %dma_start3A_930 : memref<1x80x64xf32, #tpu.memory_space<vmem>> -> memref<80x64xf32, #tpu.memory_space<vmem>>
      %dma_start3A_932 = tpu.memref_slice %arg7[%mul3A_926] : memref<20000xi32, #tpu.memory_space<vmem>> -> memref<80xi32, #tpu.memory_space<vmem>>
      %dma_start3A_933 = arith.constant 0 : i32
      %dma_start3A_934 = arith.constant 0 : i32
      %dma_start3A_935 = tpu.memref_slice %arg2[%dma_start3A_933, %dma_start3A_934] : memref<20000x64xf32, #tpu.memory_space<hbm>> -> memref<20000x64xf32, #tpu.memory_space<hbm>>
      tpu.enqueue_indirect_dma source(%dma_start3A_935 : memref<20000x64xf32, #tpu.memory_space<hbm>>) target(%dma_start3A_931 : memref<80x64xf32, #tpu.memory_space<vmem>>) offsets(%dma_start3A_932 : memref<80xi32, #tpu.memory_space<vmem>>) semaphore(%arg19 : memref<!tpu.dma_semaphore, #tpu.memory_space<semaphore_mem>>)
      %mul3A_936 = arith.constant 80 : i32
      %mul3A_937 = arith.muli %add3A_909, %mul3A_936 : i32
      %dma_wait3A_938 = arith.constant 1 : i32
      %dma_wait3A_939 = arith.constant 0 : i32
      %dma_wait3A_940 = arith.constant 0 : i32
      %dma_wait3A_941 = tpu.memref_slice %arg9[%dma_wait3A_938, %dma_wait3A_939, %dma_wait3A_940] : memref<9x80x64xf32, #tpu.memory_space<vmem>> -> memref<1x80x64xf32, #tpu.memory_space<vmem>>
      %dma_wait3A_942 = tpu.memref_squeeze %dma_wait3A_941 : memref<1x80x64xf32, #tpu.memory_space<vmem>> -> memref<80x64xf32, #tpu.memory_space<vmem>>
      %dma_wait3A_943 = tpu.memref_slice %arg7[%mul3A_937] : memref<20000xi32, #tpu.memory_space<vmem>> -> memref<80xi32, #tpu.memory_space<vmem>>
      %dma_wait3A_944 = arith.constant 0 : i32
      %dma_wait3A_945 = arith.constant 0 : i32
      %dma_wait3A_946 = tpu.memref_slice %arg2[%dma_wait3A_944, %dma_wait3A_945] : memref<20000x64xf32, #tpu.memory_space<hbm>> -> memref<20000x64xf32, #tpu.memory_space<hbm>>
      tpu.wait_indirect_dma semaphore(%arg12 : memref<!tpu.dma_semaphore, #tpu.memory_space<semaphore_mem>>) src(%dma_wait3A_946 : memref<20000x64xf32, #tpu.memory_space<hbm>>) dst(%dma_wait3A_942 : memref<80x64xf32, #tpu.memory_space<vmem>>)
      %dma_start3A_947 = arith.constant 1 : i32
      %dma_start3A_948 = arith.constant 0 : i32
      %dma_start3A_949 = arith.constant 0 : i32
      %dma_start3A_950 = tpu.memref_slice %arg9[%dma_start3A_947, %dma_start3A_948, %dma_start3A_949] : memref<9x80x64xf32, #tpu.memory_space<vmem>> -> memref<1x80x64xf32, #tpu.memory_space<vmem>>
      %dma_start3A_951 = tpu.memref_squeeze %dma_start3A_950 : memref<1x80x64xf32, #tpu.memory_space<vmem>> -> memref<80x64xf32, #tpu.memory_space<vmem>>
      %dma_start3A_952 = arith.constant 0 : i32
      %dma_start3A_953 = tpu.memref_slice %arg8[%add3A_909, %dma_start3A_952] : memref<250x80xi32, #tpu.memory_space<vmem>> -> memref<1x80xi32, #tpu.memory_space<vmem>>
      %dma_start3A_954 = tpu.memref_squeeze %dma_start3A_953 : memref<1x80xi32, #tpu.memory_space<vmem>> -> memref<80xi32, #tpu.memory_space<vmem>>
      %dma_start3A_955 = arith.constant 0 : i32
      %dma_start3A_956 = arith.constant 0 : i32
      %dma_start3A_957 = tpu.memref_slice %arg10[%dma_start3A_955, %dma_start3A_956] : memref<10000x64xf32, #tpu.memory_space<vmem_shared>> -> memref<10000x64xf32, #tpu.memory_space<vmem_shared>>
      tpu.enqueue_indirect_dma source(%dma_start3A_951 : memref<80x64xf32, #tpu.memory_space<vmem>>) target(%dma_start3A_957 : memref<10000x64xf32, #tpu.memory_space<vmem_shared>>) offsets(%dma_start3A_954 : memref<80xi32, #tpu.memory_space<vmem>>) semaphore(%arg21 : memref<!tpu.dma_semaphore, #tpu.memory_space<semaphore_mem>>) {add = true}
      %mul3A_958 = arith.constant 9 : i32
      %mul3A_959 = arith.muli %scan3A_743, %mul3A_958 : i32
      %add3A_960 = arith.constant 4 : i32
      %add3A_961 = arith.addi %mul3A_959, %add3A_960 : i32
      %add3A_962 = arith.constant 7 : i32
      %add3A_963 = arith.addi %add3A_961, %add3A_962 : i32
      %sub3A_964 = arith.constant 2 : i32
      %sub3A_965 = arith.subi %add3A_963, %sub3A_964 : i32
      %dma_wait3A_966 = arith.constant 0 : i32
      %dma_wait3A_967 = arith.constant 0 : i32
      %dma_wait3A_968 = arith.constant 0 : i32
      %dma_wait3A_969 = tpu.memref_slice %arg9[%dma_wait3A_966, %dma_wait3A_967, %dma_wait3A_968] : memref<9x80x64xf32, #tpu.memory_space<vmem>> -> memref<1x80x64xf32, #tpu.memory_space<vmem>>
      %dma_wait3A_970 = tpu.memref_squeeze %dma_wait3A_969 : memref<1x80x64xf32, #tpu.memory_space<vmem>> -> memref<80x64xf32, #tpu.memory_space<vmem>>
      %dma_wait3A_971 = arith.constant 0 : i32
      %dma_wait3A_972 = tpu.memref_slice %arg8[%sub3A_965, %dma_wait3A_971] : memref<250x80xi32, #tpu.memory_space<vmem>> -> memref<1x80xi32, #tpu.memory_space<vmem>>
      %dma_wait3A_973 = tpu.memref_squeeze %dma_wait3A_972 : memref<1x80xi32, #tpu.memory_space<vmem>> -> memref<80xi32, #tpu.memory_space<vmem>>
      %dma_wait3A_974 = arith.constant 0 : i32
      %dma_wait3A_975 = arith.constant 0 : i32
      %dma_wait3A_976 = tpu.memref_slice %arg10[%dma_wait3A_974, %dma_wait3A_975] : memref<10000x64xf32, #tpu.memory_space<vmem_shared>> -> memref<10000x64xf32, #tpu.memory_space<vmem_shared>>
      tpu.wait_indirect_dma semaphore(%arg20 : memref<!tpu.dma_semaphore, #tpu.memory_space<semaphore_mem>>) src(%dma_wait3A_970 : memref<80x64xf32, #tpu.memory_space<vmem>>) dst(%dma_wait3A_976 : memref<10000x64xf32, #tpu.memory_space<vmem_shared>>)
      %add3A_977 = arith.constant 7 : i32
      %add3A_978 = arith.addi %add3A_963, %add3A_977 : i32
      %mul3A_979 = arith.constant 80 : i32
      %mul3A_980 = arith.muli %add3A_978, %mul3A_979 : i32
      %dma_start3A_981 = arith.constant 0 : i32
      %dma_start3A_982 = arith.constant 0 : i32
      %dma_start3A_983 = arith.constant 0 : i32
      %dma_start3A_984 = tpu.memref_slice %arg9[%dma_start3A_981, %dma_start3A_982, %dma_start3A_983] : memref<9x80x64xf32, #tpu.memory_space<vmem>> -> memref<1x80x64xf32, #tpu.memory_space<vmem>>
      %dma_start3A_985 = tpu.memref_squeeze %dma_start3A_984 : memref<1x80x64xf32, #tpu.memory_space<vmem>> -> memref<80x64xf32, #tpu.memory_space<vmem>>
      %dma_start3A_986 = tpu.memref_slice %arg7[%mul3A_980] : memref<20000xi32, #tpu.memory_space<vmem>> -> memref<80xi32, #tpu.memory_space<vmem>>
      %dma_start3A_987 = arith.constant 0 : i32
      %dma_start3A_988 = arith.constant 0 : i32
      %dma_start3A_989 = tpu.memref_slice %arg2[%dma_start3A_987, %dma_start3A_988] : memref<20000x64xf32, #tpu.memory_space<hbm>> -> memref<20000x64xf32, #tpu.memory_space<hbm>>
      tpu.enqueue_indirect_dma source(%dma_start3A_989 : memref<20000x64xf32, #tpu.memory_space<hbm>>) target(%dma_start3A_985 : memref<80x64xf32, #tpu.memory_space<vmem>>) offsets(%dma_start3A_986 : memref<80xi32, #tpu.memory_space<vmem>>) semaphore(%arg11 : memref<!tpu.dma_semaphore, #tpu.memory_space<semaphore_mem>>)
      %mul3A_990 = arith.constant 80 : i32
      %mul3A_991 = arith.muli %add3A_963, %mul3A_990 : i32
      %dma_wait3A_992 = arith.constant 2 : i32
      %dma_wait3A_993 = arith.constant 0 : i32
      %dma_wait3A_994 = arith.constant 0 : i32
      %dma_wait3A_995 = tpu.memref_slice %arg9[%dma_wait3A_992, %dma_wait3A_993, %dma_wait3A_994] : memref<9x80x64xf32, #tpu.memory_space<vmem>> -> memref<1x80x64xf32, #tpu.memory_space<vmem>>
      %dma_wait3A_996 = tpu.memref_squeeze %dma_wait3A_995 : memref<1x80x64xf32, #tpu.memory_space<vmem>> -> memref<80x64xf32, #tpu.memory_space<vmem>>
      %dma_wait3A_997 = tpu.memref_slice %arg7[%mul3A_991] : memref<20000xi32, #tpu.memory_space<vmem>> -> memref<80xi32, #tpu.memory_space<vmem>>
      %dma_wait3A_998 = arith.constant 0 : i32
      %dma_wait3A_999 = arith.constant 0 : i32
      %dma_wait3A_1000 = tpu.memref_slice %arg2[%dma_wait3A_998, %dma_wait3A_999] : memref<20000x64xf32, #tpu.memory_space<hbm>> -> memref<20000x64xf32, #tpu.memory_space<hbm>>
      tpu.wait_indirect_dma semaphore(%arg13 : memref<!tpu.dma_semaphore, #tpu.memory_space<semaphore_mem>>) src(%dma_wait3A_1000 : memref<20000x64xf32, #tpu.memory_space<hbm>>) dst(%dma_wait3A_996 : memref<80x64xf32, #tpu.memory_space<vmem>>)
      %dma_start3A_1001 = arith.constant 2 : i32
      %dma_start3A_1002 = arith.constant 0 : i32
      %dma_start3A_1003 = arith.constant 0 : i32
      %dma_start3A_1004 = tpu.memref_slice %arg9[%dma_start3A_1001, %dma_start3A_1002, %dma_start3A_1003] : memref<9x80x64xf32, #tpu.memory_space<vmem>> -> memref<1x80x64xf32, #tpu.memory_space<vmem>>
      %dma_start3A_1005 = tpu.memref_squeeze %dma_start3A_1004 : memref<1x80x64xf32, #tpu.memory_space<vmem>> -> memref<80x64xf32, #tpu.memory_space<vmem>>
      %dma_start3A_1006 = arith.constant 0 : i32
      %dma_start3A_1007 = tpu.memref_slice %arg8[%add3A_963, %dma_start3A_1006] : memref<250x80xi32, #tpu.memory_space<vmem>> -> memref<1x80xi32, #tpu.memory_space<vmem>>
      %dma_start3A_1008 = tpu.memref_squeeze %dma_start3A_1007 : memref<1x80xi32, #tpu.memory_space<vmem>> -> memref<80xi32, #tpu.memory_space<vmem>>
      %dma_start3A_1009 = arith.constant 0 : i32
      %dma_start3A_1010 = arith.constant 0 : i32
      %dma_start3A_1011 = tpu.memref_slice %arg10[%dma_start3A_1009, %dma_start3A_1010] : memref<10000x64xf32, #tpu.memory_space<vmem_shared>> -> memref<10000x64xf32, #tpu.memory_space<vmem_shared>>
      tpu.enqueue_indirect_dma source(%dma_start3A_1005 : memref<80x64xf32, #tpu.memory_space<vmem>>) target(%dma_start3A_1011 : memref<10000x64xf32, #tpu.memory_space<vmem_shared>>) offsets(%dma_start3A_1008 : memref<80xi32, #tpu.memory_space<vmem>>) semaphore(%arg22 : memref<!tpu.dma_semaphore, #tpu.memory_space<semaphore_mem>>) {add = true}
      %mul3A_1012 = arith.constant 9 : i32
      %mul3A_1013 = arith.muli %scan3A_743, %mul3A_1012 : i32
      %add3A_1014 = arith.constant 5 : i32
      %add3A_1015 = arith.addi %mul3A_1013, %add3A_1014 : i32
      %add3A_1016 = arith.constant 7 : i32
      %add3A_1017 = arith.addi %add3A_1015, %add3A_1016 : i32
      %sub3A_1018 = arith.constant 2 : i32
      %sub3A_1019 = arith.subi %add3A_1017, %sub3A_1018 : i32
      %dma_wait3A_1020 = arith.constant 1 : i32
      %dma_wait3A_1021 = arith.constant 0 : i32
      %dma_wait3A_1022 = arith.constant 0 : i32
      %dma_wait3A_1023 = tpu.memref_slice %arg9[%dma_wait3A_1020, %dma_wait3A_1021, %dma_wait3A_1022] : memref<9x80x64xf32, #tpu.memory_space<vmem>> -> memref<1x80x64xf32, #tpu.memory_space<vmem>>
      %dma_wait3A_1024 = tpu.memref_squeeze %dma_wait3A_1023 : memref<1x80x64xf32, #tpu.memory_space<vmem>> -> memref<80x64xf32, #tpu.memory_space<vmem>>
      %dma_wait3A_1025 = arith.constant 0 : i32
      %dma_wait3A_1026 = tpu.memref_slice %arg8[%sub3A_1019, %dma_wait3A_1025] : memref<250x80xi32, #tpu.memory_space<vmem>> -> memref<1x80xi32, #tpu.memory_space<vmem>>
      %dma_wait3A_1027 = tpu.memref_squeeze %dma_wait3A_1026 : memref<1x80xi32, #tpu.memory_space<vmem>> -> memref<80xi32, #tpu.memory_space<vmem>>
      %dma_wait3A_1028 = arith.constant 0 : i32
      %dma_wait3A_1029 = arith.constant 0 : i32
      %dma_wait3A_1030 = tpu.memref_slice %arg10[%dma_wait3A_1028, %dma_wait3A_1029] : memref<10000x64xf32, #tpu.memory_space<vmem_shared>> -> memref<10000x64xf32, #tpu.memory_space<vmem_shared>>
      tpu.wait_indirect_dma semaphore(%arg21 : memref<!tpu.dma_semaphore, #tpu.memory_space<semaphore_mem>>) src(%dma_wait3A_1024 : memref<80x64xf32, #tpu.memory_space<vmem>>) dst(%dma_wait3A_1030 : memref<10000x64xf32, #tpu.memory_space<vmem_shared>>)
      %add3A_1031 = arith.constant 7 : i32
      %add3A_1032 = arith.addi %add3A_1017, %add3A_1031 : i32
      %mul3A_1033 = arith.constant 80 : i32
      %mul3A_1034 = arith.muli %add3A_1032, %mul3A_1033 : i32
      %dma_start3A_1035 = arith.constant 1 : i32
      %dma_start3A_1036 = arith.constant 0 : i32
      %dma_start3A_1037 = arith.constant 0 : i32
      %dma_start3A_1038 = tpu.memref_slice %arg9[%dma_start3A_1035, %dma_start3A_1036, %dma_start3A_1037] : memref<9x80x64xf32, #tpu.memory_space<vmem>> -> memref<1x80x64xf32, #tpu.memory_space<vmem>>
      %dma_start3A_1039 = tpu.memref_squeeze %dma_start3A_1038 : memref<1x80x64xf32, #tpu.memory_space<vmem>> -> memref<80x64xf32, #tpu.memory_space<vmem>>
      %dma_start3A_1040 = tpu.memref_slice %arg7[%mul3A_1034] : memref<20000xi32, #tpu.memory_space<vmem>> -> memref<80xi32, #tpu.memory_space<vmem>>
      %dma_start3A_1041 = arith.constant 0 : i32
      %dma_start3A_1042 = arith.constant 0 : i32
      %dma_start3A_1043 = tpu.memref_slice %arg2[%dma_start3A_1041, %dma_start3A_1042] : memref<20000x64xf32, #tpu.memory_space<hbm>> -> memref<20000x64xf32, #tpu.memory_space<hbm>>
      tpu.enqueue_indirect_dma source(%dma_start3A_1043 : memref<20000x64xf32, #tpu.memory_space<hbm>>) target(%dma_start3A_1039 : memref<80x64xf32, #tpu.memory_space<vmem>>) offsets(%dma_start3A_1040 : memref<80xi32, #tpu.memory_space<vmem>>) semaphore(%arg12 : memref<!tpu.dma_semaphore, #tpu.memory_space<semaphore_mem>>)
      %mul3A_1044 = arith.constant 80 : i32
      %mul3A_1045 = arith.muli %add3A_1017, %mul3A_1044 : i32
      %dma_wait3A_1046 = arith.constant 3 : i32
      %dma_wait3A_1047 = arith.constant 0 : i32
      %dma_wait3A_1048 = arith.constant 0 : i32
      %dma_wait3A_1049 = tpu.memref_slice %arg9[%dma_wait3A_1046, %dma_wait3A_1047, %dma_wait3A_1048] : memref<9x80x64xf32, #tpu.memory_space<vmem>> -> memref<1x80x64xf32, #tpu.memory_space<vmem>>
      %dma_wait3A_1050 = tpu.memref_squeeze %dma_wait3A_1049 : memref<1x80x64xf32, #tpu.memory_space<vmem>> -> memref<80x64xf32, #tpu.memory_space<vmem>>
      %dma_wait3A_1051 = tpu.memref_slice %arg7[%mul3A_1045] : memref<20000xi32, #tpu.memory_space<vmem>> -> memref<80xi32, #tpu.memory_space<vmem>>
      %dma_wait3A_1052 = arith.constant 0 : i32
      %dma_wait3A_1053 = arith.constant 0 : i32
      %dma_wait3A_1054 = tpu.memref_slice %arg2[%dma_wait3A_1052, %dma_wait3A_1053] : memref<20000x64xf32, #tpu.memory_space<hbm>> -> memref<20000x64xf32, #tpu.memory_space<hbm>>
      tpu.wait_indirect_dma semaphore(%arg14 : memref<!tpu.dma_semaphore, #tpu.memory_space<semaphore_mem>>) src(%dma_wait3A_1054 : memref<20000x64xf32, #tpu.memory_space<hbm>>) dst(%dma_wait3A_1050 : memref<80x64xf32, #tpu.memory_space<vmem>>)
      %dma_start3A_1055 = arith.constant 3 : i32
      %dma_start3A_1056 = arith.constant 0 : i32
      %dma_start3A_1057 = arith.constant 0 : i32
      %dma_start3A_1058 = tpu.memref_slice %arg9[%dma_start3A_1055, %dma_start3A_1056, %dma_start3A_1057] : memref<9x80x64xf32, #tpu.memory_space<vmem>> -> memref<1x80x64xf32, #tpu.memory_space<vmem>>
      %dma_start3A_1059 = tpu.memref_squeeze %dma_start3A_1058 : memref<1x80x64xf32, #tpu.memory_space<vmem>> -> memref<80x64xf32, #tpu.memory_space<vmem>>
      %dma_start3A_1060 = arith.constant 0 : i32
      %dma_start3A_1061 = tpu.memref_slice %arg8[%add3A_1017, %dma_start3A_1060] : memref<250x80xi32, #tpu.memory_space<vmem>> -> memref<1x80xi32, #tpu.memory_space<vmem>>
      %dma_start3A_1062 = tpu.memref_squeeze %dma_start3A_1061 : memref<1x80xi32, #tpu.memory_space<vmem>> -> memref<80xi32, #tpu.memory_space<vmem>>
      %dma_start3A_1063 = arith.constant 0 : i32
      %dma_start3A_1064 = arith.constant 0 : i32
      %dma_start3A_1065 = tpu.memref_slice %arg10[%dma_start3A_1063, %dma_start3A_1064] : memref<10000x64xf32, #tpu.memory_space<vmem_shared>> -> memref<10000x64xf32, #tpu.memory_space<vmem_shared>>
      tpu.enqueue_indirect_dma source(%dma_start3A_1059 : memref<80x64xf32, #tpu.memory_space<vmem>>) target(%dma_start3A_1065 : memref<10000x64xf32, #tpu.memory_space<vmem_shared>>) offsets(%dma_start3A_1062 : memref<80xi32, #tpu.memory_space<vmem>>) semaphore(%arg23 : memref<!tpu.dma_semaphore, #tpu.memory_space<semaphore_mem>>) {add = true}
      %mul3A_1066 = arith.constant 9 : i32
      %mul3A_1067 = arith.muli %scan3A_743, %mul3A_1066 : i32
      %add3A_1068 = arith.constant 6 : i32
      %add3A_1069 = arith.addi %mul3A_1067, %add3A_1068 : i32
      %add3A_1070 = arith.constant 7 : i32
      %add3A_1071 = arith.addi %add3A_1069, %add3A_1070 : i32
      %sub3A_1072 = arith.constant 2 : i32
      %sub3A_1073 = arith.subi %add3A_1071, %sub3A_1072 : i32
      %dma_wait3A_1074 = arith.constant 2 : i32
      %dma_wait3A_1075 = arith.constant 0 : i32
      %dma_wait3A_1076 = arith.constant 0 : i32
      %dma_wait3A_1077 = tpu.memref_slice %arg9[%dma_wait3A_1074, %dma_wait3A_1075, %dma_wait3A_1076] : memref<9x80x64xf32, #tpu.memory_space<vmem>> -> memref<1x80x64xf32, #tpu.memory_space<vmem>>
      %dma_wait3A_1078 = tpu.memref_squeeze %dma_wait3A_1077 : memref<1x80x64xf32, #tpu.memory_space<vmem>> -> memref<80x64xf32, #tpu.memory_space<vmem>>
      %dma_wait3A_1079 = arith.constant 0 : i32
      %dma_wait3A_1080 = tpu.memref_slice %arg8[%sub3A_1073, %dma_wait3A_1079] : memref<250x80xi32, #tpu.memory_space<vmem>> -> memref<1x80xi32, #tpu.memory_space<vmem>>
      %dma_wait3A_1081 = tpu.memref_squeeze %dma_wait3A_1080 : memref<1x80xi32, #tpu.memory_space<vmem>> -> memref<80xi32, #tpu.memory_space<vmem>>
      %dma_wait3A_1082 = arith.constant 0 : i32
      %dma_wait3A_1083 = arith.constant 0 : i32
      %dma_wait3A_1084 = tpu.memref_slice %arg10[%dma_wait3A_1082, %dma_wait3A_1083] : memref<10000x64xf32, #tpu.memory_space<vmem_shared>> -> memref<10000x64xf32, #tpu.memory_space<vmem_shared>>
      tpu.wait_indirect_dma semaphore(%arg22 : memref<!tpu.dma_semaphore, #tpu.memory_space<semaphore_mem>>) src(%dma_wait3A_1078 : memref<80x64xf32, #tpu.memory_space<vmem>>) dst(%dma_wait3A_1084 : memref<10000x64xf32, #tpu.memory_space<vmem_shared>>)
      %add3A_1085 = arith.constant 7 : i32
      %add3A_1086 = arith.addi %add3A_1071, %add3A_1085 : i32
      %mul3A_1087 = arith.constant 80 : i32
      %mul3A_1088 = arith.muli %add3A_1086, %mul3A_1087 : i32
      %dma_start3A_1089 = arith.constant 2 : i32
      %dma_start3A_1090 = arith.constant 0 : i32
      %dma_start3A_1091 = arith.constant 0 : i32
      %dma_start3A_1092 = tpu.memref_slice %arg9[%dma_start3A_1089, %dma_start3A_1090, %dma_start3A_1091] : memref<9x80x64xf32, #tpu.memory_space<vmem>> -> memref<1x80x64xf32, #tpu.memory_space<vmem>>
      %dma_start3A_1093 = tpu.memref_squeeze %dma_start3A_1092 : memref<1x80x64xf32, #tpu.memory_space<vmem>> -> memref<80x64xf32, #tpu.memory_space<vmem>>
      %dma_start3A_1094 = tpu.memref_slice %arg7[%mul3A_1088] : memref<20000xi32, #tpu.memory_space<vmem>> -> memref<80xi32, #tpu.memory_space<vmem>>
      %dma_start3A_1095 = arith.constant 0 : i32
      %dma_start3A_1096 = arith.constant 0 : i32
      %dma_start3A_1097 = tpu.memref_slice %arg2[%dma_start3A_1095, %dma_start3A_1096] : memref<20000x64xf32, #tpu.memory_space<hbm>> -> memref<20000x64xf32, #tpu.memory_space<hbm>>
      tpu.enqueue_indirect_dma source(%dma_start3A_1097 : memref<20000x64xf32, #tpu.memory_space<hbm>>) target(%dma_start3A_1093 : memref<80x64xf32, #tpu.memory_space<vmem>>) offsets(%dma_start3A_1094 : memref<80xi32, #tpu.memory_space<vmem>>) semaphore(%arg13 : memref<!tpu.dma_semaphore, #tpu.memory_space<semaphore_mem>>)
      %mul3A_1098 = arith.constant 80 : i32
      %mul3A_1099 = arith.muli %add3A_1071, %mul3A_1098 : i32
      %dma_wait3A_1100 = arith.constant 4 : i32
      %dma_wait3A_1101 = arith.constant 0 : i32
      %dma_wait3A_1102 = arith.constant 0 : i32
      %dma_wait3A_1103 = tpu.memref_slice %arg9[%dma_wait3A_1100, %dma_wait3A_1101, %dma_wait3A_1102] : memref<9x80x64xf32, #tpu.memory_space<vmem>> -> memref<1x80x64xf32, #tpu.memory_space<vmem>>
      %dma_wait3A_1104 = tpu.memref_squeeze %dma_wait3A_1103 : memref<1x80x64xf32, #tpu.memory_space<vmem>> -> memref<80x64xf32, #tpu.memory_space<vmem>>
      %dma_wait3A_1105 = tpu.memref_slice %arg7[%mul3A_1099] : memref<20000xi32, #tpu.memory_space<vmem>> -> memref<80xi32, #tpu.memory_space<vmem>>
      %dma_wait3A_1106 = arith.constant 0 : i32
      %dma_wait3A_1107 = arith.constant 0 : i32
      %dma_wait3A_1108 = tpu.memref_slice %arg2[%dma_wait3A_1106, %dma_wait3A_1107] : memref<20000x64xf32, #tpu.memory_space<hbm>> -> memref<20000x64xf32, #tpu.memory_space<hbm>>
      tpu.wait_indirect_dma semaphore(%arg15 : memref<!tpu.dma_semaphore, #tpu.memory_space<semaphore_mem>>) src(%dma_wait3A_1108 : memref<20000x64xf32, #tpu.memory_space<hbm>>) dst(%dma_wait3A_1104 : memref<80x64xf32, #tpu.memory_space<vmem>>)
      %dma_start3A_1109 = arith.constant 4 : i32
      %dma_start3A_1110 = arith.constant 0 : i32
      %dma_start3A_1111 = arith.constant 0 : i32
      %dma_start3A_1112 = tpu.memref_slice %arg9[%dma_start3A_1109, %dma_start3A_1110, %dma_start3A_1111] : memref<9x80x64xf32, #tpu.memory_space<vmem>> -> memref<1x80x64xf32, #tpu.memory_space<vmem>>
      %dma_start3A_1113 = tpu.memref_squeeze %dma_start3A_1112 : memref<1x80x64xf32, #tpu.memory_space<vmem>> -> memref<80x64xf32, #tpu.memory_space<vmem>>
      %dma_start3A_1114 = arith.constant 0 : i32
      %dma_start3A_1115 = tpu.memref_slice %arg8[%add3A_1071, %dma_start3A_1114] : memref<250x80xi32, #tpu.memory_space<vmem>> -> memref<1x80xi32, #tpu.memory_space<vmem>>
      %dma_start3A_1116 = tpu.memref_squeeze %dma_start3A_1115 : memref<1x80xi32, #tpu.memory_space<vmem>> -> memref<80xi32, #tpu.memory_space<vmem>>
      %dma_start3A_1117 = arith.constant 0 : i32
      %dma_start3A_1118 = arith.constant 0 : i32
      %dma_start3A_1119 = tpu.memref_slice %arg10[%dma_start3A_1117, %dma_start3A_1118] : memref<10000x64xf32, #tpu.memory_space<vmem_shared>> -> memref<10000x64xf32, #tpu.memory_space<vmem_shared>>
      tpu.enqueue_indirect_dma source(%dma_start3A_1113 : memref<80x64xf32, #tpu.memory_space<vmem>>) target(%dma_start3A_1119 : memref<10000x64xf32, #tpu.memory_space<vmem_shared>>) offsets(%dma_start3A_1116 : memref<80xi32, #tpu.memory_space<vmem>>) semaphore(%arg24 : memref<!tpu.dma_semaphore, #tpu.memory_space<semaphore_mem>>) {add = true}
      %mul3A_1120 = arith.constant 9 : i32
      %mul3A_1121 = arith.muli %scan3A_743, %mul3A_1120 : i32
      %add3A_1122 = arith.constant 7 : i32
      %add3A_1123 = arith.addi %mul3A_1121, %add3A_1122 : i32
      %add3A_1124 = arith.constant 7 : i32
      %add3A_1125 = arith.addi %add3A_1123, %add3A_1124 : i32
      %sub3A_1126 = arith.constant 2 : i32
      %sub3A_1127 = arith.subi %add3A_1125, %sub3A_1126 : i32
      %dma_wait3A_1128 = arith.constant 3 : i32
      %dma_wait3A_1129 = arith.constant 0 : i32
      %dma_wait3A_1130 = arith.constant 0 : i32
      %dma_wait3A_1131 = tpu.memref_slice %arg9[%dma_wait3A_1128, %dma_wait3A_1129, %dma_wait3A_1130] : memref<9x80x64xf32, #tpu.memory_space<vmem>> -> memref<1x80x64xf32, #tpu.memory_space<vmem>>
      %dma_wait3A_1132 = tpu.memref_squeeze %dma_wait3A_1131 : memref<1x80x64xf32, #tpu.memory_space<vmem>> -> memref<80x64xf32, #tpu.memory_space<vmem>>
      %dma_wait3A_1133 = arith.constant 0 : i32
      %dma_wait3A_1134 = tpu.memref_slice %arg8[%sub3A_1127, %dma_wait3A_1133] : memref<250x80xi32, #tpu.memory_space<vmem>> -> memref<1x80xi32, #tpu.memory_space<vmem>>
      %dma_wait3A_1135 = tpu.memref_squeeze %dma_wait3A_1134 : memref<1x80xi32, #tpu.memory_space<vmem>> -> memref<80xi32, #tpu.memory_space<vmem>>
      %dma_wait3A_1136 = arith.constant 0 : i32
      %dma_wait3A_1137 = arith.constant 0 : i32
      %dma_wait3A_1138 = tpu.memref_slice %arg10[%dma_wait3A_1136, %dma_wait3A_1137] : memref<10000x64xf32, #tpu.memory_space<vmem_shared>> -> memref<10000x64xf32, #tpu.memory_space<vmem_shared>>
      tpu.wait_indirect_dma semaphore(%arg23 : memref<!tpu.dma_semaphore, #tpu.memory_space<semaphore_mem>>) src(%dma_wait3A_1132 : memref<80x64xf32, #tpu.memory_space<vmem>>) dst(%dma_wait3A_1138 : memref<10000x64xf32, #tpu.memory_space<vmem_shared>>)
      %add3A_1139 = arith.constant 7 : i32
      %add3A_1140 = arith.addi %add3A_1125, %add3A_1139 : i32
      %mul3A_1141 = arith.constant 80 : i32
      %mul3A_1142 = arith.muli %add3A_1140, %mul3A_1141 : i32
      %dma_start3A_1143 = arith.constant 3 : i32
      %dma_start3A_1144 = arith.constant 0 : i32
      %dma_start3A_1145 = arith.constant 0 : i32
      %dma_start3A_1146 = tpu.memref_slice %arg9[%dma_start3A_1143, %dma_start3A_1144, %dma_start3A_1145] : memref<9x80x64xf32, #tpu.memory_space<vmem>> -> memref<1x80x64xf32, #tpu.memory_space<vmem>>
      %dma_start3A_1147 = tpu.memref_squeeze %dma_start3A_1146 : memref<1x80x64xf32, #tpu.memory_space<vmem>> -> memref<80x64xf32, #tpu.memory_space<vmem>>
      %dma_start3A_1148 = tpu.memref_slice %arg7[%mul3A_1142] : memref<20000xi32, #tpu.memory_space<vmem>> -> memref<80xi32, #tpu.memory_space<vmem>>
      %dma_start3A_1149 = arith.constant 0 : i32
      %dma_start3A_1150 = arith.constant 0 : i32
      %dma_start3A_1151 = tpu.memref_slice %arg2[%dma_start3A_1149, %dma_start3A_1150] : memref<20000x64xf32, #tpu.memory_space<hbm>> -> memref<20000x64xf32, #tpu.memory_space<hbm>>
      tpu.enqueue_indirect_dma source(%dma_start3A_1151 : memref<20000x64xf32, #tpu.memory_space<hbm>>) target(%dma_start3A_1147 : memref<80x64xf32, #tpu.memory_space<vmem>>) offsets(%dma_start3A_1148 : memref<80xi32, #tpu.memory_space<vmem>>) semaphore(%arg14 : memref<!tpu.dma_semaphore, #tpu.memory_space<semaphore_mem>>)
      %mul3A_1152 = arith.constant 80 : i32
      %mul3A_1153 = arith.muli %add3A_1125, %mul3A_1152 : i32
      %dma_wait3A_1154 = arith.constant 5 : i32
      %dma_wait3A_1155 = arith.constant 0 : i32
      %dma_wait3A_1156 = arith.constant 0 : i32
      %dma_wait3A_1157 = tpu.memref_slice %arg9[%dma_wait3A_1154, %dma_wait3A_1155, %dma_wait3A_1156] : memref<9x80x64xf32, #tpu.memory_space<vmem>> -> memref<1x80x64xf32, #tpu.memory_space<vmem>>
      %dma_wait3A_1158 = tpu.memref_squeeze %dma_wait3A_1157 : memref<1x80x64xf32, #tpu.memory_space<vmem>> -> memref<80x64xf32, #tpu.memory_space<vmem>>
      %dma_wait3A_1159 = tpu.memref_slice %arg7[%mul3A_1153] : memref<20000xi32, #tpu.memory_space<vmem>> -> memref<80xi32, #tpu.memory_space<vmem>>
      %dma_wait3A_1160 = arith.constant 0 : i32
      %dma_wait3A_1161 = arith.constant 0 : i32
      %dma_wait3A_1162 = tpu.memref_slice %arg2[%dma_wait3A_1160, %dma_wait3A_1161] : memref<20000x64xf32, #tpu.memory_space<hbm>> -> memref<20000x64xf32, #tpu.memory_space<hbm>>
      tpu.wait_indirect_dma semaphore(%arg16 : memref<!tpu.dma_semaphore, #tpu.memory_space<semaphore_mem>>) src(%dma_wait3A_1162 : memref<20000x64xf32, #tpu.memory_space<hbm>>) dst(%dma_wait3A_1158 : memref<80x64xf32, #tpu.memory_space<vmem>>)
      %dma_start3A_1163 = arith.constant 5 : i32
      %dma_start3A_1164 = arith.constant 0 : i32
      %dma_start3A_1165 = arith.constant 0 : i32
      %dma_start3A_1166 = tpu.memref_slice %arg9[%dma_start3A_1163, %dma_start3A_1164, %dma_start3A_1165] : memref<9x80x64xf32, #tpu.memory_space<vmem>> -> memref<1x80x64xf32, #tpu.memory_space<vmem>>
      %dma_start3A_1167 = tpu.memref_squeeze %dma_start3A_1166 : memref<1x80x64xf32, #tpu.memory_space<vmem>> -> memref<80x64xf32, #tpu.memory_space<vmem>>
      %dma_start3A_1168 = arith.constant 0 : i32
      %dma_start3A_1169 = tpu.memref_slice %arg8[%add3A_1125, %dma_start3A_1168] : memref<250x80xi32, #tpu.memory_space<vmem>> -> memref<1x80xi32, #tpu.memory_space<vmem>>
      %dma_start3A_1170 = tpu.memref_squeeze %dma_start3A_1169 : memref<1x80xi32, #tpu.memory_space<vmem>> -> memref<80xi32, #tpu.memory_space<vmem>>
      %dma_start3A_1171 = arith.constant 0 : i32
      %dma_start3A_1172 = arith.constant 0 : i32
      %dma_start3A_1173 = tpu.memref_slice %arg10[%dma_start3A_1171, %dma_start3A_1172] : memref<10000x64xf32, #tpu.memory_space<vmem_shared>> -> memref<10000x64xf32, #tpu.memory_space<vmem_shared>>
      tpu.enqueue_indirect_dma source(%dma_start3A_1167 : memref<80x64xf32, #tpu.memory_space<vmem>>) target(%dma_start3A_1173 : memref<10000x64xf32, #tpu.memory_space<vmem_shared>>) offsets(%dma_start3A_1170 : memref<80xi32, #tpu.memory_space<vmem>>) semaphore(%arg25 : memref<!tpu.dma_semaphore, #tpu.memory_space<semaphore_mem>>) {add = true}
      %mul3A_1174 = arith.constant 9 : i32
      %mul3A_1175 = arith.muli %scan3A_743, %mul3A_1174 : i32
      %add3A_1176 = arith.constant 8 : i32
      %add3A_1177 = arith.addi %mul3A_1175, %add3A_1176 : i32
      %add3A_1178 = arith.constant 7 : i32
      %add3A_1179 = arith.addi %add3A_1177, %add3A_1178 : i32
      %sub3A_1180 = arith.constant 2 : i32
      %sub3A_1181 = arith.subi %add3A_1179, %sub3A_1180 : i32
      %dma_wait3A_1182 = arith.constant 4 : i32
      %dma_wait3A_1183 = arith.constant 0 : i32
      %dma_wait3A_1184 = arith.constant 0 : i32
      %dma_wait3A_1185 = tpu.memref_slice %arg9[%dma_wait3A_1182, %dma_wait3A_1183, %dma_wait3A_1184] : memref<9x80x64xf32, #tpu.memory_space<vmem>> -> memref<1x80x64xf32, #tpu.memory_space<vmem>>
      %dma_wait3A_1186 = tpu.memref_squeeze %dma_wait3A_1185 : memref<1x80x64xf32, #tpu.memory_space<vmem>> -> memref<80x64xf32, #tpu.memory_space<vmem>>
      %dma_wait3A_1187 = arith.constant 0 : i32
      %dma_wait3A_1188 = tpu.memref_slice %arg8[%sub3A_1181, %dma_wait3A_1187] : memref<250x80xi32, #tpu.memory_space<vmem>> -> memref<1x80xi32, #tpu.memory_space<vmem>>
      %dma_wait3A_1189 = tpu.memref_squeeze %dma_wait3A_1188 : memref<1x80xi32, #tpu.memory_space<vmem>> -> memref<80xi32, #tpu.memory_space<vmem>>
      %dma_wait3A_1190 = arith.constant 0 : i32
      %dma_wait3A_1191 = arith.constant 0 : i32
      %dma_wait3A_1192 = tpu.memref_slice %arg10[%dma_wait3A_1190, %dma_wait3A_1191] : memref<10000x64xf32, #tpu.memory_space<vmem_shared>> -> memref<10000x64xf32, #tpu.memory_space<vmem_shared>>
      tpu.wait_indirect_dma semaphore(%arg24 : memref<!tpu.dma_semaphore, #tpu.memory_space<semaphore_mem>>) src(%dma_wait3A_1186 : memref<80x64xf32, #tpu.memory_space<vmem>>) dst(%dma_wait3A_1192 : memref<10000x64xf32, #tpu.memory_space<vmem_shared>>)
      %add3A_1193 = arith.constant 7 : i32
      %add3A_1194 = arith.addi %add3A_1179, %add3A_1193 : i32
      %mul3A_1195 = arith.constant 80 : i32
      %mul3A_1196 = arith.muli %add3A_1194, %mul3A_1195 : i32
      %dma_start3A_1197 = arith.constant 4 : i32
      %dma_start3A_1198 = arith.constant 0 : i32
      %dma_start3A_1199 = arith.constant 0 : i32
      %dma_start3A_1200 = tpu.memref_slice %arg9[%dma_start3A_1197, %dma_start3A_1198, %dma_start3A_1199] : memref<9x80x64xf32, #tpu.memory_space<vmem>> -> memref<1x80x64xf32, #tpu.memory_space<vmem>>
      %dma_start3A_1201 = tpu.memref_squeeze %dma_start3A_1200 : memref<1x80x64xf32, #tpu.memory_space<vmem>> -> memref<80x64xf32, #tpu.memory_space<vmem>>
      %dma_start3A_1202 = tpu.memref_slice %arg7[%mul3A_1196] : memref<20000xi32, #tpu.memory_space<vmem>> -> memref<80xi32, #tpu.memory_space<vmem>>
      %dma_start3A_1203 = arith.constant 0 : i32
      %dma_start3A_1204 = arith.constant 0 : i32
      %dma_start3A_1205 = tpu.memref_slice %arg2[%dma_start3A_1203, %dma_start3A_1204] : memref<20000x64xf32, #tpu.memory_space<hbm>> -> memref<20000x64xf32, #tpu.memory_space<hbm>>
      tpu.enqueue_indirect_dma source(%dma_start3A_1205 : memref<20000x64xf32, #tpu.memory_space<hbm>>) target(%dma_start3A_1201 : memref<80x64xf32, #tpu.memory_space<vmem>>) offsets(%dma_start3A_1202 : memref<80xi32, #tpu.memory_space<vmem>>) semaphore(%arg15 : memref<!tpu.dma_semaphore, #tpu.memory_space<semaphore_mem>>)
      %mul3A_1206 = arith.constant 80 : i32
      %mul3A_1207 = arith.muli %add3A_1179, %mul3A_1206 : i32
      %dma_wait3A_1208 = arith.constant 6 : i32
      %dma_wait3A_1209 = arith.constant 0 : i32
      %dma_wait3A_1210 = arith.constant 0 : i32
      %dma_wait3A_1211 = tpu.memref_slice %arg9[%dma_wait3A_1208, %dma_wait3A_1209, %dma_wait3A_1210] : memref<9x80x64xf32, #tpu.memory_space<vmem>> -> memref<1x80x64xf32, #tpu.memory_space<vmem>>
      %dma_wait3A_1212 = tpu.memref_squeeze %dma_wait3A_1211 : memref<1x80x64xf32, #tpu.memory_space<vmem>> -> memref<80x64xf32, #tpu.memory_space<vmem>>
      %dma_wait3A_1213 = tpu.memref_slice %arg7[%mul3A_1207] : memref<20000xi32, #tpu.memory_space<vmem>> -> memref<80xi32, #tpu.memory_space<vmem>>
      %dma_wait3A_1214 = arith.constant 0 : i32
      %dma_wait3A_1215 = arith.constant 0 : i32
      %dma_wait3A_1216 = tpu.memref_slice %arg2[%dma_wait3A_1214, %dma_wait3A_1215] : memref<20000x64xf32, #tpu.memory_space<hbm>> -> memref<20000x64xf32, #tpu.memory_space<hbm>>
      tpu.wait_indirect_dma semaphore(%arg17 : memref<!tpu.dma_semaphore, #tpu.memory_space<semaphore_mem>>) src(%dma_wait3A_1216 : memref<20000x64xf32, #tpu.memory_space<hbm>>) dst(%dma_wait3A_1212 : memref<80x64xf32, #tpu.memory_space<vmem>>)
      %dma_start3A_1217 = arith.constant 6 : i32
      %dma_start3A_1218 = arith.constant 0 : i32
      %dma_start3A_1219 = arith.constant 0 : i32
      %dma_start3A_1220 = tpu.memref_slice %arg9[%dma_start3A_1217, %dma_start3A_1218, %dma_start3A_1219] : memref<9x80x64xf32, #tpu.memory_space<vmem>> -> memref<1x80x64xf32, #tpu.memory_space<vmem>>
      %dma_start3A_1221 = tpu.memref_squeeze %dma_start3A_1220 : memref<1x80x64xf32, #tpu.memory_space<vmem>> -> memref<80x64xf32, #tpu.memory_space<vmem>>
      %dma_start3A_1222 = arith.constant 0 : i32
      %dma_start3A_1223 = tpu.memref_slice %arg8[%add3A_1179, %dma_start3A_1222] : memref<250x80xi32, #tpu.memory_space<vmem>> -> memref<1x80xi32, #tpu.memory_space<vmem>>
      %dma_start3A_1224 = tpu.memref_squeeze %dma_start3A_1223 : memref<1x80xi32, #tpu.memory_space<vmem>> -> memref<80xi32, #tpu.memory_space<vmem>>
      %dma_start3A_1225 = arith.constant 0 : i32
      %dma_start3A_1226 = arith.constant 0 : i32
      %dma_start3A_1227 = tpu.memref_slice %arg10[%dma_start3A_1225, %dma_start3A_1226] : memref<10000x64xf32, #tpu.memory_space<vmem_shared>> -> memref<10000x64xf32, #tpu.memory_space<vmem_shared>>
      tpu.enqueue_indirect_dma source(%dma_start3A_1221 : memref<80x64xf32, #tpu.memory_space<vmem>>) target(%dma_start3A_1227 : memref<10000x64xf32, #tpu.memory_space<vmem_shared>>) offsets(%dma_start3A_1224 : memref<80xi32, #tpu.memory_space<vmem>>) semaphore(%arg26 : memref<!tpu.dma_semaphore, #tpu.memory_space<semaphore_mem>>) {add = true}
    }
    %scan3A_389 = arith.constant 26 : i32
    %dma_wait3A_390 = arith.constant 5 : i32
    %dma_wait3A_391 = arith.constant 239 : i32
    %dma_wait3A_392 = arith.constant 0 : i32
    %dma_wait3A_393 = arith.constant 0 : i32
    %dma_wait3A_394 = tpu.memref_slice %arg9[%dma_wait3A_390, %dma_wait3A_392, %dma_wait3A_393] : memref<9x80x64xf32, #tpu.memory_space<vmem>> -> memref<1x80x64xf32, #tpu.memory_space<vmem>>
    %dma_wait3A_395 = tpu.memref_squeeze %dma_wait3A_394 : memref<1x80x64xf32, #tpu.memory_space<vmem>> -> memref<80x64xf32, #tpu.memory_space<vmem>>
    %dma_wait3A_396 = arith.constant 0 : i32
    %dma_wait3A_397 = tpu.memref_slice %arg8[%dma_wait3A_391, %dma_wait3A_396] : memref<250x80xi32, #tpu.memory_space<vmem>> -> memref<1x80xi32, #tpu.memory_space<vmem>>
    %dma_wait3A_398 = tpu.memref_squeeze %dma_wait3A_397 : memref<1x80xi32, #tpu.memory_space<vmem>> -> memref<80xi32, #tpu.memory_space<vmem>>
    %dma_wait3A_399 = arith.constant 0 : i32
    %dma_wait3A_400 = arith.constant 0 : i32
    %dma_wait3A_401 = tpu.memref_slice %arg10[%dma_wait3A_399, %dma_wait3A_400] : memref<10000x64xf32, #tpu.memory_space<vmem_shared>> -> memref<10000x64xf32, #tpu.memory_space<vmem_shared>>
    tpu.wait_indirect_dma semaphore(%arg25 : memref<!tpu.dma_semaphore, #tpu.memory_space<semaphore_mem>>) src(%dma_wait3A_395 : memref<80x64xf32, #tpu.memory_space<vmem>>) dst(%dma_wait3A_401 : memref<10000x64xf32, #tpu.memory_space<vmem_shared>>)
    %dma_start3A_402 = arith.constant 5 : i32
    %dma_start3A_403 = arith.constant 0 : i32
    %dma_start3A_404 = arith.constant 0 : i32
    %dma_start3A_405 = tpu.memref_slice %arg9[%dma_start3A_402, %dma_start3A_403, %dma_start3A_404] : memref<9x80x64xf32, #tpu.memory_space<vmem>> -> memref<1x80x64xf32, #tpu.memory_space<vmem>>
    %dma_start3A_406 = tpu.memref_squeeze %dma_start3A_405 : memref<1x80x64xf32, #tpu.memory_space<vmem>> -> memref<80x64xf32, #tpu.memory_space<vmem>>
    %dma_start3A_407 = arith.constant 19840 : i32
    %dma_start3A_408 = tpu.memref_slice %arg7[%dma_start3A_407] : memref<20000xi32, #tpu.memory_space<vmem>> -> memref<80xi32, #tpu.memory_space<vmem>>
    %dma_start3A_409 = arith.constant 0 : i32
    %dma_start3A_410 = arith.constant 0 : i32
    %dma_start3A_411 = tpu.memref_slice %arg2[%dma_start3A_409, %dma_start3A_410] : memref<20000x64xf32, #tpu.memory_space<hbm>> -> memref<20000x64xf32, #tpu.memory_space<hbm>>
    tpu.enqueue_indirect_dma source(%dma_start3A_411 : memref<20000x64xf32, #tpu.memory_space<hbm>>) target(%dma_start3A_406 : memref<80x64xf32, #tpu.memory_space<vmem>>) offsets(%dma_start3A_408 : memref<80xi32, #tpu.memory_space<vmem>>) semaphore(%arg16 : memref<!tpu.dma_semaphore, #tpu.memory_space<semaphore_mem>>)
    %dma_wait3A_412 = arith.constant 7 : i32
    %dma_wait3A_413 = arith.constant 0 : i32
    %dma_wait3A_414 = arith.constant 0 : i32
    %dma_wait3A_415 = tpu.memref_slice %arg9[%dma_wait3A_412, %dma_wait3A_413, %dma_wait3A_414] : memref<9x80x64xf32, #tpu.memory_space<vmem>> -> memref<1x80x64xf32, #tpu.memory_space<vmem>>
    %dma_wait3A_416 = tpu.memref_squeeze %dma_wait3A_415 : memref<1x80x64xf32, #tpu.memory_space<vmem>> -> memref<80x64xf32, #tpu.memory_space<vmem>>
    %dma_wait3A_417 = arith.constant 19280 : i32
    %dma_wait3A_418 = tpu.memref_slice %arg7[%dma_wait3A_417] : memref<20000xi32, #tpu.memory_space<vmem>> -> memref<80xi32, #tpu.memory_space<vmem>>
    %dma_wait3A_419 = arith.constant 0 : i32
    %dma_wait3A_420 = arith.constant 0 : i32
    %dma_wait3A_421 = tpu.memref_slice %arg2[%dma_wait3A_419, %dma_wait3A_420] : memref<20000x64xf32, #tpu.memory_space<hbm>> -> memref<20000x64xf32, #tpu.memory_space<hbm>>
    tpu.wait_indirect_dma semaphore(%arg18 : memref<!tpu.dma_semaphore, #tpu.memory_space<semaphore_mem>>) src(%dma_wait3A_421 : memref<20000x64xf32, #tpu.memory_space<hbm>>) dst(%dma_wait3A_416 : memref<80x64xf32, #tpu.memory_space<vmem>>)
    %dma_start3A_422 = arith.constant 7 : i32
    %dma_start3A_423 = arith.constant 241 : i32
    %dma_start3A_424 = arith.constant 0 : i32
    %dma_start3A_425 = arith.constant 0 : i32
    %dma_start3A_426 = tpu.memref_slice %arg9[%dma_start3A_422, %dma_start3A_424, %dma_start3A_425] : memref<9x80x64xf32, #tpu.memory_space<vmem>> -> memref<1x80x64xf32, #tpu.memory_space<vmem>>
    %dma_start3A_427 = tpu.memref_squeeze %dma_start3A_426 : memref<1x80x64xf32, #tpu.memory_space<vmem>> -> memref<80x64xf32, #tpu.memory_space<vmem>>
    %dma_start3A_428 = arith.constant 0 : i32
    %dma_start3A_429 = tpu.memref_slice %arg8[%dma_start3A_423, %dma_start3A_428] : memref<250x80xi32, #tpu.memory_space<vmem>> -> memref<1x80xi32, #tpu.memory_space<vmem>>
    %dma_start3A_430 = tpu.memref_squeeze %dma_start3A_429 : memref<1x80xi32, #tpu.memory_space<vmem>> -> memref<80xi32, #tpu.memory_space<vmem>>
    %dma_start3A_431 = arith.constant 0 : i32
    %dma_start3A_432 = arith.constant 0 : i32
    %dma_start3A_433 = tpu.memref_slice %arg10[%dma_start3A_431, %dma_start3A_432] : memref<10000x64xf32, #tpu.memory_space<vmem_shared>> -> memref<10000x64xf32, #tpu.memory_space<vmem_shared>>
    tpu.enqueue_indirect_dma source(%dma_start3A_427 : memref<80x64xf32, #tpu.memory_space<vmem>>) target(%dma_start3A_433 : memref<10000x64xf32, #tpu.memory_space<vmem_shared>>) offsets(%dma_start3A_430 : memref<80xi32, #tpu.memory_space<vmem>>) semaphore(%arg27 : memref<!tpu.dma_semaphore, #tpu.memory_space<semaphore_mem>>) {add = true}
    %dma_wait3A_434 = arith.constant 6 : i32
    %dma_wait3A_435 = arith.constant 240 : i32
    %dma_wait3A_436 = arith.constant 0 : i32
    %dma_wait3A_437 = arith.constant 0 : i32
    %dma_wait3A_438 = tpu.memref_slice %arg9[%dma_wait3A_434, %dma_wait3A_436, %dma_wait3A_437] : memref<9x80x64xf32, #tpu.memory_space<vmem>> -> memref<1x80x64xf32, #tpu.memory_space<vmem>>
    %dma_wait3A_439 = tpu.memref_squeeze %dma_wait3A_438 : memref<1x80x64xf32, #tpu.memory_space<vmem>> -> memref<80x64xf32, #tpu.memory_space<vmem>>
    %dma_wait3A_440 = arith.constant 0 : i32
    %dma_wait3A_441 = tpu.memref_slice %arg8[%dma_wait3A_435, %dma_wait3A_440] : memref<250x80xi32, #tpu.memory_space<vmem>> -> memref<1x80xi32, #tpu.memory_space<vmem>>
    %dma_wait3A_442 = tpu.memref_squeeze %dma_wait3A_441 : memref<1x80xi32, #tpu.memory_space<vmem>> -> memref<80xi32, #tpu.memory_space<vmem>>
    %dma_wait3A_443 = arith.constant 0 : i32
    %dma_wait3A_444 = arith.constant 0 : i32
    %dma_wait3A_445 = tpu.memref_slice %arg10[%dma_wait3A_443, %dma_wait3A_444] : memref<10000x64xf32, #tpu.memory_space<vmem_shared>> -> memref<10000x64xf32, #tpu.memory_space<vmem_shared>>
    tpu.wait_indirect_dma semaphore(%arg26 : memref<!tpu.dma_semaphore, #tpu.memory_space<semaphore_mem>>) src(%dma_wait3A_439 : memref<80x64xf32, #tpu.memory_space<vmem>>) dst(%dma_wait3A_445 : memref<10000x64xf32, #tpu.memory_space<vmem_shared>>)
    %dma_start3A_446 = arith.constant 6 : i32
    %dma_start3A_447 = arith.constant 0 : i32
    %dma_start3A_448 = arith.constant 0 : i32
    %dma_start3A_449 = tpu.memref_slice %arg9[%dma_start3A_446, %dma_start3A_447, %dma_start3A_448] : memref<9x80x64xf32, #tpu.memory_space<vmem>> -> memref<1x80x64xf32, #tpu.memory_space<vmem>>
    %dma_start3A_450 = tpu.memref_squeeze %dma_start3A_449 : memref<1x80x64xf32, #tpu.memory_space<vmem>> -> memref<80x64xf32, #tpu.memory_space<vmem>>
    %dma_start3A_451 = arith.constant 19920 : i32
    %dma_start3A_452 = tpu.memref_slice %arg7[%dma_start3A_451] : memref<20000xi32, #tpu.memory_space<vmem>> -> memref<80xi32, #tpu.memory_space<vmem>>
    %dma_start3A_453 = arith.constant 0 : i32
    %dma_start3A_454 = arith.constant 0 : i32
    %dma_start3A_455 = tpu.memref_slice %arg2[%dma_start3A_453, %dma_start3A_454] : memref<20000x64xf32, #tpu.memory_space<hbm>> -> memref<20000x64xf32, #tpu.memory_space<hbm>>
    tpu.enqueue_indirect_dma source(%dma_start3A_455 : memref<20000x64xf32, #tpu.memory_space<hbm>>) target(%dma_start3A_450 : memref<80x64xf32, #tpu.memory_space<vmem>>) offsets(%dma_start3A_452 : memref<80xi32, #tpu.memory_space<vmem>>) semaphore(%arg17 : memref<!tpu.dma_semaphore, #tpu.memory_space<semaphore_mem>>)
    %dma_wait3A_456 = arith.constant 8 : i32
    %dma_wait3A_457 = arith.constant 0 : i32
    %dma_wait3A_458 = arith.constant 0 : i32
    %dma_wait3A_459 = tpu.memref_slice %arg9[%dma_wait3A_456, %dma_wait3A_457, %dma_wait3A_458] : memref<9x80x64xf32, #tpu.memory_space<vmem>> -> memref<1x80x64xf32, #tpu.memory_space<vmem>>
    %dma_wait3A_460 = tpu.memref_squeeze %dma_wait3A_459 : memref<1x80x64xf32, #tpu.memory_space<vmem>> -> memref<80x64xf32, #tpu.memory_space<vmem>>
    %dma_wait3A_461 = arith.constant 19360 : i32
    %dma_wait3A_462 = tpu.memref_slice %arg7[%dma_wait3A_461] : memref<20000xi32, #tpu.memory_space<vmem>> -> memref<80xi32, #tpu.memory_space<vmem>>
    %dma_wait3A_463 = arith.constant 0 : i32
    %dma_wait3A_464 = arith.constant 0 : i32
    %dma_wait3A_465 = tpu.memref_slice %arg2[%dma_wait3A_463, %dma_wait3A_464] : memref<20000x64xf32, #tpu.memory_space<hbm>> -> memref<20000x64xf32, #tpu.memory_space<hbm>>
    tpu.wait_indirect_dma semaphore(%arg19 : memref<!tpu.dma_semaphore, #tpu.memory_space<semaphore_mem>>) src(%dma_wait3A_465 : memref<20000x64xf32, #tpu.memory_space<hbm>>) dst(%dma_wait3A_460 : memref<80x64xf32, #tpu.memory_space<vmem>>)
    %dma_start3A_466 = arith.constant 8 : i32
    %dma_start3A_467 = arith.constant 242 : i32
    %dma_start3A_468 = arith.constant 0 : i32
    %dma_start3A_469 = arith.constant 0 : i32
    %dma_start3A_470 = tpu.memref_slice %arg9[%dma_start3A_466, %dma_start3A_468, %dma_start3A_469] : memref<9x80x64xf32, #tpu.memory_space<vmem>> -> memref<1x80x64xf32, #tpu.memory_space<vmem>>
    %dma_start3A_471 = tpu.memref_squeeze %dma_start3A_470 : memref<1x80x64xf32, #tpu.memory_space<vmem>> -> memref<80x64xf32, #tpu.memory_space<vmem>>
    %dma_start3A_472 = arith.constant 0 : i32
    %dma_start3A_473 = tpu.memref_slice %arg8[%dma_start3A_467, %dma_start3A_472] : memref<250x80xi32, #tpu.memory_space<vmem>> -> memref<1x80xi32, #tpu.memory_space<vmem>>
    %dma_start3A_474 = tpu.memref_squeeze %dma_start3A_473 : memref<1x80xi32, #tpu.memory_space<vmem>> -> memref<80xi32, #tpu.memory_space<vmem>>
    %dma_start3A_475 = arith.constant 0 : i32
    %dma_start3A_476 = arith.constant 0 : i32
    %dma_start3A_477 = tpu.memref_slice %arg10[%dma_start3A_475, %dma_start3A_476] : memref<10000x64xf32, #tpu.memory_space<vmem_shared>> -> memref<10000x64xf32, #tpu.memory_space<vmem_shared>>
    tpu.enqueue_indirect_dma source(%dma_start3A_471 : memref<80x64xf32, #tpu.memory_space<vmem>>) target(%dma_start3A_477 : memref<10000x64xf32, #tpu.memory_space<vmem_shared>>) offsets(%dma_start3A_474 : memref<80xi32, #tpu.memory_space<vmem>>) semaphore(%arg28 : memref<!tpu.dma_semaphore, #tpu.memory_space<semaphore_mem>>) {add = true}
    %dma_wait3A_478 = arith.constant 7 : i32
    %dma_wait3A_479 = arith.constant 241 : i32
    %dma_wait3A_480 = arith.constant 0 : i32
    %dma_wait3A_481 = arith.constant 0 : i32
    %dma_wait3A_482 = tpu.memref_slice %arg9[%dma_wait3A_478, %dma_wait3A_480, %dma_wait3A_481] : memref<9x80x64xf32, #tpu.memory_space<vmem>> -> memref<1x80x64xf32, #tpu.memory_space<vmem>>
    %dma_wait3A_483 = tpu.memref_squeeze %dma_wait3A_482 : memref<1x80x64xf32, #tpu.memory_space<vmem>> -> memref<80x64xf32, #tpu.memory_space<vmem>>
    %dma_wait3A_484 = arith.constant 0 : i32
    %dma_wait3A_485 = tpu.memref_slice %arg8[%dma_wait3A_479, %dma_wait3A_484] : memref<250x80xi32, #tpu.memory_space<vmem>> -> memref<1x80xi32, #tpu.memory_space<vmem>>
    %dma_wait3A_486 = tpu.memref_squeeze %dma_wait3A_485 : memref<1x80xi32, #tpu.memory_space<vmem>> -> memref<80xi32, #tpu.memory_space<vmem>>
    %dma_wait3A_487 = arith.constant 0 : i32
    %dma_wait3A_488 = arith.constant 0 : i32
    %dma_wait3A_489 = tpu.memref_slice %arg10[%dma_wait3A_487, %dma_wait3A_488] : memref<10000x64xf32, #tpu.memory_space<vmem_shared>> -> memref<10000x64xf32, #tpu.memory_space<vmem_shared>>
    tpu.wait_indirect_dma semaphore(%arg27 : memref<!tpu.dma_semaphore, #tpu.memory_space<semaphore_mem>>) src(%dma_wait3A_483 : memref<80x64xf32, #tpu.memory_space<vmem>>) dst(%dma_wait3A_489 : memref<10000x64xf32, #tpu.memory_space<vmem_shared>>)
    %dma_wait3A_490 = arith.constant 0 : i32
    %dma_wait3A_491 = arith.constant 0 : i32
    %dma_wait3A_492 = arith.constant 0 : i32
    %dma_wait3A_493 = tpu.memref_slice %arg9[%dma_wait3A_490, %dma_wait3A_491, %dma_wait3A_492] : memref<9x80x64xf32, #tpu.memory_space<vmem>> -> memref<1x80x64xf32, #tpu.memory_space<vmem>>
    %dma_wait3A_494 = tpu.memref_squeeze %dma_wait3A_493 : memref<1x80x64xf32, #tpu.memory_space<vmem>> -> memref<80x64xf32, #tpu.memory_space<vmem>>
    %dma_wait3A_495 = arith.constant 19440 : i32
    %dma_wait3A_496 = tpu.memref_slice %arg7[%dma_wait3A_495] : memref<20000xi32, #tpu.memory_space<vmem>> -> memref<80xi32, #tpu.memory_space<vmem>>
    %dma_wait3A_497 = arith.constant 0 : i32
    %dma_wait3A_498 = arith.constant 0 : i32
    %dma_wait3A_499 = tpu.memref_slice %arg2[%dma_wait3A_497, %dma_wait3A_498] : memref<20000x64xf32, #tpu.memory_space<hbm>> -> memref<20000x64xf32, #tpu.memory_space<hbm>>
    tpu.wait_indirect_dma semaphore(%arg11 : memref<!tpu.dma_semaphore, #tpu.memory_space<semaphore_mem>>) src(%dma_wait3A_499 : memref<20000x64xf32, #tpu.memory_space<hbm>>) dst(%dma_wait3A_494 : memref<80x64xf32, #tpu.memory_space<vmem>>)
    %dma_start3A_500 = arith.constant 0 : i32
    %dma_start3A_501 = arith.constant 243 : i32
    %dma_start3A_502 = arith.constant 0 : i32
    %dma_start3A_503 = arith.constant 0 : i32
    %dma_start3A_504 = tpu.memref_slice %arg9[%dma_start3A_500, %dma_start3A_502, %dma_start3A_503] : memref<9x80x64xf32, #tpu.memory_space<vmem>> -> memref<1x80x64xf32, #tpu.memory_space<vmem>>
    %dma_start3A_505 = tpu.memref_squeeze %dma_start3A_504 : memref<1x80x64xf32, #tpu.memory_space<vmem>> -> memref<80x64xf32, #tpu.memory_space<vmem>>
    %dma_start3A_506 = arith.constant 0 : i32
    %dma_start3A_507 = tpu.memref_slice %arg8[%dma_start3A_501, %dma_start3A_506] : memref<250x80xi32, #tpu.memory_space<vmem>> -> memref<1x80xi32, #tpu.memory_space<vmem>>
    %dma_start3A_508 = tpu.memref_squeeze %dma_start3A_507 : memref<1x80xi32, #tpu.memory_space<vmem>> -> memref<80xi32, #tpu.memory_space<vmem>>
    %dma_start3A_509 = arith.constant 0 : i32
    %dma_start3A_510 = arith.constant 0 : i32
    %dma_start3A_511 = tpu.memref_slice %arg10[%dma_start3A_509, %dma_start3A_510] : memref<10000x64xf32, #tpu.memory_space<vmem_shared>> -> memref<10000x64xf32, #tpu.memory_space<vmem_shared>>
    tpu.enqueue_indirect_dma source(%dma_start3A_505 : memref<80x64xf32, #tpu.memory_space<vmem>>) target(%dma_start3A_511 : memref<10000x64xf32, #tpu.memory_space<vmem_shared>>) offsets(%dma_start3A_508 : memref<80xi32, #tpu.memory_space<vmem>>) semaphore(%arg20 : memref<!tpu.dma_semaphore, #tpu.memory_space<semaphore_mem>>) {add = true}
    %dma_wait3A_512 = arith.constant 8 : i32
    %dma_wait3A_513 = arith.constant 242 : i32
    %dma_wait3A_514 = arith.constant 0 : i32
    %dma_wait3A_515 = arith.constant 0 : i32
    %dma_wait3A_516 = tpu.memref_slice %arg9[%dma_wait3A_512, %dma_wait3A_514, %dma_wait3A_515] : memref<9x80x64xf32, #tpu.memory_space<vmem>> -> memref<1x80x64xf32, #tpu.memory_space<vmem>>
    %dma_wait3A_517 = tpu.memref_squeeze %dma_wait3A_516 : memref<1x80x64xf32, #tpu.memory_space<vmem>> -> memref<80x64xf32, #tpu.memory_space<vmem>>
    %dma_wait3A_518 = arith.constant 0 : i32
    %dma_wait3A_519 = tpu.memref_slice %arg8[%dma_wait3A_513, %dma_wait3A_518] : memref<250x80xi32, #tpu.memory_space<vmem>> -> memref<1x80xi32, #tpu.memory_space<vmem>>
    %dma_wait3A_520 = tpu.memref_squeeze %dma_wait3A_519 : memref<1x80xi32, #tpu.memory_space<vmem>> -> memref<80xi32, #tpu.memory_space<vmem>>
    %dma_wait3A_521 = arith.constant 0 : i32
    %dma_wait3A_522 = arith.constant 0 : i32
    %dma_wait3A_523 = tpu.memref_slice %arg10[%dma_wait3A_521, %dma_wait3A_522] : memref<10000x64xf32, #tpu.memory_space<vmem_shared>> -> memref<10000x64xf32, #tpu.memory_space<vmem_shared>>
    tpu.wait_indirect_dma semaphore(%arg28 : memref<!tpu.dma_semaphore, #tpu.memory_space<semaphore_mem>>) src(%dma_wait3A_517 : memref<80x64xf32, #tpu.memory_space<vmem>>) dst(%dma_wait3A_523 : memref<10000x64xf32, #tpu.memory_space<vmem_shared>>)
    %dma_wait3A_524 = arith.constant 1 : i32
    %dma_wait3A_525 = arith.constant 0 : i32
    %dma_wait3A_526 = arith.constant 0 : i32
    %dma_wait3A_527 = tpu.memref_slice %arg9[%dma_wait3A_524, %dma_wait3A_525, %dma_wait3A_526] : memref<9x80x64xf32, #tpu.memory_space<vmem>> -> memref<1x80x64xf32, #tpu.memory_space<vmem>>
    %dma_wait3A_528 = tpu.memref_squeeze %dma_wait3A_527 : memref<1x80x64xf32, #tpu.memory_space<vmem>> -> memref<80x64xf32, #tpu.memory_space<vmem>>
    %dma_wait3A_529 = arith.constant 19520 : i32
    %dma_wait3A_530 = tpu.memref_slice %arg7[%dma_wait3A_529] : memref<20000xi32, #tpu.memory_space<vmem>> -> memref<80xi32, #tpu.memory_space<vmem>>
    %dma_wait3A_531 = arith.constant 0 : i32
    %dma_wait3A_532 = arith.constant 0 : i32
    %dma_wait3A_533 = tpu.memref_slice %arg2[%dma_wait3A_531, %dma_wait3A_532] : memref<20000x64xf32, #tpu.memory_space<hbm>> -> memref<20000x64xf32, #tpu.memory_space<hbm>>
    tpu.wait_indirect_dma semaphore(%arg12 : memref<!tpu.dma_semaphore, #tpu.memory_space<semaphore_mem>>) src(%dma_wait3A_533 : memref<20000x64xf32, #tpu.memory_space<hbm>>) dst(%dma_wait3A_528 : memref<80x64xf32, #tpu.memory_space<vmem>>)
    %dma_start3A_534 = arith.constant 1 : i32
    %dma_start3A_535 = arith.constant 244 : i32
    %dma_start3A_536 = arith.constant 0 : i32
    %dma_start3A_537 = arith.constant 0 : i32
    %dma_start3A_538 = tpu.memref_slice %arg9[%dma_start3A_534, %dma_start3A_536, %dma_start3A_537] : memref<9x80x64xf32, #tpu.memory_space<vmem>> -> memref<1x80x64xf32, #tpu.memory_space<vmem>>
    %dma_start3A_539 = tpu.memref_squeeze %dma_start3A_538 : memref<1x80x64xf32, #tpu.memory_space<vmem>> -> memref<80x64xf32, #tpu.memory_space<vmem>>
    %dma_start3A_540 = arith.constant 0 : i32
    %dma_start3A_541 = tpu.memref_slice %arg8[%dma_start3A_535, %dma_start3A_540] : memref<250x80xi32, #tpu.memory_space<vmem>> -> memref<1x80xi32, #tpu.memory_space<vmem>>
    %dma_start3A_542 = tpu.memref_squeeze %dma_start3A_541 : memref<1x80xi32, #tpu.memory_space<vmem>> -> memref<80xi32, #tpu.memory_space<vmem>>
    %dma_start3A_543 = arith.constant 0 : i32
    %dma_start3A_544 = arith.constant 0 : i32
    %dma_start3A_545 = tpu.memref_slice %arg10[%dma_start3A_543, %dma_start3A_544] : memref<10000x64xf32, #tpu.memory_space<vmem_shared>> -> memref<10000x64xf32, #tpu.memory_space<vmem_shared>>
    tpu.enqueue_indirect_dma source(%dma_start3A_539 : memref<80x64xf32, #tpu.memory_space<vmem>>) target(%dma_start3A_545 : memref<10000x64xf32, #tpu.memory_space<vmem_shared>>) offsets(%dma_start3A_542 : memref<80xi32, #tpu.memory_space<vmem>>) semaphore(%arg21 : memref<!tpu.dma_semaphore, #tpu.memory_space<semaphore_mem>>) {add = true}
    %dma_wait3A_546 = arith.constant 0 : i32
    %dma_wait3A_547 = arith.constant 243 : i32
    %dma_wait3A_548 = arith.constant 0 : i32
    %dma_wait3A_549 = arith.constant 0 : i32
    %dma_wait3A_550 = tpu.memref_slice %arg9[%dma_wait3A_546, %dma_wait3A_548, %dma_wait3A_549] : memref<9x80x64xf32, #tpu.memory_space<vmem>> -> memref<1x80x64xf32, #tpu.memory_space<vmem>>
    %dma_wait3A_551 = tpu.memref_squeeze %dma_wait3A_550 : memref<1x80x64xf32, #tpu.memory_space<vmem>> -> memref<80x64xf32, #tpu.memory_space<vmem>>
    %dma_wait3A_552 = arith.constant 0 : i32
    %dma_wait3A_553 = tpu.memref_slice %arg8[%dma_wait3A_547, %dma_wait3A_552] : memref<250x80xi32, #tpu.memory_space<vmem>> -> memref<1x80xi32, #tpu.memory_space<vmem>>
    %dma_wait3A_554 = tpu.memref_squeeze %dma_wait3A_553 : memref<1x80xi32, #tpu.memory_space<vmem>> -> memref<80xi32, #tpu.memory_space<vmem>>
    %dma_wait3A_555 = arith.constant 0 : i32
    %dma_wait3A_556 = arith.constant 0 : i32
    %dma_wait3A_557 = tpu.memref_slice %arg10[%dma_wait3A_555, %dma_wait3A_556] : memref<10000x64xf32, #tpu.memory_space<vmem_shared>> -> memref<10000x64xf32, #tpu.memory_space<vmem_shared>>
    tpu.wait_indirect_dma semaphore(%arg20 : memref<!tpu.dma_semaphore, #tpu.memory_space<semaphore_mem>>) src(%dma_wait3A_551 : memref<80x64xf32, #tpu.memory_space<vmem>>) dst(%dma_wait3A_557 : memref<10000x64xf32, #tpu.memory_space<vmem_shared>>)
    %dma_wait3A_558 = arith.constant 2 : i32
    %dma_wait3A_559 = arith.constant 0 : i32
    %dma_wait3A_560 = arith.constant 0 : i32
    %dma_wait3A_561 = tpu.memref_slice %arg9[%dma_wait3A_558, %dma_wait3A_559, %dma_wait3A_560] : memref<9x80x64xf32, #tpu.memory_space<vmem>> -> memref<1x80x64xf32, #tpu.memory_space<vmem>>
    %dma_wait3A_562 = tpu.memref_squeeze %dma_wait3A_561 : memref<1x80x64xf32, #tpu.memory_space<vmem>> -> memref<80x64xf32, #tpu.memory_space<vmem>>
    %dma_wait3A_563 = arith.constant 19600 : i32
    %dma_wait3A_564 = tpu.memref_slice %arg7[%dma_wait3A_563] : memref<20000xi32, #tpu.memory_space<vmem>> -> memref<80xi32, #tpu.memory_space<vmem>>
    %dma_wait3A_565 = arith.constant 0 : i32
    %dma_wait3A_566 = arith.constant 0 : i32
    %dma_wait3A_567 = tpu.memref_slice %arg2[%dma_wait3A_565, %dma_wait3A_566] : memref<20000x64xf32, #tpu.memory_space<hbm>> -> memref<20000x64xf32, #tpu.memory_space<hbm>>
    tpu.wait_indirect_dma semaphore(%arg13 : memref<!tpu.dma_semaphore, #tpu.memory_space<semaphore_mem>>) src(%dma_wait3A_567 : memref<20000x64xf32, #tpu.memory_space<hbm>>) dst(%dma_wait3A_562 : memref<80x64xf32, #tpu.memory_space<vmem>>)
    %dma_start3A_568 = arith.constant 2 : i32
    %dma_start3A_569 = arith.constant 245 : i32
    %dma_start3A_570 = arith.constant 0 : i32
    %dma_start3A_571 = arith.constant 0 : i32
    %dma_start3A_572 = tpu.memref_slice %arg9[%dma_start3A_568, %dma_start3A_570, %dma_start3A_571] : memref<9x80x64xf32, #tpu.memory_space<vmem>> -> memref<1x80x64xf32, #tpu.memory_space<vmem>>
    %dma_start3A_573 = tpu.memref_squeeze %dma_start3A_572 : memref<1x80x64xf32, #tpu.memory_space<vmem>> -> memref<80x64xf32, #tpu.memory_space<vmem>>
    %dma_start3A_574 = arith.constant 0 : i32
    %dma_start3A_575 = tpu.memref_slice %arg8[%dma_start3A_569, %dma_start3A_574] : memref<250x80xi32, #tpu.memory_space<vmem>> -> memref<1x80xi32, #tpu.memory_space<vmem>>
    %dma_start3A_576 = tpu.memref_squeeze %dma_start3A_575 : memref<1x80xi32, #tpu.memory_space<vmem>> -> memref<80xi32, #tpu.memory_space<vmem>>
    %dma_start3A_577 = arith.constant 0 : i32
    %dma_start3A_578 = arith.constant 0 : i32
    %dma_start3A_579 = tpu.memref_slice %arg10[%dma_start3A_577, %dma_start3A_578] : memref<10000x64xf32, #tpu.memory_space<vmem_shared>> -> memref<10000x64xf32, #tpu.memory_space<vmem_shared>>
    tpu.enqueue_indirect_dma source(%dma_start3A_573 : memref<80x64xf32, #tpu.memory_space<vmem>>) target(%dma_start3A_579 : memref<10000x64xf32, #tpu.memory_space<vmem_shared>>) offsets(%dma_start3A_576 : memref<80xi32, #tpu.memory_space<vmem>>) semaphore(%arg22 : memref<!tpu.dma_semaphore, #tpu.memory_space<semaphore_mem>>) {add = true}
    %dma_wait3A_580 = arith.constant 1 : i32
    %dma_wait3A_581 = arith.constant 244 : i32
    %dma_wait3A_582 = arith.constant 0 : i32
    %dma_wait3A_583 = arith.constant 0 : i32
    %dma_wait3A_584 = tpu.memref_slice %arg9[%dma_wait3A_580, %dma_wait3A_582, %dma_wait3A_583] : memref<9x80x64xf32, #tpu.memory_space<vmem>> -> memref<1x80x64xf32, #tpu.memory_space<vmem>>
    %dma_wait3A_585 = tpu.memref_squeeze %dma_wait3A_584 : memref<1x80x64xf32, #tpu.memory_space<vmem>> -> memref<80x64xf32, #tpu.memory_space<vmem>>
    %dma_wait3A_586 = arith.constant 0 : i32
    %dma_wait3A_587 = tpu.memref_slice %arg8[%dma_wait3A_581, %dma_wait3A_586] : memref<250x80xi32, #tpu.memory_space<vmem>> -> memref<1x80xi32, #tpu.memory_space<vmem>>
    %dma_wait3A_588 = tpu.memref_squeeze %dma_wait3A_587 : memref<1x80xi32, #tpu.memory_space<vmem>> -> memref<80xi32, #tpu.memory_space<vmem>>
    %dma_wait3A_589 = arith.constant 0 : i32
    %dma_wait3A_590 = arith.constant 0 : i32
    %dma_wait3A_591 = tpu.memref_slice %arg10[%dma_wait3A_589, %dma_wait3A_590] : memref<10000x64xf32, #tpu.memory_space<vmem_shared>> -> memref<10000x64xf32, #tpu.memory_space<vmem_shared>>
    tpu.wait_indirect_dma semaphore(%arg21 : memref<!tpu.dma_semaphore, #tpu.memory_space<semaphore_mem>>) src(%dma_wait3A_585 : memref<80x64xf32, #tpu.memory_space<vmem>>) dst(%dma_wait3A_591 : memref<10000x64xf32, #tpu.memory_space<vmem_shared>>)
    %dma_wait3A_592 = arith.constant 3 : i32
    %dma_wait3A_593 = arith.constant 0 : i32
    %dma_wait3A_594 = arith.constant 0 : i32
    %dma_wait3A_595 = tpu.memref_slice %arg9[%dma_wait3A_592, %dma_wait3A_593, %dma_wait3A_594] : memref<9x80x64xf32, #tpu.memory_space<vmem>> -> memref<1x80x64xf32, #tpu.memory_space<vmem>>
    %dma_wait3A_596 = tpu.memref_squeeze %dma_wait3A_595 : memref<1x80x64xf32, #tpu.memory_space<vmem>> -> memref<80x64xf32, #tpu.memory_space<vmem>>
    %dma_wait3A_597 = arith.constant 19680 : i32
    %dma_wait3A_598 = tpu.memref_slice %arg7[%dma_wait3A_597] : memref<20000xi32, #tpu.memory_space<vmem>> -> memref<80xi32, #tpu.memory_space<vmem>>
    %dma_wait3A_599 = arith.constant 0 : i32
    %dma_wait3A_600 = arith.constant 0 : i32
    %dma_wait3A_601 = tpu.memref_slice %arg2[%dma_wait3A_599, %dma_wait3A_600] : memref<20000x64xf32, #tpu.memory_space<hbm>> -> memref<20000x64xf32, #tpu.memory_space<hbm>>
    tpu.wait_indirect_dma semaphore(%arg14 : memref<!tpu.dma_semaphore, #tpu.memory_space<semaphore_mem>>) src(%dma_wait3A_601 : memref<20000x64xf32, #tpu.memory_space<hbm>>) dst(%dma_wait3A_596 : memref<80x64xf32, #tpu.memory_space<vmem>>)
    %dma_start3A_602 = arith.constant 3 : i32
    %dma_start3A_603 = arith.constant 246 : i32
    %dma_start3A_604 = arith.constant 0 : i32
    %dma_start3A_605 = arith.constant 0 : i32
    %dma_start3A_606 = tpu.memref_slice %arg9[%dma_start3A_602, %dma_start3A_604, %dma_start3A_605] : memref<9x80x64xf32, #tpu.memory_space<vmem>> -> memref<1x80x64xf32, #tpu.memory_space<vmem>>
    %dma_start3A_607 = tpu.memref_squeeze %dma_start3A_606 : memref<1x80x64xf32, #tpu.memory_space<vmem>> -> memref<80x64xf32, #tpu.memory_space<vmem>>
    %dma_start3A_608 = arith.constant 0 : i32
    %dma_start3A_609 = tpu.memref_slice %arg8[%dma_start3A_603, %dma_start3A_608] : memref<250x80xi32, #tpu.memory_space<vmem>> -> memref<1x80xi32, #tpu.memory_space<vmem>>
    %dma_start3A_610 = tpu.memref_squeeze %dma_start3A_609 : memref<1x80xi32, #tpu.memory_space<vmem>> -> memref<80xi32, #tpu.memory_space<vmem>>
    %dma_start3A_611 = arith.constant 0 : i32
    %dma_start3A_612 = arith.constant 0 : i32
    %dma_start3A_613 = tpu.memref_slice %arg10[%dma_start3A_611, %dma_start3A_612] : memref<10000x64xf32, #tpu.memory_space<vmem_shared>> -> memref<10000x64xf32, #tpu.memory_space<vmem_shared>>
    tpu.enqueue_indirect_dma source(%dma_start3A_607 : memref<80x64xf32, #tpu.memory_space<vmem>>) target(%dma_start3A_613 : memref<10000x64xf32, #tpu.memory_space<vmem_shared>>) offsets(%dma_start3A_610 : memref<80xi32, #tpu.memory_space<vmem>>) semaphore(%arg23 : memref<!tpu.dma_semaphore, #tpu.memory_space<semaphore_mem>>) {add = true}
    %dma_wait3A_614 = arith.constant 2 : i32
    %dma_wait3A_615 = arith.constant 245 : i32
    %dma_wait3A_616 = arith.constant 0 : i32
    %dma_wait3A_617 = arith.constant 0 : i32
    %dma_wait3A_618 = tpu.memref_slice %arg9[%dma_wait3A_614, %dma_wait3A_616, %dma_wait3A_617] : memref<9x80x64xf32, #tpu.memory_space<vmem>> -> memref<1x80x64xf32, #tpu.memory_space<vmem>>
    %dma_wait3A_619 = tpu.memref_squeeze %dma_wait3A_618 : memref<1x80x64xf32, #tpu.memory_space<vmem>> -> memref<80x64xf32, #tpu.memory_space<vmem>>
    %dma_wait3A_620 = arith.constant 0 : i32
    %dma_wait3A_621 = tpu.memref_slice %arg8[%dma_wait3A_615, %dma_wait3A_620] : memref<250x80xi32, #tpu.memory_space<vmem>> -> memref<1x80xi32, #tpu.memory_space<vmem>>
    %dma_wait3A_622 = tpu.memref_squeeze %dma_wait3A_621 : memref<1x80xi32, #tpu.memory_space<vmem>> -> memref<80xi32, #tpu.memory_space<vmem>>
    %dma_wait3A_623 = arith.constant 0 : i32
    %dma_wait3A_624 = arith.constant 0 : i32
    %dma_wait3A_625 = tpu.memref_slice %arg10[%dma_wait3A_623, %dma_wait3A_624] : memref<10000x64xf32, #tpu.memory_space<vmem_shared>> -> memref<10000x64xf32, #tpu.memory_space<vmem_shared>>
    tpu.wait_indirect_dma semaphore(%arg22 : memref<!tpu.dma_semaphore, #tpu.memory_space<semaphore_mem>>) src(%dma_wait3A_619 : memref<80x64xf32, #tpu.memory_space<vmem>>) dst(%dma_wait3A_625 : memref<10000x64xf32, #tpu.memory_space<vmem_shared>>)
    %dma_wait3A_626 = arith.constant 4 : i32
    %dma_wait3A_627 = arith.constant 0 : i32
    %dma_wait3A_628 = arith.constant 0 : i32
    %dma_wait3A_629 = tpu.memref_slice %arg9[%dma_wait3A_626, %dma_wait3A_627, %dma_wait3A_628] : memref<9x80x64xf32, #tpu.memory_space<vmem>> -> memref<1x80x64xf32, #tpu.memory_space<vmem>>
    %dma_wait3A_630 = tpu.memref_squeeze %dma_wait3A_629 : memref<1x80x64xf32, #tpu.memory_space<vmem>> -> memref<80x64xf32, #tpu.memory_space<vmem>>
    %dma_wait3A_631 = arith.constant 19760 : i32
    %dma_wait3A_632 = tpu.memref_slice %arg7[%dma_wait3A_631] : memref<20000xi32, #tpu.memory_space<vmem>> -> memref<80xi32, #tpu.memory_space<vmem>>
    %dma_wait3A_633 = arith.constant 0 : i32
    %dma_wait3A_634 = arith.constant 0 : i32
    %dma_wait3A_635 = tpu.memref_slice %arg2[%dma_wait3A_633, %dma_wait3A_634] : memref<20000x64xf32, #tpu.memory_space<hbm>> -> memref<20000x64xf32, #tpu.memory_space<hbm>>
    tpu.wait_indirect_dma semaphore(%arg15 : memref<!tpu.dma_semaphore, #tpu.memory_space<semaphore_mem>>) src(%dma_wait3A_635 : memref<20000x64xf32, #tpu.memory_space<hbm>>) dst(%dma_wait3A_630 : memref<80x64xf32, #tpu.memory_space<vmem>>)
    %dma_start3A_636 = arith.constant 4 : i32
    %dma_start3A_637 = arith.constant 247 : i32
    %dma_start3A_638 = arith.constant 0 : i32
    %dma_start3A_639 = arith.constant 0 : i32
    %dma_start3A_640 = tpu.memref_slice %arg9[%dma_start3A_636, %dma_start3A_638, %dma_start3A_639] : memref<9x80x64xf32, #tpu.memory_space<vmem>> -> memref<1x80x64xf32, #tpu.memory_space<vmem>>
    %dma_start3A_641 = tpu.memref_squeeze %dma_start3A_640 : memref<1x80x64xf32, #tpu.memory_space<vmem>> -> memref<80x64xf32, #tpu.memory_space<vmem>>
    %dma_start3A_642 = arith.constant 0 : i32
    %dma_start3A_643 = tpu.memref_slice %arg8[%dma_start3A_637, %dma_start3A_642] : memref<250x80xi32, #tpu.memory_space<vmem>> -> memref<1x80xi32, #tpu.memory_space<vmem>>
    %dma_start3A_644 = tpu.memref_squeeze %dma_start3A_643 : memref<1x80xi32, #tpu.memory_space<vmem>> -> memref<80xi32, #tpu.memory_space<vmem>>
    %dma_start3A_645 = arith.constant 0 : i32
    %dma_start3A_646 = arith.constant 0 : i32
    %dma_start3A_647 = tpu.memref_slice %arg10[%dma_start3A_645, %dma_start3A_646] : memref<10000x64xf32, #tpu.memory_space<vmem_shared>> -> memref<10000x64xf32, #tpu.memory_space<vmem_shared>>
    tpu.enqueue_indirect_dma source(%dma_start3A_641 : memref<80x64xf32, #tpu.memory_space<vmem>>) target(%dma_start3A_647 : memref<10000x64xf32, #tpu.memory_space<vmem_shared>>) offsets(%dma_start3A_644 : memref<80xi32, #tpu.memory_space<vmem>>) semaphore(%arg24 : memref<!tpu.dma_semaphore, #tpu.memory_space<semaphore_mem>>) {add = true}
    %dma_wait3A_648 = arith.constant 3 : i32
    %dma_wait3A_649 = arith.constant 246 : i32
    %dma_wait3A_650 = arith.constant 0 : i32
    %dma_wait3A_651 = arith.constant 0 : i32
    %dma_wait3A_652 = tpu.memref_slice %arg9[%dma_wait3A_648, %dma_wait3A_650, %dma_wait3A_651] : memref<9x80x64xf32, #tpu.memory_space<vmem>> -> memref<1x80x64xf32, #tpu.memory_space<vmem>>
    %dma_wait3A_653 = tpu.memref_squeeze %dma_wait3A_652 : memref<1x80x64xf32, #tpu.memory_space<vmem>> -> memref<80x64xf32, #tpu.memory_space<vmem>>
    %dma_wait3A_654 = arith.constant 0 : i32
    %dma_wait3A_655 = tpu.memref_slice %arg8[%dma_wait3A_649, %dma_wait3A_654] : memref<250x80xi32, #tpu.memory_space<vmem>> -> memref<1x80xi32, #tpu.memory_space<vmem>>
    %dma_wait3A_656 = tpu.memref_squeeze %dma_wait3A_655 : memref<1x80xi32, #tpu.memory_space<vmem>> -> memref<80xi32, #tpu.memory_space<vmem>>
    %dma_wait3A_657 = arith.constant 0 : i32
    %dma_wait3A_658 = arith.constant 0 : i32
    %dma_wait3A_659 = tpu.memref_slice %arg10[%dma_wait3A_657, %dma_wait3A_658] : memref<10000x64xf32, #tpu.memory_space<vmem_shared>> -> memref<10000x64xf32, #tpu.memory_space<vmem_shared>>
    tpu.wait_indirect_dma semaphore(%arg23 : memref<!tpu.dma_semaphore, #tpu.memory_space<semaphore_mem>>) src(%dma_wait3A_653 : memref<80x64xf32, #tpu.memory_space<vmem>>) dst(%dma_wait3A_659 : memref<10000x64xf32, #tpu.memory_space<vmem_shared>>)
    %dma_wait3A_660 = arith.constant 5 : i32
    %dma_wait3A_661 = arith.constant 0 : i32
    %dma_wait3A_662 = arith.constant 0 : i32
    %dma_wait3A_663 = tpu.memref_slice %arg9[%dma_wait3A_660, %dma_wait3A_661, %dma_wait3A_662] : memref<9x80x64xf32, #tpu.memory_space<vmem>> -> memref<1x80x64xf32, #tpu.memory_space<vmem>>
    %dma_wait3A_664 = tpu.memref_squeeze %dma_wait3A_663 : memref<1x80x64xf32, #tpu.memory_space<vmem>> -> memref<80x64xf32, #tpu.memory_space<vmem>>
    %dma_wait3A_665 = arith.constant 19840 : i32
    %dma_wait3A_666 = tpu.memref_slice %arg7[%dma_wait3A_665] : memref<20000xi32, #tpu.memory_space<vmem>> -> memref<80xi32, #tpu.memory_space<vmem>>
    %dma_wait3A_667 = arith.constant 0 : i32
    %dma_wait3A_668 = arith.constant 0 : i32
    %dma_wait3A_669 = tpu.memref_slice %arg2[%dma_wait3A_667, %dma_wait3A_668] : memref<20000x64xf32, #tpu.memory_space<hbm>> -> memref<20000x64xf32, #tpu.memory_space<hbm>>
    tpu.wait_indirect_dma semaphore(%arg16 : memref<!tpu.dma_semaphore, #tpu.memory_space<semaphore_mem>>) src(%dma_wait3A_669 : memref<20000x64xf32, #tpu.memory_space<hbm>>) dst(%dma_wait3A_664 : memref<80x64xf32, #tpu.memory_space<vmem>>)
    %dma_start3A_670 = arith.constant 5 : i32
    %dma_start3A_671 = arith.constant 248 : i32
    %dma_start3A_672 = arith.constant 0 : i32
    %dma_start3A_673 = arith.constant 0 : i32
    %dma_start3A_674 = tpu.memref_slice %arg9[%dma_start3A_670, %dma_start3A_672, %dma_start3A_673] : memref<9x80x64xf32, #tpu.memory_space<vmem>> -> memref<1x80x64xf32, #tpu.memory_space<vmem>>
    %dma_start3A_675 = tpu.memref_squeeze %dma_start3A_674 : memref<1x80x64xf32, #tpu.memory_space<vmem>> -> memref<80x64xf32, #tpu.memory_space<vmem>>
    %dma_start3A_676 = arith.constant 0 : i32
    %dma_start3A_677 = tpu.memref_slice %arg8[%dma_start3A_671, %dma_start3A_676] : memref<250x80xi32, #tpu.memory_space<vmem>> -> memref<1x80xi32, #tpu.memory_space<vmem>>
    %dma_start3A_678 = tpu.memref_squeeze %dma_start3A_677 : memref<1x80xi32, #tpu.memory_space<vmem>> -> memref<80xi32, #tpu.memory_space<vmem>>
    %dma_start3A_679 = arith.constant 0 : i32
    %dma_start3A_680 = arith.constant 0 : i32
    %dma_start3A_681 = tpu.memref_slice %arg10[%dma_start3A_679, %dma_start3A_680] : memref<10000x64xf32, #tpu.memory_space<vmem_shared>> -> memref<10000x64xf32, #tpu.memory_space<vmem_shared>>
    tpu.enqueue_indirect_dma source(%dma_start3A_675 : memref<80x64xf32, #tpu.memory_space<vmem>>) target(%dma_start3A_681 : memref<10000x64xf32, #tpu.memory_space<vmem_shared>>) offsets(%dma_start3A_678 : memref<80xi32, #tpu.memory_space<vmem>>) semaphore(%arg25 : memref<!tpu.dma_semaphore, #tpu.memory_space<semaphore_mem>>) {add = true}
    %dma_wait3A_682 = arith.constant 4 : i32
    %dma_wait3A_683 = arith.constant 247 : i32
    %dma_wait3A_684 = arith.constant 0 : i32
    %dma_wait3A_685 = arith.constant 0 : i32
    %dma_wait3A_686 = tpu.memref_slice %arg9[%dma_wait3A_682, %dma_wait3A_684, %dma_wait3A_685] : memref<9x80x64xf32, #tpu.memory_space<vmem>> -> memref<1x80x64xf32, #tpu.memory_space<vmem>>
    %dma_wait3A_687 = tpu.memref_squeeze %dma_wait3A_686 : memref<1x80x64xf32, #tpu.memory_space<vmem>> -> memref<80x64xf32, #tpu.memory_space<vmem>>
    %dma_wait3A_688 = arith.constant 0 : i32
    %dma_wait3A_689 = tpu.memref_slice %arg8[%dma_wait3A_683, %dma_wait3A_688] : memref<250x80xi32, #tpu.memory_space<vmem>> -> memref<1x80xi32, #tpu.memory_space<vmem>>
    %dma_wait3A_690 = tpu.memref_squeeze %dma_wait3A_689 : memref<1x80xi32, #tpu.memory_space<vmem>> -> memref<80xi32, #tpu.memory_space<vmem>>
    %dma_wait3A_691 = arith.constant 0 : i32
    %dma_wait3A_692 = arith.constant 0 : i32
    %dma_wait3A_693 = tpu.memref_slice %arg10[%dma_wait3A_691, %dma_wait3A_692] : memref<10000x64xf32, #tpu.memory_space<vmem_shared>> -> memref<10000x64xf32, #tpu.memory_space<vmem_shared>>
    tpu.wait_indirect_dma semaphore(%arg24 : memref<!tpu.dma_semaphore, #tpu.memory_space<semaphore_mem>>) src(%dma_wait3A_687 : memref<80x64xf32, #tpu.memory_space<vmem>>) dst(%dma_wait3A_693 : memref<10000x64xf32, #tpu.memory_space<vmem_shared>>)
    %dma_wait3A_694 = arith.constant 6 : i32
    %dma_wait3A_695 = arith.constant 0 : i32
    %dma_wait3A_696 = arith.constant 0 : i32
    %dma_wait3A_697 = tpu.memref_slice %arg9[%dma_wait3A_694, %dma_wait3A_695, %dma_wait3A_696] : memref<9x80x64xf32, #tpu.memory_space<vmem>> -> memref<1x80x64xf32, #tpu.memory_space<vmem>>
    %dma_wait3A_698 = tpu.memref_squeeze %dma_wait3A_697 : memref<1x80x64xf32, #tpu.memory_space<vmem>> -> memref<80x64xf32, #tpu.memory_space<vmem>>
    %dma_wait3A_699 = arith.constant 19920 : i32
    %dma_wait3A_700 = tpu.memref_slice %arg7[%dma_wait3A_699] : memref<20000xi32, #tpu.memory_space<vmem>> -> memref<80xi32, #tpu.memory_space<vmem>>
    %dma_wait3A_701 = arith.constant 0 : i32
    %dma_wait3A_702 = arith.constant 0 : i32
    %dma_wait3A_703 = tpu.memref_slice %arg2[%dma_wait3A_701, %dma_wait3A_702] : memref<20000x64xf32, #tpu.memory_space<hbm>> -> memref<20000x64xf32, #tpu.memory_space<hbm>>
    tpu.wait_indirect_dma semaphore(%arg17 : memref<!tpu.dma_semaphore, #tpu.memory_space<semaphore_mem>>) src(%dma_wait3A_703 : memref<20000x64xf32, #tpu.memory_space<hbm>>) dst(%dma_wait3A_698 : memref<80x64xf32, #tpu.memory_space<vmem>>)
    %dma_start3A_704 = arith.constant 6 : i32
    %dma_start3A_705 = arith.constant 249 : i32
    %dma_start3A_706 = arith.constant 0 : i32
    %dma_start3A_707 = arith.constant 0 : i32
    %dma_start3A_708 = tpu.memref_slice %arg9[%dma_start3A_704, %dma_start3A_706, %dma_start3A_707] : memref<9x80x64xf32, #tpu.memory_space<vmem>> -> memref<1x80x64xf32, #tpu.memory_space<vmem>>
    %dma_start3A_709 = tpu.memref_squeeze %dma_start3A_708 : memref<1x80x64xf32, #tpu.memory_space<vmem>> -> memref<80x64xf32, #tpu.memory_space<vmem>>
    %dma_start3A_710 = arith.constant 0 : i32
    %dma_start3A_711 = tpu.memref_slice %arg8[%dma_start3A_705, %dma_start3A_710] : memref<250x80xi32, #tpu.memory_space<vmem>> -> memref<1x80xi32, #tpu.memory_space<vmem>>
    %dma_start3A_712 = tpu.memref_squeeze %dma_start3A_711 : memref<1x80xi32, #tpu.memory_space<vmem>> -> memref<80xi32, #tpu.memory_space<vmem>>
    %dma_start3A_713 = arith.constant 0 : i32
    %dma_start3A_714 = arith.constant 0 : i32
    %dma_start3A_715 = tpu.memref_slice %arg10[%dma_start3A_713, %dma_start3A_714] : memref<10000x64xf32, #tpu.memory_space<vmem_shared>> -> memref<10000x64xf32, #tpu.memory_space<vmem_shared>>
    tpu.enqueue_indirect_dma source(%dma_start3A_709 : memref<80x64xf32, #tpu.memory_space<vmem>>) target(%dma_start3A_715 : memref<10000x64xf32, #tpu.memory_space<vmem_shared>>) offsets(%dma_start3A_712 : memref<80xi32, #tpu.memory_space<vmem>>) semaphore(%arg26 : memref<!tpu.dma_semaphore, #tpu.memory_space<semaphore_mem>>) {add = true}
    %dma_wait3A_716 = arith.constant 5 : i32
    %dma_wait3A_717 = arith.constant 248 : i32
    %dma_wait3A_718 = arith.constant 0 : i32
    %dma_wait3A_719 = arith.constant 0 : i32
    %dma_wait3A_720 = tpu.memref_slice %arg9[%dma_wait3A_716, %dma_wait3A_718, %dma_wait3A_719] : memref<9x80x64xf32, #tpu.memory_space<vmem>> -> memref<1x80x64xf32, #tpu.memory_space<vmem>>
    %dma_wait3A_721 = tpu.memref_squeeze %dma_wait3A_720 : memref<1x80x64xf32, #tpu.memory_space<vmem>> -> memref<80x64xf32, #tpu.memory_space<vmem>>
    %dma_wait3A_722 = arith.constant 0 : i32
    %dma_wait3A_723 = tpu.memref_slice %arg8[%dma_wait3A_717, %dma_wait3A_722] : memref<250x80xi32, #tpu.memory_space<vmem>> -> memref<1x80xi32, #tpu.memory_space<vmem>>
    %dma_wait3A_724 = tpu.memref_squeeze %dma_wait3A_723 : memref<1x80xi32, #tpu.memory_space<vmem>> -> memref<80xi32, #tpu.memory_space<vmem>>
    %dma_wait3A_725 = arith.constant 0 : i32
    %dma_wait3A_726 = arith.constant 0 : i32
    %dma_wait3A_727 = tpu.memref_slice %arg10[%dma_wait3A_725, %dma_wait3A_726] : memref<10000x64xf32, #tpu.memory_space<vmem_shared>> -> memref<10000x64xf32, #tpu.memory_space<vmem_shared>>
    tpu.wait_indirect_dma semaphore(%arg25 : memref<!tpu.dma_semaphore, #tpu.memory_space<semaphore_mem>>) src(%dma_wait3A_721 : memref<80x64xf32, #tpu.memory_space<vmem>>) dst(%dma_wait3A_727 : memref<10000x64xf32, #tpu.memory_space<vmem_shared>>)
    %dma_wait3A_728 = arith.constant 6 : i32
    %dma_wait3A_729 = arith.constant 249 : i32
    %dma_wait3A_730 = arith.constant 0 : i32
    %dma_wait3A_731 = arith.constant 0 : i32
    %dma_wait3A_732 = tpu.memref_slice %arg9[%dma_wait3A_728, %dma_wait3A_730, %dma_wait3A_731] : memref<9x80x64xf32, #tpu.memory_space<vmem>> -> memref<1x80x64xf32, #tpu.memory_space<vmem>>
    %dma_wait3A_733 = tpu.memref_squeeze %dma_wait3A_732 : memref<1x80x64xf32, #tpu.memory_space<vmem>> -> memref<80x64xf32, #tpu.memory_space<vmem>>
    %dma_wait3A_734 = arith.constant 0 : i32
    %dma_wait3A_735 = tpu.memref_slice %arg8[%dma_wait3A_729, %dma_wait3A_734] : memref<250x80xi32, #tpu.memory_space<vmem>> -> memref<1x80xi32, #tpu.memory_space<vmem>>
    %dma_wait3A_736 = tpu.memref_squeeze %dma_wait3A_735 : memref<1x80xi32, #tpu.memory_space<vmem>> -> memref<80xi32, #tpu.memory_space<vmem>>
    %dma_wait3A_737 = arith.constant 0 : i32
    %dma_wait3A_738 = arith.constant 0 : i32
    %dma_wait3A_739 = tpu.memref_slice %arg10[%dma_wait3A_737, %dma_wait3A_738] : memref<10000x64xf32, #tpu.memory_space<vmem_shared>> -> memref<10000x64xf32, #tpu.memory_space<vmem_shared>>
    tpu.wait_indirect_dma semaphore(%arg26 : memref<!tpu.dma_semaphore, #tpu.memory_space<semaphore_mem>>) src(%dma_wait3A_733 : memref<80x64xf32, #tpu.memory_space<vmem>>) dst(%dma_wait3A_739 : memref<10000x64xf32, #tpu.memory_space<vmem_shared>>)
    %barrier3A_740 = arith.constant 0 : index
    tpu.barrier barrier_id(%barrier3A_740)
    %mul3A_741 = arith.constant 625 : i32
    %mul3A_742 = arith.muli %arg1, %mul3A_741 : i32
    "tpu.region"() ({
      %run_scoped3A = tpu.sem_alloc : memref<!tpu.dma_semaphore, #tpu.memory_space<semaphore_mem>>
      %dma_start3A_743 = arith.constant 0 : i32
      %dma_start3A_744 = arith.constant 0 : i32
      %dma_start3A_745 = tpu.memref_slice %arg6[%arg0, %arg1, %dma_start3A_743, %dma_start3A_744] : memref<2x16x625x64xf32, #tpu.memory_space<hbm>> -> memref<1x1x625x64xf32, #tpu.memory_space<hbm>>
      %dma_start3A_746 = tpu.memref_squeeze %dma_start3A_745 : memref<1x1x625x64xf32, #tpu.memory_space<hbm>> -> memref<625x64xf32, #tpu.memory_space<hbm>>
      %dma_start3A_747 = arith.constant 0 : i32
      %dma_start3A_748 = tpu.memref_slice %arg10[%mul3A_742, %dma_start3A_747] : memref<10000x64xf32, #tpu.memory_space<vmem_shared>> -> memref<625x64xf32, #tpu.memory_space<vmem_shared>>
      tpu.enqueue_dma source(%dma_start3A_748 : memref<625x64xf32, #tpu.memory_space<vmem_shared>>) target(%dma_start3A_746 : memref<625x64xf32, #tpu.memory_space<hbm>>) target_semaphore(%run_scoped3A : memref<!tpu.dma_semaphore, #tpu.memory_space<semaphore_mem>>)
      %dma_wait3A_749 = arith.constant 0 : i32
      %dma_wait3A_750 = arith.constant 0 : i32
      %dma_wait3A_751 = tpu.memref_slice %arg6[%arg0, %arg1, %dma_wait3A_749, %dma_wait3A_750] : memref<2x16x625x64xf32, #tpu.memory_space<hbm>> -> memref<1x1x625x64xf32, #tpu.memory_space<hbm>>
      %dma_wait3A_752 = tpu.memref_squeeze %dma_wait3A_751 : memref<1x1x625x64xf32, #tpu.memory_space<hbm>> -> memref<625x64xf32, #tpu.memory_space<hbm>>
      %dma_wait3A_753 = arith.constant 0 : i32
      %dma_wait3A_754 = tpu.memref_slice %arg10[%mul3A_742, %dma_wait3A_753] : memref<10000x64xf32, #tpu.memory_space<vmem_shared>> -> memref<625x64xf32, #tpu.memory_space<vmem_shared>>
      tpu.wait_dma2 semaphore(%run_scoped3A : memref<!tpu.dma_semaphore, #tpu.memory_space<semaphore_mem>>) src(%dma_wait3A_754 : memref<625x64xf32, #tpu.memory_space<vmem_shared>>) dst(%dma_wait3A_752 : memref<625x64xf32, #tpu.memory_space<hbm>>)
      tpu.yield
    }) : () -> ()
    return
  }
}

module attributes {stable_mosaic.version = 14 : i64} {
  func.func @body(%arg0: memref<2x10000x16xf32, #tpu.memory_space<vmem>>, %arg1: memref<10000x128xf32, #tpu.memory_space<vmem>>, %arg2: memref<10000x1xf32, #tpu.memory_space<vmem>>, %arg3: memref<10000x128xf32, #tpu.memory_space<vmem>>) attributes {dimension_semantics = [], scalar_prefetch = 0 : i64, scratch_operands = 0 : i64, tpu.core_type = #tpu.core_type<tc>} {
    %get3A = arith.constant 0 : index
    %get3A_0 = arith.constant 0 : index
    %get3A_1 = arith.constant 0 : index
    %get3A_2 = vector.load %arg0[%get3A, %get3A_0, %get3A_1] : memref<2x10000x16xf32, #tpu.memory_space<vmem>>, vector<1x10000x1xf32>
    %get3A_3 = vector.shape_cast %get3A_2 : vector<1x10000x1xf32> to vector<10000x1xf32>
    %get3A_4 = arith.constant 1 : index
    %get3A_5 = arith.constant 0 : index
    %get3A_6 = arith.constant 0 : index
    %get3A_7 = vector.load %arg0[%get3A_4, %get3A_5, %get3A_6] : memref<2x10000x16xf32, #tpu.memory_space<vmem>>, vector<1x10000x1xf32>
    %get3A_8 = vector.shape_cast %get3A_7 : vector<1x10000x1xf32> to vector<10000x1xf32>
    %add3A = arith.addf %get3A_3, %get3A_8 : vector<10000x1xf32>
    %max3A = arith.constant 1.000000e+00 : f32
    %max3A_9 = vector.broadcast %max3A : f32 to vector<10000x1xf32>
    %max3A_10 = arith.maximumf %add3A, %max3A_9 : vector<10000x1xf32>
    %rsqrt3A = math.rsqrt %max3A_10 : vector<10000x1xf32>
    %swap3A = arith.constant 0 : index
    %swap3A_11 = arith.constant 0 : index
    %swap3A_12 = vector.load %arg2[%swap3A, %swap3A_11] : memref<10000x1xf32, #tpu.memory_space<vmem>>, vector<10000x1xf32>
    tpu.vector_store %arg2[%swap3A, %swap3A_11], %rsqrt3A {strides = array<i32>} : memref<10000x1xf32, #tpu.memory_space<vmem>>, vector<10000x1xf32>,
    %get3A_13 = arith.constant 0 : index
    %get3A_14 = arith.constant 0 : index
    %get3A_15 = vector.load %arg1[%get3A_13, %get3A_14] : memref<10000x128xf32, #tpu.memory_space<vmem>>, vector<10000x128xf32>
    %mul3A = vector.broadcast %rsqrt3A : vector<10000x1xf32> to vector<10000x128xf32>
    %mul3A_16 = arith.mulf %get3A_15, %mul3A : vector<10000x128xf32>
    %swap3A_17 = arith.constant 0 : index
    %swap3A_18 = arith.constant 0 : index
    %swap3A_19 = vector.load %arg3[%swap3A_17, %swap3A_18] : memref<10000x128xf32, #tpu.memory_space<vmem>>, vector<10000x128xf32>
    tpu.vector_store %arg3[%swap3A_17, %swap3A_18], %mul3A_16 {strides = array<i32>} : memref<10000x128xf32, #tpu.memory_space<vmem>>, vector<10000x128xf32>,
    return
  }
}

module attributes {stable_mosaic.version = 14 : i64} {
  func.func @body(%arg0: memref<2x10000x64xf32, #tpu.memory_space<vmem>>, %arg1: memref<10000x1xf32, #tpu.memory_space<vmem>>, %arg2: memref<10000x128xf32, #tpu.memory_space<vmem>>) attributes {dimension_semantics = [], scalar_prefetch = 0 : i64, scratch_operands = 0 : i64, tpu.core_type = #tpu.core_type<tc>} {
    %get3A = arith.constant 0 : index
    %get3A_0 = arith.constant 0 : index
    %get3A_1 = arith.constant 0 : index
    %get3A_2 = vector.load %arg0[%get3A, %get3A_0, %get3A_1] : memref<2x10000x64xf32, #tpu.memory_space<vmem>>, vector<1x10000x64xf32>
    %get3A_3 = vector.shape_cast %get3A_2 : vector<1x10000x64xf32> to vector<10000x64xf32>
    %get3A_4 = arith.constant 1 : index
    %get3A_5 = arith.constant 0 : index
    %get3A_6 = arith.constant 0 : index
    %get3A_7 = vector.load %arg0[%get3A_4, %get3A_5, %get3A_6] : memref<2x10000x64xf32, #tpu.memory_space<vmem>>, vector<1x10000x64xf32>
    %get3A_8 = vector.shape_cast %get3A_7 : vector<1x10000x64xf32> to vector<10000x64xf32>
    %concatenate3A = tpu.concatenate %get3A_3, %get3A_8 in 1 : vector<10000x64xf32>, vector<10000x64xf32> -> vector<10000x128xf32>
    %get3A_9 = arith.constant 0 : index
    %get3A_10 = arith.constant 0 : index
    %get3A_11 = vector.load %arg1[%get3A_9, %get3A_10] : memref<10000x1xf32, #tpu.memory_space<vmem>>, vector<10000x1xf32>
    %mul3A = vector.broadcast %get3A_11 : vector<10000x1xf32> to vector<10000x128xf32>
    %mul3A_12 = arith.mulf %concatenate3A, %mul3A : vector<10000x128xf32>
    %reduce_sum3A = arith.constant dense<0.000000e+00> : vector<128xf32>
    %reduce_sum3A_13 = vector.multi_reduction <add>, %mul3A_12, %reduce_sum3A [0] : vector<10000x128xf32> to vector<128xf32>
    %broadcast_in_dim3A = vector.shape_cast %reduce_sum3A_13 : vector<128xf32> to vector<1x128xf32>
    %div3A = arith.constant 1.000000e+04 : f32
    %div3A_14 = vector.broadcast %div3A : f32 to vector<1x128xf32>
    %div3A_15 = arith.divf %broadcast_in_dim3A, %div3A_14 : vector<1x128xf32>
    %sub3A = vector.broadcast %div3A_15 : vector<1x128xf32> to vector<10000x128xf32>
    %sub3A_16 = arith.subf %mul3A_12, %sub3A : vector<10000x128xf32>
    %mul3A_17 = arith.mulf %sub3A_16, %sub3A_16 : vector<10000x128xf32>
    %reduce_sum3A_18 = arith.constant dense<0.000000e+00> : vector<128xf32>
    %reduce_sum3A_19 = vector.multi_reduction <add>, %mul3A_17, %reduce_sum3A_18 [0] : vector<10000x128xf32> to vector<128xf32>
    %broadcast_in_dim3A_20 = vector.shape_cast %reduce_sum3A_19 : vector<128xf32> to vector<1x128xf32>
    %div3A_21 = arith.constant 9.999000e+03 : f32
    %div3A_22 = vector.broadcast %div3A_21 : f32 to vector<1x128xf32>
    %div3A_23 = arith.divf %broadcast_in_dim3A_20, %div3A_22 : vector<1x128xf32>
    %rsqrt3A = math.rsqrt %div3A_23 : vector<1x128xf32>
    %mul3A_24 = vector.broadcast %rsqrt3A : vector<1x128xf32> to vector<10000x128xf32>
    %mul3A_25 = arith.mulf %sub3A_16, %mul3A_24 : vector<10000x128xf32>
    %get3A_26 = arith.constant 0 : index
    %get3A_27 = arith.constant 0 : index
    %get3A_28 = vector.load %arg1[%get3A_26, %get3A_27] : memref<10000x1xf32, #tpu.memory_space<vmem>>, vector<10000x1xf32>
    %mul3A_29 = vector.broadcast %get3A_28 : vector<10000x1xf32> to vector<10000x128xf32>
    %mul3A_30 = arith.mulf %mul3A_25, %mul3A_29 : vector<10000x128xf32>
    %swap3A = arith.constant 0 : index
    %swap3A_31 = arith.constant 0 : index
    %swap3A_32 = vector.load %arg2[%swap3A, %swap3A_31] : memref<10000x128xf32, #tpu.memory_space<vmem>>, vector<10000x128xf32>
    tpu.vector_store %arg2[%swap3A, %swap3A_31], %mul3A_30 {strides = array<i32>} : memref<10000x128xf32, #tpu.memory_space<vmem>>, vector<10000x128xf32>,
    return
  }
}

module attributes {stable_mosaic.version = 14 : i64} {
  func.func @body(%arg0: memref<2x10000x64xf32, #tpu.memory_space<vmem>>, %arg1: memref<10000x1xf32, #tpu.memory_space<vmem>>, %arg2: memref<128x128xf32, #tpu.memory_space<vmem>>, %arg3: memref<1x128xf32, #tpu.memory_space<vmem>>, %arg4: memref<10000x128xf32, #tpu.memory_space<vmem>>) attributes {dimension_semantics = [], scalar_prefetch = 0 : i64, scratch_operands = 0 : i64, tpu.core_type = #tpu.core_type<tc>} {
    %get3A = arith.constant 0 : index
    %get3A_0 = arith.constant 0 : index
    %get3A_1 = arith.constant 0 : index
    %get3A_2 = vector.load %arg0[%get3A, %get3A_0, %get3A_1] : memref<2x10000x64xf32, #tpu.memory_space<vmem>>, vector<1x10000x64xf32>
    %get3A_3 = vector.shape_cast %get3A_2 : vector<1x10000x64xf32> to vector<10000x64xf32>
    %get3A_4 = arith.constant 1 : index
    %get3A_5 = arith.constant 0 : index
    %get3A_6 = arith.constant 0 : index
    %get3A_7 = vector.load %arg0[%get3A_4, %get3A_5, %get3A_6] : memref<2x10000x64xf32, #tpu.memory_space<vmem>>, vector<1x10000x64xf32>
    %get3A_8 = vector.shape_cast %get3A_7 : vector<1x10000x64xf32> to vector<10000x64xf32>
    %concatenate3A = tpu.concatenate %get3A_3, %get3A_8 in 1 : vector<10000x64xf32>, vector<10000x64xf32> -> vector<10000x128xf32>
    %get3A_9 = arith.constant 0 : index
    %get3A_10 = arith.constant 0 : index
    %get3A_11 = vector.load %arg1[%get3A_9, %get3A_10] : memref<10000x1xf32, #tpu.memory_space<vmem>>, vector<10000x1xf32>
    %mul3A = vector.broadcast %get3A_11 : vector<10000x1xf32> to vector<10000x128xf32>
    %mul3A_12 = arith.mulf %concatenate3A, %mul3A : vector<10000x128xf32>
    %reduce_sum3A = arith.constant dense<0.000000e+00> : vector<128xf32>
    %reduce_sum3A_13 = vector.multi_reduction <add>, %mul3A_12, %reduce_sum3A [0] : vector<10000x128xf32> to vector<128xf32>
    %broadcast_in_dim3A = vector.shape_cast %reduce_sum3A_13 : vector<128xf32> to vector<1x128xf32>
    %div3A = arith.constant 1.000000e+04 : f32
    %div3A_14 = vector.broadcast %div3A : f32 to vector<1x128xf32>
    %div3A_15 = arith.divf %broadcast_in_dim3A, %div3A_14 : vector<1x128xf32>
    %sub3A = vector.broadcast %div3A_15 : vector<1x128xf32> to vector<10000x128xf32>
    %sub3A_16 = arith.subf %mul3A_12, %sub3A : vector<10000x128xf32>
    %mul3A_17 = arith.mulf %sub3A_16, %sub3A_16 : vector<10000x128xf32>
    %reduce_sum3A_18 = arith.constant dense<0.000000e+00> : vector<128xf32>
    %reduce_sum3A_19 = vector.multi_reduction <add>, %mul3A_17, %reduce_sum3A_18 [0] : vector<10000x128xf32> to vector<128xf32>
    %broadcast_in_dim3A_20 = vector.shape_cast %reduce_sum3A_19 : vector<128xf32> to vector<1x128xf32>
    %div3A_21 = arith.constant 9.999000e+03 : f32
    %div3A_22 = vector.broadcast %div3A_21 : f32 to vector<1x128xf32>
    %div3A_23 = arith.divf %broadcast_in_dim3A_20, %div3A_22 : vector<1x128xf32>
    %rsqrt3A = math.rsqrt %div3A_23 : vector<1x128xf32>
    %mul3A_24 = vector.broadcast %rsqrt3A : vector<1x128xf32> to vector<10000x128xf32>
    %mul3A_25 = arith.mulf %sub3A_16, %mul3A_24 : vector<10000x128xf32>
    %get3A_26 = arith.constant 0 : index
    %get3A_27 = arith.constant 0 : index
    %get3A_28 = vector.load %arg2[%get3A_26, %get3A_27] : memref<128x128xf32, #tpu.memory_space<vmem>>, vector<128x128xf32>
    %dot_general3A = arith.constant dense<0.000000e+00> : vector<10000x128xf32>
    %dot_general3A_29 = tpu.matmul %mul3A_25, %get3A_28, %dot_general3A {dimension_numbers = #tpu.dot_dimension_numbers<[1], [0], [0], [1], [0, 0, 1, 1], [], []>, transpose_lhs_hint = false} : vector<10000x128xf32>, vector<128x128xf32>, vector<10000x128xf32> -> vector<10000x128xf32>
    %get3A_30 = arith.constant 0 : index
    %get3A_31 = arith.constant 0 : index
    %get3A_32 = vector.load %arg3[%get3A_30, %get3A_31] : memref<1x128xf32, #tpu.memory_space<vmem>>, vector<1x128xf32>
    %add3A = vector.broadcast %get3A_32 : vector<1x128xf32> to vector<10000x128xf32>
    %add3A_33 = arith.addf %dot_general3A_29, %add3A : vector<10000x128xf32>
    %swap3A = arith.constant 0 : index
    %swap3A_34 = arith.constant 0 : index
    %swap3A_35 = vector.load %arg4[%swap3A, %swap3A_34] : memref<10000x128xf32, #tpu.memory_space<vmem>>, vector<10000x128xf32>
    tpu.vector_store %arg4[%swap3A, %swap3A_34], %add3A_33 {strides = array<i32>} : memref<10000x128xf32, #tpu.memory_space<vmem>>, vector<10000x128xf32>,
    return
  }
}

</mosaic_0001>

<sc_bundles>
// kernel: kernel.11.cloned.1.call-start
scs
__scs_entry_jumppad:
0x0: {  	(pc) =	sbr.rel $0x88, $3  }
0x1: {  	(tag) =	ssettag $0x0;
	lr =	simm.s32 $0x1  }
0x2: {  	[smem:$0x3F9D] =	sst lr;
	_ =	strace $0xD0000000  }
0x3: {  	_ = 	snop  }
0x4: {  	_ = 	snop  }
0x5: {  	_ = 	snop  }
0x6: {  	_ = 	snop  }
0x7: {  	_ = 	snop  }
__scs_overlays_trampoline_lowered:
0x8: {  	[smem:$0x3FAC] =	sst s0  }
0x9: {  	[smem:$0x3FAD] =	sst s1  }
0xa: {  	[smem:$0x3FAE] =	sst s2  }
0xb: {  	[smem:$0x3FAF] =	sst s3  }
0xc: {  	[smem:$0x3FB0] =	sst s4  }
0xd: {  	[smem:$0x3FB1] =	sst s5  }
0xe: {  	[smem:$0x3FB2] =	sst s6  }
0xf: {  	[smem:$0x3FB3] =	sst s7  }
0x10: {  	[smem:$0x3FB4] =	sst s8  }
0x11: {  	[smem:$0x3FB5] =	sst s9;
	s0 =	simm.s32 @!p0 $0x0  }
0x12: {  	s1 =	sld [smem:$0x3F9B];
	s0 =	simm.s32 @p0 $0x1  }
0x13: {  	[smem:$0x3FB6] =	sst s0;
	s0 =	simm.s32 @!p1 $0x0  }
0x14: {  	s2 =	sld [smem:$0x3F9A];
	s0 =	simm.s32 @p1 $0x1  }
0x15: {  	[smem:$0x3FB7] =	sst s0;
	s0 =	simm.s32 @!p2 $0x0  }
0x16: {  	s3 =	sld [smem:$0x3FDB];
	s0 =	simm.s32 @p2 $0x1  }
0x17: {  	s4 =	simm.s32 $0x1BF5;
	[smem:$0x3FB9] =	sst s0  }
0x18: {  	s0 =	sld [smem:$0x3F9C];
	_ =	swait.ge [sflag:s4], $0x0  }
0x19: {  	s7 =	sld [smem:$0x3F9D]  }
0x1a: {  	s8 =	sadd.s32 $0xFFFFE003, lr  }
0x1b: {  	s9 =	sadd.s32 $0xFFFFFEF7, lr;
	s5 =	simm.s32 $0xFFFFFFFF;
	p2 =	slt.u32 s8, $0xFFFFF086  }
0x1c: {  	p1 =	slt.u32 s9, $0xF7A;
	s5 =	simm.s32 @!p2 $0x0  }
0x1d: {  	s5 =	simm.s32 @p1 $0x1;
	p0 =	seq.s32 s7, s2  }
0x1e: {  	s7 =	smul.u32 @!p0 $0xF7A, s2;
	p2 =	seq.s32 @!p0 s5, $0x0  }
0x1f: {  	s9 =	smul.u32 $0xF7A, s1;
	s8 =	simm.s32 @!p0 $0x1BF5;
	p2 =	por !p2, p0  }
0x20: {  	[sflag:s8] =	ssyncset.s32 @!p0 $0xFFFFF086;
	s6 =	sadd.s32 @!p0 s3, s7;
	s7 =	simm.s32 @!p0 $0x108  }
0x21: {  	s3 =	sadd.s32 s3, s9;
	s6 =	sadd.s32 @!p0 $0x88, s6;
	s7 =	simm.s32 @p2 $0x1082  }
0x22: {  	[simem:s7], [sflag:s8] =	dma.local @!p0 [hbm:s6], $0xF7A  }
0x23: {  	s9 =	sor.u32 $0xD0000000, s2;
	s6 =	simm.s32 $0x108;
	_ =	swait.ge @!p0 [sflag:s8], $0x0  }
0x24: {  	s3 =	sadd.s32 $0x88, s3;
	s6 =	simm.s32 @!p1 $0x1082;
	[sflag:s4] =	ssyncset.s32 $0xFFFFF086  }
0x25: {  	[simem:s6], [sflag:s4] =	dma.local [hbm:s3], $0xF7A  }
0x26: {  	[smem:$0x3F9D] =	sst s1;
	(tag) =	ssettag s2;
	_ =	strace s9  }
0x27: {  	s1 =	sld [smem:$0x3FAD]  }
0x28: {  	s2 =	sld [smem:$0x3FAE]  }
0x29: {  	s4 =	sld [smem:$0x3FB0]  }
0x2a: {  	p0 =	seq.s32 s5, $0x0;
	s5 =	sld [smem:$0x3FB1]  }
0x2b: {  	s6 =	sld [smem:$0x3FB2]  }
0x2c: {  	s7 =	sld [smem:$0x3FB3]  }
0x2d: {  	s3 =	simm.s32 $0x108;
	s8 =	sld [smem:$0x3FB4]  }
0x2e: {  	s3 =	simm.s32 @!p0 $0x1082;
	s9 =	sld [smem:$0x3FB5]  }
0x2f: {  	lr =	sadd.s32 s0, s3;
	s0 =	sld [smem:$0x3FAC]  }
0x30: {  	s3 =	sld [smem:$0x3FAF]  }
0x31: {  	[smem:$0x3FB8] =	sst s10  }
0x32: {  	s10 =	sld [smem:$0x3FB6];
	_ =	sdelay $0x3  }
0x33: {  	p0 =	seq.s32 s10, $0x1;
	s10 =	sld [smem:$0x3FB8];
	_ =	sdelay $0x3  }
0x34: {  	[smem:$0x3FB8] =	sst s10  }
0x35: {  	s10 =	sld [smem:$0x3FB7];
	_ =	sdelay $0x3  }
0x36: {  	p1 =	seq.s32 s10, $0x1;
	s10 =	sld [smem:$0x3FB8];
	_ =	sdelay $0x3  }
0x37: {  	[smem:$0x3FB8] =	sst s10  }
0x38: {  	s10 =	sld [smem:$0x3FB9]  }
0x39: {  	_ = 	snop;
	(pc) =	sbr.ind lr, $3  }
0x3a: {  	_ = 	snop  }
0x3b: {  	_ = 	snop  }
0x3c: {  	p2 =	seq.s32 s10, $0x1;
	s10 =	sld [smem:$0x3FB8]  }
0x3d: {  	_ =	shalt  }
0x3e: {  	_ =	shalt  }
0x3f: {  	_ =	shalt  }
0x40: {  	_ =	shalt  }
0x41: {  	_ =	shalt  }
0x42: {  	_ =	shalt  }
0x43: {  	_ =	shalt  }
0x44: {  	_ =	shalt  }
0x45: {  	_ =	shalt  }
0x46: {  	_ =	shalt  }
0x47: {  	_ =	shalt  }
0x48: {  	_ =	shalt  }
0x49: {  	_ =	shalt  }
0x4a: {  	_ =	shalt  }
0x4b: {  	_ =	shalt  }
0x4c: {  	_ =	shalt  }
0x4d: {  	_ =	shalt  }
0x4e: {  	_ =	shalt  }
0x4f: {  	_ =	shalt  }
0x50: {  	_ =	shalt  }
0x51: {  	_ =	shalt  }
0x52: {  	_ =	shalt  }
0x53: {  	_ =	shalt  }
0x54: {  	_ =	shalt  }
0x55: {  	_ =	shalt  }
0x56: {  	_ =	shalt  }
0x57: {  	_ =	shalt  }
0x58: {  	_ =	shalt  }
0x59: {  	_ =	shalt  }
0x5a: {  	_ =	shalt  }
0x5b: {  	_ =	shalt  }
0x5c: {  	_ =	shalt  }
0x5d: {  	_ =	shalt  }
0x5e: {  	_ =	shalt  }
0x5f: {  	_ =	shalt  }
0x60: {  	_ =	shalt  }
0x61: {  	_ =	shalt  }
0x62: {  	_ =	shalt  }
0x63: {  	_ =	shalt  }
0x64: {  	_ =	shalt  }
0x65: {  	_ =	shalt  }
0x66: {  	_ =	shalt  }
0x67: {  	_ =	shalt  }
0x68: {  	_ =	shalt  }
0x69: {  	_ =	shalt  }
0x6a: {  	_ =	shalt  }
0x6b: {  	_ =	shalt  }
0x6c: {  	_ =	shalt  }
0x6d: {  	_ =	shalt  }
0x6e: {  	_ =	shalt  }
0x6f: {  	_ =	shalt  }
0x70: {  	_ =	shalt  }
0x71: {  	_ =	shalt  }
0x72: {  	_ =	shalt  }
0x73: {  	_ =	shalt  }
0x74: {  	_ =	shalt  }
0x75: {  	_ =	shalt  }
0x76: {  	_ =	shalt  }
0x77: {  	_ =	shalt  }
0x78: {  	_ =	shalt  }
0x79: {  	_ =	shalt  }
0x7a: {  	_ =	shalt  }
0x7b: {  	_ =	shalt  }
0x7c: {  	_ =	shalt  }
0x7d: {  	_ =	shalt  }
0x7e: {  	_ =	shalt  }
0x7f: {  	_ =	shalt  }
0x80: {  	_ =	shalt  }
0x81: {  	_ =	shalt  }
0x82: {  	_ =	shalt  }
0x83: {  	_ =	shalt  }
0x84: {  	_ =	shalt  }
0x85: {  	_ =	shalt  }
0x86: {  	_ =	shalt  }
0x87: {  	_ =	shalt  }
.Lfunc_end0:
.L_simem_size_0:
called_computation.1_lowered:
.L_overlay_start_0:
0x88: {  	s2 =	sld [smem:$0x3FD9]  }
0x89: {  	s3 =	sld [smem:$0x3FFE];
	_ =	sdelay $0x1  }
0x8a: {  	s1 =	srdreg.scid  }
0x8b: {  	s0 =	sand.u32 $0x1, s1  }
0x8c: {  	s17 =	sshll.u32 s0, $0xA;
	s2 =	sadd.s32 s3, s2  }
0x8d: {  	s2 =	sadd.s32 s2, s17  }
0x8e: {  	[smem:$0x3FC4] =	sst s2  }
0x8f: {  	_ = 	snop  }
0x90: {  	s2 =	sld [smem:$0x3FD0];
	(tm) =	ssettm $0x1  }
0x91: {  	s18 =	sld [smem:$0x3FFB];
	_ =	sdelay $0x3  }
0x92: {  	_ =	strace s18  }
0x93: {  	s3 =	sld [smem:$0x3FFC];
	_ =	sdelay $0x3  }
0x94: {  	_ =	strace s3  }
0x95: {  	s3 =	sld [smem:$0x3FFD];
	_ =	sdelay $0x3  }
0x96: {  	_ =	strace s3  }
0x97: {  	_ =	strace $0x8FFFFFFF  }
0x98: {  	s19 =	sld [smem:$0x3FDB];
	_ =	sdelay $0x1  }
0x99: {  	s4 =	simm.s32 $_scs_section_size  }
0x9a: {  	s5 =	simm.s32 $_size__tile_overlayer_lowered;
	s6 =	simm.s32 $_tile_overlayer_lowered  }
0x9b: {  	s22 =	simm.s32 $0x1BFF;
	s21 =	sshll.u32 s6, $0x1;
	s3 =	sadd.s32 s4, s19  }
0x9c: {  	s7 =	simm.s32 $0x0;
	s20 =	sshll.u32 s5, $0x1;
	s5 =	sadd.s32 s21, s3  }
0x9d: {  	[timem:s7], [sflag:s22] =	dma.local [hbm:s5], s20  }
0x9e: {  	_ =	swait.ge [sflag:s22], s20  }
0x9f: {  	s4 =	ssub.s32 $0x0, s20;
	[sflag:s22] =	ssyncset.done $0x0  }
0xa0: {  	[sflag:s22] =	ssyncadd.s32 s4;
	_ =	sdelay $0x1  }
0xa1: {  	s23 =	simm.s32 $0x1B8B  }
0xa2: {  	_ =	swait.ge [sflag:s23], $0x1  }
0xa3: {  	[sflag:s23] =	ssyncset.done $0x0  }
0xa4: {  	s25 =	simm.s32 $0x1B8E;
	s24 =	sld [smem:$0x3FFE];
	[sflag:s23] =	ssyncadd.s32 $0xFFFFFFFF  }
0xa5: {  	s26 =	simm.s32 $execute0_lowered;
	[smem:$0x3FD2] =	sst s25  }
0xa6: {  	s5 =	sshll.u32 s26, $0x1;
	_ =	strace $0x80000049;
	[dreg:$0x1] =	wrdreg $0xFFFFFFFF  }
0xa7: {  	s28 =	simm.s32 $_size_execute0_lowered;
	s3 =	sadd.s32 s3, s5;
	[dreg:$0x0] =	wrdreg $0x0  }
0xa8: {  	s5 =	sshll.u32 s28, $0x1;
	[dreg:$0x2] =	wrdreg s3  }
0xa9: {  	[dreg:$0x3] =	wrdreg s5  }
0xaa: {  	[dreg:$0x4] =	wrdreg $0xC0  }
0xab: {  	_ =	task [dreg:s7], $0x5FFFF  }
0xac: {  	[dreg:$0x1] =	wrdreg $0xFFFFFFFF  }
0xad: {  	[dreg:$0x0] =	wrdreg $0x60  }
0xae: {  	[dreg:$0x2] =	wrdreg s2  }
0xaf: {  	[dreg:$0x3] =	wrdreg s24  }
0xb0: {  	[dreg:$0x4] =	wrdreg $0x150400  }
0xb1: {  	[dreg:$0x5] =	wrdreg $0x9  }
0xb2: {  	_ =	task.clear_ibuf [dreg:s7], $0x6FFFF;
	_ =	strace $0x90000049  }
0xb3: {  	s29 =	simm.s32 $0x9;
	_ =	strace $0x8000004B  }
0xb4: {  	_ =	swait.ge [sflag:s29], $0x1  }
0xb5: {  	[sflag:s29] =	ssyncadd.s32 $0xFFFFFFFF  }
0xb6: {  	_ =	strace $0x9000004B  }
0xb7: {  	_ =	sfence  }
0xb8: {  	s30 =	sld [smem:$0x0];
	_ =	sdelay $0x2  }
0xb9: {  	s31 =	sshll.u32 s1, $0xD;
	s1 =	sshrl.u32 s1, $0x2  }
0xba: {  	s3 =	sand.u32 $0x4000, s31;
	s1 =	sadd.s32 s1, s30  }
0xbb: {  	s0 =	sor.u32 s3, s0;
	s1 =	sshll.u32 s1, $0x11  }
0xbc: {  	s0 =	sor.u32 s1, s0  }
0xbd: {  	s0 =	sadd.s32 $0x8F2B, s0  }
0xbe: {  	[sflag:s0] =	ssyncadd.remote.s32 $0x1  }
0xbf: {  	_ =	sfence.sel $0xFFFF  }
0xc0: {  	[dreg:$0x0] =	wrdreg $0xFFFFFFFF;
	(pc) =	sbr.abs _section_cstart, $3  }
0xc1: {  	[dreg:$0x1] =	wrdreg $0xFFFFFFFF  }
0xc2: {  	_ =	task.clear_ibuf [dreg:s7], $0x2FFFF;
	_ =	strace $0x9FFFFFFF  }
0xc3: {  	(tm) =	ssettm $0x7FFFFFFF  }
tec
execute0_lowered:
.L_overlay_start_1:
0x0: {  	(tag) =	ssettag $0x1  }
0x1: {  	s1 =	rddreg [dreg:$0x0]  }
0x2: {  	s0 =	rddreg [dreg:$0x1]  }
0x3: {  	s8 =	stileid.u32;
	s2 =	srdreg.scid  }
0x4: {  	s3 =	rddreg [dreg:$0x2];
	s5 =	simm.s32 $0x0;
	s14 =	simm.s32 $0x1  }
0x5: {  	s15 =	simm.s32 $0x2;
	s16 =	simm.s32 $0x3;
	s17 =	simm.s32 $0x50  }
0x6: {  	s12 =	simm.s32 $0xE;
	s10 =	simm.s32 $0x10;
	s19 =	simm.s32 $0x0  }
0x7: {  	s11 =	simm.s32 $0x12;
	s29 =	simm.s32 $0x4;
	s4 =	smul.u32 $0x9C4, s8  }
0x8: {  	s31 =	simm.s32 $0xA;
	s13 =	sand.u32 $0x1, s2;
	s20 =	smul.u32 $0x9C40, s8  }
0x9: {  	[smem:$0x7FF] =	sst s5;
	s7 =	smul.u32 $0x27100, s8;
	s9 =	sadd.s32 $0x15200, s0  }
0xa: {  	s25 =	sshll.u32 s8, $0x6;
	s5 =	simm.s32 $0x6;
	s8 =	simm.s32 $0xF  }
0xb: {  	s2 =	smul.u32 $0x9C400, s13;
	_ =	strace $0x8000004A;
	[dreg:$0x4] =	wrdreg s9  }
0xc: {  	s21 =	ssub.s32 $0x2, s13;
	[dreg:$0x6] =	wrdreg s25;
	s28 =	sor.u32 $0x1C03, s25  }
0xd: {  	s25 =	simm.s32 $0x4;
	s4 =	sadd.s32 s4, s0;
	s6 =	sshrl.u32 s21, $0x1  }
0xe: {  	s24 =	sshrl.u32 s7, $0x2;
	[dreg:$0x8] =	wrdreg s28;
	s7 =	simm.s32 $0x4E20  }
0xf: {  	s2 =	sadd.s32 s20, s2;
	s22 =	ssub.s32 s21, s6;
	s23 =	sadd.s32 $0x1600, s4  }
0x10: {  	s4 =	sadd.s32 $0xB400, s4;
	s26 =	sadd.s32 s24, s3;
	s24 =	simm.s32 $0xA  }
0x11: {  	s6 =	simm.s32 $0x7;
	s2 =	sshrl.u32 s2, $0x3;
	[dreg:$0x5] =	wrdreg s23  }
0x12: {  	[dreg:$0x7] =	wrdreg s4;
	s30 =	smax.u32 s22, $0x1;
	s18 =	sshrl.u32 s26, $0x3  }
0x13: {  	s22 =	simm.s32 $0xB;
	s0 =	sadd.s32 s2, s0;
	[dreg:$0xa] =	wrdreg s30  }
0x14: {  	s26 =	simm.s32 $0xC;
	[dreg:$0xb] =	wrdreg s18;
	s0 =	sadd.s32 $0x16600, s0  }
0x15: {  	v0 =	vmov s13;
	s4 =	simm.s32 $0xD;
	[dreg:$0x9] =	wrdreg s0;
	s0 =	simm.s32 $0x5  }
.LBB2_1:
0x16: {  	[dreg:$0xc] =	wrdreg s19  }
0x17: {  	s21 =	rddreg [dreg:$0x5]  }
0x18: {  	s23 =	rddreg [dreg:$0x7]  }
0x19: {  	s13 =	simm.s32 $0x0;
	s28 =	rddreg [dreg:$0x4]  }
0x1a: {  	[tilespmem:s13], [sflag:$0x1] =	stream.linear.gather [hbm4b:s21+s13], $0x4E20, $0x38;
	[tilespmem:$0x1EC80] =	vst v63  }
0x1b: {  	s20 =	smov.u32 s18;
	s30 =	rddreg [dreg:$0x8]  }
0x1c: {  	[tilespmem:s7], [sflag:$0x2] =	stream.linear.gather [hbm4b:s23+s13], $0x4E20, $0x38;
	[tilespmem:$0x1EC80] =	vst v63  }
0x1d: {  	[spmem:s20], [sflag:s30] =	dma.local [hbm:s28], $0x1388  }
0x1e: {  	_ =	swait.ge [sflag:s14], $0x4E20  }
0x1f: {  	[sflag:s14] =	ssyncset.done $0x0  }
0x20: {  	s18 =	simm.s32 $0x40;
	s13 =	simm.s32 $0x0;
	[sflag:s14] =	ssyncadd.s32 $0xFFFFB1E0  }
.LBB2_2:
0x21: {  	p0 =	sne.s32 s18, $0x13840;
	v1 =	vld [tilespmem:s13+$0x0];
	_ =	sdelay $0x2  }
.Ltmp0:
0x22: {  	(pc) =	sbr.rel @p0 .LBB2_2-.Ltmp0, $4  }
0x23: {  	_ = 	snop  }
0x24: {  	v1 =	vshll.u32 v1, $0x1  }
0x25: {  	v1 =	vor.u32 v0, v1  }
0x26: {  	[tilespmem:s13+$0x0] =	vst v1;
	s13 =	sshra.s32 s18, $0x2;
	s18 =	sadd.s32 $0x40, s18  }
0x27: {  	v1 =	vld [tilespmem:s13+$0x0];
	_ =	sdelay $0x4  }
0x28: {  	v1 =	vshll.u32 v1, $0x1  }
0x29: {  	v1 =	vor.u32 v0, v1  }
0x2a: {  	[tilespmem:s13+$0x0] =	vst v1  }
0x2b: {  	_ =	swait.ge [sflag:s15], $0x4E20  }
0x2c: {  	[sflag:s15] =	ssyncset.done $0x0  }
0x2d: {  	[sflag:s15] =	ssyncadd.s32 $0xFFFFB1E0  }
0x2e: {  	_ =	swait.ge [sflag:s16], $0x1388  }
0x2f: {  	[sflag:s16] =	ssyncset.done $0x0  }
0x30: {  	[sflag:s16] =	ssyncadd.s32 $0xFFFFEC78  }
0x31: {  	s28 =	simm.s32 $0x0;
	s20 =	simm.s32 $0x9C40;
	[bflag:$0x0] =	sbarrier.arrive $0xFFFF  }
0x32: {  	[tilespmem:s20], [sflag:$0x1] =	stream.indirect.gather [hbm4b:s1+s17], $0x40, s28, s17, $0xb8;
	[tilespmem:$0x1EC80] =	vst v63  }
0x33: {  	s21 =	simm.s32 $0xB040  }
0x34: {  	[tilespmem:s21], [sflag:$0x2] =	stream.indirect.gather [hbm4b:s1+s17], $0x40, s17, s17, $0xb8;
	[tilespmem:$0x1EC80] =	vst v63  }
0x35: {  	s30 =	simm.s32 $0xA0;
	s23 =	simm.s32 $0xC440  }
0x36: {  	[tilespmem:s23], [sflag:$0x3] =	stream.indirect.gather [hbm4b:s1+s17], $0x40, s30, s17, $0xb8;
	[tilespmem:$0x1EC80] =	vst v63  }
0x37: {  	s2 =	simm.s32 $0xF0;
	s30 =	simm.s32 $0xD840  }
0x38: {  	[tilespmem:s30], [sflag:$0x4] =	stream.indirect.gather [hbm4b:s1+s17], $0x40, s2, s17, $0xb8;
	[tilespmem:$0x1EC80] =	vst v63  }
0x39: {  	s9 =	simm.s32 $0x140;
	s28 =	simm.s32 $0xEC40  }
0x3a: {  	[tilespmem:s28], [sflag:$0x5] =	stream.indirect.gather [hbm4b:s1+s17], $0x40, s9, s17, $0xb8;
	[tilespmem:$0x1EC80] =	vst v63  }
0x3b: {  	s18 =	simm.s32 $0x190;
	s19 =	simm.s32 $0x10040  }
0x3c: {  	[tilespmem:s19], [sflag:$0x6] =	stream.indirect.gather [hbm4b:s1+s17], $0x40, s18, s17, $0xb8;
	[tilespmem:$0x1EC80] =	vst v63  }
0x3d: {  	s2 =	simm.s32 $0x1E0;
	s18 =	simm.s32 $0x11440  }
0x3e: {  	[tilespmem:s18], [sflag:$0x7] =	stream.indirect.gather [hbm4b:s1+s17], $0x40, s2, s17, $0xb8;
	[tilespmem:$0x1EC80] =	vst v63  }
0x3f: {  	s9 =	simm.s32 $0x230;
	s2 =	simm.s32 $0x12840  }
0x40: {  	[tilespmem:s2], [sflag:$0x8] =	stream.indirect.gather [hbm4b:s1+s17], $0x40, s9, s17, $0xb8;
	[tilespmem:$0x1EC80] =	vst v63  }
0x41: {  	_ =	swait.ge [sflag:s14], $0x1400  }
0x42: {  	[sflag:s14] =	ssyncset.done $0x0  }
0x43: {  	[sflag:s14] =	ssyncadd.s32 $0xFFFFEC00  }
0x44: {  	[spmem:s3] =	stream.indirect.scatter.add.f32 [tilespmem:s20], [sflag:$0xA], $0x40, s7, s17, $0xb8;
	[tilespmem:$0x1EC80] =	vst v63  }
0x45: {  	s9 =	simm.s32 $0x13C40;
	s7 =	simm.s32 $0x280  }
0x46: {  	[tilespmem:s9], [sflag:$0x9] =	stream.indirect.gather [hbm4b:s1+s17], $0x40, s7, s17, $0xb8;
	[tilespmem:$0x1EC80] =	vst v63  }
0x47: {  	_ =	swait.ge [sflag:s15], $0x1400  }
0x48: {  	[sflag:s15] =	ssyncset.done $0x0  }
0x49: {  	s7 =	simm.s32 $0x4E70;
	[sflag:s15] =	ssyncadd.s32 $0xFFFFEC00  }
0x4a: {  	[spmem:s3] =	stream.indirect.scatter.add.f32 [tilespmem:s21], [sflag:$0xB], $0x40, s7, s17, $0xb8;
	[tilespmem:$0x1EC80] =	vst v63  }
0x4b: {  	_ =	swait.ge [sflag:s24], $0x1400  }
0x4c: {  	[sflag:s24] =	ssyncset.done $0x0  }
0x4d: {  	s7 =	simm.s32 $0x2D0;
	[sflag:s24] =	ssyncadd.s32 $0xFFFFEC00  }
0x4e: {  	[tilespmem:s20], [sflag:$0x1] =	stream.indirect.gather [hbm4b:s1+s17], $0x40, s7, s17, $0xb8;
	[tilespmem:$0x1EC80] =	vst v63  }
0x4f: {  	_ =	swait.ge [sflag:s16], $0x1400  }
0x50: {  	[sflag:s16] =	ssyncset.done $0x0  }
0x51: {  	s7 =	simm.s32 $0x4EC0;
	[sflag:s16] =	ssyncadd.s32 $0xFFFFEC00  }
0x52: {  	[spmem:s3] =	stream.indirect.scatter.add.f32 [tilespmem:s23], [sflag:$0xC], $0x40, s7, s17, $0xb8;
	[tilespmem:$0x1EC80] =	vst v63  }
0x53: {  	_ =	swait.ge [sflag:s22], $0x1400  }
0x54: {  	[sflag:s22] =	ssyncset.done $0x0  }
0x55: {  	s7 =	simm.s32 $0x320;
	[sflag:s22] =	ssyncadd.s32 $0xFFFFEC00  }
0x56: {  	[tilespmem:s21], [sflag:$0x2] =	stream.indirect.gather [hbm4b:s1+s17], $0x40, s7, s17, $0xb8;
	[tilespmem:$0x1EC80] =	vst v63  }
0x57: {  	_ =	swait.ge [sflag:s25], $0x1400  }
0x58: {  	[sflag:s25] =	ssyncset.done $0x0  }
0x59: {  	s7 =	simm.s32 $0x4F10;
	[sflag:s25] =	ssyncadd.s32 $0xFFFFEC00  }
0x5a: {  	[spmem:s3] =	stream.indirect.scatter.add.f32 [tilespmem:s30], [sflag:$0xD], $0x40, s7, s17, $0xb8;
	[tilespmem:$0x1EC80] =	vst v63  }
0x5b: {  	_ =	swait.ge [sflag:s26], $0x1400  }
0x5c: {  	[sflag:s26] =	ssyncset.done $0x0  }
0x5d: {  	s7 =	simm.s32 $0x370;
	[sflag:s26] =	ssyncadd.s32 $0xFFFFEC00  }
0x5e: {  	[tilespmem:s23], [sflag:$0x3] =	stream.indirect.gather [hbm4b:s1+s17], $0x40, s7, s17, $0xb8;
	[tilespmem:$0x1EC80] =	vst v63  }
0x5f: {  	_ =	swait.ge [sflag:s0], $0x1400  }
0x60: {  	[sflag:s0] =	ssyncset.done $0x0  }
0x61: {  	s7 =	simm.s32 $0x4F60;
	[sflag:s0] =	ssyncadd.s32 $0xFFFFEC00  }
0x62: {  	[spmem:s3] =	stream.indirect.scatter.add.f32 [tilespmem:s28], [sflag:$0xE], $0x40, s7, s17, $0xb8;
	[tilespmem:$0x1EC80] =	vst v63  }
0x63: {  	_ =	swait.ge [sflag:s4], $0x1400  }
0x64: {  	[sflag:s4] =	ssyncset.done $0x0  }
0x65: {  	s7 =	simm.s32 $0x3C0;
	[sflag:s4] =	ssyncadd.s32 $0xFFFFEC00  }
0x66: {  	[tilespmem:s30], [sflag:$0x4] =	stream.indirect.gather [hbm4b:s1+s17], $0x40, s7, s17, $0xb8;
	[tilespmem:$0x1EC80] =	vst v63  }
0x67: {  	_ =	swait.ge [sflag:s5], $0x1400  }
0x68: {  	[sflag:s5] =	ssyncset.done $0x0  }
0x69: {  	s7 =	simm.s32 $0x4FB0;
	[sflag:s5] =	ssyncadd.s32 $0xFFFFEC00  }
0x6a: {  	[spmem:s3] =	stream.indirect.scatter.add.f32 [tilespmem:s19], [sflag:$0xF], $0x40, s7, s17, $0xb8;
	[tilespmem:$0x1EC80] =	vst v63  }
0x6b: {  	_ =	swait.ge [sflag:s12], $0x1400  }
0x6c: {  	[sflag:s12] =	ssyncset.done $0x0  }
0x6d: {  	s7 =	simm.s32 $0x410;
	[sflag:s12] =	ssyncadd.s32 $0xFFFFEC00  }
0x6e: {  	[tilespmem:s28], [sflag:$0x5] =	stream.indirect.gather [hbm4b:s1+s17], $0x40, s7, s17, $0xb8;
	[tilespmem:$0x1EC80] =	vst v63  }
0x6f: {  	_ =	swait.ge [sflag:s6], $0x1400  }
0x70: {  	[sflag:s6] =	ssyncset.done $0x0  }
0x71: {  	s7 =	simm.s32 $0x5000;
	[sflag:s6] =	ssyncadd.s32 $0xFFFFEC00  }
0x72: {  	[spmem:s3] =	stream.indirect.scatter.add.f32 [tilespmem:s18], [sflag:$0x10], $0x40, s7, s17, $0xb8;
	[tilespmem:$0x1EC80] =	vst v63  }
0x73: {  	_ =	swait.ge [sflag:s8], $0x1400  }
0x74: {  	[sflag:s8] =	ssyncset.done $0x0  }
0x75: {  	s13 =	simm.s32 $0x8;
	[sflag:s8] =	ssyncadd.s32 $0xFFFFEC00;
	s8 =	simm.s32 $0x460  }
0x76: {  	[tilespmem:s19], [sflag:$0x6] =	stream.indirect.gather [hbm4b:s1+s17], $0x40, s8, s17, $0xb8;
	[tilespmem:$0x1EC80] =	vst v63  }
0x77: {  	_ =	swait.ge [sflag:s13], $0x1400  }
0x78: {  	[sflag:s13] =	ssyncset.done $0x0  }
0x79: {  	s8 =	simm.s32 $0x5050;
	[sflag:s13] =	ssyncadd.s32 $0xFFFFEC00  }
0x7a: {  	[spmem:s3] =	stream.indirect.scatter.add.f32 [tilespmem:s2], [sflag:$0x11], $0x40, s8, s17, $0xb8;
	[tilespmem:$0x1EC80] =	vst v63  }
0x7b: {  	_ =	swait.ge [sflag:s10], $0x1400  }
0x7c: {  	[sflag:s10] =	ssyncset.done $0x0  }
0x7d: {  	s7 =	simm.s32 $0x4B0;
	s8 =	simm.s32 $0x9;
	[sflag:s10] =	ssyncadd.s32 $0xFFFFEC00  }
0x7e: {  	[tilespmem:s18], [sflag:$0x7] =	stream.indirect.gather [hbm4b:s1+s17], $0x40, s7, s17, $0xb8;
	[tilespmem:$0x1EC80] =	vst v63  }
0x7f: {  	_ =	swait.ge [sflag:s8], $0x1400  }
0x80: {  	[sflag:s8] =	ssyncset.done $0x0  }
0x81: {  	s10 =	simm.s32 $0x50A0;
	s7 =	simm.s32 $0x11;
	[sflag:s8] =	ssyncadd.s32 $0xFFFFEC00  }
0x82: {  	[spmem:s3] =	stream.indirect.scatter.add.f32 [tilespmem:s9], [sflag:$0x12], $0x40, s10, s17, $0xb8;
	[tilespmem:$0x1EC80] =	vst v63  }
0x83: {  	_ =	swait.ge [sflag:s7], $0x1400  }
0x84: {  	[sflag:s7] =	ssyncset.done $0x0  }
0x85: {  	s18 =	simm.s32 $0x500;
	[sflag:s7] =	ssyncadd.s32 $0xFFFFEC00  }
0x86: {  	[tilespmem:s2], [sflag:$0x8] =	stream.indirect.gather [hbm4b:s1+s17], $0x40, s18, s17, $0xb8;
	[tilespmem:$0x1EC80] =	vst v63  }
0x87: {  	_ =	swait.ge [sflag:s14], $0x1400  }
0x88: {  	[sflag:s14] =	ssyncset.done $0x0  }
0x89: {  	s8 =	simm.s32 $0x50F0;
	[sflag:s14] =	ssyncadd.s32 $0xFFFFEC00  }
0x8a: {  	[spmem:s3] =	stream.indirect.scatter.add.f32 [tilespmem:s20], [sflag:$0xA], $0x40, s8, s17, $0xb8;
	[tilespmem:$0x1EC80] =	vst v63  }
0x8b: {  	_ =	swait.ge [sflag:s11], $0x1400  }
0x8c: {  	[sflag:s11] =	ssyncset.done $0x0  }
0x8d: {  	s10 =	simm.s32 $0x550;
	[sflag:s11] =	ssyncadd.s32 $0xFFFFEC00  }
0x8e: {  	[tilespmem:s9], [sflag:$0x9] =	stream.indirect.gather [hbm4b:s1+s17], $0x40, s10, s17, $0xb8;
	[tilespmem:$0x1EC80] =	vst v63  }
0x8f: {  	_ =	swait.ge [sflag:s15], $0x1400  }
0x90: {  	[sflag:s15] =	ssyncset.done $0x0  }
0x91: {  	s14 =	simm.s32 $0x5140;
	[sflag:s15] =	ssyncadd.s32 $0xFFFFEC00  }
0x92: {  	[spmem:s3] =	stream.indirect.scatter.add.f32 [tilespmem:s21], [sflag:$0xB], $0x40, s14, s17, $0xb8;
	[tilespmem:$0x1EC80] =	vst v63  }
0x93: {  	_ =	swait.ge [sflag:s24], $0x1400  }
0x94: {  	[sflag:s24] =	ssyncset.done $0x0  }
0x95: {  	s15 =	simm.s32 $0x5A0;
	[sflag:s24] =	ssyncadd.s32 $0xFFFFEC00  }
0x96: {  	[tilespmem:s20], [sflag:$0x1] =	stream.indirect.gather [hbm4b:s1+s17], $0x40, s15, s17, $0xb8;
	[tilespmem:$0x1EC80] =	vst v63  }
0x97: {  	_ =	swait.ge [sflag:s16], $0x1400  }
0x98: {  	[sflag:s16] =	ssyncset.done $0x0  }
0x99: {  	s18 =	simm.s32 $0x5190;
	[sflag:s16] =	ssyncadd.s32 $0xFFFFEC00  }
0x9a: {  	[spmem:s3] =	stream.indirect.scatter.add.f32 [tilespmem:s23], [sflag:$0xC], $0x40, s18, s17, $0xb8;
	[tilespmem:$0x1EC80] =	vst v63  }
0x9b: {  	_ =	swait.ge [sflag:s22], $0x1400  }
0x9c: {  	[sflag:s22] =	ssyncset.done $0x0  }
0x9d: {  	s20 =	simm.s32 $0x5F0;
	[sflag:s22] =	ssyncadd.s32 $0xFFFFEC00  }
0x9e: {  	[tilespmem:s21], [sflag:$0x2] =	stream.indirect.gather [hbm4b:s1+s17], $0x40, s20, s17, $0xb8;
	[tilespmem:$0x1EC80] =	vst v63  }
0x9f: {  	_ =	swait.ge [sflag:s25], $0x1400  }
0xa0: {  	[sflag:s25] =	ssyncset.done $0x0  }
0xa1: {  	s21 =	simm.s32 $0x51E0;
	[sflag:s25] =	ssyncadd.s32 $0xFFFFEC00  }
0xa2: {  	[spmem:s3] =	stream.indirect.scatter.add.f32 [tilespmem:s30], [sflag:$0xD], $0x40, s21, s17, $0xb8;
	[tilespmem:$0x1EC80] =	vst v63  }
0xa3: {  	_ =	swait.ge [sflag:s26], $0x1400  }
0xa4: {  	[sflag:s26] =	ssyncset.done $0x0  }
0xa5: {  	s22 =	simm.s32 $0x640;
	[sflag:s26] =	ssyncadd.s32 $0xFFFFEC00  }
0xa6: {  	[tilespmem:s23], [sflag:$0x3] =	stream.indirect.gather [hbm4b:s1+s17], $0x40, s22, s17, $0xb8;
	[tilespmem:$0x1EC80] =	vst v63  }
0xa7: {  	_ =	swait.ge [sflag:s0], $0x1400  }
0xa8: {  	[sflag:s0] =	ssyncset.done $0x0  }
0xa9: {  	s24 =	simm.s32 $0x5230;
	[sflag:s0] =	ssyncadd.s32 $0xFFFFEC00  }
0xaa: {  	[spmem:s3] =	stream.indirect.scatter.add.f32 [tilespmem:s28], [sflag:$0xE], $0x40, s24, s17, $0xb8;
	[tilespmem:$0x1EC80] =	vst v63  }
0xab: {  	_ =	swait.ge [sflag:s4], $0x1400  }
0xac: {  	[sflag:s4] =	ssyncset.done $0x0  }
0xad: {  	s25 =	simm.s32 $0x690;
	[sflag:s4] =	ssyncadd.s32 $0xFFFFEC00  }
0xae: {  	[tilespmem:s30], [sflag:$0x4] =	stream.indirect.gather [hbm4b:s1+s17], $0x40, s25, s17, $0xb8;
	[tilespmem:$0x1EC80] =	vst v63  }
0xaf: {  	_ =	swait.ge [sflag:s5], $0x1400  }
0xb0: {  	s13 =	simm.s32 $0xB40;
	s8 =	simm.s32 $0xF;
	[sflag:s5] =	ssyncset.done $0x0  }
0xb1: {  	s10 =	simm.s32 $0x10;
	s26 =	simm.s32 $0x5280;
	[sflag:s5] =	ssyncadd.s32 $0xFFFFEC00  }
0xb2: {  	[spmem:s3] =	stream.indirect.scatter.add.f32 [tilespmem:s19], [sflag:$0xF], $0x40, s26, s17, $0xb8;
	[tilespmem:$0x1EC80] =	vst v63  }
0xb3: {  	s15 =	simm.s32 $0x1;
	s16 =	simm.s32 $0x2;
	_ =	swait.ge [sflag:s12], $0x1400  }
0xb4: {  	s18 =	simm.s32 $0x52D0;
	s20 =	simm.s32 $0x3;
	[sflag:s12] =	ssyncset.done $0x0  }
0xb5: {  	s22 =	simm.s32 $0xB;
	s30 =	simm.s32 $0x6E0;
	[sflag:s12] =	ssyncadd.s32 $0xFFFFEC00  }
0xb6: {  	[tilespmem:s28], [sflag:$0x5] =	stream.indirect.gather [hbm4b:s1+s17], $0x40, s30, s17, $0xb8;
	[tilespmem:$0x1EC80] =	vst v63  }
0xb7: {  	s0 =	simm.s32 $0x5;
	s4 =	simm.s32 $0xD;
	_ =	swait.ge [sflag:s6], $0x1400  }
0xb8: {  	s5 =	simm.s32 $0x6;
	s26 =	simm.s32 $0xC;
	[sflag:s6] =	ssyncset.done $0x0  }
0xb9: {  	s12 =	simm.s32 $0xE;
	[sflag:s6] =	ssyncadd.s32 $0xFFFFEC00;
	s6 =	simm.s32 $0x7  }
.LBB2_4:
0xba: {  	s30 =	simm.s32 $0x11440  }
0xbb: {  	[spmem:s3] =	stream.indirect.scatter.add.f32 [tilespmem:s30], [sflag:$0x10], $0x40, s18, s17, $0xb8;
	[tilespmem:$0x1EC80] =	vst v63  }
0xbc: {  	s18 =	smov.u32 s13  }
0xbd: {  	p0 =	sne.s32 s13, $0x11940;
	s13 =	sadd.s32 $0xB40, s13;
	_ =	swait.ge [sflag:s8], $0x1400  }
0xbe: {  	s28 =	simm.s32 $0x10040;
	s18 =	sshra.s32 s18, $0x2;
	[sflag:s8] =	ssyncset.done $0x0  }
0xbf: {  	s2 =	simm.s32 $0x8;
	s19 =	sadd.s32 $0x460, s18;
	[sflag:s8] =	ssyncadd.s32 $0xFFFFEC00  }
0xc0: {  	[tilespmem:s28], [sflag:$0x6] =	stream.indirect.gather [hbm4b:s1+s17], $0x40, s19, s17, $0xb8;
	[tilespmem:$0x1EC80] =	vst v63  }
0xc1: {  	_ =	swait.ge [sflag:s2], $0x1400  }
0xc2: {  	[sflag:s2] =	ssyncset.done $0x0  }
0xc3: {  	s9 =	simm.s32 $0x12840;
	s19 =	sadd.s32 $0x5050, s18;
	[sflag:s2] =	ssyncadd.s32 $0xFFFFEC00  }
0xc4: {  	[spmem:s3] =	stream.indirect.scatter.add.f32 [tilespmem:s9], [sflag:$0x11], $0x40, s19, s17, $0xb8;
	[tilespmem:$0x1EC80] =	vst v63  }
0xc5: {  	_ =	swait.ge [sflag:s10], $0x1400  }
0xc6: {  	[sflag:s10] =	ssyncset.done $0x0  }
0xc7: {  	s2 =	simm.s32 $0x9;
	s19 =	sadd.s32 $0x4B0, s18;
	[sflag:s10] =	ssyncadd.s32 $0xFFFFEC00  }
0xc8: {  	[tilespmem:s30], [sflag:$0x7] =	stream.indirect.gather [hbm4b:s1+s17], $0x40, s19, s17, $0xb8;
	[tilespmem:$0x1EC80] =	vst v63  }
0xc9: {  	_ =	swait.ge [sflag:s2], $0x1400  }
0xca: {  	[sflag:s2] =	ssyncset.done $0x0  }
0xcb: {  	s21 =	simm.s32 $0x13C40;
	s19 =	sadd.s32 $0x50A0, s18;
	[sflag:s2] =	ssyncadd.s32 $0xFFFFEC00  }
0xcc: {  	[spmem:s3] =	stream.indirect.scatter.add.f32 [tilespmem:s21], [sflag:$0x12], $0x40, s19, s17, $0xb8;
	[tilespmem:$0x1EC80] =	vst v63  }
0xcd: {  	_ =	swait.ge [sflag:s7], $0x1400  }
0xce: {  	[sflag:s7] =	ssyncset.done $0x0  }
0xcf: {  	s2 =	simm.s32 $0x12840;
	s19 =	sadd.s32 $0x500, s18;
	[sflag:s7] =	ssyncadd.s32 $0xFFFFEC00  }
0xd0: {  	[tilespmem:s9], [sflag:$0x8] =	stream.indirect.gather [hbm4b:s1+s17], $0x40, s19, s17, $0xb8;
	[tilespmem:$0x1EC80] =	vst v63  }
0xd1: {  	_ =	swait.ge [sflag:s15], $0x1400  }
0xd2: {  	[sflag:s15] =	ssyncset.done $0x0  }
0xd3: {  	s14 =	simm.s32 $0x9C40;
	s19 =	sadd.s32 $0x50F0, s18;
	[sflag:s15] =	ssyncadd.s32 $0xFFFFEC00  }
0xd4: {  	[spmem:s3] =	stream.indirect.scatter.add.f32 [tilespmem:s14], [sflag:$0xA], $0x40, s19, s17, $0xb8;
	[tilespmem:$0x1EC80] =	vst v63  }
0xd5: {  	_ =	swait.ge [sflag:s11], $0x1400  }
0xd6: {  	[sflag:s11] =	ssyncset.done $0x0  }
0xd7: {  	s9 =	simm.s32 $0x13C40;
	s19 =	sadd.s32 $0x550, s18;
	[sflag:s11] =	ssyncadd.s32 $0xFFFFEC00  }
0xd8: {  	[tilespmem:s21], [sflag:$0x9] =	stream.indirect.gather [hbm4b:s1+s17], $0x40, s19, s17, $0xb8;
	[tilespmem:$0x1EC80] =	vst v63  }
0xd9: {  	_ =	swait.ge [sflag:s16], $0x1400  }
0xda: {  	[sflag:s16] =	ssyncset.done $0x0  }
0xdb: {  	s19 =	sadd.s32 $0x5140, s18;
	s21 =	simm.s32 $0xB040;
	[sflag:s16] =	ssyncadd.s32 $0xFFFFEC00  }
0xdc: {  	[spmem:s3] =	stream.indirect.scatter.add.f32 [tilespmem:s21], [sflag:$0xB], $0x40, s19, s17, $0xb8;
	[tilespmem:$0x1EC80] =	vst v63  }
0xdd: {  	_ =	swait.ge [sflag:s31], $0x1400  }
0xde: {  	[sflag:s31] =	ssyncset.done $0x0  }
0xdf: {  	s24 =	simm.s32 $0x9C40;
	s19 =	sadd.s32 $0x5A0, s18;
	[sflag:s31] =	ssyncadd.s32 $0xFFFFEC00  }
0xe0: {  	[tilespmem:s14], [sflag:$0x1] =	stream.indirect.gather [hbm4b:s1+s17], $0x40, s19, s17, $0xb8;
	[tilespmem:$0x1EC80] =	vst v63  }
0xe1: {  	_ =	swait.ge [sflag:s20], $0x1400  }
0xe2: {  	[sflag:s20] =	ssyncset.done $0x0  }
0xe3: {  	s25 =	simm.s32 $0xC440;
	s19 =	sadd.s32 $0x5190, s18;
	[sflag:s20] =	ssyncadd.s32 $0xFFFFEC00  }
0xe4: {  	[spmem:s3] =	stream.indirect.scatter.add.f32 [tilespmem:s25], [sflag:$0xC], $0x40, s19, s17, $0xb8;
	[tilespmem:$0x1EC80] =	vst v63  }
0xe5: {  	_ =	swait.ge [sflag:s22], $0x1400  }
0xe6: {  	[sflag:s22] =	ssyncset.done $0x0  }
0xe7: {  	s14 =	simm.s32 $0xB040;
	s19 =	sadd.s32 $0x5F0, s18;
	[sflag:s22] =	ssyncadd.s32 $0xFFFFEC00  }
0xe8: {  	[tilespmem:s21], [sflag:$0x2] =	stream.indirect.gather [hbm4b:s1+s17], $0x40, s19, s17, $0xb8;
	[tilespmem:$0x1EC80] =	vst v63  }
0xe9: {  	_ =	swait.ge [sflag:s29], $0x1400  }
0xea: {  	[sflag:s29] =	ssyncset.done $0x0  }
0xeb: {  	s23 =	simm.s32 $0xD840;
	s19 =	sadd.s32 $0x51E0, s18;
	[sflag:s29] =	ssyncadd.s32 $0xFFFFEC00  }
0xec: {  	[spmem:s3] =	stream.indirect.scatter.add.f32 [tilespmem:s23], [sflag:$0xD], $0x40, s19, s17, $0xb8;
	[tilespmem:$0x1EC80] =	vst v63  }
0xed: {  	_ =	swait.ge [sflag:s26], $0x1400  }
0xee: {  	[sflag:s26] =	ssyncset.done $0x0  }
0xef: {  	s21 =	simm.s32 $0xC440;
	s19 =	sadd.s32 $0x640, s18;
	[sflag:s26] =	ssyncadd.s32 $0xFFFFEC00  }
0xf0: {  	[tilespmem:s25], [sflag:$0x3] =	stream.indirect.gather [hbm4b:s1+s17], $0x40, s19, s17, $0xb8;
	[tilespmem:$0x1EC80] =	vst v63  }
0xf1: {  	_ =	swait.ge [sflag:s0], $0x1400  }
0xf2: {  	[sflag:s0] =	ssyncset.done $0x0  }
0xf3: {  	s30 =	simm.s32 $0xEC40;
	s19 =	sadd.s32 $0x5230, s18;
	[sflag:s0] =	ssyncadd.s32 $0xFFFFEC00  }
0xf4: {  	[spmem:s3] =	stream.indirect.scatter.add.f32 [tilespmem:s30], [sflag:$0xE], $0x40, s19, s17, $0xb8;
	[tilespmem:$0x1EC80] =	vst v63  }
0xf5: {  	_ =	swait.ge [sflag:s4], $0x1400  }
0xf6: {  	[sflag:s4] =	ssyncset.done $0x0  }
0xf7: {  	s25 =	simm.s32 $0xD840;
	s19 =	sadd.s32 $0x690, s18;
	[sflag:s4] =	ssyncadd.s32 $0xFFFFEC00  }
0xf8: {  	[tilespmem:s23], [sflag:$0x4] =	stream.indirect.gather [hbm4b:s1+s17], $0x40, s19, s17, $0xb8;
	[tilespmem:$0x1EC80] =	vst v63  }
0xf9: {  	_ =	swait.ge [sflag:s5], $0x1400  }
0xfa: {  	[sflag:s5] =	ssyncset.done $0x0  }
0xfb: {  	s19 =	sadd.s32 $0x5280, s18;
	[sflag:s5] =	ssyncadd.s32 $0xFFFFEC00  }
0xfc: {  	[spmem:s3] =	stream.indirect.scatter.add.f32 [tilespmem:s28], [sflag:$0xF], $0x40, s19, s17, $0xb8;
	[tilespmem:$0x1EC80] =	vst v63  }
0xfd: {  	_ =	swait.ge [sflag:s12], $0x1400  }
0xfe: {  	s19 =	sadd.s32 $0x6E0, s18;
	[sflag:s12] =	ssyncset.done $0x0  }
.Ltmp1:
0xff: {  	s28 =	simm.s32 $0xEC40;
	[sflag:s12] =	ssyncadd.s32 $0xFFFFEC00;
	(pc) =	sbr.rel @p0 .LBB2_4-.Ltmp1, $4  }
0x100: {  	[tilespmem:s30], [sflag:$0x5] =	stream.indirect.gather [hbm4b:s1+s17], $0x40, s19, s17, $0xb8;
	[tilespmem:$0x1EC80] =	vst v63  }
0x101: {  	_ =	swait.ge [sflag:s6], $0x1400  }
0x102: {  	[sflag:s6] =	ssyncset.done $0x0  }
0x103: {  	s18 =	sadd.s32 $0x52D0, s18;
	[sflag:s6] =	ssyncadd.s32 $0xFFFFEC00  }
0x104: {  	s19 =	simm.s32 $0x11440  }
0x105: {  	[spmem:s3] =	stream.indirect.scatter.add.f32 [tilespmem:s19], [sflag:$0x10], $0x40, s18, s17, $0xb8;
	[tilespmem:$0x1EC80] =	vst v63  }
0x106: {  	_ =	swait.ge [sflag:s8], $0x1400  }
0x107: {  	s13 =	simm.s32 $0x4D80;
	[sflag:s8] =	ssyncset.done $0x0  }
0x108: {  	s23 =	simm.s32 $0x8;
	s18 =	simm.s32 $0x10040;
	[sflag:s8] =	ssyncadd.s32 $0xFFFFEC00  }
0x109: {  	[tilespmem:s18], [sflag:$0x6] =	stream.indirect.gather [hbm4b:s1+s17], $0x40, s13, s17, $0xb8;
	[tilespmem:$0x1EC80] =	vst v63  }
0x10a: {  	_ =	swait.ge [sflag:s23], $0x1400  }
0x10b: {  	[sflag:s23] =	ssyncset.done $0x0  }
0x10c: {  	s30 =	simm.s32 $0x9970;
	[sflag:s23] =	ssyncadd.s32 $0xFFFFEC00  }
0x10d: {  	[spmem:s3] =	stream.indirect.scatter.add.f32 [tilespmem:s2], [sflag:$0x11], $0x40, s30, s17, $0xb8;
	[tilespmem:$0x1EC80] =	vst v63  }
0x10e: {  	_ =	swait.ge [sflag:s10], $0x1400  }
0x10f: {  	[sflag:s10] =	ssyncset.done $0x0  }
0x110: {  	s23 =	simm.s32 $0x4DD0;
	s30 =	simm.s32 $0x9;
	[sflag:s10] =	ssyncadd.s32 $0xFFFFEC00  }
0x111: {  	[tilespmem:s19], [sflag:$0x7] =	stream.indirect.gather [hbm4b:s1+s17], $0x40, s23, s17, $0xb8;
	[tilespmem:$0x1EC80] =	vst v63  }
0x112: {  	_ =	swait.ge [sflag:s30], $0x1400  }
0x113: {  	[sflag:s30] =	ssyncset.done $0x0  }
0x114: {  	s2 =	simm.s32 $0x99C0;
	[sflag:s30] =	ssyncadd.s32 $0xFFFFEC00  }
0x115: {  	[spmem:s3] =	stream.indirect.scatter.add.f32 [tilespmem:s9], [sflag:$0x12], $0x40, s2, s17, $0xb8;
	[tilespmem:$0x1EC80] =	vst v63  }
0x116: {  	_ =	swait.ge [sflag:s7], $0x1400  }
0x117: {  	[sflag:s7] =	ssyncset.done $0x0  }
0x118: {  	[sflag:s7] =	ssyncadd.s32 $0xFFFFEC00  }
0x119: {  	_ =	swait.ge [sflag:s15], $0x1400  }
0x11a: {  	[sflag:s15] =	ssyncset.done $0x0  }
0x11b: {  	s9 =	simm.s32 $0x9A10;
	[sflag:s15] =	ssyncadd.s32 $0xFFFFEC00  }
0x11c: {  	[spmem:s3] =	stream.indirect.scatter.add.f32 [tilespmem:s24], [sflag:$0xA], $0x40, s9, s17, $0xb8;
	[tilespmem:$0x1EC80] =	vst v63  }
0x11d: {  	_ =	swait.ge [sflag:s11], $0x1400  }
0x11e: {  	[sflag:s11] =	ssyncset.done $0x0  }
0x11f: {  	[sflag:s11] =	ssyncadd.s32 $0xFFFFEC00  }
0x120: {  	_ =	swait.ge [sflag:s16], $0x1400  }
0x121: {  	[sflag:s16] =	ssyncset.done $0x0  }
0x122: {  	s13 =	simm.s32 $0x9A60;
	[sflag:s16] =	ssyncadd.s32 $0xFFFFEC00  }
0x123: {  	[spmem:s3] =	stream.indirect.scatter.add.f32 [tilespmem:s14], [sflag:$0xB], $0x40, s13, s17, $0xb8;
	[tilespmem:$0x1EC80] =	vst v63  }
0x124: {  	_ =	swait.ge [sflag:s31], $0x1400  }
0x125: {  	[sflag:s31] =	ssyncset.done $0x0  }
0x126: {  	[sflag:s31] =	ssyncadd.s32 $0xFFFFEC00  }
0x127: {  	_ =	swait.ge [sflag:s20], $0x1400  }
0x128: {  	[sflag:s20] =	ssyncset.done $0x0  }
0x129: {  	s15 =	simm.s32 $0x9AB0;
	[sflag:s20] =	ssyncadd.s32 $0xFFFFEC00  }
0x12a: {  	[spmem:s3] =	stream.indirect.scatter.add.f32 [tilespmem:s21], [sflag:$0xC], $0x40, s15, s17, $0xb8;
	[tilespmem:$0x1EC80] =	vst v63  }
0x12b: {  	_ =	swait.ge [sflag:s22], $0x1400  }
0x12c: {  	[sflag:s22] =	ssyncset.done $0x0  }
0x12d: {  	[sflag:s22] =	ssyncadd.s32 $0xFFFFEC00  }
0x12e: {  	_ =	swait.ge [sflag:s29], $0x1400  }
0x12f: {  	[sflag:s29] =	ssyncset.done $0x0  }
0x130: {  	s16 =	simm.s32 $0x9B00;
	[sflag:s29] =	ssyncadd.s32 $0xFFFFEC00  }
0x131: {  	[spmem:s3] =	stream.indirect.scatter.add.f32 [tilespmem:s25], [sflag:$0xD], $0x40, s16, s17, $0xb8;
	[tilespmem:$0x1EC80] =	vst v63  }
0x132: {  	_ =	swait.ge [sflag:s26], $0x1400  }
0x133: {  	[sflag:s26] =	ssyncset.done $0x0  }
0x134: {  	[sflag:s26] =	ssyncadd.s32 $0xFFFFEC00  }
0x135: {  	_ =	swait.ge [sflag:s0], $0x1400  }
0x136: {  	[sflag:s0] =	ssyncset.done $0x0  }
0x137: {  	s20 =	simm.s32 $0x9B50;
	[sflag:s0] =	ssyncadd.s32 $0xFFFFEC00  }
0x138: {  	[spmem:s3] =	stream.indirect.scatter.add.f32 [tilespmem:s28], [sflag:$0xE], $0x40, s20, s17, $0xb8;
	[tilespmem:$0x1EC80] =	vst v63  }
0x139: {  	_ =	swait.ge [sflag:s4], $0x1400  }
0x13a: {  	[sflag:s4] =	ssyncset.done $0x0  }
0x13b: {  	[sflag:s4] =	ssyncadd.s32 $0xFFFFEC00  }
0x13c: {  	_ =	swait.ge [sflag:s5], $0x1400  }
0x13d: {  	[sflag:s5] =	ssyncset.done $0x0  }
0x13e: {  	s21 =	simm.s32 $0x9BA0;
	[sflag:s5] =	ssyncadd.s32 $0xFFFFEC00  }
0x13f: {  	[spmem:s3] =	stream.indirect.scatter.add.f32 [tilespmem:s18], [sflag:$0xF], $0x40, s21, s17, $0xb8;
	[tilespmem:$0x1EC80] =	vst v63  }
0x140: {  	_ =	swait.ge [sflag:s12], $0x1400  }
0x141: {  	[sflag:s12] =	ssyncset.done $0x0  }
0x142: {  	[sflag:s12] =	ssyncadd.s32 $0xFFFFEC00  }
0x143: {  	_ =	swait.ge [sflag:s6], $0x1400  }
0x144: {  	[sflag:s6] =	ssyncset.done $0x0  }
0x145: {  	s22 =	simm.s32 $0x9BF0;
	[sflag:s6] =	ssyncadd.s32 $0xFFFFEC00  }
0x146: {  	[spmem:s3] =	stream.indirect.scatter.add.f32 [tilespmem:s19], [sflag:$0x10], $0x40, s22, s17, $0xb8;
	[tilespmem:$0x1EC80] =	vst v63  }
0x147: {  	_ =	swait.ge [sflag:s8], $0x1400  }
0x148: {  	[sflag:s8] =	ssyncset.done $0x0  }
0x149: {  	[sflag:s8] =	ssyncadd.s32 $0xFFFFEC00  }
0x14a: {  	_ =	swait.ge [sflag:s10], $0x1400  }
0x14b: {  	[sflag:s10] =	ssyncset.done $0x0  }
0x14c: {  	[sflag:s10] =	ssyncadd.s32 $0xFFFFEC00  }
0x14d: {  	[bflag:$0x0] =	sbarrier.arrive $0xFFFF  }
0x14e: {  	s23 =	rddreg [dreg:$0x6]  }
0x14f: {  	s24 =	rddreg [dreg:$0x9]  }
0x150: {  	s26 =	simm.s32 $0x13;
	s25 =	rddreg [dreg:$0xb];
	s13 =	sor.u32 $0x1C13, s23  }
0x151: {  	[hbm:s24], [sflag:s13] =	dma.local [spmem:s25], $0x1388  }
0x152: {  	_ =	swait.ge [sflag:s26], $0x1388  }
0x153: {  	s7 =	simm.s32 $0x4E20;
	s28 =	rddreg [dreg:$0xc]  }
0x154: {  	s14 =	simm.s32 $0x1;
	s30 =	rddreg [dreg:$0xa];
	s19 =	sadd.s32 $0x1, s28  }
0x155: {  	s15 =	simm.s32 $0x2;
	s16 =	simm.s32 $0x3;
	p0 =	sne.s32 s19, s30  }
.Ltmp2:
0x156: {  	s0 =	simm.s32 $0x5;
	s4 =	simm.s32 $0xD;
	(pc) =	sbr.rel @p0 .LBB2_1-.Ltmp2, $4  }
0x157: {  	s5 =	simm.s32 $0x6;
	s12 =	simm.s32 $0xE;
	s6 =	simm.s32 $0x7  }
0x158: {  	s22 =	simm.s32 $0xB;
	s8 =	simm.s32 $0xF;
	s10 =	simm.s32 $0x10  }
0x159: {  	s18 =	smov.u32 s25;
	s24 =	simm.s32 $0xA;
	[sflag:s26] =	ssyncset.done $0x0  }
0x15a: {  	s25 =	simm.s32 $0x4;
	[sflag:s26] =	ssyncadd.s32 $0xFFFFEC78;
	s26 =	simm.s32 $0xC  }
0x15b: {  	_ =	sfence.sel $0x180000  }
0x15c: {  	[bflag:$0x0] =	sbarrier.arrive $0xFFFF  }
0x15d: {  	_ =	strace $0x9000004A  }
0x15e: {  	s0 =	stileid.u32;
	[bflag:$0x2] =	sbarrier.arrive $0xFFFF  }
0x15f: {  	p0 =	sne.s32 s0, $0x0;
	s0 =	rddreg [dreg:$0x3]  }
0x160: {  	s0 =	sadd.s32 @!p0 $0x100000, s0  }
0x161: {  	[sflag:s0] =	ssyncadd.tile.s32 @!p0 $0x1;
	_ =	shalt  }
.Lfunc_end2:
_tile_overlayer_lowered:
.L_overlay_start_2:
0x162: {  	(tag) =	ssettag $0x2  }
0x163: {  	s0 =	rddreg [dreg:$0x0];
	s2 =	stileid.u32  }
0x164: {  	s1 =	rddreg [dreg:$0x1];
	p0 =	sne.s32 s2, $0x0  }
0x165: {  	s3 =	rddreg [dreg:$0x2];
	[bflag:$0x3] =	sbarrier.arrive $0xFFFF;
	s2 =	simm.s32 @!p0 $0x1C13  }
0x166: {  	[timem:s3], [sflag:s2] =	dma.local @!p0 [hbm:s0], s1  }
0x167: {  	s0 =	simm.s32 @!p0 $0x13  }
0x168: {  	_ =	swait.ge @!p0 [sflag:s0], s1  }
0x169: {  	s1 =	ssub.s32 @!p0 $0x0, s1;
	[sflag:s0] =	ssyncset.done @!p0 $0x0  }
0x16a: {  	[sflag:s0] =	ssyncadd.s32 @!p0 s1  }
0x16b: {  	[bflag:$0x3] =	sbarrier.arrive $0xFFFF  }
0x16c: {  	_ =	shalt  }

// kernel: kernel.14.cloned.1.call-start
scs
__scs_entry_jumppad:
0x0: {  	(pc) =	sbr.rel $0x88, $3  }
0x1: {  	(tag) =	ssettag $0x0;
	lr =	simm.s32 $0x1  }
0x2: {  	[smem:$0x3F9D] =	sst lr;
	_ =	strace $0xD0000000  }
0x3: {  	_ = 	snop  }
0x4: {  	_ = 	snop  }
0x5: {  	_ = 	snop  }
0x6: {  	_ = 	snop  }
0x7: {  	_ = 	snop  }
__scs_overlays_trampoline_lowered:
0x8: {  	[smem:$0x3FAC] =	sst s0  }
0x9: {  	[smem:$0x3FAD] =	sst s1  }
0xa: {  	[smem:$0x3FAE] =	sst s2  }
0xb: {  	[smem:$0x3FAF] =	sst s3  }
0xc: {  	[smem:$0x3FB0] =	sst s4  }
0xd: {  	[smem:$0x3FB1] =	sst s5  }
0xe: {  	[smem:$0x3FB2] =	sst s6  }
0xf: {  	[smem:$0x3FB3] =	sst s7  }
0x10: {  	[smem:$0x3FB4] =	sst s8  }
0x11: {  	[smem:$0x3FB5] =	sst s9;
	s0 =	simm.s32 @!p0 $0x0  }
0x12: {  	s1 =	sld [smem:$0x3F9B];
	s0 =	simm.s32 @p0 $0x1  }
0x13: {  	[smem:$0x3FB6] =	sst s0;
	s0 =	simm.s32 @!p1 $0x0  }
0x14: {  	s2 =	sld [smem:$0x3F9A];
	s0 =	simm.s32 @p1 $0x1  }
0x15: {  	[smem:$0x3FB7] =	sst s0;
	s0 =	simm.s32 @!p2 $0x0  }
0x16: {  	s3 =	sld [smem:$0x3FDB];
	s0 =	simm.s32 @p2 $0x1  }
0x17: {  	s4 =	simm.s32 $0x1BF5;
	[smem:$0x3FB9] =	sst s0  }
0x18: {  	s0 =	sld [smem:$0x3F9C];
	_ =	swait.ge [sflag:s4], $0x0  }
0x19: {  	s7 =	sld [smem:$0x3F9D]  }
0x1a: {  	s8 =	sadd.s32 $0xFFFFE003, lr  }
0x1b: {  	s9 =	sadd.s32 $0xFFFFFEF7, lr;
	s5 =	simm.s32 $0xFFFFFFFF;
	p2 =	slt.u32 s8, $0xFFFFF086  }
0x1c: {  	p1 =	slt.u32 s9, $0xF7A;
	s5 =	simm.s32 @!p2 $0x0  }
0x1d: {  	s5 =	simm.s32 @p1 $0x1;
	p0 =	seq.s32 s7, s2  }
0x1e: {  	s7 =	smul.u32 @!p0 $0xF7A, s2;
	p2 =	seq.s32 @!p0 s5, $0x0  }
0x1f: {  	s9 =	smul.u32 $0xF7A, s1;
	s8 =	simm.s32 @!p0 $0x1BF5;
	p2 =	por !p2, p0  }
0x20: {  	[sflag:s8] =	ssyncset.s32 @!p0 $0xFFFFF086;
	s6 =	sadd.s32 @!p0 s3, s7;
	s7 =	simm.s32 @!p0 $0x108  }
0x21: {  	s3 =	sadd.s32 s3, s9;
	s6 =	sadd.s32 @!p0 $0x88, s6;
	s7 =	simm.s32 @p2 $0x1082  }
0x22: {  	[simem:s7], [sflag:s8] =	dma.local @!p0 [hbm:s6], $0xF7A  }
0x23: {  	s9 =	sor.u32 $0xD0000000, s2;
	s6 =	simm.s32 $0x108;
	_ =	swait.ge @!p0 [sflag:s8], $0x0  }
0x24: {  	s3 =	sadd.s32 $0x88, s3;
	s6 =	simm.s32 @!p1 $0x1082;
	[sflag:s4] =	ssyncset.s32 $0xFFFFF086  }
0x25: {  	[simem:s6], [sflag:s4] =	dma.local [hbm:s3], $0xF7A  }
0x26: {  	[smem:$0x3F9D] =	sst s1;
	(tag) =	ssettag s2;
	_ =	strace s9  }
0x27: {  	s1 =	sld [smem:$0x3FAD]  }
0x28: {  	s2 =	sld [smem:$0x3FAE]  }
0x29: {  	s4 =	sld [smem:$0x3FB0]  }
0x2a: {  	p0 =	seq.s32 s5, $0x0;
	s5 =	sld [smem:$0x3FB1]  }
0x2b: {  	s6 =	sld [smem:$0x3FB2]  }
0x2c: {  	s7 =	sld [smem:$0x3FB3]  }
0x2d: {  	s3 =	simm.s32 $0x108;
	s8 =	sld [smem:$0x3FB4]  }
0x2e: {  	s3 =	simm.s32 @!p0 $0x1082;
	s9 =	sld [smem:$0x3FB5]  }
0x2f: {  	lr =	sadd.s32 s0, s3;
	s0 =	sld [smem:$0x3FAC]  }
0x30: {  	s3 =	sld [smem:$0x3FAF]  }
0x31: {  	[smem:$0x3FB8] =	sst s10  }
0x32: {  	s10 =	sld [smem:$0x3FB6];
	_ =	sdelay $0x3  }
0x33: {  	p0 =	seq.s32 s10, $0x1;
	s10 =	sld [smem:$0x3FB8];
	_ =	sdelay $0x3  }
0x34: {  	[smem:$0x3FB8] =	sst s10  }
0x35: {  	s10 =	sld [smem:$0x3FB7];
	_ =	sdelay $0x3  }
0x36: {  	p1 =	seq.s32 s10, $0x1;
	s10 =	sld [smem:$0x3FB8];
	_ =	sdelay $0x3  }
0x37: {  	[smem:$0x3FB8] =	sst s10  }
0x38: {  	s10 =	sld [smem:$0x3FB9]  }
0x39: {  	_ = 	snop;
	(pc) =	sbr.ind lr, $3  }
0x3a: {  	_ = 	snop  }
0x3b: {  	_ = 	snop  }
0x3c: {  	p2 =	seq.s32 s10, $0x1;
	s10 =	sld [smem:$0x3FB8]  }
0x3d: {  	_ =	shalt  }
0x3e: {  	_ =	shalt  }
0x3f: {  	_ =	shalt  }
0x40: {  	_ =	shalt  }
0x41: {  	_ =	shalt  }
0x42: {  	_ =	shalt  }
0x43: {  	_ =	shalt  }
0x44: {  	_ =	shalt  }
0x45: {  	_ =	shalt  }
0x46: {  	_ =	shalt  }
0x47: {  	_ =	shalt  }
0x48: {  	_ =	shalt  }
0x49: {  	_ =	shalt  }
0x4a: {  	_ =	shalt  }
0x4b: {  	_ =	shalt  }
0x4c: {  	_ =	shalt  }
0x4d: {  	_ =	shalt  }
0x4e: {  	_ =	shalt  }
0x4f: {  	_ =	shalt  }
0x50: {  	_ =	shalt  }
0x51: {  	_ =	shalt  }
0x52: {  	_ =	shalt  }
0x53: {  	_ =	shalt  }
0x54: {  	_ =	shalt  }
0x55: {  	_ =	shalt  }
0x56: {  	_ =	shalt  }
0x57: {  	_ =	shalt  }
0x58: {  	_ =	shalt  }
0x59: {  	_ =	shalt  }
0x5a: {  	_ =	shalt  }
0x5b: {  	_ =	shalt  }
0x5c: {  	_ =	shalt  }
0x5d: {  	_ =	shalt  }
0x5e: {  	_ =	shalt  }
0x5f: {  	_ =	shalt  }
0x60: {  	_ =	shalt  }
0x61: {  	_ =	shalt  }
0x62: {  	_ =	shalt  }
0x63: {  	_ =	shalt  }
0x64: {  	_ =	shalt  }
0x65: {  	_ =	shalt  }
0x66: {  	_ =	shalt  }
0x67: {  	_ =	shalt  }
0x68: {  	_ =	shalt  }
0x69: {  	_ =	shalt  }
0x6a: {  	_ =	shalt  }
0x6b: {  	_ =	shalt  }
0x6c: {  	_ =	shalt  }
0x6d: {  	_ =	shalt  }
0x6e: {  	_ =	shalt  }
0x6f: {  	_ =	shalt  }
0x70: {  	_ =	shalt  }
0x71: {  	_ =	shalt  }
0x72: {  	_ =	shalt  }
0x73: {  	_ =	shalt  }
0x74: {  	_ =	shalt  }
0x75: {  	_ =	shalt  }
0x76: {  	_ =	shalt  }
0x77: {  	_ =	shalt  }
0x78: {  	_ =	shalt  }
0x79: {  	_ =	shalt  }
0x7a: {  	_ =	shalt  }
0x7b: {  	_ =	shalt  }
0x7c: {  	_ =	shalt  }
0x7d: {  	_ =	shalt  }
0x7e: {  	_ =	shalt  }
0x7f: {  	_ =	shalt  }
0x80: {  	_ =	shalt  }
0x81: {  	_ =	shalt  }
0x82: {  	_ =	shalt  }
0x83: {  	_ =	shalt  }
0x84: {  	_ =	shalt  }
0x85: {  	_ =	shalt  }
0x86: {  	_ =	shalt  }
0x87: {  	_ =	shalt  }
.Lfunc_end0:
.L_simem_size_0:
called_computation.2_lowered:
.L_overlay_start_0:
0x88: {  	s2 =	sld [smem:$0x3FD9]  }
0x89: {  	s3 =	sld [smem:$0x3FFE];
	_ =	sdelay $0x1  }
0x8a: {  	s1 =	srdreg.scid  }
0x8b: {  	s0 =	sand.u32 $0x1, s1  }
0x8c: {  	s17 =	sshll.u32 s0, $0xA;
	s2 =	sadd.s32 s3, s2  }
0x8d: {  	s2 =	sadd.s32 s2, s17  }
0x8e: {  	[smem:$0x3FC4] =	sst s2  }
0x8f: {  	_ = 	snop  }
0x90: {  	s2 =	sld [smem:$0x3FD0];
	(tm) =	ssettm $0x1  }
0x91: {  	s18 =	sld [smem:$0x3FFB];
	_ =	sdelay $0x3  }
0x92: {  	_ =	strace s18  }
0x93: {  	s3 =	sld [smem:$0x3FFC];
	_ =	sdelay $0x3  }
0x94: {  	_ =	strace s3  }
0x95: {  	s3 =	sld [smem:$0x3FFD];
	_ =	sdelay $0x3  }
0x96: {  	_ =	strace s3  }
0x97: {  	_ =	strace $0x8FFFFFFF  }
0x98: {  	s19 =	sld [smem:$0x3FDB];
	_ =	sdelay $0x1  }
0x99: {  	s4 =	simm.s32 $_scs_section_size  }
0x9a: {  	s5 =	simm.s32 $_size__tile_overlayer_lowered;
	s6 =	simm.s32 $_tile_overlayer_lowered  }
0x9b: {  	s22 =	simm.s32 $0x1BFF;
	s21 =	sshll.u32 s6, $0x1;
	s3 =	sadd.s32 s4, s19  }
0x9c: {  	s7 =	simm.s32 $0x0;
	s20 =	sshll.u32 s5, $0x1;
	s5 =	sadd.s32 s21, s3  }
0x9d: {  	[timem:s7], [sflag:s22] =	dma.local [hbm:s5], s20  }
0x9e: {  	_ =	swait.ge [sflag:s22], s20  }
0x9f: {  	s4 =	ssub.s32 $0x0, s20;
	[sflag:s22] =	ssyncset.done $0x0  }
0xa0: {  	[sflag:s22] =	ssyncadd.s32 s4;
	_ =	sdelay $0x1  }
0xa1: {  	s23 =	simm.s32 $0x1B8B  }
0xa2: {  	_ =	swait.ge [sflag:s23], $0x1  }
0xa3: {  	[sflag:s23] =	ssyncset.done $0x0  }
0xa4: {  	s25 =	simm.s32 $0x1B8E;
	s24 =	sld [smem:$0x3FFE];
	[sflag:s23] =	ssyncadd.s32 $0xFFFFFFFF  }
0xa5: {  	s26 =	simm.s32 $execute0_lowered;
	[smem:$0x3FD2] =	sst s25  }
0xa6: {  	s5 =	sshll.u32 s26, $0x1;
	_ =	strace $0x8000004C;
	[dreg:$0x1] =	wrdreg $0xFFFFFFFF  }
0xa7: {  	s28 =	simm.s32 $_size_execute0_lowered;
	s3 =	sadd.s32 s3, s5;
	[dreg:$0x0] =	wrdreg $0x0  }
0xa8: {  	s5 =	sshll.u32 s28, $0x1;
	[dreg:$0x2] =	wrdreg s3  }
0xa9: {  	[dreg:$0x3] =	wrdreg s5  }
0xaa: {  	[dreg:$0x4] =	wrdreg $0xC0  }
0xab: {  	_ =	task [dreg:s7], $0x5FFFF  }
0xac: {  	[dreg:$0x1] =	wrdreg $0xFFFFFFFF  }
0xad: {  	[dreg:$0x0] =	wrdreg $0x60  }
0xae: {  	[dreg:$0x2] =	wrdreg s2  }
0xaf: {  	[dreg:$0x3] =	wrdreg s24  }
0xb0: {  	[dreg:$0x4] =	wrdreg $0x150400  }
0xb1: {  	[dreg:$0x5] =	wrdreg $0x9  }
0xb2: {  	_ =	task.clear_ibuf [dreg:s7], $0x6FFFF;
	_ =	strace $0x9000004C  }
0xb3: {  	s29 =	simm.s32 $0x9;
	_ =	strace $0x8000004E  }
0xb4: {  	_ =	swait.ge [sflag:s29], $0x1  }
0xb5: {  	[sflag:s29] =	ssyncadd.s32 $0xFFFFFFFF  }
0xb6: {  	_ =	strace $0x9000004E  }
0xb7: {  	_ =	sfence  }
0xb8: {  	s30 =	sld [smem:$0x0];
	_ =	sdelay $0x2  }
0xb9: {  	s31 =	sshll.u32 s1, $0xD;
	s1 =	sshrl.u32 s1, $0x2  }
0xba: {  	s3 =	sand.u32 $0x4000, s31;
	s1 =	sadd.s32 s1, s30  }
0xbb: {  	s0 =	sor.u32 s3, s0;
	s1 =	sshll.u32 s1, $0x11  }
0xbc: {  	s0 =	sor.u32 s1, s0  }
0xbd: {  	s0 =	sadd.s32 $0x8F2B, s0  }
0xbe: {  	[sflag:s0] =	ssyncadd.remote.s32 $0x1  }
0xbf: {  	_ =	sfence.sel $0xFFFF  }
0xc0: {  	[dreg:$0x0] =	wrdreg $0xFFFFFFFF;
	(pc) =	sbr.abs _section_cstart, $3  }
0xc1: {  	[dreg:$0x1] =	wrdreg $0xFFFFFFFF  }
0xc2: {  	_ =	task.clear_ibuf [dreg:s7], $0x2FFFF;
	_ =	strace $0x9FFFFFFF  }
0xc3: {  	(tm) =	ssettm $0x7FFFFFFF  }
tec
execute0_lowered:
.L_overlay_start_1:
0x0: {  	(tag) =	ssettag $0x1  }
0x1: {  	s1 =	rddreg [dreg:$0x0]  }
0x2: {  	s0 =	rddreg [dreg:$0x1]  }
0x3: {  	s8 =	stileid.u32;
	s2 =	srdreg.scid  }
0x4: {  	s3 =	rddreg [dreg:$0x2];
	s5 =	simm.s32 $0x0;
	s14 =	simm.s32 $0x1  }
0x5: {  	s15 =	simm.s32 $0x2;
	s16 =	simm.s32 $0x3;
	s17 =	simm.s32 $0x50  }
0x6: {  	s12 =	simm.s32 $0xE;
	s10 =	simm.s32 $0x10;
	s19 =	simm.s32 $0x0  }
0x7: {  	s11 =	simm.s32 $0x12;
	s29 =	simm.s32 $0x4;
	s4 =	smul.u32 $0x9C4, s8  }
0x8: {  	s31 =	simm.s32 $0xA;
	s13 =	sand.u32 $0x1, s2;
	s20 =	smul.u32 $0x9C40, s8  }
0x9: {  	[smem:$0x7FF] =	sst s5;
	s7 =	smul.u32 $0x27100, s8;
	s9 =	sadd.s32 $0x15200, s0  }
0xa: {  	s25 =	sshll.u32 s8, $0x6;
	s5 =	simm.s32 $0x6;
	s8 =	simm.s32 $0xF  }
0xb: {  	s2 =	smul.u32 $0x9C400, s13;
	_ =	strace $0x8000004D;
	[dreg:$0x4] =	wrdreg s9  }
0xc: {  	s21 =	ssub.s32 $0x2, s13;
	[dreg:$0x6] =	wrdreg s25;
	s28 =	sor.u32 $0x1C03, s25  }
0xd: {  	s25 =	simm.s32 $0x4;
	s4 =	sadd.s32 s4, s0;
	s6 =	sshrl.u32 s21, $0x1  }
0xe: {  	s24 =	sshrl.u32 s7, $0x2;
	[dreg:$0x8] =	wrdreg s28;
	s7 =	simm.s32 $0x4E20  }
0xf: {  	s2 =	sadd.s32 s20, s2;
	s22 =	ssub.s32 s21, s6;
	s23 =	sadd.s32 $0x1600, s4  }
0x10: {  	s4 =	sadd.s32 $0xB400, s4;
	s26 =	sadd.s32 s24, s3;
	s24 =	simm.s32 $0xA  }
0x11: {  	s6 =	simm.s32 $0x7;
	s2 =	sshrl.u32 s2, $0x3;
	[dreg:$0x5] =	wrdreg s23  }
0x12: {  	[dreg:$0x7] =	wrdreg s4;
	s30 =	smax.u32 s22, $0x1;
	s18 =	sshrl.u32 s26, $0x3  }
0x13: {  	s22 =	simm.s32 $0xB;
	s0 =	sadd.s32 s2, s0;
	[dreg:$0xa] =	wrdreg s30  }
0x14: {  	s26 =	simm.s32 $0xC;
	[dreg:$0xb] =	wrdreg s18;
	s0 =	sadd.s32 $0x16600, s0  }
0x15: {  	v0 =	vmov s13;
	s4 =	simm.s32 $0xD;
	[dreg:$0x9] =	wrdreg s0;
	s0 =	simm.s32 $0x5  }
.LBB2_1:
0x16: {  	[dreg:$0xc] =	wrdreg s19  }
0x17: {  	s21 =	rddreg [dreg:$0x5]  }
0x18: {  	s23 =	rddreg [dreg:$0x7]  }
0x19: {  	s13 =	simm.s32 $0x0;
	s28 =	rddreg [dreg:$0x4]  }
0x1a: {  	[tilespmem:s13], [sflag:$0x1] =	stream.linear.gather [hbm4b:s21+s13], $0x4E20, $0x38;
	[tilespmem:$0x1EC80] =	vst v63  }
0x1b: {  	s20 =	smov.u32 s18;
	s30 =	rddreg [dreg:$0x8]  }
0x1c: {  	[tilespmem:s7], [sflag:$0x2] =	stream.linear.gather [hbm4b:s23+s13], $0x4E20, $0x38;
	[tilespmem:$0x1EC80] =	vst v63  }
0x1d: {  	[spmem:s20], [sflag:s30] =	dma.local [hbm:s28], $0x1388  }
0x1e: {  	_ =	swait.ge [sflag:s14], $0x4E20  }
0x1f: {  	[sflag:s14] =	ssyncset.done $0x0  }
0x20: {  	s18 =	simm.s32 $0x40;
	s13 =	simm.s32 $0x0;
	[sflag:s14] =	ssyncadd.s32 $0xFFFFB1E0  }
.LBB2_2:
0x21: {  	p0 =	sne.s32 s18, $0x13840;
	v1 =	vld [tilespmem:s13+$0x0];
	_ =	sdelay $0x2  }
.Ltmp0:
0x22: {  	(pc) =	sbr.rel @p0 .LBB2_2-.Ltmp0, $4  }
0x23: {  	_ = 	snop  }
0x24: {  	v1 =	vshll.u32 v1, $0x1  }
0x25: {  	v1 =	vor.u32 v0, v1  }
0x26: {  	[tilespmem:s13+$0x0] =	vst v1;
	s13 =	sshra.s32 s18, $0x2;
	s18 =	sadd.s32 $0x40, s18  }
0x27: {  	v1 =	vld [tilespmem:s13+$0x0];
	_ =	sdelay $0x4  }
0x28: {  	v1 =	vshll.u32 v1, $0x1  }
0x29: {  	v1 =	vor.u32 v0, v1  }
0x2a: {  	[tilespmem:s13+$0x0] =	vst v1  }
0x2b: {  	_ =	swait.ge [sflag:s15], $0x4E20  }
0x2c: {  	[sflag:s15] =	ssyncset.done $0x0  }
0x2d: {  	[sflag:s15] =	ssyncadd.s32 $0xFFFFB1E0  }
0x2e: {  	_ =	swait.ge [sflag:s16], $0x1388  }
0x2f: {  	[sflag:s16] =	ssyncset.done $0x0  }
0x30: {  	[sflag:s16] =	ssyncadd.s32 $0xFFFFEC78  }
0x31: {  	s28 =	simm.s32 $0x0;
	s20 =	simm.s32 $0x9C40;
	[bflag:$0x0] =	sbarrier.arrive $0xFFFF  }
0x32: {  	[tilespmem:s20], [sflag:$0x1] =	stream.indirect.gather [hbm4b:s1+s17], $0x40, s28, s17, $0xb8;
	[tilespmem:$0x1EC80] =	vst v63  }
0x33: {  	s21 =	simm.s32 $0xB040  }
0x34: {  	[tilespmem:s21], [sflag:$0x2] =	stream.indirect.gather [hbm4b:s1+s17], $0x40, s17, s17, $0xb8;
	[tilespmem:$0x1EC80] =	vst v63  }
0x35: {  	s30 =	simm.s32 $0xA0;
	s23 =	simm.s32 $0xC440  }
0x36: {  	[tilespmem:s23], [sflag:$0x3] =	stream.indirect.gather [hbm4b:s1+s17], $0x40, s30, s17, $0xb8;
	[tilespmem:$0x1EC80] =	vst v63  }
0x37: {  	s2 =	simm.s32 $0xF0;
	s30 =	simm.s32 $0xD840  }
0x38: {  	[tilespmem:s30], [sflag:$0x4] =	stream.indirect.gather [hbm4b:s1+s17], $0x40, s2, s17, $0xb8;
	[tilespmem:$0x1EC80] =	vst v63  }
0x39: {  	s9 =	simm.s32 $0x140;
	s28 =	simm.s32 $0xEC40  }
0x3a: {  	[tilespmem:s28], [sflag:$0x5] =	stream.indirect.gather [hbm4b:s1+s17], $0x40, s9, s17, $0xb8;
	[tilespmem:$0x1EC80] =	vst v63  }
0x3b: {  	s18 =	simm.s32 $0x190;
	s19 =	simm.s32 $0x10040  }
0x3c: {  	[tilespmem:s19], [sflag:$0x6] =	stream.indirect.gather [hbm4b:s1+s17], $0x40, s18, s17, $0xb8;
	[tilespmem:$0x1EC80] =	vst v63  }
0x3d: {  	s2 =	simm.s32 $0x1E0;
	s18 =	simm.s32 $0x11440  }
0x3e: {  	[tilespmem:s18], [sflag:$0x7] =	stream.indirect.gather [hbm4b:s1+s17], $0x40, s2, s17, $0xb8;
	[tilespmem:$0x1EC80] =	vst v63  }
0x3f: {  	s9 =	simm.s32 $0x230;
	s2 =	simm.s32 $0x12840  }
0x40: {  	[tilespmem:s2], [sflag:$0x8] =	stream.indirect.gather [hbm4b:s1+s17], $0x40, s9, s17, $0xb8;
	[tilespmem:$0x1EC80] =	vst v63  }
0x41: {  	_ =	swait.ge [sflag:s14], $0x1400  }
0x42: {  	[sflag:s14] =	ssyncset.done $0x0  }
0x43: {  	[sflag:s14] =	ssyncadd.s32 $0xFFFFEC00  }
0x44: {  	[spmem:s3] =	stream.indirect.scatter.add.f32 [tilespmem:s20], [sflag:$0xA], $0x40, s7, s17, $0xb8;
	[tilespmem:$0x1EC80] =	vst v63  }
0x45: {  	s9 =	simm.s32 $0x13C40;
	s7 =	simm.s32 $0x280  }
0x46: {  	[tilespmem:s9], [sflag:$0x9] =	stream.indirect.gather [hbm4b:s1+s17], $0x40, s7, s17, $0xb8;
	[tilespmem:$0x1EC80] =	vst v63  }
0x47: {  	_ =	swait.ge [sflag:s15], $0x1400  }
0x48: {  	[sflag:s15] =	ssyncset.done $0x0  }
0x49: {  	s7 =	simm.s32 $0x4E70;
	[sflag:s15] =	ssyncadd.s32 $0xFFFFEC00  }
0x4a: {  	[spmem:s3] =	stream.indirect.scatter.add.f32 [tilespmem:s21], [sflag:$0xB], $0x40, s7, s17, $0xb8;
	[tilespmem:$0x1EC80] =	vst v63  }
0x4b: {  	_ =	swait.ge [sflag:s24], $0x1400  }
0x4c: {  	[sflag:s24] =	ssyncset.done $0x0  }
0x4d: {  	s7 =	simm.s32 $0x2D0;
	[sflag:s24] =	ssyncadd.s32 $0xFFFFEC00  }
0x4e: {  	[tilespmem:s20], [sflag:$0x1] =	stream.indirect.gather [hbm4b:s1+s17], $0x40, s7, s17, $0xb8;
	[tilespmem:$0x1EC80] =	vst v63  }
0x4f: {  	_ =	swait.ge [sflag:s16], $0x1400  }
0x50: {  	[sflag:s16] =	ssyncset.done $0x0  }
0x51: {  	s7 =	simm.s32 $0x4EC0;
	[sflag:s16] =	ssyncadd.s32 $0xFFFFEC00  }
0x52: {  	[spmem:s3] =	stream.indirect.scatter.add.f32 [tilespmem:s23], [sflag:$0xC], $0x40, s7, s17, $0xb8;
	[tilespmem:$0x1EC80] =	vst v63  }
0x53: {  	_ =	swait.ge [sflag:s22], $0x1400  }
0x54: {  	[sflag:s22] =	ssyncset.done $0x0  }
0x55: {  	s7 =	simm.s32 $0x320;
	[sflag:s22] =	ssyncadd.s32 $0xFFFFEC00  }
0x56: {  	[tilespmem:s21], [sflag:$0x2] =	stream.indirect.gather [hbm4b:s1+s17], $0x40, s7, s17, $0xb8;
	[tilespmem:$0x1EC80] =	vst v63  }
0x57: {  	_ =	swait.ge [sflag:s25], $0x1400  }
0x58: {  	[sflag:s25] =	ssyncset.done $0x0  }
0x59: {  	s7 =	simm.s32 $0x4F10;
	[sflag:s25] =	ssyncadd.s32 $0xFFFFEC00  }
0x5a: {  	[spmem:s3] =	stream.indirect.scatter.add.f32 [tilespmem:s30], [sflag:$0xD], $0x40, s7, s17, $0xb8;
	[tilespmem:$0x1EC80] =	vst v63  }
0x5b: {  	_ =	swait.ge [sflag:s26], $0x1400  }
0x5c: {  	[sflag:s26] =	ssyncset.done $0x0  }
0x5d: {  	s7 =	simm.s32 $0x370;
	[sflag:s26] =	ssyncadd.s32 $0xFFFFEC00  }
0x5e: {  	[tilespmem:s23], [sflag:$0x3] =	stream.indirect.gather [hbm4b:s1+s17], $0x40, s7, s17, $0xb8;
	[tilespmem:$0x1EC80] =	vst v63  }
0x5f: {  	_ =	swait.ge [sflag:s0], $0x1400  }
0x60: {  	[sflag:s0] =	ssyncset.done $0x0  }
0x61: {  	s7 =	simm.s32 $0x4F60;
	[sflag:s0] =	ssyncadd.s32 $0xFFFFEC00  }
0x62: {  	[spmem:s3] =	stream.indirect.scatter.add.f32 [tilespmem:s28], [sflag:$0xE], $0x40, s7, s17, $0xb8;
	[tilespmem:$0x1EC80] =	vst v63  }
0x63: {  	_ =	swait.ge [sflag:s4], $0x1400  }
0x64: {  	[sflag:s4] =	ssyncset.done $0x0  }
0x65: {  	s7 =	simm.s32 $0x3C0;
	[sflag:s4] =	ssyncadd.s32 $0xFFFFEC00  }
0x66: {  	[tilespmem:s30], [sflag:$0x4] =	stream.indirect.gather [hbm4b:s1+s17], $0x40, s7, s17, $0xb8;
	[tilespmem:$0x1EC80] =	vst v63  }
0x67: {  	_ =	swait.ge [sflag:s5], $0x1400  }
0x68: {  	[sflag:s5] =	ssyncset.done $0x0  }
0x69: {  	s7 =	simm.s32 $0x4FB0;
	[sflag:s5] =	ssyncadd.s32 $0xFFFFEC00  }
0x6a: {  	[spmem:s3] =	stream.indirect.scatter.add.f32 [tilespmem:s19], [sflag:$0xF], $0x40, s7, s17, $0xb8;
	[tilespmem:$0x1EC80] =	vst v63  }
0x6b: {  	_ =	swait.ge [sflag:s12], $0x1400  }
0x6c: {  	[sflag:s12] =	ssyncset.done $0x0  }
0x6d: {  	s7 =	simm.s32 $0x410;
	[sflag:s12] =	ssyncadd.s32 $0xFFFFEC00  }
0x6e: {  	[tilespmem:s28], [sflag:$0x5] =	stream.indirect.gather [hbm4b:s1+s17], $0x40, s7, s17, $0xb8;
	[tilespmem:$0x1EC80] =	vst v63  }
0x6f: {  	_ =	swait.ge [sflag:s6], $0x1400  }
0x70: {  	[sflag:s6] =	ssyncset.done $0x0  }
0x71: {  	s7 =	simm.s32 $0x5000;
	[sflag:s6] =	ssyncadd.s32 $0xFFFFEC00  }
0x72: {  	[spmem:s3] =	stream.indirect.scatter.add.f32 [tilespmem:s18], [sflag:$0x10], $0x40, s7, s17, $0xb8;
	[tilespmem:$0x1EC80] =	vst v63  }
0x73: {  	_ =	swait.ge [sflag:s8], $0x1400  }
0x74: {  	[sflag:s8] =	ssyncset.done $0x0  }
0x75: {  	s13 =	simm.s32 $0x8;
	[sflag:s8] =	ssyncadd.s32 $0xFFFFEC00;
	s8 =	simm.s32 $0x460  }
0x76: {  	[tilespmem:s19], [sflag:$0x6] =	stream.indirect.gather [hbm4b:s1+s17], $0x40, s8, s17, $0xb8;
	[tilespmem:$0x1EC80] =	vst v63  }
0x77: {  	_ =	swait.ge [sflag:s13], $0x1400  }
0x78: {  	[sflag:s13] =	ssyncset.done $0x0  }
0x79: {  	s8 =	simm.s32 $0x5050;
	[sflag:s13] =	ssyncadd.s32 $0xFFFFEC00  }
0x7a: {  	[spmem:s3] =	stream.indirect.scatter.add.f32 [tilespmem:s2], [sflag:$0x11], $0x40, s8, s17, $0xb8;
	[tilespmem:$0x1EC80] =	vst v63  }
0x7b: {  	_ =	swait.ge [sflag:s10], $0x1400  }
0x7c: {  	[sflag:s10] =	ssyncset.done $0x0  }
0x7d: {  	s7 =	simm.s32 $0x4B0;
	s8 =	simm.s32 $0x9;
	[sflag:s10] =	ssyncadd.s32 $0xFFFFEC00  }
0x7e: {  	[tilespmem:s18], [sflag:$0x7] =	stream.indirect.gather [hbm4b:s1+s17], $0x40, s7, s17, $0xb8;
	[tilespmem:$0x1EC80] =	vst v63  }
0x7f: {  	_ =	swait.ge [sflag:s8], $0x1400  }
0x80: {  	[sflag:s8] =	ssyncset.done $0x0  }
0x81: {  	s10 =	simm.s32 $0x50A0;
	s7 =	simm.s32 $0x11;
	[sflag:s8] =	ssyncadd.s32 $0xFFFFEC00  }
0x82: {  	[spmem:s3] =	stream.indirect.scatter.add.f32 [tilespmem:s9], [sflag:$0x12], $0x40, s10, s17, $0xb8;
	[tilespmem:$0x1EC80] =	vst v63  }
0x83: {  	_ =	swait.ge [sflag:s7], $0x1400  }
0x84: {  	[sflag:s7] =	ssyncset.done $0x0  }
0x85: {  	s18 =	simm.s32 $0x500;
	[sflag:s7] =	ssyncadd.s32 $0xFFFFEC00  }
0x86: {  	[tilespmem:s2], [sflag:$0x8] =	stream.indirect.gather [hbm4b:s1+s17], $0x40, s18, s17, $0xb8;
	[tilespmem:$0x1EC80] =	vst v63  }
0x87: {  	_ =	swait.ge [sflag:s14], $0x1400  }
0x88: {  	[sflag:s14] =	ssyncset.done $0x0  }
0x89: {  	s8 =	simm.s32 $0x50F0;
	[sflag:s14] =	ssyncadd.s32 $0xFFFFEC00  }
0x8a: {  	[spmem:s3] =	stream.indirect.scatter.add.f32 [tilespmem:s20], [sflag:$0xA], $0x40, s8, s17, $0xb8;
	[tilespmem:$0x1EC80] =	vst v63  }
0x8b: {  	_ =	swait.ge [sflag:s11], $0x1400  }
0x8c: {  	[sflag:s11] =	ssyncset.done $0x0  }
0x8d: {  	s10 =	simm.s32 $0x550;
	[sflag:s11] =	ssyncadd.s32 $0xFFFFEC00  }
0x8e: {  	[tilespmem:s9], [sflag:$0x9] =	stream.indirect.gather [hbm4b:s1+s17], $0x40, s10, s17, $0xb8;
	[tilespmem:$0x1EC80] =	vst v63  }
0x8f: {  	_ =	swait.ge [sflag:s15], $0x1400  }
0x90: {  	[sflag:s15] =	ssyncset.done $0x0  }
0x91: {  	s14 =	simm.s32 $0x5140;
	[sflag:s15] =	ssyncadd.s32 $0xFFFFEC00  }
0x92: {  	[spmem:s3] =	stream.indirect.scatter.add.f32 [tilespmem:s21], [sflag:$0xB], $0x40, s14, s17, $0xb8;
	[tilespmem:$0x1EC80] =	vst v63  }
0x93: {  	_ =	swait.ge [sflag:s24], $0x1400  }
0x94: {  	[sflag:s24] =	ssyncset.done $0x0  }
0x95: {  	s15 =	simm.s32 $0x5A0;
	[sflag:s24] =	ssyncadd.s32 $0xFFFFEC00  }
0x96: {  	[tilespmem:s20], [sflag:$0x1] =	stream.indirect.gather [hbm4b:s1+s17], $0x40, s15, s17, $0xb8;
	[tilespmem:$0x1EC80] =	vst v63  }
0x97: {  	_ =	swait.ge [sflag:s16], $0x1400  }
0x98: {  	[sflag:s16] =	ssyncset.done $0x0  }
0x99: {  	s18 =	simm.s32 $0x5190;
	[sflag:s16] =	ssyncadd.s32 $0xFFFFEC00  }
0x9a: {  	[spmem:s3] =	stream.indirect.scatter.add.f32 [tilespmem:s23], [sflag:$0xC], $0x40, s18, s17, $0xb8;
	[tilespmem:$0x1EC80] =	vst v63  }
0x9b: {  	_ =	swait.ge [sflag:s22], $0x1400  }
0x9c: {  	[sflag:s22] =	ssyncset.done $0x0  }
0x9d: {  	s20 =	simm.s32 $0x5F0;
	[sflag:s22] =	ssyncadd.s32 $0xFFFFEC00  }
0x9e: {  	[tilespmem:s21], [sflag:$0x2] =	stream.indirect.gather [hbm4b:s1+s17], $0x40, s20, s17, $0xb8;
	[tilespmem:$0x1EC80] =	vst v63  }
0x9f: {  	_ =	swait.ge [sflag:s25], $0x1400  }
0xa0: {  	[sflag:s25] =	ssyncset.done $0x0  }
0xa1: {  	s21 =	simm.s32 $0x51E0;
	[sflag:s25] =	ssyncadd.s32 $0xFFFFEC00  }
0xa2: {  	[spmem:s3] =	stream.indirect.scatter.add.f32 [tilespmem:s30], [sflag:$0xD], $0x40, s21, s17, $0xb8;
	[tilespmem:$0x1EC80] =	vst v63  }
0xa3: {  	_ =	swait.ge [sflag:s26], $0x1400  }
0xa4: {  	[sflag:s26] =	ssyncset.done $0x0  }
0xa5: {  	s22 =	simm.s32 $0x640;
	[sflag:s26] =	ssyncadd.s32 $0xFFFFEC00  }
0xa6: {  	[tilespmem:s23], [sflag:$0x3] =	stream.indirect.gather [hbm4b:s1+s17], $0x40, s22, s17, $0xb8;
	[tilespmem:$0x1EC80] =	vst v63  }
0xa7: {  	_ =	swait.ge [sflag:s0], $0x1400  }
0xa8: {  	[sflag:s0] =	ssyncset.done $0x0  }
0xa9: {  	s24 =	simm.s32 $0x5230;
	[sflag:s0] =	ssyncadd.s32 $0xFFFFEC00  }
0xaa: {  	[spmem:s3] =	stream.indirect.scatter.add.f32 [tilespmem:s28], [sflag:$0xE], $0x40, s24, s17, $0xb8;
	[tilespmem:$0x1EC80] =	vst v63  }
0xab: {  	_ =	swait.ge [sflag:s4], $0x1400  }
0xac: {  	[sflag:s4] =	ssyncset.done $0x0  }
0xad: {  	s25 =	simm.s32 $0x690;
	[sflag:s4] =	ssyncadd.s32 $0xFFFFEC00  }
0xae: {  	[tilespmem:s30], [sflag:$0x4] =	stream.indirect.gather [hbm4b:s1+s17], $0x40, s25, s17, $0xb8;
	[tilespmem:$0x1EC80] =	vst v63  }
0xaf: {  	_ =	swait.ge [sflag:s5], $0x1400  }
0xb0: {  	s13 =	simm.s32 $0xB40;
	s8 =	simm.s32 $0xF;
	[sflag:s5] =	ssyncset.done $0x0  }
0xb1: {  	s10 =	simm.s32 $0x10;
	s26 =	simm.s32 $0x5280;
	[sflag:s5] =	ssyncadd.s32 $0xFFFFEC00  }
0xb2: {  	[spmem:s3] =	stream.indirect.scatter.add.f32 [tilespmem:s19], [sflag:$0xF], $0x40, s26, s17, $0xb8;
	[tilespmem:$0x1EC80] =	vst v63  }
0xb3: {  	s15 =	simm.s32 $0x1;
	s16 =	simm.s32 $0x2;
	_ =	swait.ge [sflag:s12], $0x1400  }
0xb4: {  	s18 =	simm.s32 $0x52D0;
	s20 =	simm.s32 $0x3;
	[sflag:s12] =	ssyncset.done $0x0  }
0xb5: {  	s22 =	simm.s32 $0xB;
	s30 =	simm.s32 $0x6E0;
	[sflag:s12] =	ssyncadd.s32 $0xFFFFEC00  }
0xb6: {  	[tilespmem:s28], [sflag:$0x5] =	stream.indirect.gather [hbm4b:s1+s17], $0x40, s30, s17, $0xb8;
	[tilespmem:$0x1EC80] =	vst v63  }
0xb7: {  	s0 =	simm.s32 $0x5;
	s4 =	simm.s32 $0xD;
	_ =	swait.ge [sflag:s6], $0x1400  }
0xb8: {  	s5 =	simm.s32 $0x6;
	s26 =	simm.s32 $0xC;
	[sflag:s6] =	ssyncset.done $0x0  }
0xb9: {  	s12 =	simm.s32 $0xE;
	[sflag:s6] =	ssyncadd.s32 $0xFFFFEC00;
	s6 =	simm.s32 $0x7  }
.LBB2_4:
0xba: {  	s30 =	simm.s32 $0x11440  }
0xbb: {  	[spmem:s3] =	stream.indirect.scatter.add.f32 [tilespmem:s30], [sflag:$0x10], $0x40, s18, s17, $0xb8;
	[tilespmem:$0x1EC80] =	vst v63  }
0xbc: {  	s18 =	smov.u32 s13  }
0xbd: {  	p0 =	sne.s32 s13, $0x11940;
	s13 =	sadd.s32 $0xB40, s13;
	_ =	swait.ge [sflag:s8], $0x1400  }
0xbe: {  	s28 =	simm.s32 $0x10040;
	s18 =	sshra.s32 s18, $0x2;
	[sflag:s8] =	ssyncset.done $0x0  }
0xbf: {  	s2 =	simm.s32 $0x8;
	s19 =	sadd.s32 $0x460, s18;
	[sflag:s8] =	ssyncadd.s32 $0xFFFFEC00  }
0xc0: {  	[tilespmem:s28], [sflag:$0x6] =	stream.indirect.gather [hbm4b:s1+s17], $0x40, s19, s17, $0xb8;
	[tilespmem:$0x1EC80] =	vst v63  }
0xc1: {  	_ =	swait.ge [sflag:s2], $0x1400  }
0xc2: {  	[sflag:s2] =	ssyncset.done $0x0  }
0xc3: {  	s9 =	simm.s32 $0x12840;
	s19 =	sadd.s32 $0x5050, s18;
	[sflag:s2] =	ssyncadd.s32 $0xFFFFEC00  }
0xc4: {  	[spmem:s3] =	stream.indirect.scatter.add.f32 [tilespmem:s9], [sflag:$0x11], $0x40, s19, s17, $0xb8;
	[tilespmem:$0x1EC80] =	vst v63  }
0xc5: {  	_ =	swait.ge [sflag:s10], $0x1400  }
0xc6: {  	[sflag:s10] =	ssyncset.done $0x0  }
0xc7: {  	s2 =	simm.s32 $0x9;
	s19 =	sadd.s32 $0x4B0, s18;
	[sflag:s10] =	ssyncadd.s32 $0xFFFFEC00  }
0xc8: {  	[tilespmem:s30], [sflag:$0x7] =	stream.indirect.gather [hbm4b:s1+s17], $0x40, s19, s17, $0xb8;
	[tilespmem:$0x1EC80] =	vst v63  }
0xc9: {  	_ =	swait.ge [sflag:s2], $0x1400  }
0xca: {  	[sflag:s2] =	ssyncset.done $0x0  }
0xcb: {  	s21 =	simm.s32 $0x13C40;
	s19 =	sadd.s32 $0x50A0, s18;
	[sflag:s2] =	ssyncadd.s32 $0xFFFFEC00  }
0xcc: {  	[spmem:s3] =	stream.indirect.scatter.add.f32 [tilespmem:s21], [sflag:$0x12], $0x40, s19, s17, $0xb8;
	[tilespmem:$0x1EC80] =	vst v63  }
0xcd: {  	_ =	swait.ge [sflag:s7], $0x1400  }
0xce: {  	[sflag:s7] =	ssyncset.done $0x0  }
0xcf: {  	s2 =	simm.s32 $0x12840;
	s19 =	sadd.s32 $0x500, s18;
	[sflag:s7] =	ssyncadd.s32 $0xFFFFEC00  }
0xd0: {  	[tilespmem:s9], [sflag:$0x8] =	stream.indirect.gather [hbm4b:s1+s17], $0x40, s19, s17, $0xb8;
	[tilespmem:$0x1EC80] =	vst v63  }
0xd1: {  	_ =	swait.ge [sflag:s15], $0x1400  }
0xd2: {  	[sflag:s15] =	ssyncset.done $0x0  }
0xd3: {  	s14 =	simm.s32 $0x9C40;
	s19 =	sadd.s32 $0x50F0, s18;
	[sflag:s15] =	ssyncadd.s32 $0xFFFFEC00  }
0xd4: {  	[spmem:s3] =	stream.indirect.scatter.add.f32 [tilespmem:s14], [sflag:$0xA], $0x40, s19, s17, $0xb8;
	[tilespmem:$0x1EC80] =	vst v63  }
0xd5: {  	_ =	swait.ge [sflag:s11], $0x1400  }
0xd6: {  	[sflag:s11] =	ssyncset.done $0x0  }
0xd7: {  	s9 =	simm.s32 $0x13C40;
	s19 =	sadd.s32 $0x550, s18;
	[sflag:s11] =	ssyncadd.s32 $0xFFFFEC00  }
0xd8: {  	[tilespmem:s21], [sflag:$0x9] =	stream.indirect.gather [hbm4b:s1+s17], $0x40, s19, s17, $0xb8;
	[tilespmem:$0x1EC80] =	vst v63  }
0xd9: {  	_ =	swait.ge [sflag:s16], $0x1400  }
0xda: {  	[sflag:s16] =	ssyncset.done $0x0  }
0xdb: {  	s19 =	sadd.s32 $0x5140, s18;
	s21 =	simm.s32 $0xB040;
	[sflag:s16] =	ssyncadd.s32 $0xFFFFEC00  }
0xdc: {  	[spmem:s3] =	stream.indirect.scatter.add.f32 [tilespmem:s21], [sflag:$0xB], $0x40, s19, s17, $0xb8;
	[tilespmem:$0x1EC80] =	vst v63  }
0xdd: {  	_ =	swait.ge [sflag:s31], $0x1400  }
0xde: {  	[sflag:s31] =	ssyncset.done $0x0  }
0xdf: {  	s24 =	simm.s32 $0x9C40;
	s19 =	sadd.s32 $0x5A0, s18;
	[sflag:s31] =	ssyncadd.s32 $0xFFFFEC00  }
0xe0: {  	[tilespmem:s14], [sflag:$0x1] =	stream.indirect.gather [hbm4b:s1+s17], $0x40, s19, s17, $0xb8;
	[tilespmem:$0x1EC80] =	vst v63  }
0xe1: {  	_ =	swait.ge [sflag:s20], $0x1400  }
0xe2: {  	[sflag:s20] =	ssyncset.done $0x0  }
0xe3: {  	s25 =	simm.s32 $0xC440;
	s19 =	sadd.s32 $0x5190, s18;
	[sflag:s20] =	ssyncadd.s32 $0xFFFFEC00  }
0xe4: {  	[spmem:s3] =	stream.indirect.scatter.add.f32 [tilespmem:s25], [sflag:$0xC], $0x40, s19, s17, $0xb8;
	[tilespmem:$0x1EC80] =	vst v63  }
0xe5: {  	_ =	swait.ge [sflag:s22], $0x1400  }
0xe6: {  	[sflag:s22] =	ssyncset.done $0x0  }
0xe7: {  	s14 =	simm.s32 $0xB040;
	s19 =	sadd.s32 $0x5F0, s18;
	[sflag:s22] =	ssyncadd.s32 $0xFFFFEC00  }
0xe8: {  	[tilespmem:s21], [sflag:$0x2] =	stream.indirect.gather [hbm4b:s1+s17], $0x40, s19, s17, $0xb8;
	[tilespmem:$0x1EC80] =	vst v63  }
0xe9: {  	_ =	swait.ge [sflag:s29], $0x1400  }
0xea: {  	[sflag:s29] =	ssyncset.done $0x0  }
0xeb: {  	s23 =	simm.s32 $0xD840;
	s19 =	sadd.s32 $0x51E0, s18;
	[sflag:s29] =	ssyncadd.s32 $0xFFFFEC00  }
0xec: {  	[spmem:s3] =	stream.indirect.scatter.add.f32 [tilespmem:s23], [sflag:$0xD], $0x40, s19, s17, $0xb8;
	[tilespmem:$0x1EC80] =	vst v63  }
0xed: {  	_ =	swait.ge [sflag:s26], $0x1400  }
0xee: {  	[sflag:s26] =	ssyncset.done $0x0  }
0xef: {  	s21 =	simm.s32 $0xC440;
	s19 =	sadd.s32 $0x640, s18;
	[sflag:s26] =	ssyncadd.s32 $0xFFFFEC00  }
0xf0: {  	[tilespmem:s25], [sflag:$0x3] =	stream.indirect.gather [hbm4b:s1+s17], $0x40, s19, s17, $0xb8;
	[tilespmem:$0x1EC80] =	vst v63  }
0xf1: {  	_ =	swait.ge [sflag:s0], $0x1400  }
0xf2: {  	[sflag:s0] =	ssyncset.done $0x0  }
0xf3: {  	s30 =	simm.s32 $0xEC40;
	s19 =	sadd.s32 $0x5230, s18;
	[sflag:s0] =	ssyncadd.s32 $0xFFFFEC00  }
0xf4: {  	[spmem:s3] =	stream.indirect.scatter.add.f32 [tilespmem:s30], [sflag:$0xE], $0x40, s19, s17, $0xb8;
	[tilespmem:$0x1EC80] =	vst v63  }
0xf5: {  	_ =	swait.ge [sflag:s4], $0x1400  }
0xf6: {  	[sflag:s4] =	ssyncset.done $0x0  }
0xf7: {  	s25 =	simm.s32 $0xD840;
	s19 =	sadd.s32 $0x690, s18;
	[sflag:s4] =	ssyncadd.s32 $0xFFFFEC00  }
0xf8: {  	[tilespmem:s23], [sflag:$0x4] =	stream.indirect.gather [hbm4b:s1+s17], $0x40, s19, s17, $0xb8;
	[tilespmem:$0x1EC80] =	vst v63  }
0xf9: {  	_ =	swait.ge [sflag:s5], $0x1400  }
0xfa: {  	[sflag:s5] =	ssyncset.done $0x0  }
0xfb: {  	s19 =	sadd.s32 $0x5280, s18;
	[sflag:s5] =	ssyncadd.s32 $0xFFFFEC00  }
0xfc: {  	[spmem:s3] =	stream.indirect.scatter.add.f32 [tilespmem:s28], [sflag:$0xF], $0x40, s19, s17, $0xb8;
	[tilespmem:$0x1EC80] =	vst v63  }
0xfd: {  	_ =	swait.ge [sflag:s12], $0x1400  }
0xfe: {  	s19 =	sadd.s32 $0x6E0, s18;
	[sflag:s12] =	ssyncset.done $0x0  }
.Ltmp1:
0xff: {  	s28 =	simm.s32 $0xEC40;
	[sflag:s12] =	ssyncadd.s32 $0xFFFFEC00;
	(pc) =	sbr.rel @p0 .LBB2_4-.Ltmp1, $4  }
0x100: {  	[tilespmem:s30], [sflag:$0x5] =	stream.indirect.gather [hbm4b:s1+s17], $0x40, s19, s17, $0xb8;
	[tilespmem:$0x1EC80] =	vst v63  }
0x101: {  	_ =	swait.ge [sflag:s6], $0x1400  }
0x102: {  	[sflag:s6] =	ssyncset.done $0x0  }
0x103: {  	s18 =	sadd.s32 $0x52D0, s18;
	[sflag:s6] =	ssyncadd.s32 $0xFFFFEC00  }
0x104: {  	s19 =	simm.s32 $0x11440  }
0x105: {  	[spmem:s3] =	stream.indirect.scatter.add.f32 [tilespmem:s19], [sflag:$0x10], $0x40, s18, s17, $0xb8;
	[tilespmem:$0x1EC80] =	vst v63  }
0x106: {  	_ =	swait.ge [sflag:s8], $0x1400  }
0x107: {  	s13 =	simm.s32 $0x4D80;
	[sflag:s8] =	ssyncset.done $0x0  }
0x108: {  	s23 =	simm.s32 $0x8;
	s18 =	simm.s32 $0x10040;
	[sflag:s8] =	ssyncadd.s32 $0xFFFFEC00  }
0x109: {  	[tilespmem:s18], [sflag:$0x6] =	stream.indirect.gather [hbm4b:s1+s17], $0x40, s13, s17, $0xb8;
	[tilespmem:$0x1EC80] =	vst v63  }
0x10a: {  	_ =	swait.ge [sflag:s23], $0x1400  }
0x10b: {  	[sflag:s23] =	ssyncset.done $0x0  }
0x10c: {  	s30 =	simm.s32 $0x9970;
	[sflag:s23] =	ssyncadd.s32 $0xFFFFEC00  }
0x10d: {  	[spmem:s3] =	stream.indirect.scatter.add.f32 [tilespmem:s2], [sflag:$0x11], $0x40, s30, s17, $0xb8;
	[tilespmem:$0x1EC80] =	vst v63  }
0x10e: {  	_ =	swait.ge [sflag:s10], $0x1400  }
0x10f: {  	[sflag:s10] =	ssyncset.done $0x0  }
0x110: {  	s23 =	simm.s32 $0x4DD0;
	s30 =	simm.s32 $0x9;
	[sflag:s10] =	ssyncadd.s32 $0xFFFFEC00  }
0x111: {  	[tilespmem:s19], [sflag:$0x7] =	stream.indirect.gather [hbm4b:s1+s17], $0x40, s23, s17, $0xb8;
	[tilespmem:$0x1EC80] =	vst v63  }
0x112: {  	_ =	swait.ge [sflag:s30], $0x1400  }
0x113: {  	[sflag:s30] =	ssyncset.done $0x0  }
0x114: {  	s2 =	simm.s32 $0x99C0;
	[sflag:s30] =	ssyncadd.s32 $0xFFFFEC00  }
0x115: {  	[spmem:s3] =	stream.indirect.scatter.add.f32 [tilespmem:s9], [sflag:$0x12], $0x40, s2, s17, $0xb8;
	[tilespmem:$0x1EC80] =	vst v63  }
0x116: {  	_ =	swait.ge [sflag:s7], $0x1400  }
0x117: {  	[sflag:s7] =	ssyncset.done $0x0  }
0x118: {  	[sflag:s7] =	ssyncadd.s32 $0xFFFFEC00  }
0x119: {  	_ =	swait.ge [sflag:s15], $0x1400  }
0x11a: {  	[sflag:s15] =	ssyncset.done $0x0  }
0x11b: {  	s9 =	simm.s32 $0x9A10;
	[sflag:s15] =	ssyncadd.s32 $0xFFFFEC00  }
0x11c: {  	[spmem:s3] =	stream.indirect.scatter.add.f32 [tilespmem:s24], [sflag:$0xA], $0x40, s9, s17, $0xb8;
	[tilespmem:$0x1EC80] =	vst v63  }
0x11d: {  	_ =	swait.ge [sflag:s11], $0x1400  }
0x11e: {  	[sflag:s11] =	ssyncset.done $0x0  }
0x11f: {  	[sflag:s11] =	ssyncadd.s32 $0xFFFFEC00  }
0x120: {  	_ =	swait.ge [sflag:s16], $0x1400  }
0x121: {  	[sflag:s16] =	ssyncset.done $0x0  }
0x122: {  	s13 =	simm.s32 $0x9A60;
	[sflag:s16] =	ssyncadd.s32 $0xFFFFEC00  }
0x123: {  	[spmem:s3] =	stream.indirect.scatter.add.f32 [tilespmem:s14], [sflag:$0xB], $0x40, s13, s17, $0xb8;
	[tilespmem:$0x1EC80] =	vst v63  }
0x124: {  	_ =	swait.ge [sflag:s31], $0x1400  }
0x125: {  	[sflag:s31] =	ssyncset.done $0x0  }
0x126: {  	[sflag:s31] =	ssyncadd.s32 $0xFFFFEC00  }
0x127: {  	_ =	swait.ge [sflag:s20], $0x1400  }
0x128: {  	[sflag:s20] =	ssyncset.done $0x0  }
0x129: {  	s15 =	simm.s32 $0x9AB0;
	[sflag:s20] =	ssyncadd.s32 $0xFFFFEC00  }
0x12a: {  	[spmem:s3] =	stream.indirect.scatter.add.f32 [tilespmem:s21], [sflag:$0xC], $0x40, s15, s17, $0xb8;
	[tilespmem:$0x1EC80] =	vst v63  }
0x12b: {  	_ =	swait.ge [sflag:s22], $0x1400  }
0x12c: {  	[sflag:s22] =	ssyncset.done $0x0  }
0x12d: {  	[sflag:s22] =	ssyncadd.s32 $0xFFFFEC00  }
0x12e: {  	_ =	swait.ge [sflag:s29], $0x1400  }
0x12f: {  	[sflag:s29] =	ssyncset.done $0x0  }
0x130: {  	s16 =	simm.s32 $0x9B00;
	[sflag:s29] =	ssyncadd.s32 $0xFFFFEC00  }
0x131: {  	[spmem:s3] =	stream.indirect.scatter.add.f32 [tilespmem:s25], [sflag:$0xD], $0x40, s16, s17, $0xb8;
	[tilespmem:$0x1EC80] =	vst v63  }
0x132: {  	_ =	swait.ge [sflag:s26], $0x1400  }
0x133: {  	[sflag:s26] =	ssyncset.done $0x0  }
0x134: {  	[sflag:s26] =	ssyncadd.s32 $0xFFFFEC00  }
0x135: {  	_ =	swait.ge [sflag:s0], $0x1400  }
0x136: {  	[sflag:s0] =	ssyncset.done $0x0  }
0x137: {  	s20 =	simm.s32 $0x9B50;
	[sflag:s0] =	ssyncadd.s32 $0xFFFFEC00  }
0x138: {  	[spmem:s3] =	stream.indirect.scatter.add.f32 [tilespmem:s28], [sflag:$0xE], $0x40, s20, s17, $0xb8;
	[tilespmem:$0x1EC80] =	vst v63  }
0x139: {  	_ =	swait.ge [sflag:s4], $0x1400  }
0x13a: {  	[sflag:s4] =	ssyncset.done $0x0  }
0x13b: {  	[sflag:s4] =	ssyncadd.s32 $0xFFFFEC00  }
0x13c: {  	_ =	swait.ge [sflag:s5], $0x1400  }
0x13d: {  	[sflag:s5] =	ssyncset.done $0x0  }
0x13e: {  	s21 =	simm.s32 $0x9BA0;
	[sflag:s5] =	ssyncadd.s32 $0xFFFFEC00  }
0x13f: {  	[spmem:s3] =	stream.indirect.scatter.add.f32 [tilespmem:s18], [sflag:$0xF], $0x40, s21, s17, $0xb8;
	[tilespmem:$0x1EC80] =	vst v63  }
0x140: {  	_ =	swait.ge [sflag:s12], $0x1400  }
0x141: {  	[sflag:s12] =	ssyncset.done $0x0  }
0x142: {  	[sflag:s12] =	ssyncadd.s32 $0xFFFFEC00  }
0x143: {  	_ =	swait.ge [sflag:s6], $0x1400  }
0x144: {  	[sflag:s6] =	ssyncset.done $0x0  }
0x145: {  	s22 =	simm.s32 $0x9BF0;
	[sflag:s6] =	ssyncadd.s32 $0xFFFFEC00  }
0x146: {  	[spmem:s3] =	stream.indirect.scatter.add.f32 [tilespmem:s19], [sflag:$0x10], $0x40, s22, s17, $0xb8;
	[tilespmem:$0x1EC80] =	vst v63  }
0x147: {  	_ =	swait.ge [sflag:s8], $0x1400  }
0x148: {  	[sflag:s8] =	ssyncset.done $0x0  }
0x149: {  	[sflag:s8] =	ssyncadd.s32 $0xFFFFEC00  }
0x14a: {  	_ =	swait.ge [sflag:s10], $0x1400  }
0x14b: {  	[sflag:s10] =	ssyncset.done $0x0  }
0x14c: {  	[sflag:s10] =	ssyncadd.s32 $0xFFFFEC00  }
0x14d: {  	[bflag:$0x0] =	sbarrier.arrive $0xFFFF  }
0x14e: {  	s23 =	rddreg [dreg:$0x6]  }
0x14f: {  	s24 =	rddreg [dreg:$0x9]  }
0x150: {  	s26 =	simm.s32 $0x13;
	s25 =	rddreg [dreg:$0xb];
	s13 =	sor.u32 $0x1C13, s23  }
0x151: {  	[hbm:s24], [sflag:s13] =	dma.local [spmem:s25], $0x1388  }
0x152: {  	_ =	swait.ge [sflag:s26], $0x1388  }
0x153: {  	s7 =	simm.s32 $0x4E20;
	s28 =	rddreg [dreg:$0xc]  }
0x154: {  	s14 =	simm.s32 $0x1;
	s30 =	rddreg [dreg:$0xa];
	s19 =	sadd.s32 $0x1, s28  }
0x155: {  	s15 =	simm.s32 $0x2;
	s16 =	simm.s32 $0x3;
	p0 =	sne.s32 s19, s30  }
.Ltmp2:
0x156: {  	s0 =	simm.s32 $0x5;
	s4 =	simm.s32 $0xD;
	(pc) =	sbr.rel @p0 .LBB2_1-.Ltmp2, $4  }
0x157: {  	s5 =	simm.s32 $0x6;
	s12 =	simm.s32 $0xE;
	s6 =	simm.s32 $0x7  }
0x158: {  	s22 =	simm.s32 $0xB;
	s8 =	simm.s32 $0xF;
	s10 =	simm.s32 $0x10  }
0x159: {  	s18 =	smov.u32 s25;
	s24 =	simm.s32 $0xA;
	[sflag:s26] =	ssyncset.done $0x0  }
0x15a: {  	s25 =	simm.s32 $0x4;
	[sflag:s26] =	ssyncadd.s32 $0xFFFFEC78;
	s26 =	simm.s32 $0xC  }
0x15b: {  	_ =	sfence.sel $0x180000  }
0x15c: {  	[bflag:$0x0] =	sbarrier.arrive $0xFFFF  }
0x15d: {  	_ =	strace $0x9000004D  }
0x15e: {  	s0 =	stileid.u32;
	[bflag:$0x2] =	sbarrier.arrive $0xFFFF  }
0x15f: {  	p0 =	sne.s32 s0, $0x0;
	s0 =	rddreg [dreg:$0x3]  }
0x160: {  	s0 =	sadd.s32 @!p0 $0x100000, s0  }
0x161: {  	[sflag:s0] =	ssyncadd.tile.s32 @!p0 $0x1;
	_ =	shalt  }
.Lfunc_end2:
_tile_overlayer_lowered:
.L_overlay_start_2:
0x162: {  	(tag) =	ssettag $0x2  }
0x163: {  	s0 =	rddreg [dreg:$0x0];
	s2 =	stileid.u32  }
0x164: {  	s1 =	rddreg [dreg:$0x1];
	p0 =	sne.s32 s2, $0x0  }
0x165: {  	s3 =	rddreg [dreg:$0x2];
	[bflag:$0x3] =	sbarrier.arrive $0xFFFF;
	s2 =	simm.s32 @!p0 $0x1C13  }
0x166: {  	[timem:s3], [sflag:s2] =	dma.local @!p0 [hbm:s0], s1  }
0x167: {  	s0 =	simm.s32 @!p0 $0x13  }
0x168: {  	_ =	swait.ge @!p0 [sflag:s0], s1  }
0x169: {  	s1 =	ssub.s32 @!p0 $0x0, s1;
	[sflag:s0] =	ssyncset.done @!p0 $0x0  }
0x16a: {  	[sflag:s0] =	ssyncadd.s32 @!p0 s1  }
0x16b: {  	[bflag:$0x3] =	sbarrier.arrive $0xFFFF  }
0x16c: {  	_ =	shalt  }

// kernel: kernel.8.cloned.1.call-start
scs
__scs_entry_jumppad:
0x0: {  	(pc) =	sbr.rel $0x88, $3  }
0x1: {  	(tag) =	ssettag $0x0;
	lr =	simm.s32 $0x1  }
0x2: {  	[smem:$0x3F9D] =	sst lr;
	_ =	strace $0xD0000000  }
0x3: {  	_ = 	snop  }
0x4: {  	_ = 	snop  }
0x5: {  	_ = 	snop  }
0x6: {  	_ = 	snop  }
0x7: {  	_ = 	snop  }
__scs_overlays_trampoline_lowered:
0x8: {  	[smem:$0x3FAC] =	sst s0  }
0x9: {  	[smem:$0x3FAD] =	sst s1  }
0xa: {  	[smem:$0x3FAE] =	sst s2  }
0xb: {  	[smem:$0x3FAF] =	sst s3  }
0xc: {  	[smem:$0x3FB0] =	sst s4  }
0xd: {  	[smem:$0x3FB1] =	sst s5  }
0xe: {  	[smem:$0x3FB2] =	sst s6  }
0xf: {  	[smem:$0x3FB3] =	sst s7  }
0x10: {  	[smem:$0x3FB4] =	sst s8  }
0x11: {  	[smem:$0x3FB5] =	sst s9;
	s0 =	simm.s32 @!p0 $0x0  }
0x12: {  	s1 =	sld [smem:$0x3F9B];
	s0 =	simm.s32 @p0 $0x1  }
0x13: {  	[smem:$0x3FB6] =	sst s0;
	s0 =	simm.s32 @!p1 $0x0  }
0x14: {  	s2 =	sld [smem:$0x3F9A];
	s0 =	simm.s32 @p1 $0x1  }
0x15: {  	[smem:$0x3FB7] =	sst s0;
	s0 =	simm.s32 @!p2 $0x0  }
0x16: {  	s3 =	sld [smem:$0x3FDB];
	s0 =	simm.s32 @p2 $0x1  }
0x17: {  	s4 =	simm.s32 $0x1BF5;
	[smem:$0x3FB9] =	sst s0  }
0x18: {  	s0 =	sld [smem:$0x3F9C];
	_ =	swait.ge [sflag:s4], $0x0  }
0x19: {  	s7 =	sld [smem:$0x3F9D]  }
0x1a: {  	s8 =	sadd.s32 $0xFFFFE003, lr  }
0x1b: {  	s9 =	sadd.s32 $0xFFFFFEF7, lr;
	s5 =	simm.s32 $0xFFFFFFFF;
	p2 =	slt.u32 s8, $0xFFFFF086  }
0x1c: {  	p1 =	slt.u32 s9, $0xF7A;
	s5 =	simm.s32 @!p2 $0x0  }
0x1d: {  	s5 =	simm.s32 @p1 $0x1;
	p0 =	seq.s32 s7, s2  }
0x1e: {  	s7 =	smul.u32 @!p0 $0xF7A, s2;
	p2 =	seq.s32 @!p0 s5, $0x0  }
0x1f: {  	s9 =	smul.u32 $0xF7A, s1;
	s8 =	simm.s32 @!p0 $0x1BF5;
	p2 =	por !p2, p0  }
0x20: {  	[sflag:s8] =	ssyncset.s32 @!p0 $0xFFFFF086;
	s6 =	sadd.s32 @!p0 s3, s7;
	s7 =	simm.s32 @!p0 $0x108  }
0x21: {  	s3 =	sadd.s32 s3, s9;
	s6 =	sadd.s32 @!p0 $0x88, s6;
	s7 =	simm.s32 @p2 $0x1082  }
0x22: {  	[simem:s7], [sflag:s8] =	dma.local @!p0 [hbm:s6], $0xF7A  }
0x23: {  	s9 =	sor.u32 $0xD0000000, s2;
	s6 =	simm.s32 $0x108;
	_ =	swait.ge @!p0 [sflag:s8], $0x0  }
0x24: {  	s3 =	sadd.s32 $0x88, s3;
	s6 =	simm.s32 @!p1 $0x1082;
	[sflag:s4] =	ssyncset.s32 $0xFFFFF086  }
0x25: {  	[simem:s6], [sflag:s4] =	dma.local [hbm:s3], $0xF7A  }
0x26: {  	[smem:$0x3F9D] =	sst s1;
	(tag) =	ssettag s2;
	_ =	strace s9  }
0x27: {  	s1 =	sld [smem:$0x3FAD]  }
0x28: {  	s2 =	sld [smem:$0x3FAE]  }
0x29: {  	s4 =	sld [smem:$0x3FB0]  }
0x2a: {  	p0 =	seq.s32 s5, $0x0;
	s5 =	sld [smem:$0x3FB1]  }
0x2b: {  	s6 =	sld [smem:$0x3FB2]  }
0x2c: {  	s7 =	sld [smem:$0x3FB3]  }
0x2d: {  	s3 =	simm.s32 $0x108;
	s8 =	sld [smem:$0x3FB4]  }
0x2e: {  	s3 =	simm.s32 @!p0 $0x1082;
	s9 =	sld [smem:$0x3FB5]  }
0x2f: {  	lr =	sadd.s32 s0, s3;
	s0 =	sld [smem:$0x3FAC]  }
0x30: {  	s3 =	sld [smem:$0x3FAF]  }
0x31: {  	[smem:$0x3FB8] =	sst s10  }
0x32: {  	s10 =	sld [smem:$0x3FB6];
	_ =	sdelay $0x3  }
0x33: {  	p0 =	seq.s32 s10, $0x1;
	s10 =	sld [smem:$0x3FB8];
	_ =	sdelay $0x3  }
0x34: {  	[smem:$0x3FB8] =	sst s10  }
0x35: {  	s10 =	sld [smem:$0x3FB7];
	_ =	sdelay $0x3  }
0x36: {  	p1 =	seq.s32 s10, $0x1;
	s10 =	sld [smem:$0x3FB8];
	_ =	sdelay $0x3  }
0x37: {  	[smem:$0x3FB8] =	sst s10  }
0x38: {  	s10 =	sld [smem:$0x3FB9]  }
0x39: {  	_ = 	snop;
	(pc) =	sbr.ind lr, $3  }
0x3a: {  	_ = 	snop  }
0x3b: {  	_ = 	snop  }
0x3c: {  	p2 =	seq.s32 s10, $0x1;
	s10 =	sld [smem:$0x3FB8]  }
0x3d: {  	_ =	shalt  }
0x3e: {  	_ =	shalt  }
0x3f: {  	_ =	shalt  }
0x40: {  	_ =	shalt  }
0x41: {  	_ =	shalt  }
0x42: {  	_ =	shalt  }
0x43: {  	_ =	shalt  }
0x44: {  	_ =	shalt  }
0x45: {  	_ =	shalt  }
0x46: {  	_ =	shalt  }
0x47: {  	_ =	shalt  }
0x48: {  	_ =	shalt  }
0x49: {  	_ =	shalt  }
0x4a: {  	_ =	shalt  }
0x4b: {  	_ =	shalt  }
0x4c: {  	_ =	shalt  }
0x4d: {  	_ =	shalt  }
0x4e: {  	_ =	shalt  }
0x4f: {  	_ =	shalt  }
0x50: {  	_ =	shalt  }
0x51: {  	_ =	shalt  }
0x52: {  	_ =	shalt  }
0x53: {  	_ =	shalt  }
0x54: {  	_ =	shalt  }
0x55: {  	_ =	shalt  }
0x56: {  	_ =	shalt  }
0x57: {  	_ =	shalt  }
0x58: {  	_ =	shalt  }
0x59: {  	_ =	shalt  }
0x5a: {  	_ =	shalt  }
0x5b: {  	_ =	shalt  }
0x5c: {  	_ =	shalt  }
0x5d: {  	_ =	shalt  }
0x5e: {  	_ =	shalt  }
0x5f: {  	_ =	shalt  }
0x60: {  	_ =	shalt  }
0x61: {  	_ =	shalt  }
0x62: {  	_ =	shalt  }
0x63: {  	_ =	shalt  }
0x64: {  	_ =	shalt  }
0x65: {  	_ =	shalt  }
0x66: {  	_ =	shalt  }
0x67: {  	_ =	shalt  }
0x68: {  	_ =	shalt  }
0x69: {  	_ =	shalt  }
0x6a: {  	_ =	shalt  }
0x6b: {  	_ =	shalt  }
0x6c: {  	_ =	shalt  }
0x6d: {  	_ =	shalt  }
0x6e: {  	_ =	shalt  }
0x6f: {  	_ =	shalt  }
0x70: {  	_ =	shalt  }
0x71: {  	_ =	shalt  }
0x72: {  	_ =	shalt  }
0x73: {  	_ =	shalt  }
0x74: {  	_ =	shalt  }
0x75: {  	_ =	shalt  }
0x76: {  	_ =	shalt  }
0x77: {  	_ =	shalt  }
0x78: {  	_ =	shalt  }
0x79: {  	_ =	shalt  }
0x7a: {  	_ =	shalt  }
0x7b: {  	_ =	shalt  }
0x7c: {  	_ =	shalt  }
0x7d: {  	_ =	shalt  }
0x7e: {  	_ =	shalt  }
0x7f: {  	_ =	shalt  }
0x80: {  	_ =	shalt  }
0x81: {  	_ =	shalt  }
0x82: {  	_ =	shalt  }
0x83: {  	_ =	shalt  }
0x84: {  	_ =	shalt  }
0x85: {  	_ =	shalt  }
0x86: {  	_ =	shalt  }
0x87: {  	_ =	shalt  }
.Lfunc_end0:
.L_simem_size_0:
called_computation_lowered:
.L_overlay_start_0:
0x88: {  	s2 =	sld [smem:$0x3FD9]  }
0x89: {  	s3 =	sld [smem:$0x3FFE];
	_ =	sdelay $0x1  }
0x8a: {  	s1 =	srdreg.scid  }
0x8b: {  	s0 =	sand.u32 $0x1, s1  }
0x8c: {  	s17 =	sshll.u32 s0, $0xA;
	s2 =	sadd.s32 s3, s2  }
0x8d: {  	s2 =	sadd.s32 s2, s17  }
0x8e: {  	[smem:$0x3FC4] =	sst s2  }
0x8f: {  	_ = 	snop  }
0x90: {  	s2 =	sld [smem:$0x3FD0];
	(tm) =	ssettm $0x1  }
0x91: {  	s18 =	sld [smem:$0x3FFB];
	_ =	sdelay $0x3  }
0x92: {  	_ =	strace s18  }
0x93: {  	s3 =	sld [smem:$0x3FFC];
	_ =	sdelay $0x3  }
0x94: {  	_ =	strace s3  }
0x95: {  	s3 =	sld [smem:$0x3FFD];
	_ =	sdelay $0x3  }
0x96: {  	_ =	strace s3  }
0x97: {  	_ =	strace $0x8FFFFFFF  }
0x98: {  	s19 =	sld [smem:$0x3FDB];
	_ =	sdelay $0x1  }
0x99: {  	s4 =	simm.s32 $_scs_section_size  }
0x9a: {  	s5 =	simm.s32 $_size__tile_overlayer_lowered;
	s6 =	simm.s32 $_tile_overlayer_lowered  }
0x9b: {  	s22 =	simm.s32 $0x1BFF;
	s21 =	sshll.u32 s6, $0x1;
	s3 =	sadd.s32 s4, s19  }
0x9c: {  	s7 =	simm.s32 $0x0;
	s20 =	sshll.u32 s5, $0x1;
	s5 =	sadd.s32 s21, s3  }
0x9d: {  	[timem:s7], [sflag:s22] =	dma.local [hbm:s5], s20  }
0x9e: {  	_ =	swait.ge [sflag:s22], s20  }
0x9f: {  	s4 =	ssub.s32 $0x0, s20;
	[sflag:s22] =	ssyncset.done $0x0  }
0xa0: {  	[sflag:s22] =	ssyncadd.s32 s4;
	_ =	sdelay $0x1  }
0xa1: {  	s23 =	simm.s32 $0x1B8B  }
0xa2: {  	_ =	swait.ge [sflag:s23], $0x1  }
0xa3: {  	[sflag:s23] =	ssyncset.done $0x0  }
0xa4: {  	s25 =	simm.s32 $0x1B8E;
	s24 =	sld [smem:$0x3FFE];
	[sflag:s23] =	ssyncadd.s32 $0xFFFFFFFF  }
0xa5: {  	s26 =	simm.s32 $execute0_lowered;
	[smem:$0x3FD2] =	sst s25  }
0xa6: {  	s5 =	sshll.u32 s26, $0x1;
	_ =	strace $0x80000046;
	[dreg:$0x1] =	wrdreg $0xFFFFFFFF  }
0xa7: {  	s28 =	simm.s32 $_size_execute0_lowered;
	s3 =	sadd.s32 s3, s5;
	[dreg:$0x0] =	wrdreg $0x0  }
0xa8: {  	s5 =	sshll.u32 s28, $0x1;
	[dreg:$0x2] =	wrdreg s3  }
0xa9: {  	[dreg:$0x3] =	wrdreg s5  }
0xaa: {  	[dreg:$0x4] =	wrdreg $0xC0  }
0xab: {  	_ =	task [dreg:s7], $0x5FFFF  }
0xac: {  	[dreg:$0x1] =	wrdreg $0xFFFFFFFF  }
0xad: {  	[dreg:$0x0] =	wrdreg $0x60  }
0xae: {  	[dreg:$0x2] =	wrdreg s24  }
0xaf: {  	[dreg:$0x3] =	wrdreg s2  }
0xb0: {  	[dreg:$0x4] =	wrdreg $0x2C100  }
0xb1: {  	[dreg:$0x5] =	wrdreg $0x9  }
0xb2: {  	_ =	task.clear_ibuf [dreg:s7], $0x6FFFF;
	_ =	strace $0x90000046  }
0xb3: {  	s29 =	simm.s32 $0x9;
	_ =	strace $0x80000048  }
0xb4: {  	_ =	swait.ge [sflag:s29], $0x1  }
0xb5: {  	[sflag:s29] =	ssyncadd.s32 $0xFFFFFFFF  }
0xb6: {  	_ =	strace $0x90000048  }
0xb7: {  	_ =	sfence  }
0xb8: {  	s30 =	sld [smem:$0x0];
	_ =	sdelay $0x2  }
0xb9: {  	s31 =	sshll.u32 s1, $0xD;
	s1 =	sshrl.u32 s1, $0x2  }
0xba: {  	s3 =	sand.u32 $0x4000, s31;
	s1 =	sadd.s32 s1, s30  }
0xbb: {  	s0 =	sor.u32 s3, s0;
	s1 =	sshll.u32 s1, $0x11  }
0xbc: {  	s0 =	sor.u32 s1, s0  }
0xbd: {  	s0 =	sadd.s32 $0x8F2B, s0  }
0xbe: {  	[sflag:s0] =	ssyncadd.remote.s32 $0x1  }
0xbf: {  	_ =	sfence.sel $0xFFFF  }
0xc0: {  	[dreg:$0x0] =	wrdreg $0xFFFFFFFF;
	(pc) =	sbr.abs _section_cstart, $3  }
0xc1: {  	[dreg:$0x1] =	wrdreg $0xFFFFFFFF  }
0xc2: {  	_ =	task.clear_ibuf [dreg:s7], $0x2FFFF;
	_ =	strace $0x9FFFFFFF  }
0xc3: {  	(tm) =	ssettm $0x7FFFFFFF  }
tec
execute0_lowered:
.L_overlay_start_1:
0x0: {  	(tag) =	ssettag $0x1  }
0x1: {  	s5 =	rddreg [dreg:$0x0]  }
0x2: {  	s1 =	srdreg.scid;
	s7 =	rddreg [dreg:$0x1]  }
0x3: {  	s0 =	stileid.u32;
	s2 =	rddreg [dreg:$0x2]  }
0x4: {  	s3 =	simm.s32 $0x0;
	s13 =	simm.s32 $0x50;
	s14 =	simm.s32 $0xA0  }
0x5: {  	s15 =	simm.s32 $0xF0;
	s16 =	simm.s32 $0x140;
	s17 =	simm.s32 $0x190  }
0x6: {  	s18 =	simm.s32 $0x1E0;
	s19 =	simm.s32 $0x230;
	s20 =	simm.s32 $0x280  }
0x7: {  	s21 =	simm.s32 $0x2D0;
	s22 =	simm.s32 $0x320;
	s23 =	simm.s32 $0x370  }
0x8: {  	s28 =	simm.s32 $0x4B0;
	s29 =	simm.s32 $0x1;
	s30 =	simm.s32 $0x0  }
0x9: {  	s4 =	sand.u32 $0x1, s1;
	s24 =	sshll.u32 s0, $0x1;
	s8 =	smul.u32 $0x9C40, s0  }
0xa: {  	[smem:$0x7FF] =	sst s3;
	s11 =	smul.u32 $0x2710, s0;
	s31 =	sshll.u32 s0, $0x6  }
0xb: {  	s6 =	sor.u32 s4, s24;
	_ =	strace $0x80000047;
	s9 =	smul.u32 $0x27100, s4  }
0xc: {  	s10 =	ssub.s32 $0x2, s4;
	s4 =	sadd.s32 $0x15200, s5;
	s24 =	simm.s32 $0x3C0  }
0xd: {  	s6 =	smul.u32 $0x4E2, s6;
	s12 =	sshrl.u32 s10, $0x1;
	s8 =	sshrl.u32 s8, $0x2  }
0xe: {  	s10 =	ssub.s32 s10, s12;
	s9 =	sadd.s32 s11, s9;
	s25 =	sadd.s32 s8, s2  }
0xf: {  	s11 =	sor.u32 $0x1C02, s31;
	s6 =	sadd.s32 s6, s5;
	s5 =	sadd.s32 $0x15400, s5  }
0x10: {  	s26 =	sshrl.u32 s9, $0x3;
	s8 =	smax.u32 s10, $0x1;
	s9 =	simm.s32 $0x2710  }
0x11: {  	s10 =	simm.s32 $0x2;
	s12 =	sshrl.u32 s25, $0x3;
	s25 =	simm.s32 $0x410  }
0x12: {  	s6 =	sadd.s32 $0xB400, s6;
	s7 =	sadd.s32 s7, s26;
	s26 =	simm.s32 $0x460  }
.LBB2_1:
0x13: {  	[tilespmem:s9], [sflag:$0x2] =	stream.linear.gather [hbm4b:s4+s3], $0x500, $0x38;
	[tilespmem:$0x5320] =	vst v63  }
0x14: {  	_ =	swait.ge [sflag:s10], $0x500  }
0x15: {  	[sflag:s10] =	ssyncset.done $0x0  }
0x16: {  	[sflag:s10] =	ssyncadd.s32 $0xFFFFFB00  }
0x17: {  	[tilespmem:s3], [sflag:$0x2] =	stream.linear.gather [hbm4b:s6+s3], $0x2710, $0x38;
	[tilespmem:$0x5320] =	vst v63  }
0x18: {  	_ =	swait.ge [sflag:s10], $0x2710  }
0x19: {  	[sflag:s10] =	ssyncset.done $0x0  }
0x1a: {  	[sflag:s10] =	ssyncadd.s32 $0xFFFFD8F0  }
0x1b: {  	[spmem:s12], [sflag:s11] =	dma.local [hbm:s5], $0x4E2  }
0x1c: {  	_ =	swait.ge [sflag:s10], $0x4E2  }
0x1d: {  	[sflag:s10] =	ssyncset.done $0x0  }
0x1e: {  	[sflag:s10] =	ssyncadd.s32 $0xFFFFFB1E  }
0x1f: {  	[bflag:$0x0] =	sbarrier.arrive $0xFFFF  }
0x20: {  	[spmem:s2] =	stream.indirect.scatter.add.f32 [tilespmem:s9], [sflag:$0x1], $0x10, s3, s13, $0xb8;
	[tilespmem:$0x5320] =	vst v63  }
0x21: {  	_ = 	snop  }
0x22: {  	[spmem:s2] =	stream.indirect.scatter.add.f32 [tilespmem:s9], [sflag:$0x1], $0x10, s13, s13, $0xb8;
	[tilespmem:$0x5320] =	vst v63  }
0x23: {  	_ = 	snop  }
0x24: {  	[spmem:s2] =	stream.indirect.scatter.add.f32 [tilespmem:s9], [sflag:$0x1], $0x10, s14, s13, $0xb8;
	[tilespmem:$0x5320] =	vst v63  }
0x25: {  	_ = 	snop  }
0x26: {  	[spmem:s2] =	stream.indirect.scatter.add.f32 [tilespmem:s9], [sflag:$0x1], $0x10, s15, s13, $0xb8;
	[tilespmem:$0x5320] =	vst v63  }
0x27: {  	_ = 	snop  }
0x28: {  	[spmem:s2] =	stream.indirect.scatter.add.f32 [tilespmem:s9], [sflag:$0x1], $0x10, s16, s13, $0xb8;
	[tilespmem:$0x5320] =	vst v63  }
0x29: {  	_ = 	snop  }
0x2a: {  	[spmem:s2] =	stream.indirect.scatter.add.f32 [tilespmem:s9], [sflag:$0x1], $0x10, s17, s13, $0xb8;
	[tilespmem:$0x5320] =	vst v63  }
0x2b: {  	_ = 	snop  }
0x2c: {  	[spmem:s2] =	stream.indirect.scatter.add.f32 [tilespmem:s9], [sflag:$0x1], $0x10, s18, s13, $0xb8;
	[tilespmem:$0x5320] =	vst v63  }
0x2d: {  	_ = 	snop  }
0x2e: {  	[spmem:s2] =	stream.indirect.scatter.add.f32 [tilespmem:s9], [sflag:$0x1], $0x10, s19, s13, $0xb8;
	[tilespmem:$0x5320] =	vst v63  }
0x2f: {  	_ = 	snop  }
0x30: {  	[spmem:s2] =	stream.indirect.scatter.add.f32 [tilespmem:s9], [sflag:$0x1], $0x10, s20, s13, $0xb8;
	[tilespmem:$0x5320] =	vst v63  }
0x31: {  	_ = 	snop  }
0x32: {  	[spmem:s2] =	stream.indirect.scatter.add.f32 [tilespmem:s9], [sflag:$0x1], $0x10, s21, s13, $0xb8;
	[tilespmem:$0x5320] =	vst v63  }
0x33: {  	_ = 	snop  }
0x34: {  	[spmem:s2] =	stream.indirect.scatter.add.f32 [tilespmem:s9], [sflag:$0x1], $0x10, s22, s13, $0xb8;
	[tilespmem:$0x5320] =	vst v63  }
0x35: {  	_ = 	snop  }
0x36: {  	[spmem:s2] =	stream.indirect.scatter.add.f32 [tilespmem:s9], [sflag:$0x1], $0x10, s23, s13, $0xb8;
	[tilespmem:$0x5320] =	vst v63  }
0x37: {  	_ = 	snop  }
0x38: {  	[spmem:s2] =	stream.indirect.scatter.add.f32 [tilespmem:s9], [sflag:$0x1], $0x10, s24, s13, $0xb8;
	[tilespmem:$0x5320] =	vst v63  }
0x39: {  	_ = 	snop  }
0x3a: {  	[spmem:s2] =	stream.indirect.scatter.add.f32 [tilespmem:s9], [sflag:$0x1], $0x10, s25, s13, $0xb8;
	[tilespmem:$0x5320] =	vst v63  }
0x3b: {  	_ = 	snop  }
0x3c: {  	[spmem:s2] =	stream.indirect.scatter.add.f32 [tilespmem:s9], [sflag:$0x1], $0x10, s26, s13, $0xb8;
	[tilespmem:$0x5320] =	vst v63  }
0x3d: {  	_ = 	snop  }
0x3e: {  	[spmem:s2] =	stream.indirect.scatter.add.f32 [tilespmem:s9], [sflag:$0x1], $0x10, s28, s13, $0xb8;
	[tilespmem:$0x5320] =	vst v63  }
0x3f: {  	s31 =	simm.s32 $0x500  }
0x40: {  	[spmem:s2] =	stream.indirect.scatter.add.f32 [tilespmem:s9], [sflag:$0x1], $0x10, s31, s13, $0xb8;
	[tilespmem:$0x5320] =	vst v63  }
0x41: {  	_ =	swait.ge [sflag:s29], $0x500  }
0x42: {  	s31 =	simm.s32 $0x1540;
	[sflag:s29] =	ssyncset.done $0x0  }
.LBB2_2:
0x43: {  	s1 =	sshra.s32 s31, $0x2;
	[sflag:s29] =	ssyncadd.s32 $0xFFFFFB00;
	p0 =	sne.s32 s31, $0x9B00  }
0x44: {  	[spmem:s2] =	stream.indirect.scatter.add.f32 [tilespmem:s9], [sflag:$0x1], $0x10, s1, s13, $0xb8;
	[tilespmem:$0x5320] =	vst v63  }
.Ltmp0:
0x45: {  	_ = 	snop;
	(pc) =	sbr.rel @p0 .LBB2_2-.Ltmp0, $4  }
0x46: {  	_ = 	snop  }
0x47: {  	s31 =	sadd.s32 $0x140, s31  }
0x48: {  	_ =	swait.ge [sflag:s29], $0x500  }
0x49: {  	[sflag:s29] =	ssyncset.done $0x0  }
0x4a: {  	[sflag:s29] =	ssyncadd.s32 $0xFFFFFB00  }
0x4b: {  	_ =	swait.ge [sflag:s29], $0x500  }
0x4c: {  	[sflag:s29] =	ssyncset.done $0x0  }
0x4d: {  	[sflag:s29] =	ssyncadd.s32 $0xFFFFFB00  }
0x4e: {  	_ =	swait.ge [sflag:s29], $0x500  }
0x4f: {  	[sflag:s29] =	ssyncset.done $0x0  }
0x50: {  	[sflag:s29] =	ssyncadd.s32 $0xFFFFFB00  }
0x51: {  	_ =	swait.ge [sflag:s29], $0x500  }
0x52: {  	[sflag:s29] =	ssyncset.done $0x0  }
0x53: {  	[sflag:s29] =	ssyncadd.s32 $0xFFFFFB00  }
0x54: {  	_ =	swait.ge [sflag:s29], $0x500  }
0x55: {  	[sflag:s29] =	ssyncset.done $0x0  }
0x56: {  	[sflag:s29] =	ssyncadd.s32 $0xFFFFFB00  }
0x57: {  	_ =	swait.ge [sflag:s29], $0x500  }
0x58: {  	[sflag:s29] =	ssyncset.done $0x0  }
0x59: {  	[sflag:s29] =	ssyncadd.s32 $0xFFFFFB00  }
0x5a: {  	_ =	swait.ge [sflag:s29], $0x500  }
0x5b: {  	[sflag:s29] =	ssyncset.done $0x0  }
0x5c: {  	[sflag:s29] =	ssyncadd.s32 $0xFFFFFB00  }
0x5d: {  	_ =	swait.ge [sflag:s29], $0x500  }
0x5e: {  	[sflag:s29] =	ssyncset.done $0x0  }
0x5f: {  	[sflag:s29] =	ssyncadd.s32 $0xFFFFFB00  }
0x60: {  	_ =	swait.ge [sflag:s29], $0x500  }
0x61: {  	[sflag:s29] =	ssyncset.done $0x0  }
0x62: {  	[sflag:s29] =	ssyncadd.s32 $0xFFFFFB00  }
0x63: {  	_ =	swait.ge [sflag:s29], $0x500  }
0x64: {  	[sflag:s29] =	ssyncset.done $0x0  }
0x65: {  	[sflag:s29] =	ssyncadd.s32 $0xFFFFFB00  }
0x66: {  	_ =	swait.ge [sflag:s29], $0x500  }
0x67: {  	[sflag:s29] =	ssyncset.done $0x0  }
0x68: {  	[sflag:s29] =	ssyncadd.s32 $0xFFFFFB00  }
0x69: {  	_ =	swait.ge [sflag:s29], $0x500  }
0x6a: {  	[sflag:s29] =	ssyncset.done $0x0  }
0x6b: {  	[sflag:s29] =	ssyncadd.s32 $0xFFFFFB00  }
0x6c: {  	_ =	swait.ge [sflag:s29], $0x500  }
0x6d: {  	[sflag:s29] =	ssyncset.done $0x0  }
0x6e: {  	[sflag:s29] =	ssyncadd.s32 $0xFFFFFB00  }
0x6f: {  	_ =	swait.ge [sflag:s29], $0x500  }
0x70: {  	[sflag:s29] =	ssyncset.done $0x0  }
0x71: {  	[sflag:s29] =	ssyncadd.s32 $0xFFFFFB00  }
0x72: {  	_ =	swait.ge [sflag:s29], $0x500  }
0x73: {  	[sflag:s29] =	ssyncset.done $0x0  }
0x74: {  	[sflag:s29] =	ssyncadd.s32 $0xFFFFFB00  }
0x75: {  	_ =	swait.ge [sflag:s29], $0x500  }
0x76: {  	[sflag:s29] =	ssyncset.done $0x0  }
0x77: {  	[sflag:s29] =	ssyncadd.s32 $0xFFFFFB00  }
0x78: {  	_ =	swait.ge [sflag:s29], $0x500  }
0x79: {  	s30 =	sadd.s32 $0x1, s30;
	[sflag:s29] =	ssyncset.done $0x0  }
0x7a: {  	p0 =	sne.s32 s30, s8;
	[sflag:s29] =	ssyncadd.s32 $0xFFFFFB00  }
.Ltmp1:
0x7b: {  	[bflag:$0x0] =	sbarrier.arrive $0xFFFF;
	(pc) =	sbr.rel @p0 .LBB2_1-.Ltmp1, $4  }
0x7c: {  	[hbm:s7], [sflag:s11] =	dma.local [spmem:s12], $0x4E2  }
0x7d: {  	_ =	swait.ge [sflag:s10], $0x4E2  }
0x7e: {  	[sflag:s10] =	ssyncset.done $0x0  }
0x7f: {  	[sflag:s10] =	ssyncadd.s32 $0xFFFFFB1E  }
0x80: {  	_ =	sfence.sel $0x180000  }
0x81: {  	[bflag:$0x0] =	sbarrier.arrive $0xFFFF  }
0x82: {  	_ =	strace $0x90000047  }
0x83: {  	[bflag:$0x2] =	sbarrier.arrive $0xFFFF  }
0x84: {  	p0 =	sne.s32 s0, $0x0;
	s0 =	rddreg [dreg:$0x3]  }
0x85: {  	s0 =	sadd.s32 @!p0 $0x100000, s0  }
0x86: {  	[sflag:s0] =	ssyncadd.tile.s32 @!p0 $0x1;
	_ =	shalt  }
.Lfunc_end2:
_tile_overlayer_lowered:
.L_overlay_start_2:
0x87: {  	(tag) =	ssettag $0x2  }
0x88: {  	s0 =	rddreg [dreg:$0x0];
	s2 =	stileid.u32  }
0x89: {  	s1 =	rddreg [dreg:$0x1];
	p0 =	sne.s32 s2, $0x0  }
0x8a: {  	s3 =	rddreg [dreg:$0x2];
	[bflag:$0x3] =	sbarrier.arrive $0xFFFF;
	s2 =	simm.s32 @!p0 $0x1C02  }
0x8b: {  	[timem:s3], [sflag:s2] =	dma.local @!p0 [hbm:s0], s1  }
0x8c: {  	s0 =	simm.s32 @!p0 $0x2  }
0x8d: {  	_ =	swait.ge @!p0 [sflag:s0], s1  }
0x8e: {  	s1 =	ssub.s32 @!p0 $0x0, s1;
	[sflag:s0] =	ssyncset.done @!p0 $0x0  }
0x8f: {  	[sflag:s0] =	ssyncadd.s32 @!p0 s1  }
0x90: {  	[bflag:$0x3] =	sbarrier.arrive $0xFFFF  }
0x91: {  	_ =	shalt  }

</sc_bundles>
